<compile_context>
chip_gen: v7x
topology: tpu7x:2x2x1
jax: 0.10.2.dev20260603
libtpu: 0.0.44.dev20260713+nightly
codegen_flags: <defaults>
</compile_context>

<pallas_src>
import functools

import jax
import jax.numpy as jnp
import numpy as np
from jax import lax
from jax.experimental import pallas as pl
from jax.experimental.pallas import tpu as pltpu
from jax.experimental.pallas import tpu_sc as plsc

B = 512
L = 3
EMB = 300
EMB_P = 384
H = 128
D2 = 2 * H
DEP = 128
SEN = 128
NH = 4
DE = 3 * D2 + SEN
_INV_SQRT_DEP = 1.0 / float(np.sqrt(DEP))


def _dot(a, b):
    return jnp.dot(a, b, preferred_element_type=jnp.float32)


def _leaky(x, alpha):
    return jnp.where(x > 0, x, alpha * x)


def _elu(x):
    return jnp.where(x > 0, x, jnp.exp(jnp.minimum(x, 0.0)) - 1.0)


def _softmax_cols(logits):
    m = jnp.max(logits, axis=1, keepdims=True)
    e = jnp.exp(logits - m)
    return e / jnp.sum(e, axis=1, keepdims=True)


def _masked_softmax(e, adj):
    e = jnp.where(adj > 0, e, -1e9)
    m = jnp.max(e, axis=1, keepdims=True)
    p = jnp.exp(e - m)
    return p / jnp.sum(p, axis=1, keepdims=True)


def _sc_gather_embed(table, idx):
    info = plsc.get_sparse_core_info()
    nw = info.num_cores * info.num_subcores
    n = idx.shape[0]
    bpw = n // nw
    emb = table.shape[1]
    mesh = plsc.VectorSubcoreMesh(core_axis_name="c", subcore_axis_name="s")

    @functools.partial(
        pl.kernel,
        mesh=mesh,
        out_type=jax.ShapeDtypeStruct((n, emb), table.dtype),
        scratch_types=[
            pltpu.VMEM((bpw,), jnp.int32),
            pltpu.VMEM((bpw, emb), table.dtype),
            pltpu.SemaphoreType.DMA,
        ],
    )
    def gather_k(table_hbm, idx_hbm, out_hbm, idx_v, rows_v, sem):
        wid = lax.axis_index("s") * info.num_cores + lax.axis_index("c")
        base = wid * bpw
        pltpu.sync_copy(idx_hbm.at[pl.ds(base, bpw)], idx_v)
        pltpu.async_copy(table_hbm.at[idx_v], rows_v, sem).wait()
        pltpu.sync_copy(rows_v, out_hbm.at[pl.ds(base, bpw)])

    return gather_k(table, idx)


_N_IDS = B * L
_GBUF = 16


def _gather_body(ids_r, table_r, out_r, sem):
    def dst_row(j):
        return lax.rem(j, L) * B + lax.div(j, L)

    def step(j, carry):
        @pl.when(j < _N_IDS)
        def _():
            pltpu.make_async_copy(
                table_r.at[pl.ds(ids_r[j], 1)],
                out_r.at[pl.ds(dst_row(j), 1)],
                sem.at[lax.rem(j, _GBUF)]).start()

        @pl.when(j >= _GBUF)
        def _():
            jj = j - _GBUF
            pltpu.make_async_copy(
                table_r.at[pl.ds(ids_r[jj], 1)],
                out_r.at[pl.ds(dst_row(jj), 1)],
                sem.at[lax.rem(jj, _GBUF)]).wait()

        return carry

    lax.fori_loop(0, _N_IDS + _GBUF, step, 0)


def _tc_gather(table, idx):
    return pl.pallas_call(
        _gather_body,
        in_specs=[pl.BlockSpec(memory_space=pltpu.SMEM),
                  pl.BlockSpec(memory_space=pltpu.MemorySpace.HBM)],
        out_shape=jax.ShapeDtypeStruct((_N_IDS, EMB), jnp.float32),
        scratch_shapes=[pltpu.SemaphoreType.DMA((_GBUF,))],
    )(idx, table)


_PAD_ROWS = 800


def _pad_body(src_r, dst_r):
    dst_r[:, 0:EMB] = src_r[...]
    dst_r[:, EMB:] = jnp.zeros((_PAD_ROWS, EMB_P - EMB), jnp.float32)


def _pad_table(table):
    v = table.shape[0]
    return pl.pallas_call(
        _pad_body,
        grid=(v // _PAD_ROWS,),
        in_specs=[pl.BlockSpec((_PAD_ROWS, EMB), lambda i: (i, 0))],
        out_specs=pl.BlockSpec((_PAD_ROWS, EMB_P), lambda i: (i, 0)),
        out_shape=jax.ShapeDtypeStruct((v, EMB_P), table.dtype),
    )(table)


def _tc1_body(ef_r, wif_r, whf_r, bff_r, wib_r, whb_r, bfb_r,
              wth_r, at1_r, at2_r, wto_r, ato1_r, ato2_r, tl_r, tadj_r,
              depids_r, posids_r, senids_r, dept_r, post_r, sent_r,
              wqd_r, wkd_r, wvd_r, fqd_r, fvd_r,
              wqp_r, wkp_r, wvp_r, fqp_r, fvp_r,
              front_r, back_r, ev0_r):
    f32 = jnp.float32
    x = [ef_r[t] for t in range(L)]

    def lstm_dir(wi, wh, bias, order):
        h = jnp.zeros((B, H), f32)
        c = jnp.zeros((B, H), f32)
        hs = [None] * L
        for t in order:
            g = _dot(x[t], wi) + _dot(h, wh) + bias
            i = jax.nn.sigmoid(g[:, 0:H])
            f = jax.nn.sigmoid(g[:, H:2 * H])
            gg = jnp.tanh(g[:, 2 * H:3 * H])
            o = jax.nn.sigmoid(g[:, 3 * H:4 * H])
            c = f * c + i * gg
            h = o * jnp.tanh(c)
            hs[t] = h
        return hs

    hf = lstm_dir(wif_r[...], whf_r[...], bff_r[...], range(L))
    hb = lstm_dir(wib_r[...], whb_r[...], bfb_r[...], range(L - 1, -1, -1))
    h_t = [jnp.concatenate([hf[t], hb[t]], axis=1) for t in range(L)]

    tl = tl_r[...]
    tadj = tadj_r[...]

    def token_gat(xin, wcat, a1m, a2m, nh, dh):
        wh_all = [_dot(xin[t], wcat) for t in range(L)]
        outs = []
        for hh in range(nh):
            wh = [wh_all[t][:, hh * dh:(hh + 1) * dh] for t in range(L)]
            e1 = [_dot(wh[t], a1m[:, hh:hh + 1]) for t in range(L)]
            e2 = [_dot(wh[t], a2m[:, hh:hh + 1]) for t in range(L)]
            out_t = []
            for t in range(L):
                logits = jnp.concatenate(
                    [_leaky(e1[t] + e2[tp], 0.2) for tp in range(L)], axis=1)
                logits = logits + tl[:, L * t:L * t + L]
                logits = jnp.where(tadj[:, L * t:L * t + L] > 0, logits, -1e9)
                att = _softmax_cols(logits)
                out_t.append(att[:, 0:1] * wh[0] + att[:, 1:2] * wh[1]
                             + att[:, 2:3] * wh[2])
            outs.append(out_t)
        return outs

    heads = token_gat(h_t, wth_r[...], at1_r[...], at2_r[...], NH, D2)
    tin2 = [sum(_elu(heads[hh][t]) for hh in range(NH)) * (1.0 / NH)
            for t in range(L)]
    out1 = token_gat(tin2, wto_r[...], ato1_r[...], ato2_r[...], 1, D2)[0]
    for t in range(L):
        front_r[:, D2 * t:D2 * (t + 1)] = jnp.maximum(out1[t], 0.0)

    def onehot_embed(idcol, table, num):
        iot = lax.broadcasted_iota(jnp.int32, (1, num), 1)
        return _dot((idcol == iot).astype(f32), table)

    def cross(ids, table, num, wq, wk, wv, col_off):
        relf = [onehot_embed(ids[:, t:t + 1], table, num) for t in range(L)]
        q = [_dot(h_t[t], wq) for t in range(L)]
        k = [_dot(relf[t], wk) for t in range(L)]
        v = [_dot(relf[t], wv) for t in range(L)]
        acc = [jnp.zeros((B, DEP), f32) for _ in range(L)]
        for hh in range(NH):
            sl = slice(hh * DEP, (hh + 1) * DEP)
            for t in range(L):
                logits = jnp.concatenate(
                    [jnp.sum(q[t][:, sl] * k[tp][:, sl], axis=1, keepdims=True)
                     for tp in range(L)], axis=1) * _INV_SQRT_DEP
                att = _softmax_cols(logits)
                acc[t] = acc[t] + (att[:, 0:1] * v[0][:, sl]
                                   + att[:, 1:2] * v[1][:, sl]
                                   + att[:, 2:3] * v[2][:, sl])
        for t in range(L):
            front_r[:, col_off + DEP * t:col_off + DEP * (t + 1)] = (
                jnp.maximum(acc[t] * (1.0 / NH), 0.0))
        return relf

    depids = depids_r[...]
    posids = posids_r[...]
    relf_dep = cross(depids, dept_r[...], 40, wqd_r[...], wkd_r[...],
                     wvd_r[...], 3 * D2)
    relf_pos = cross(posids, post_r[...], 40, wqp_r[...], wkp_r[...],
                     wvp_r[...], 3 * D2 + 3 * DEP)

    def rel_attn(relf, fqm, fvm, off):
        vv = [_dot(relf[t], fvm) for t in range(L)]
        acc = jnp.zeros((B, DEP), f32)
        for hh in range(NH):
            sl = slice(hh * DEP, (hh + 1) * DEP)
            logits = jnp.concatenate(
                [_dot(h_t[t], fqm[:, hh:hh + 1]) for t in range(L)], axis=1)
            att = _softmax_cols(logits)
            acc = acc + (att[:, 0:1] * vv[0][:, sl]
                         + att[:, 1:2] * vv[1][:, sl]
                         + att[:, 2:3] * vv[2][:, sl])
        back_r[:, off:off + DEP] = jnp.maximum(acc * (1.0 / NH), 0.0)

    rel_attn(relf_dep, fqd_r[...], fvd_r[...], 0)
    rel_attn(relf_pos, fqp_r[...], fvp_r[...], DEP)

    for t in range(L):
        ev0_r[:, D2 * t:D2 * (t + 1)] = h_t[t]
    ev0_r[:, 3 * D2:] = onehot_embed(senids_r[...], sent_r[...], 64)


def _egat_body(ev_r, adj_r, el_r, wcat_r, a1_r, a2_r, wo_r, ao1_r, ao2_r,
               newev_r, gout_r):
    ev = ev_r[...]
    adj = adj_r[...]
    el = el_r[...]
    a1 = a1_r[...]
    a2 = a2_r[...]
    acc = jnp.zeros((B, DE), jnp.float32)
    for hh in range(NH):
        wh = _dot(ev, wcat_r[hh])
        e1 = _dot(wh, a1[:, hh:hh + 1])
        e2 = _dot(wh, a2[:, hh:hh + 1])
        att = _masked_softmax(_leaky(e1 + jnp.transpose(e2), 0.2) + el, adj)
        acc = acc + _elu(_dot(att, wh))
    newev = acc * (1.0 / NH)
    newev_r[...] = newev
    who = _dot(newev, wo_r[...])
    e1 = _dot(who, ao1_r[...])
    e2 = _dot(who, ao2_r[...])
    att = _masked_softmax(_leaky(e1 + jnp.transpose(e2), 0.2) + el, adj)
    gout_r[...] = jnp.maximum(_dot(att, who), 0.0)


def _mlp_body(front_r, g0_r, g1_r, g2_r, back_r,
              w1_r, b1_r, w2_r, b2_r, wf_r, bfv_r, out_r):
    c0 = 3 * D2 + 6 * DEP
    x = (_dot(front_r[...], w1_r[0:c0, :])
         + _dot(g0_r[...], w1_r[c0:c0 + DE, :])
         + _dot(g1_r[...], w1_r[c0 + DE:c0 + 2 * DE, :])
         + _dot(g2_r[...], w1_r[c0 + 2 * DE:c0 + 3 * DE, :])
         + _dot(back_r[...], w1_r[c0 + 3 * DE:, :])
         + b1_r[...])
    x = _leaky(x, 0.01)
    x = _leaky(_dot(x, w2_r[...]) + b2_r[...], 0.01)
    out_r[...] = _dot(x, wf_r[...]) + bfv_r[...]


def _heads_to_cols(w):
    return jnp.transpose(w, (1, 0, 2)).reshape(w.shape[1], -1)


def kernel(token_level, token_adj, event_ids, event_dep_ids, event_pos_ids,
           event_sen_ids, event_level, dep_e_adj, share_e_adj, org_e_adj,
           embed_table, dep_table, pos_table, sen_table,
           lstm_Wi_f, lstm_Wh_f, lstm_b_f, lstm_Wi_b, lstm_Wh_b, lstm_b_b,
           Wt_h, at_h, Wt_o, at_o,
           Wq_dep, Wk_dep, Wv_dep, fq_dep, fv_dep,
           Wq_pos, Wk_pos, Wv_pos, fq_pos, fv_pos,
           We_h_dep, ae_h_dep, We_o_dep, ae_o_dep,
           We_h_share, ae_h_share, We_o_share, ae_o_share,
           We_h_org, ae_h_org, We_o_org, ae_o_org,
           W1, b1, W2, b2, Wf, bf):
    f32 = jnp.float32
    idx = event_ids.reshape(-1).astype(jnp.int32)
    ef = embed_table[idx.reshape(B, L).T.reshape(-1)]
    ef3 = ef.reshape(L, B, EMB)
    wi_f = lstm_Wi_f
    wi_b = lstm_Wi_b

    sds = jax.ShapeDtypeStruct
    front, back, ev0 = pl.pallas_call(
        _tc1_body,
        out_shape=[sds((B, 3 * D2 + 6 * DEP), f32),
                   sds((B, 2 * DEP), f32),
                   sds((B, DE), f32)],
    )(ef3, wi_f, lstm_Wh_f, lstm_b_f.reshape(1, -1),
      wi_b, lstm_Wh_b, lstm_b_b.reshape(1, -1),
      _heads_to_cols(Wt_h), jnp.transpose(at_h[:, :D2]),
      jnp.transpose(at_h[:, D2:]), Wt_o,
      at_o[:D2].reshape(D2, 1), at_o[D2:].reshape(D2, 1),
      token_level.reshape(B, L * L), token_adj.reshape(B, L * L),
      event_dep_ids.astype(jnp.int32), event_pos_ids.astype(jnp.int32),
      event_sen_ids.reshape(B, 1).astype(jnp.int32),
      dep_table, pos_table, sen_table,
      _heads_to_cols(Wq_dep), _heads_to_cols(Wk_dep), _heads_to_cols(Wv_dep),
      jnp.transpose(fq_dep), _heads_to_cols(fv_dep),
      _heads_to_cols(Wq_pos), _heads_to_cols(Wk_pos), _heads_to_cols(Wv_pos),
      jnp.transpose(fq_pos), _heads_to_cols(fv_pos))

    egat = pl.pallas_call(
        _egat_body,
        out_shape=[sds((B, DE), f32), sds((B, DE), f32)],
    )
    ev = ev0
    gouts = []
    for weh, aeh, weo, aeo, adj in (
            (We_h_dep, ae_h_dep, We_o_dep, ae_o_dep, dep_e_adj),
            (We_h_share, ae_h_share, We_o_share, ae_o_share, share_e_adj),
            (We_h_org, ae_h_org, We_o_org, ae_o_org, org_e_adj)):
        ev, gout = egat(ev, adj, event_level, weh,
                        jnp.transpose(aeh[:, :DE]), jnp.transpose(aeh[:, DE:]),
                        weo, aeo[:DE].reshape(DE, 1), aeo[DE:].reshape(DE, 1))
        gouts.append(gout)

    return pl.pallas_call(
        _mlp_body,
        out_shape=sds((B, 2), f32),
    )(front, gouts[0], gouts[1], gouts[2], back,
      W1, b1.reshape(1, -1), W2, b2.reshape(1, -1), Wf, bf.reshape(1, -1))

# --- scband reference (transcript-rebuilt; emitter-appended) ---
"""Pipeline reference for scband-tee-gat-event-66348654789150 (READ-ONLY COPY).

The authoritative reference and input builder live on the scoring server;
editing this copy changes nothing except your own understanding.
"""

import jax, jax.numpy as jnp
import numpy as np

B = 512; L = 3; V = 100000; EMB = 300; H = 128; D2 = 2 * H; DEP = 128; SEN = 128; NH = 4
DE = 3 * D2 + SEN  # 896 = 3*2*hidden + sen_order_dim
FIN = 24 * H + 11 * DEP  # 4480


def setup_inputs(seed: int = 0):
    key = jax.random.key(seed)
    cnt = [0]
    def nk():
        cnt[0] += 1
        return jax.random.fold_in(key, cnt[0])
    s = 0.05
    inp = {}
    inp["token_level"] = jax.random.uniform(nk(), (B, L, L), dtype=jnp.float32)
    inp["token_adj"] = jnp.ones((B, L, L), dtype=jnp.float32)
    inp["event_ids"] = jax.random.randint(nk(), (B, L), 0, V)
    inp["event_dep_ids"] = jax.random.randint(nk(), (B, L), 0, 40)
    inp["event_pos_ids"] = jax.random.randint(nk(), (B, L), 0, 40)
    inp["event_sen_ids"] = jax.random.randint(nk(), (B,), 0, 64)
    inp["event_level"] = jax.random.uniform(nk(), (B, B), dtype=jnp.float32)
    inp["dep_e_adj"] = jax.random.uniform(nk(), (B, B), dtype=jnp.float32)
    inp["share_e_adj"] = jax.random.uniform(nk(), (B, B), dtype=jnp.float32)
    inp["org_e_adj"] = jax.random.uniform(nk(), (B, B), dtype=jnp.float32)
    # learned parameters
    inp["embed_table"] = jax.random.normal(nk(), (V, EMB), dtype=jnp.float32) * s
    inp["dep_table"] = jax.random.normal(nk(), (40, DEP), dtype=jnp.float32) * s
    inp["pos_table"] = jax.random.normal(nk(), (40, DEP), dtype=jnp.float32) * s
    inp["sen_table"] = jax.random.normal(nk(), (64, SEN), dtype=jnp.float32) * s
    for d in ("f", "b"):
        inp["lstm_Wi_" + d] = jax.random.normal(nk(), (EMB, 4 * H), dtype=jnp.float32) * s
        inp["lstm_Wh_" + d] = jax.random.normal(nk(), (H, 4 * H), dtype=jnp.float32) * s
        inp["lstm_b_" + d] = jnp.zeros((4 * H,), dtype=jnp.float32)
    inp["Wt_h"] = jax.random.normal(nk(), (NH, D2, D2), dtype=jnp.float32) * s
    inp["at_h"] = jax.random.normal(nk(), (NH, 2 * D2), dtype=jnp.float32) * s
    inp["Wt_o"] = jax.random.normal(nk(), (D2, D2), dtype=jnp.float32) * s
    inp["at_o"] = jax.random.normal(nk(), (2 * D2,), dtype=jnp.float32) * s
    for nm in ("dep", "pos"):
        inp["Wq_" + nm] = jax.random.normal(nk(), (NH, D2, DEP), dtype=jnp.float32) * s
        inp["Wk_" + nm] = jax.random.normal(nk(), (NH, DEP, DEP), dtype=jnp.float32) * s
        inp["Wv_" + nm] = jax.random.normal(nk(), (NH, DEP, DEP), dtype=jnp.float32) * s
        inp["fq_" + nm] = jax.random.normal(nk(), (NH, D2), dtype=jnp.float32) * s
        inp["fv_" + nm] = jax.random.normal(nk(), (NH, DEP, DEP), dtype=jnp.float32) * s
    for g in ("dep", "share", "org"):
        inp["We_h_" + g] = jax.random.normal(nk(), (NH, DE, DE), dtype=jnp.float32) * s
        inp["ae_h_" + g] = jax.random.normal(nk(), (NH, 2 * DE), dtype=jnp.float32) * s
        inp["We_o_" + g] = jax.random.normal(nk(), (DE, DE), dtype=jnp.float32) * s
        inp["ae_o_" + g] = jax.random.normal(nk(), (2 * DE,), dtype=jnp.float32) * s
    inp["W1"] = jax.random.normal(nk(), (FIN, 512), dtype=jnp.float32) * s
    inp["b1"] = jnp.zeros((512,), dtype=jnp.float32)
    inp["W2"] = jax.random.normal(nk(), (512, 512), dtype=jnp.float32) * s
    inp["b2"] = jnp.zeros((512,), dtype=jnp.float32)
    inp["Wf"] = jax.random.normal(nk(), (512, 2), dtype=jnp.float32) * s
    inp["bf"] = jnp.zeros((2,), dtype=jnp.float32)
    return inp


def _lstm_dir(x, Wi, Wh, b, reverse):
    xs = jnp.swapaxes(x, 0, 1)
    if reverse:
        xs = xs[::-1]
    h0 = jnp.zeros((x.shape[0], Wh.shape[0]), x.dtype)
    def step(carry, xt):
        h, c = carry
        g = xt @ Wi + h @ Wh + b
        i, f, gg, o = jnp.split(g, 4, axis=-1)
        c = jax.nn.sigmoid(f) * c + jax.nn.sigmoid(i) * jnp.tanh(gg)
        h = jax.nn.sigmoid(o) * jnp.tanh(c)
        return (h, c), h
    _, hs = jax.lax.scan(step, (h0, h0), xs)
    if reverse:
        hs = hs[::-1]
    return jnp.swapaxes(hs, 0, 1)


def _token_gat(x, adj, level, W, a, concat):
    Wh = x @ W
    D = Wh.shape[-1]
    e1 = Wh @ a[:D]
    e2 = Wh @ a[D:]
    e = jax.nn.leaky_relu(e1[..., :, None] + e2[..., None, :], 0.2) + level
    e = jnp.where(adj > 0, e, -1e9)
    att = jax.nn.softmax(e, axis=-1)
    out = att @ Wh
    return jax.nn.elu(out) if concat else out


def _event_gat(x, adj, level, W, a, concat):
    Wh = x @ W
    D = Wh.shape[-1]
    e1 = Wh @ a[:D]
    e2 = Wh @ a[D:]
    e = jax.nn.leaky_relu(e1[:, None] + e2[None, :], 0.2) + level
    e = jnp.where(adj > 0, e, -1e9)
    att = jax.nn.softmax(e, axis=-1)
    out = att @ Wh
    return jax.nn.elu(out) if concat else out


def _cross_attn(feat, relf, Wq, Wk, Wv):
    q = jnp.einsum('bld,hdk->hblk', feat, Wq)
    k = jnp.einsum('ble,hek->hblk', relf, Wk)
    v = jnp.einsum('ble,hek->hblk', relf, Wv)
    att = jax.nn.softmax(q @ jnp.swapaxes(k, -1, -2) / np.sqrt(DEP), axis=-1)
    out = att @ v
    return out.mean(axis=0)


def _event_rel_attn(feat, relf, fq, fv):
    score = jnp.einsum('bld,hd->hbl', feat, fq)
    att = jax.nn.softmax(score, axis=-1)
    v = jnp.einsum('ble,hek->hblk', relf, fv)
    out = jnp.einsum('hbl,hblk->hbk', att, v)
    return out.mean(axis=0)


def _forward(inp):
    ef = inp["embed_table"][inp["event_ids"]]
    hf = _lstm_dir(ef, inp["lstm_Wi_f"], inp["lstm_Wh_f"], inp["lstm_b_f"], False)
    hb = _lstm_dir(ef, inp["lstm_Wi_b"], inp["lstm_Wh_b"], inp["lstm_b_b"], True)
    h = jnp.concatenate([hf, hb], axis=-1)
    ta = inp["token_adj"]; tl = inp["token_level"]
    tin = h
    heads = [_token_gat(tin, ta, tl, inp["Wt_h"][i], inp["at_h"][i], True) for i in range(NH)]
    tin = jnp.stack(heads, 1).mean(1)
    token_out = jax.nn.relu(_token_gat(tin, ta, tl, inp["Wt_o"], inp["at_o"], False)).reshape(B, -1)
    depf = inp["dep_table"][inp["event_dep_ids"]]
    posf = inp["pos_table"][inp["event_pos_ids"]]
    token_dep_out = jax.nn.relu(_cross_attn(h, depf, inp["Wq_dep"], inp["Wk_dep"], inp["Wv_dep"])).reshape(B, -1)
    token_pos_out = jax.nn.relu(_cross_attn(h, posf, inp["Wq_pos"], inp["Wk_pos"], inp["Wv_pos"])).reshape(B, -1)
    event_dep_out = jax.nn.relu(_event_rel_attn(h, depf, inp["fq_dep"], inp["fv_dep"]))
    event_pos_out = jax.nn.relu(_event_rel_attn(h, posf, inp["fq_pos"], inp["fv_pos"]))
    sen = inp["sen_table"][inp["event_sen_ids"]]
    ev = jnp.concatenate([h.reshape(B, -1), sen], axis=1)
    el = inp["event_level"]
    outs = {}
    for g, adj in (("dep", inp["dep_e_adj"]), ("share", inp["share_e_adj"]), ("org", inp["org_e_adj"])):
        heads = [_event_gat(ev, adj, el, inp["We_h_" + g][i], inp["ae_h_" + g][i], True) for i in range(NH)]
        ev = jnp.stack(heads, 1).mean(1)
        outs[g] = jax.nn.relu(_event_gat(ev, adj, el, inp["We_o_" + g], inp["ae_o_" + g], False))
    allf = jnp.concatenate([token_out, token_dep_out, token_pos_out, outs["dep"], outs["share"], outs["org"], event_dep_out, event_pos_out], axis=1)
    x = jax.nn.leaky_relu(allf @ inp["W1"] + inp["b1"], 0.01)
    x = jax.nn.leaky_relu(x @ inp["W2"] + inp["b2"], 0.01)
    return x @ inp["Wf"] + inp["bf"]


def reference(token_level, token_adj, event_ids, event_dep_ids, event_pos_ids,
              event_sen_ids, event_level, dep_e_adj, share_e_adj, org_e_adj,
              embed_table, dep_table, pos_table, sen_table,
              lstm_Wi_f, lstm_Wh_f, lstm_b_f, lstm_Wi_b, lstm_Wh_b, lstm_b_b,
              Wt_h, at_h, Wt_o, at_o,
              Wq_dep, Wk_dep, Wv_dep, fq_dep, fv_dep,
              Wq_pos, Wk_pos, Wv_pos, fq_pos, fv_pos,
              We_h_dep, ae_h_dep, We_o_dep, ae_o_dep,
              We_h_share, ae_h_share, We_o_share, ae_o_share,
              We_h_org, ae_h_org, We_o_org, ae_o_org,
              W1, b1, W2, b2, Wf, bf):
    return _forward(dict(locals()))

if __name__ == "__main__":
    import jax
    _d = setup_inputs()
    print(jax.jit(kernel)(*tuple(_d.values())))

</pallas_src>

<mosaic_0001>
module attributes {stable_mosaic.version = 14 : i64} {
  func.func @_egat_body(%arg0: memref<512x896xf32, #tpu.memory_space<vmem>>, %arg1: memref<512x512xf32, #tpu.memory_space<vmem>>, %arg2: memref<512x512xf32, #tpu.memory_space<vmem>>, %arg3: memref<4x896x896xf32, #tpu.memory_space<vmem>>, %arg4: memref<896x4xf32, #tpu.memory_space<vmem>>, %arg5: memref<896x4xf32, #tpu.memory_space<vmem>>, %arg6: memref<896x896xf32, #tpu.memory_space<vmem>>, %arg7: memref<896x1xf32, #tpu.memory_space<vmem>>, %arg8: memref<896x1xf32, #tpu.memory_space<vmem>>, %arg9: memref<512x896xf32, #tpu.memory_space<vmem>>, %arg10: memref<512x896xf32, #tpu.memory_space<vmem>>) attributes {dimension_semantics = [], scalar_prefetch = 0 : i64, scratch_operands = 0 : i64, tpu.core_type = #tpu.core_type<tc>} {
    %get3A = arith.constant 0 : index
    %get3A_0 = arith.constant 0 : index
    %get3A_1 = vector.load %arg0[%get3A, %get3A_0] : memref<512x896xf32, #tpu.memory_space<vmem>>, vector<512x896xf32>
    %get3A_2 = arith.constant 0 : index
    %get3A_3 = arith.constant 0 : index
    %get3A_4 = vector.load %arg1[%get3A_2, %get3A_3] : memref<512x512xf32, #tpu.memory_space<vmem>>, vector<512x512xf32>
    %get3A_5 = arith.constant 0 : index
    %get3A_6 = arith.constant 0 : index
    %get3A_7 = vector.load %arg2[%get3A_5, %get3A_6] : memref<512x512xf32, #tpu.memory_space<vmem>>, vector<512x512xf32>
    %get3A_8 = arith.constant 0 : index
    %get3A_9 = arith.constant 0 : index
    %get3A_10 = vector.load %arg4[%get3A_8, %get3A_9] : memref<896x4xf32, #tpu.memory_space<vmem>>, vector<896x4xf32>
    %get3A_11 = arith.constant 0 : index
    %get3A_12 = arith.constant 0 : index
    %get3A_13 = vector.load %arg5[%get3A_11, %get3A_12] : memref<896x4xf32, #tpu.memory_space<vmem>>, vector<896x4xf32>
    %broadcast_in_dim3A = arith.constant 0.000000e+00 : f32
    %broadcast_in_dim3A_14 = vector.broadcast %broadcast_in_dim3A : f32 to vector<512x896xf32>
    %get3A_15 = arith.constant 0 : index
    %get3A_16 = arith.constant 0 : index
    %get3A_17 = arith.constant 0 : index
    %get3A_18 = vector.load %arg3[%get3A_15, %get3A_16, %get3A_17] : memref<4x896x896xf32, #tpu.memory_space<vmem>>, vector<1x896x896xf32>
    %get3A_19 = vector.shape_cast %get3A_18 : vector<1x896x896xf32> to vector<896x896xf32>
    %dot_general3A = arith.constant dense<0.000000e+00> : vector<512x896xf32>
    %dot_general3A_20 = tpu.matmul %get3A_1, %get3A_19, %dot_general3A {dimension_numbers = #tpu.dot_dimension_numbers<[1], [0], [0], [1], [0, 0, 1, 1], [], []>, transpose_lhs_hint = false} : vector<512x896xf32>, vector<896x896xf32>, vector<512x896xf32> -> vector<512x896xf32>
    %slice3A = vector.extract_strided_slice %get3A_10 {offsets = [0, 0], sizes = [896, 1], strides = [1, 1]} : vector<896x4xf32> to vector<896x1xf32>
    %dot_general3A_21 = arith.constant dense<0.000000e+00> : vector<512x1xf32>
    %dot_general3A_22 = tpu.matmul %dot_general3A_20, %slice3A, %dot_general3A_21 {dimension_numbers = #tpu.dot_dimension_numbers<[1], [0], [0], [1], [0, 0, 1, 1], [], []>, transpose_lhs_hint = false} : vector<512x896xf32>, vector<896x1xf32>, vector<512x1xf32> -> vector<512x1xf32>
    %slice3A_23 = vector.extract_strided_slice %get3A_13 {offsets = [0, 0], sizes = [896, 1], strides = [1, 1]} : vector<896x4xf32> to vector<896x1xf32>
    %dot_general3A_24 = arith.constant dense<0.000000e+00> : vector<512x1xf32>
    %dot_general3A_25 = tpu.matmul %dot_general3A_20, %slice3A_23, %dot_general3A_24 {dimension_numbers = #tpu.dot_dimension_numbers<[1], [0], [0], [1], [0, 0, 1, 1], [], []>, transpose_lhs_hint = false} : vector<512x896xf32>, vector<896x1xf32>, vector<512x1xf32> -> vector<512x1xf32>
    %transpose3A = tpu.transpose %dot_general3A_25, [1, 0] : vector<512x1xf32> -> vector<1x512xf32>
    %add3A = vector.broadcast %dot_general3A_22 : vector<512x1xf32> to vector<512x512xf32>
    %add3A_26 = vector.broadcast %transpose3A : vector<1x512xf32> to vector<512x512xf32>
    %add3A_27 = arith.addf %add3A, %add3A_26 : vector<512x512xf32>
    %gt3A = arith.constant 0.000000e+00 : f32
    %gt3A_28 = vector.broadcast %gt3A : f32 to vector<512x512xf32>
    %gt3A_29 = arith.cmpf ogt, %add3A_27, %gt3A_28 : vector<512x512xf32>
    %mul3A = arith.constant 2.000000e-01 : f32
    %mul3A_30 = vector.broadcast %mul3A : f32 to vector<512x512xf32>
    %mul3A_31 = arith.mulf %mul3A_30, %add3A_27 : vector<512x512xf32>
    %select_n3A = arith.select %gt3A_29, %add3A_27, %mul3A_31 : vector<512x512xi1>, vector<512x512xf32>
    %add3A_32 = arith.addf %select_n3A, %get3A_7 : vector<512x512xf32>
    %gt3A_33 = arith.constant 0.000000e+00 : f32
    %gt3A_34 = vector.broadcast %gt3A_33 : f32 to vector<512x512xf32>
    %gt3A_35 = arith.cmpf ogt, %get3A_4, %gt3A_34 : vector<512x512xf32>
    %jit3A = arith.constant -1.000000e+09 : f32
    %broadcast_in_dim3A_36 = vector.broadcast %jit3A : f32 to vector<512x512xf32>
    %select_n3A_37 = arith.select %gt3A_35, %add3A_32, %broadcast_in_dim3A_36 : vector<512x512xi1>, vector<512x512xf32>
    %reduce_max3A = arith.constant dense<0xFF800000> : vector<512xf32>
    %reduce_max3A_38 = vector.multi_reduction <maximumf>, %select_n3A_37, %reduce_max3A [1] : vector<512x512xf32> to vector<512xf32>
    %broadcast_in_dim3A_39 = vector.shape_cast %reduce_max3A_38 : vector<512xf32> to vector<512x1xf32>
    %sub3A = vector.broadcast %broadcast_in_dim3A_39 : vector<512x1xf32> to vector<512x512xf32>
    %sub3A_40 = arith.subf %select_n3A_37, %sub3A : vector<512x512xf32>
    %exp3A = math.exp %sub3A_40 : vector<512x512xf32>
    %reduce_sum3A = arith.constant dense<0.000000e+00> : vector<512xf32>
    %reduce_sum3A_41 = vector.multi_reduction <add>, %exp3A, %reduce_sum3A [1] : vector<512x512xf32> to vector<512xf32>
    %broadcast_in_dim3A_42 = vector.shape_cast %reduce_sum3A_41 : vector<512xf32> to vector<512x1xf32>
    %div3A = vector.broadcast %broadcast_in_dim3A_42 : vector<512x1xf32> to vector<512x512xf32>
    %div3A_43 = arith.divf %exp3A, %div3A : vector<512x512xf32>
    %dot_general3A_44 = arith.constant dense<0.000000e+00> : vector<512x896xf32>
    %dot_general3A_45 = tpu.matmul %div3A_43, %dot_general3A_20, %dot_general3A_44 {dimension_numbers = #tpu.dot_dimension_numbers<[1], [0], [0], [1], [0, 0, 1, 1], [], []>, transpose_lhs_hint = false} : vector<512x512xf32>, vector<512x896xf32>, vector<512x896xf32> -> vector<512x896xf32>
    %gt3A_46 = arith.constant 0.000000e+00 : f32
    %gt3A_47 = vector.broadcast %gt3A_46 : f32 to vector<512x896xf32>
    %gt3A_48 = arith.cmpf ogt, %dot_general3A_45, %gt3A_47 : vector<512x896xf32>
    %min3A = arith.constant 0.000000e+00 : f32
    %min3A_49 = vector.broadcast %min3A : f32 to vector<512x896xf32>
    %min3A_50 = arith.minimumf %dot_general3A_45, %min3A_49 : vector<512x896xf32>
    %exp3A_51 = math.exp %min3A_50 : vector<512x896xf32>
    %sub3A_52 = arith.constant 1.000000e+00 : f32
    %sub3A_53 = vector.broadcast %sub3A_52 : f32 to vector<512x896xf32>
    %sub3A_54 = arith.subf %exp3A_51, %sub3A_53 : vector<512x896xf32>
    %select_n3A_55 = arith.select %gt3A_48, %dot_general3A_45, %sub3A_54 : vector<512x896xi1>, vector<512x896xf32>
    %add3A_56 = arith.addf %broadcast_in_dim3A_14, %select_n3A_55 : vector<512x896xf32>
    %get3A_57 = arith.constant 1 : index
    %get3A_58 = arith.constant 0 : index
    %get3A_59 = arith.constant 0 : index
    %get3A_60 = vector.load %arg3[%get3A_57, %get3A_58, %get3A_59] : memref<4x896x896xf32, #tpu.memory_space<vmem>>, vector<1x896x896xf32>
    %get3A_61 = vector.shape_cast %get3A_60 : vector<1x896x896xf32> to vector<896x896xf32>
    %dot_general3A_62 = arith.constant dense<0.000000e+00> : vector<512x896xf32>
    %dot_general3A_63 = tpu.matmul %get3A_1, %get3A_61, %dot_general3A_62 {dimension_numbers = #tpu.dot_dimension_numbers<[1], [0], [0], [1], [0, 0, 1, 1], [], []>, transpose_lhs_hint = false} : vector<512x896xf32>, vector<896x896xf32>, vector<512x896xf32> -> vector<512x896xf32>
    %slice3A_64 = vector.extract_strided_slice %get3A_10 {offsets = [0, 1], sizes = [896, 1], strides = [1, 1]} : vector<896x4xf32> to vector<896x1xf32>
    %dot_general3A_65 = arith.constant dense<0.000000e+00> : vector<512x1xf32>
    %dot_general3A_66 = tpu.matmul %dot_general3A_63, %slice3A_64, %dot_general3A_65 {dimension_numbers = #tpu.dot_dimension_numbers<[1], [0], [0], [1], [0, 0, 1, 1], [], []>, transpose_lhs_hint = false} : vector<512x896xf32>, vector<896x1xf32>, vector<512x1xf32> -> vector<512x1xf32>
    %slice3A_67 = vector.extract_strided_slice %get3A_13 {offsets = [0, 1], sizes = [896, 1], strides = [1, 1]} : vector<896x4xf32> to vector<896x1xf32>
    %dot_general3A_68 = arith.constant dense<0.000000e+00> : vector<512x1xf32>
    %dot_general3A_69 = tpu.matmul %dot_general3A_63, %slice3A_67, %dot_general3A_68 {dimension_numbers = #tpu.dot_dimension_numbers<[1], [0], [0], [1], [0, 0, 1, 1], [], []>, transpose_lhs_hint = false} : vector<512x896xf32>, vector<896x1xf32>, vector<512x1xf32> -> vector<512x1xf32>
    %transpose3A_70 = tpu.transpose %dot_general3A_69, [1, 0] : vector<512x1xf32> -> vector<1x512xf32>
    %add3A_71 = vector.broadcast %dot_general3A_66 : vector<512x1xf32> to vector<512x512xf32>
    %add3A_72 = vector.broadcast %transpose3A_70 : vector<1x512xf32> to vector<512x512xf32>
    %add3A_73 = arith.addf %add3A_71, %add3A_72 : vector<512x512xf32>
    %gt3A_74 = arith.constant 0.000000e+00 : f32
    %gt3A_75 = vector.broadcast %gt3A_74 : f32 to vector<512x512xf32>
    %gt3A_76 = arith.cmpf ogt, %add3A_73, %gt3A_75 : vector<512x512xf32>
    %mul3A_77 = arith.constant 2.000000e-01 : f32
    %mul3A_78 = vector.broadcast %mul3A_77 : f32 to vector<512x512xf32>
    %mul3A_79 = arith.mulf %mul3A_78, %add3A_73 : vector<512x512xf32>
    %select_n3A_80 = arith.select %gt3A_76, %add3A_73, %mul3A_79 : vector<512x512xi1>, vector<512x512xf32>
    %add3A_81 = arith.addf %select_n3A_80, %get3A_7 : vector<512x512xf32>
    %gt3A_82 = arith.constant 0.000000e+00 : f32
    %gt3A_83 = vector.broadcast %gt3A_82 : f32 to vector<512x512xf32>
    %gt3A_84 = arith.cmpf ogt, %get3A_4, %gt3A_83 : vector<512x512xf32>
    %jit3A_85 = arith.constant -1.000000e+09 : f32
    %broadcast_in_dim3A_86 = vector.broadcast %jit3A_85 : f32 to vector<512x512xf32>
    %select_n3A_87 = arith.select %gt3A_84, %add3A_81, %broadcast_in_dim3A_86 : vector<512x512xi1>, vector<512x512xf32>
    %reduce_max3A_88 = arith.constant dense<0xFF800000> : vector<512xf32>
    %reduce_max3A_89 = vector.multi_reduction <maximumf>, %select_n3A_87, %reduce_max3A_88 [1] : vector<512x512xf32> to vector<512xf32>
    %broadcast_in_dim3A_90 = vector.shape_cast %reduce_max3A_89 : vector<512xf32> to vector<512x1xf32>
    %sub3A_91 = vector.broadcast %broadcast_in_dim3A_90 : vector<512x1xf32> to vector<512x512xf32>
    %sub3A_92 = arith.subf %select_n3A_87, %sub3A_91 : vector<512x512xf32>
    %exp3A_93 = math.exp %sub3A_92 : vector<512x512xf32>
    %reduce_sum3A_94 = arith.constant dense<0.000000e+00> : vector<512xf32>
    %reduce_sum3A_95 = vector.multi_reduction <add>, %exp3A_93, %reduce_sum3A_94 [1] : vector<512x512xf32> to vector<512xf32>
    %broadcast_in_dim3A_96 = vector.shape_cast %reduce_sum3A_95 : vector<512xf32> to vector<512x1xf32>
    %div3A_97 = vector.broadcast %broadcast_in_dim3A_96 : vector<512x1xf32> to vector<512x512xf32>
    %div3A_98 = arith.divf %exp3A_93, %div3A_97 : vector<512x512xf32>
    %dot_general3A_99 = arith.constant dense<0.000000e+00> : vector<512x896xf32>
    %dot_general3A_100 = tpu.matmul %div3A_98, %dot_general3A_63, %dot_general3A_99 {dimension_numbers = #tpu.dot_dimension_numbers<[1], [0], [0], [1], [0, 0, 1, 1], [], []>, transpose_lhs_hint = false} : vector<512x512xf32>, vector<512x896xf32>, vector<512x896xf32> -> vector<512x896xf32>
    %gt3A_101 = arith.constant 0.000000e+00 : f32
    %gt3A_102 = vector.broadcast %gt3A_101 : f32 to vector<512x896xf32>
    %gt3A_103 = arith.cmpf ogt, %dot_general3A_100, %gt3A_102 : vector<512x896xf32>
    %min3A_104 = arith.constant 0.000000e+00 : f32
    %min3A_105 = vector.broadcast %min3A_104 : f32 to vector<512x896xf32>
    %min3A_106 = arith.minimumf %dot_general3A_100, %min3A_105 : vector<512x896xf32>
    %exp3A_107 = math.exp %min3A_106 : vector<512x896xf32>
    %sub3A_108 = arith.constant 1.000000e+00 : f32
    %sub3A_109 = vector.broadcast %sub3A_108 : f32 to vector<512x896xf32>
    %sub3A_110 = arith.subf %exp3A_107, %sub3A_109 : vector<512x896xf32>
    %select_n3A_111 = arith.select %gt3A_103, %dot_general3A_100, %sub3A_110 : vector<512x896xi1>, vector<512x896xf32>
    %add3A_112 = arith.addf %add3A_56, %select_n3A_111 : vector<512x896xf32>
    %get3A_113 = arith.constant 2 : index
    %get3A_114 = arith.constant 0 : index
    %get3A_115 = arith.constant 0 : index
    %get3A_116 = vector.load %arg3[%get3A_113, %get3A_114, %get3A_115] : memref<4x896x896xf32, #tpu.memory_space<vmem>>, vector<1x896x896xf32>
    %get3A_117 = vector.shape_cast %get3A_116 : vector<1x896x896xf32> to vector<896x896xf32>
    %dot_general3A_118 = arith.constant dense<0.000000e+00> : vector<512x896xf32>
    %dot_general3A_119 = tpu.matmul %get3A_1, %get3A_117, %dot_general3A_118 {dimension_numbers = #tpu.dot_dimension_numbers<[1], [0], [0], [1], [0, 0, 1, 1], [], []>, transpose_lhs_hint = false} : vector<512x896xf32>, vector<896x896xf32>, vector<512x896xf32> -> vector<512x896xf32>
    %slice3A_120 = vector.extract_strided_slice %get3A_10 {offsets = [0, 2], sizes = [896, 1], strides = [1, 1]} : vector<896x4xf32> to vector<896x1xf32>
    %dot_general3A_121 = arith.constant dense<0.000000e+00> : vector<512x1xf32>
    %dot_general3A_122 = tpu.matmul %dot_general3A_119, %slice3A_120, %dot_general3A_121 {dimension_numbers = #tpu.dot_dimension_numbers<[1], [0], [0], [1], [0, 0, 1, 1], [], []>, transpose_lhs_hint = false} : vector<512x896xf32>, vector<896x1xf32>, vector<512x1xf32> -> vector<512x1xf32>
    %slice3A_123 = vector.extract_strided_slice %get3A_13 {offsets = [0, 2], sizes = [896, 1], strides = [1, 1]} : vector<896x4xf32> to vector<896x1xf32>
    %dot_general3A_124 = arith.constant dense<0.000000e+00> : vector<512x1xf32>
    %dot_general3A_125 = tpu.matmul %dot_general3A_119, %slice3A_123, %dot_general3A_124 {dimension_numbers = #tpu.dot_dimension_numbers<[1], [0], [0], [1], [0, 0, 1, 1], [], []>, transpose_lhs_hint = false} : vector<512x896xf32>, vector<896x1xf32>, vector<512x1xf32> -> vector<512x1xf32>
    %transpose3A_126 = tpu.transpose %dot_general3A_125, [1, 0] : vector<512x1xf32> -> vector<1x512xf32>
    %add3A_127 = vector.broadcast %dot_general3A_122 : vector<512x1xf32> to vector<512x512xf32>
    %add3A_128 = vector.broadcast %transpose3A_126 : vector<1x512xf32> to vector<512x512xf32>
    %add3A_129 = arith.addf %add3A_127, %add3A_128 : vector<512x512xf32>
    %gt3A_130 = arith.constant 0.000000e+00 : f32
    %gt3A_131 = vector.broadcast %gt3A_130 : f32 to vector<512x512xf32>
    %gt3A_132 = arith.cmpf ogt, %add3A_129, %gt3A_131 : vector<512x512xf32>
    %mul3A_133 = arith.constant 2.000000e-01 : f32
    %mul3A_134 = vector.broadcast %mul3A_133 : f32 to vector<512x512xf32>
    %mul3A_135 = arith.mulf %mul3A_134, %add3A_129 : vector<512x512xf32>
    %select_n3A_136 = arith.select %gt3A_132, %add3A_129, %mul3A_135 : vector<512x512xi1>, vector<512x512xf32>
    %add3A_137 = arith.addf %select_n3A_136, %get3A_7 : vector<512x512xf32>
    %gt3A_138 = arith.constant 0.000000e+00 : f32
    %gt3A_139 = vector.broadcast %gt3A_138 : f32 to vector<512x512xf32>
    %gt3A_140 = arith.cmpf ogt, %get3A_4, %gt3A_139 : vector<512x512xf32>
    %jit3A_141 = arith.constant -1.000000e+09 : f32
    %broadcast_in_dim3A_142 = vector.broadcast %jit3A_141 : f32 to vector<512x512xf32>
    %select_n3A_143 = arith.select %gt3A_140, %add3A_137, %broadcast_in_dim3A_142 : vector<512x512xi1>, vector<512x512xf32>
    %reduce_max3A_144 = arith.constant dense<0xFF800000> : vector<512xf32>
    %reduce_max3A_145 = vector.multi_reduction <maximumf>, %select_n3A_143, %reduce_max3A_144 [1] : vector<512x512xf32> to vector<512xf32>
    %broadcast_in_dim3A_146 = vector.shape_cast %reduce_max3A_145 : vector<512xf32> to vector<512x1xf32>
    %sub3A_147 = vector.broadcast %broadcast_in_dim3A_146 : vector<512x1xf32> to vector<512x512xf32>
    %sub3A_148 = arith.subf %select_n3A_143, %sub3A_147 : vector<512x512xf32>
    %exp3A_149 = math.exp %sub3A_148 : vector<512x512xf32>
    %reduce_sum3A_150 = arith.constant dense<0.000000e+00> : vector<512xf32>
    %reduce_sum3A_151 = vector.multi_reduction <add>, %exp3A_149, %reduce_sum3A_150 [1] : vector<512x512xf32> to vector<512xf32>
    %broadcast_in_dim3A_152 = vector.shape_cast %reduce_sum3A_151 : vector<512xf32> to vector<512x1xf32>
    %div3A_153 = vector.broadcast %broadcast_in_dim3A_152 : vector<512x1xf32> to vector<512x512xf32>
    %div3A_154 = arith.divf %exp3A_149, %div3A_153 : vector<512x512xf32>
    %dot_general3A_155 = arith.constant dense<0.000000e+00> : vector<512x896xf32>
    %dot_general3A_156 = tpu.matmul %div3A_154, %dot_general3A_119, %dot_general3A_155 {dimension_numbers = #tpu.dot_dimension_numbers<[1], [0], [0], [1], [0, 0, 1, 1], [], []>, transpose_lhs_hint = false} : vector<512x512xf32>, vector<512x896xf32>, vector<512x896xf32> -> vector<512x896xf32>
    %gt3A_157 = arith.constant 0.000000e+00 : f32
    %gt3A_158 = vector.broadcast %gt3A_157 : f32 to vector<512x896xf32>
    %gt3A_159 = arith.cmpf ogt, %dot_general3A_156, %gt3A_158 : vector<512x896xf32>
    %min3A_160 = arith.constant 0.000000e+00 : f32
    %min3A_161 = vector.broadcast %min3A_160 : f32 to vector<512x896xf32>
    %min3A_162 = arith.minimumf %dot_general3A_156, %min3A_161 : vector<512x896xf32>
    %exp3A_163 = math.exp %min3A_162 : vector<512x896xf32>
    %sub3A_164 = arith.constant 1.000000e+00 : f32
    %sub3A_165 = vector.broadcast %sub3A_164 : f32 to vector<512x896xf32>
    %sub3A_166 = arith.subf %exp3A_163, %sub3A_165 : vector<512x896xf32>
    %select_n3A_167 = arith.select %gt3A_159, %dot_general3A_156, %sub3A_166 : vector<512x896xi1>, vector<512x896xf32>
    %add3A_168 = arith.addf %add3A_112, %select_n3A_167 : vector<512x896xf32>
    %get3A_169 = arith.constant 3 : index
    %get3A_170 = arith.constant 0 : index
    %get3A_171 = arith.constant 0 : index
    %get3A_172 = vector.load %arg3[%get3A_169, %get3A_170, %get3A_171] : memref<4x896x896xf32, #tpu.memory_space<vmem>>, vector<1x896x896xf32>
    %get3A_173 = vector.shape_cast %get3A_172 : vector<1x896x896xf32> to vector<896x896xf32>
    %dot_general3A_174 = arith.constant dense<0.000000e+00> : vector<512x896xf32>
    %dot_general3A_175 = tpu.matmul %get3A_1, %get3A_173, %dot_general3A_174 {dimension_numbers = #tpu.dot_dimension_numbers<[1], [0], [0], [1], [0, 0, 1, 1], [], []>, transpose_lhs_hint = false} : vector<512x896xf32>, vector<896x896xf32>, vector<512x896xf32> -> vector<512x896xf32>
    %slice3A_176 = vector.extract_strided_slice %get3A_10 {offsets = [0, 3], sizes = [896, 1], strides = [1, 1]} : vector<896x4xf32> to vector<896x1xf32>
    %dot_general3A_177 = arith.constant dense<0.000000e+00> : vector<512x1xf32>
    %dot_general3A_178 = tpu.matmul %dot_general3A_175, %slice3A_176, %dot_general3A_177 {dimension_numbers = #tpu.dot_dimension_numbers<[1], [0], [0], [1], [0, 0, 1, 1], [], []>, transpose_lhs_hint = false} : vector<512x896xf32>, vector<896x1xf32>, vector<512x1xf32> -> vector<512x1xf32>
    %slice3A_179 = vector.extract_strided_slice %get3A_13 {offsets = [0, 3], sizes = [896, 1], strides = [1, 1]} : vector<896x4xf32> to vector<896x1xf32>
    %dot_general3A_180 = arith.constant dense<0.000000e+00> : vector<512x1xf32>
    %dot_general3A_181 = tpu.matmul %dot_general3A_175, %slice3A_179, %dot_general3A_180 {dimension_numbers = #tpu.dot_dimension_numbers<[1], [0], [0], [1], [0, 0, 1, 1], [], []>, transpose_lhs_hint = false} : vector<512x896xf32>, vector<896x1xf32>, vector<512x1xf32> -> vector<512x1xf32>
    %transpose3A_182 = tpu.transpose %dot_general3A_181, [1, 0] : vector<512x1xf32> -> vector<1x512xf32>
    %add3A_183 = vector.broadcast %dot_general3A_178 : vector<512x1xf32> to vector<512x512xf32>
    %add3A_184 = vector.broadcast %transpose3A_182 : vector<1x512xf32> to vector<512x512xf32>
    %add3A_185 = arith.addf %add3A_183, %add3A_184 : vector<512x512xf32>
    %gt3A_186 = arith.constant 0.000000e+00 : f32
    %gt3A_187 = vector.broadcast %gt3A_186 : f32 to vector<512x512xf32>
    %gt3A_188 = arith.cmpf ogt, %add3A_185, %gt3A_187 : vector<512x512xf32>
    %mul3A_189 = arith.constant 2.000000e-01 : f32
    %mul3A_190 = vector.broadcast %mul3A_189 : f32 to vector<512x512xf32>
    %mul3A_191 = arith.mulf %mul3A_190, %add3A_185 : vector<512x512xf32>
    %select_n3A_192 = arith.select %gt3A_188, %add3A_185, %mul3A_191 : vector<512x512xi1>, vector<512x512xf32>
    %add3A_193 = arith.addf %select_n3A_192, %get3A_7 : vector<512x512xf32>
    %gt3A_194 = arith.constant 0.000000e+00 : f32
    %gt3A_195 = vector.broadcast %gt3A_194 : f32 to vector<512x512xf32>
    %gt3A_196 = arith.cmpf ogt, %get3A_4, %gt3A_195 : vector<512x512xf32>
    %jit3A_197 = arith.constant -1.000000e+09 : f32
    %broadcast_in_dim3A_198 = vector.broadcast %jit3A_197 : f32 to vector<512x512xf32>
    %select_n3A_199 = arith.select %gt3A_196, %add3A_193, %broadcast_in_dim3A_198 : vector<512x512xi1>, vector<512x512xf32>
    %reduce_max3A_200 = arith.constant dense<0xFF800000> : vector<512xf32>
    %reduce_max3A_201 = vector.multi_reduction <maximumf>, %select_n3A_199, %reduce_max3A_200 [1] : vector<512x512xf32> to vector<512xf32>
    %broadcast_in_dim3A_202 = vector.shape_cast %reduce_max3A_201 : vector<512xf32> to vector<512x1xf32>
    %sub3A_203 = vector.broadcast %broadcast_in_dim3A_202 : vector<512x1xf32> to vector<512x512xf32>
    %sub3A_204 = arith.subf %select_n3A_199, %sub3A_203 : vector<512x512xf32>
    %exp3A_205 = math.exp %sub3A_204 : vector<512x512xf32>
    %reduce_sum3A_206 = arith.constant dense<0.000000e+00> : vector<512xf32>
    %reduce_sum3A_207 = vector.multi_reduction <add>, %exp3A_205, %reduce_sum3A_206 [1] : vector<512x512xf32> to vector<512xf32>
    %broadcast_in_dim3A_208 = vector.shape_cast %reduce_sum3A_207 : vector<512xf32> to vector<512x1xf32>
    %div3A_209 = vector.broadcast %broadcast_in_dim3A_208 : vector<512x1xf32> to vector<512x512xf32>
    %div3A_210 = arith.divf %exp3A_205, %div3A_209 : vector<512x512xf32>
    %dot_general3A_211 = arith.constant dense<0.000000e+00> : vector<512x896xf32>
    %dot_general3A_212 = tpu.matmul %div3A_210, %dot_general3A_175, %dot_general3A_211 {dimension_numbers = #tpu.dot_dimension_numbers<[1], [0], [0], [1], [0, 0, 1, 1], [], []>, transpose_lhs_hint = false} : vector<512x512xf32>, vector<512x896xf32>, vector<512x896xf32> -> vector<512x896xf32>
    %gt3A_213 = arith.constant 0.000000e+00 : f32
    %gt3A_214 = vector.broadcast %gt3A_213 : f32 to vector<512x896xf32>
    %gt3A_215 = arith.cmpf ogt, %dot_general3A_212, %gt3A_214 : vector<512x896xf32>
    %min3A_216 = arith.constant 0.000000e+00 : f32
    %min3A_217 = vector.broadcast %min3A_216 : f32 to vector<512x896xf32>
    %min3A_218 = arith.minimumf %dot_general3A_212, %min3A_217 : vector<512x896xf32>
    %exp3A_219 = math.exp %min3A_218 : vector<512x896xf32>
    %sub3A_220 = arith.constant 1.000000e+00 : f32
    %sub3A_221 = vector.broadcast %sub3A_220 : f32 to vector<512x896xf32>
    %sub3A_222 = arith.subf %exp3A_219, %sub3A_221 : vector<512x896xf32>
    %select_n3A_223 = arith.select %gt3A_215, %dot_general3A_212, %sub3A_222 : vector<512x896xi1>, vector<512x896xf32>
    %add3A_224 = arith.addf %add3A_168, %select_n3A_223 : vector<512x896xf32>
    %mul3A_225 = arith.constant 2.500000e-01 : f32
    %mul3A_226 = vector.broadcast %mul3A_225 : f32 to vector<512x896xf32>
    %mul3A_227 = arith.mulf %add3A_224, %mul3A_226 : vector<512x896xf32>
    %swap3A = arith.constant 0 : index
    %swap3A_228 = arith.constant 0 : index
    %swap3A_229 = vector.load %arg9[%swap3A, %swap3A_228] : memref<512x896xf32, #tpu.memory_space<vmem>>, vector<512x896xf32>
    tpu.vector_store %arg9[%swap3A, %swap3A_228], %mul3A_227 {strides = array<i32>} : memref<512x896xf32, #tpu.memory_space<vmem>>, vector<512x896xf32>,
    %get3A_230 = arith.constant 0 : index
    %get3A_231 = arith.constant 0 : index
    %get3A_232 = vector.load %arg6[%get3A_230, %get3A_231] : memref<896x896xf32, #tpu.memory_space<vmem>>, vector<896x896xf32>
    %dot_general3A_233 = arith.constant dense<0.000000e+00> : vector<512x896xf32>
    %dot_general3A_234 = tpu.matmul %mul3A_227, %get3A_232, %dot_general3A_233 {dimension_numbers = #tpu.dot_dimension_numbers<[1], [0], [0], [1], [0, 0, 1, 1], [], []>, transpose_lhs_hint = false} : vector<512x896xf32>, vector<896x896xf32>, vector<512x896xf32> -> vector<512x896xf32>
    %get3A_235 = arith.constant 0 : index
    %get3A_236 = arith.constant 0 : index
    %get3A_237 = vector.load %arg7[%get3A_235, %get3A_236] : memref<896x1xf32, #tpu.memory_space<vmem>>, vector<896x1xf32>
    %dot_general3A_238 = arith.constant dense<0.000000e+00> : vector<512x1xf32>
    %dot_general3A_239 = tpu.matmul %dot_general3A_234, %get3A_237, %dot_general3A_238 {dimension_numbers = #tpu.dot_dimension_numbers<[1], [0], [0], [1], [0, 0, 1, 1], [], []>, transpose_lhs_hint = false} : vector<512x896xf32>, vector<896x1xf32>, vector<512x1xf32> -> vector<512x1xf32>
    %get3A_240 = arith.constant 0 : index
    %get3A_241 = arith.constant 0 : index
    %get3A_242 = vector.load %arg8[%get3A_240, %get3A_241] : memref<896x1xf32, #tpu.memory_space<vmem>>, vector<896x1xf32>
    %dot_general3A_243 = arith.constant dense<0.000000e+00> : vector<512x1xf32>
    %dot_general3A_244 = tpu.matmul %dot_general3A_234, %get3A_242, %dot_general3A_243 {dimension_numbers = #tpu.dot_dimension_numbers<[1], [0], [0], [1], [0, 0, 1, 1], [], []>, transpose_lhs_hint = false} : vector<512x896xf32>, vector<896x1xf32>, vector<512x1xf32> -> vector<512x1xf32>
    %transpose3A_245 = tpu.transpose %dot_general3A_244, [1, 0] : vector<512x1xf32> -> vector<1x512xf32>
    %add3A_246 = vector.broadcast %dot_general3A_239 : vector<512x1xf32> to vector<512x512xf32>
    %add3A_247 = vector.broadcast %transpose3A_245 : vector<1x512xf32> to vector<512x512xf32>
    %add3A_248 = arith.addf %add3A_246, %add3A_247 : vector<512x512xf32>
    %gt3A_249 = arith.constant 0.000000e+00 : f32
    %gt3A_250 = vector.broadcast %gt3A_249 : f32 to vector<512x512xf32>
    %gt3A_251 = arith.cmpf ogt, %add3A_248, %gt3A_250 : vector<512x512xf32>
    %mul3A_252 = arith.constant 2.000000e-01 : f32
    %mul3A_253 = vector.broadcast %mul3A_252 : f32 to vector<512x512xf32>
    %mul3A_254 = arith.mulf %mul3A_253, %add3A_248 : vector<512x512xf32>
    %select_n3A_255 = arith.select %gt3A_251, %add3A_248, %mul3A_254 : vector<512x512xi1>, vector<512x512xf32>
    %add3A_256 = arith.addf %select_n3A_255, %get3A_7 : vector<512x512xf32>
    %gt3A_257 = arith.constant 0.000000e+00 : f32
    %gt3A_258 = vector.broadcast %gt3A_257 : f32 to vector<512x512xf32>
    %gt3A_259 = arith.cmpf ogt, %get3A_4, %gt3A_258 : vector<512x512xf32>
    %jit3A_260 = arith.constant -1.000000e+09 : f32
    %broadcast_in_dim3A_261 = vector.broadcast %jit3A_260 : f32 to vector<512x512xf32>
    %select_n3A_262 = arith.select %gt3A_259, %add3A_256, %broadcast_in_dim3A_261 : vector<512x512xi1>, vector<512x512xf32>
    %reduce_max3A_263 = arith.constant dense<0xFF800000> : vector<512xf32>
    %reduce_max3A_264 = vector.multi_reduction <maximumf>, %select_n3A_262, %reduce_max3A_263 [1] : vector<512x512xf32> to vector<512xf32>
    %broadcast_in_dim3A_265 = vector.shape_cast %reduce_max3A_264 : vector<512xf32> to vector<512x1xf32>
    %sub3A_266 = vector.broadcast %broadcast_in_dim3A_265 : vector<512x1xf32> to vector<512x512xf32>
    %sub3A_267 = arith.subf %select_n3A_262, %sub3A_266 : vector<512x512xf32>
    %exp3A_268 = math.exp %sub3A_267 : vector<512x512xf32>
    %reduce_sum3A_269 = arith.constant dense<0.000000e+00> : vector<512xf32>
    %reduce_sum3A_270 = vector.multi_reduction <add>, %exp3A_268, %reduce_sum3A_269 [1] : vector<512x512xf32> to vector<512xf32>
    %broadcast_in_dim3A_271 = vector.shape_cast %reduce_sum3A_270 : vector<512xf32> to vector<512x1xf32>
    %div3A_272 = vector.broadcast %broadcast_in_dim3A_271 : vector<512x1xf32> to vector<512x512xf32>
    %div3A_273 = arith.divf %exp3A_268, %div3A_272 : vector<512x512xf32>
    %dot_general3A_274 = arith.constant dense<0.000000e+00> : vector<512x896xf32>
    %dot_general3A_275 = tpu.matmul %div3A_273, %dot_general3A_234, %dot_general3A_274 {dimension_numbers = #tpu.dot_dimension_numbers<[1], [0], [0], [1], [0, 0, 1, 1], [], []>, transpose_lhs_hint = false} : vector<512x512xf32>, vector<512x896xf32>, vector<512x896xf32> -> vector<512x896xf32>
    %max3A = arith.constant 0.000000e+00 : f32
    %max3A_276 = vector.broadcast %max3A : f32 to vector<512x896xf32>
    %max3A_277 = arith.maximumf %dot_general3A_275, %max3A_276 : vector<512x896xf32>
    %swap3A_278 = arith.constant 0 : index
    %swap3A_279 = arith.constant 0 : index
    %swap3A_280 = vector.load %arg10[%swap3A_278, %swap3A_279] : memref<512x896xf32, #tpu.memory_space<vmem>>, vector<512x896xf32>
    tpu.vector_store %arg10[%swap3A_278, %swap3A_279], %max3A_277 {strides = array<i32>} : memref<512x896xf32, #tpu.memory_space<vmem>>, vector<512x896xf32>,
    return
  }
}

module attributes {stable_mosaic.version = 14 : i64} {
  func.func @_egat_body(%arg0: memref<512x896xf32, #tpu.memory_space<vmem>>, %arg1: memref<512x512xf32, #tpu.memory_space<vmem>>, %arg2: memref<512x512xf32, #tpu.memory_space<vmem>>, %arg3: memref<4x896x896xf32, #tpu.memory_space<vmem>>, %arg4: memref<896x4xf32, #tpu.memory_space<vmem>>, %arg5: memref<896x4xf32, #tpu.memory_space<vmem>>, %arg6: memref<896x896xf32, #tpu.memory_space<vmem>>, %arg7: memref<896x1xf32, #tpu.memory_space<vmem>>, %arg8: memref<896x1xf32, #tpu.memory_space<vmem>>, %arg9: memref<512x896xf32, #tpu.memory_space<vmem>>, %arg10: memref<512x896xf32, #tpu.memory_space<vmem>>) attributes {dimension_semantics = [], scalar_prefetch = 0 : i64, scratch_operands = 0 : i64, tpu.core_type = #tpu.core_type<tc>} {
    %get3A = arith.constant 0 : index
    %get3A_0 = arith.constant 0 : index
    %get3A_1 = vector.load %arg0[%get3A, %get3A_0] : memref<512x896xf32, #tpu.memory_space<vmem>>, vector<512x896xf32>
    %get3A_2 = arith.constant 0 : index
    %get3A_3 = arith.constant 0 : index
    %get3A_4 = vector.load %arg1[%get3A_2, %get3A_3] : memref<512x512xf32, #tpu.memory_space<vmem>>, vector<512x512xf32>
    %get3A_5 = arith.constant 0 : index
    %get3A_6 = arith.constant 0 : index
    %get3A_7 = vector.load %arg2[%get3A_5, %get3A_6] : memref<512x512xf32, #tpu.memory_space<vmem>>, vector<512x512xf32>
    %get3A_8 = arith.constant 0 : index
    %get3A_9 = arith.constant 0 : index
    %get3A_10 = vector.load %arg4[%get3A_8, %get3A_9] : memref<896x4xf32, #tpu.memory_space<vmem>>, vector<896x4xf32>
    %get3A_11 = arith.constant 0 : index
    %get3A_12 = arith.constant 0 : index
    %get3A_13 = vector.load %arg5[%get3A_11, %get3A_12] : memref<896x4xf32, #tpu.memory_space<vmem>>, vector<896x4xf32>
    %broadcast_in_dim3A = arith.constant 0.000000e+00 : f32
    %broadcast_in_dim3A_14 = vector.broadcast %broadcast_in_dim3A : f32 to vector<512x896xf32>
    %get3A_15 = arith.constant 0 : index
    %get3A_16 = arith.constant 0 : index
    %get3A_17 = arith.constant 0 : index
    %get3A_18 = vector.load %arg3[%get3A_15, %get3A_16, %get3A_17] : memref<4x896x896xf32, #tpu.memory_space<vmem>>, vector<1x896x896xf32>
    %get3A_19 = vector.shape_cast %get3A_18 : vector<1x896x896xf32> to vector<896x896xf32>
    %dot_general3A = arith.constant dense<0.000000e+00> : vector<512x896xf32>
    %dot_general3A_20 = tpu.matmul %get3A_1, %get3A_19, %dot_general3A {dimension_numbers = #tpu.dot_dimension_numbers<[1], [0], [0], [1], [0, 0, 1, 1], [], []>, transpose_lhs_hint = false} : vector<512x896xf32>, vector<896x896xf32>, vector<512x896xf32> -> vector<512x896xf32>
    %slice3A = vector.extract_strided_slice %get3A_10 {offsets = [0, 0], sizes = [896, 1], strides = [1, 1]} : vector<896x4xf32> to vector<896x1xf32>
    %dot_general3A_21 = arith.constant dense<0.000000e+00> : vector<512x1xf32>
    %dot_general3A_22 = tpu.matmul %dot_general3A_20, %slice3A, %dot_general3A_21 {dimension_numbers = #tpu.dot_dimension_numbers<[1], [0], [0], [1], [0, 0, 1, 1], [], []>, transpose_lhs_hint = false} : vector<512x896xf32>, vector<896x1xf32>, vector<512x1xf32> -> vector<512x1xf32>
    %slice3A_23 = vector.extract_strided_slice %get3A_13 {offsets = [0, 0], sizes = [896, 1], strides = [1, 1]} : vector<896x4xf32> to vector<896x1xf32>
    %dot_general3A_24 = arith.constant dense<0.000000e+00> : vector<512x1xf32>
    %dot_general3A_25 = tpu.matmul %dot_general3A_20, %slice3A_23, %dot_general3A_24 {dimension_numbers = #tpu.dot_dimension_numbers<[1], [0], [0], [1], [0, 0, 1, 1], [], []>, transpose_lhs_hint = false} : vector<512x896xf32>, vector<896x1xf32>, vector<512x1xf32> -> vector<512x1xf32>
    %transpose3A = tpu.transpose %dot_general3A_25, [1, 0] : vector<512x1xf32> -> vector<1x512xf32>
    %add3A = vector.broadcast %dot_general3A_22 : vector<512x1xf32> to vector<512x512xf32>
    %add3A_26 = vector.broadcast %transpose3A : vector<1x512xf32> to vector<512x512xf32>
    %add3A_27 = arith.addf %add3A, %add3A_26 : vector<512x512xf32>
    %gt3A = arith.constant 0.000000e+00 : f32
    %gt3A_28 = vector.broadcast %gt3A : f32 to vector<512x512xf32>
    %gt3A_29 = arith.cmpf ogt, %add3A_27, %gt3A_28 : vector<512x512xf32>
    %mul3A = arith.constant 2.000000e-01 : f32
    %mul3A_30 = vector.broadcast %mul3A : f32 to vector<512x512xf32>
    %mul3A_31 = arith.mulf %mul3A_30, %add3A_27 : vector<512x512xf32>
    %select_n3A = arith.select %gt3A_29, %add3A_27, %mul3A_31 : vector<512x512xi1>, vector<512x512xf32>
    %add3A_32 = arith.addf %select_n3A, %get3A_7 : vector<512x512xf32>
    %gt3A_33 = arith.constant 0.000000e+00 : f32
    %gt3A_34 = vector.broadcast %gt3A_33 : f32 to vector<512x512xf32>
    %gt3A_35 = arith.cmpf ogt, %get3A_4, %gt3A_34 : vector<512x512xf32>
    %jit3A = arith.constant -1.000000e+09 : f32
    %broadcast_in_dim3A_36 = vector.broadcast %jit3A : f32 to vector<512x512xf32>
    %select_n3A_37 = arith.select %gt3A_35, %add3A_32, %broadcast_in_dim3A_36 : vector<512x512xi1>, vector<512x512xf32>
    %reduce_max3A = arith.constant dense<0xFF800000> : vector<512xf32>
    %reduce_max3A_38 = vector.multi_reduction <maximumf>, %select_n3A_37, %reduce_max3A [1] : vector<512x512xf32> to vector<512xf32>
    %broadcast_in_dim3A_39 = vector.shape_cast %reduce_max3A_38 : vector<512xf32> to vector<512x1xf32>
    %sub3A = vector.broadcast %broadcast_in_dim3A_39 : vector<512x1xf32> to vector<512x512xf32>
    %sub3A_40 = arith.subf %select_n3A_37, %sub3A : vector<512x512xf32>
    %exp3A = math.exp %sub3A_40 : vector<512x512xf32>
    %reduce_sum3A = arith.constant dense<0.000000e+00> : vector<512xf32>
    %reduce_sum3A_41 = vector.multi_reduction <add>, %exp3A, %reduce_sum3A [1] : vector<512x512xf32> to vector<512xf32>
    %broadcast_in_dim3A_42 = vector.shape_cast %reduce_sum3A_41 : vector<512xf32> to vector<512x1xf32>
    %div3A = vector.broadcast %broadcast_in_dim3A_42 : vector<512x1xf32> to vector<512x512xf32>
    %div3A_43 = arith.divf %exp3A, %div3A : vector<512x512xf32>
    %dot_general3A_44 = arith.constant dense<0.000000e+00> : vector<512x896xf32>
    %dot_general3A_45 = tpu.matmul %div3A_43, %dot_general3A_20, %dot_general3A_44 {dimension_numbers = #tpu.dot_dimension_numbers<[1], [0], [0], [1], [0, 0, 1, 1], [], []>, transpose_lhs_hint = false} : vector<512x512xf32>, vector<512x896xf32>, vector<512x896xf32> -> vector<512x896xf32>
    %gt3A_46 = arith.constant 0.000000e+00 : f32
    %gt3A_47 = vector.broadcast %gt3A_46 : f32 to vector<512x896xf32>
    %gt3A_48 = arith.cmpf ogt, %dot_general3A_45, %gt3A_47 : vector<512x896xf32>
    %min3A = arith.constant 0.000000e+00 : f32
    %min3A_49 = vector.broadcast %min3A : f32 to vector<512x896xf32>
    %min3A_50 = arith.minimumf %dot_general3A_45, %min3A_49 : vector<512x896xf32>
    %exp3A_51 = math.exp %min3A_50 : vector<512x896xf32>
    %sub3A_52 = arith.constant 1.000000e+00 : f32
    %sub3A_53 = vector.broadcast %sub3A_52 : f32 to vector<512x896xf32>
    %sub3A_54 = arith.subf %exp3A_51, %sub3A_53 : vector<512x896xf32>
    %select_n3A_55 = arith.select %gt3A_48, %dot_general3A_45, %sub3A_54 : vector<512x896xi1>, vector<512x896xf32>
    %add3A_56 = arith.addf %broadcast_in_dim3A_14, %select_n3A_55 : vector<512x896xf32>
    %get3A_57 = arith.constant 1 : index
    %get3A_58 = arith.constant 0 : index
    %get3A_59 = arith.constant 0 : index
    %get3A_60 = vector.load %arg3[%get3A_57, %get3A_58, %get3A_59] : memref<4x896x896xf32, #tpu.memory_space<vmem>>, vector<1x896x896xf32>
    %get3A_61 = vector.shape_cast %get3A_60 : vector<1x896x896xf32> to vector<896x896xf32>
    %dot_general3A_62 = arith.constant dense<0.000000e+00> : vector<512x896xf32>
    %dot_general3A_63 = tpu.matmul %get3A_1, %get3A_61, %dot_general3A_62 {dimension_numbers = #tpu.dot_dimension_numbers<[1], [0], [0], [1], [0, 0, 1, 1], [], []>, transpose_lhs_hint = false} : vector<512x896xf32>, vector<896x896xf32>, vector<512x896xf32> -> vector<512x896xf32>
    %slice3A_64 = vector.extract_strided_slice %get3A_10 {offsets = [0, 1], sizes = [896, 1], strides = [1, 1]} : vector<896x4xf32> to vector<896x1xf32>
    %dot_general3A_65 = arith.constant dense<0.000000e+00> : vector<512x1xf32>
    %dot_general3A_66 = tpu.matmul %dot_general3A_63, %slice3A_64, %dot_general3A_65 {dimension_numbers = #tpu.dot_dimension_numbers<[1], [0], [0], [1], [0, 0, 1, 1], [], []>, transpose_lhs_hint = false} : vector<512x896xf32>, vector<896x1xf32>, vector<512x1xf32> -> vector<512x1xf32>
    %slice3A_67 = vector.extract_strided_slice %get3A_13 {offsets = [0, 1], sizes = [896, 1], strides = [1, 1]} : vector<896x4xf32> to vector<896x1xf32>
    %dot_general3A_68 = arith.constant dense<0.000000e+00> : vector<512x1xf32>
    %dot_general3A_69 = tpu.matmul %dot_general3A_63, %slice3A_67, %dot_general3A_68 {dimension_numbers = #tpu.dot_dimension_numbers<[1], [0], [0], [1], [0, 0, 1, 1], [], []>, transpose_lhs_hint = false} : vector<512x896xf32>, vector<896x1xf32>, vector<512x1xf32> -> vector<512x1xf32>
    %transpose3A_70 = tpu.transpose %dot_general3A_69, [1, 0] : vector<512x1xf32> -> vector<1x512xf32>
    %add3A_71 = vector.broadcast %dot_general3A_66 : vector<512x1xf32> to vector<512x512xf32>
    %add3A_72 = vector.broadcast %transpose3A_70 : vector<1x512xf32> to vector<512x512xf32>
    %add3A_73 = arith.addf %add3A_71, %add3A_72 : vector<512x512xf32>
    %gt3A_74 = arith.constant 0.000000e+00 : f32
    %gt3A_75 = vector.broadcast %gt3A_74 : f32 to vector<512x512xf32>
    %gt3A_76 = arith.cmpf ogt, %add3A_73, %gt3A_75 : vector<512x512xf32>
    %mul3A_77 = arith.constant 2.000000e-01 : f32
    %mul3A_78 = vector.broadcast %mul3A_77 : f32 to vector<512x512xf32>
    %mul3A_79 = arith.mulf %mul3A_78, %add3A_73 : vector<512x512xf32>
    %select_n3A_80 = arith.select %gt3A_76, %add3A_73, %mul3A_79 : vector<512x512xi1>, vector<512x512xf32>
    %add3A_81 = arith.addf %select_n3A_80, %get3A_7 : vector<512x512xf32>
    %gt3A_82 = arith.constant 0.000000e+00 : f32
    %gt3A_83 = vector.broadcast %gt3A_82 : f32 to vector<512x512xf32>
    %gt3A_84 = arith.cmpf ogt, %get3A_4, %gt3A_83 : vector<512x512xf32>
    %jit3A_85 = arith.constant -1.000000e+09 : f32
    %broadcast_in_dim3A_86 = vector.broadcast %jit3A_85 : f32 to vector<512x512xf32>
    %select_n3A_87 = arith.select %gt3A_84, %add3A_81, %broadcast_in_dim3A_86 : vector<512x512xi1>, vector<512x512xf32>
    %reduce_max3A_88 = arith.constant dense<0xFF800000> : vector<512xf32>
    %reduce_max3A_89 = vector.multi_reduction <maximumf>, %select_n3A_87, %reduce_max3A_88 [1] : vector<512x512xf32> to vector<512xf32>
    %broadcast_in_dim3A_90 = vector.shape_cast %reduce_max3A_89 : vector<512xf32> to vector<512x1xf32>
    %sub3A_91 = vector.broadcast %broadcast_in_dim3A_90 : vector<512x1xf32> to vector<512x512xf32>
    %sub3A_92 = arith.subf %select_n3A_87, %sub3A_91 : vector<512x512xf32>
    %exp3A_93 = math.exp %sub3A_92 : vector<512x512xf32>
    %reduce_sum3A_94 = arith.constant dense<0.000000e+00> : vector<512xf32>
    %reduce_sum3A_95 = vector.multi_reduction <add>, %exp3A_93, %reduce_sum3A_94 [1] : vector<512x512xf32> to vector<512xf32>
    %broadcast_in_dim3A_96 = vector.shape_cast %reduce_sum3A_95 : vector<512xf32> to vector<512x1xf32>
    %div3A_97 = vector.broadcast %broadcast_in_dim3A_96 : vector<512x1xf32> to vector<512x512xf32>
    %div3A_98 = arith.divf %exp3A_93, %div3A_97 : vector<512x512xf32>
    %dot_general3A_99 = arith.constant dense<0.000000e+00> : vector<512x896xf32>
    %dot_general3A_100 = tpu.matmul %div3A_98, %dot_general3A_63, %dot_general3A_99 {dimension_numbers = #tpu.dot_dimension_numbers<[1], [0], [0], [1], [0, 0, 1, 1], [], []>, transpose_lhs_hint = false} : vector<512x512xf32>, vector<512x896xf32>, vector<512x896xf32> -> vector<512x896xf32>
    %gt3A_101 = arith.constant 0.000000e+00 : f32
    %gt3A_102 = vector.broadcast %gt3A_101 : f32 to vector<512x896xf32>
    %gt3A_103 = arith.cmpf ogt, %dot_general3A_100, %gt3A_102 : vector<512x896xf32>
    %min3A_104 = arith.constant 0.000000e+00 : f32
    %min3A_105 = vector.broadcast %min3A_104 : f32 to vector<512x896xf32>
    %min3A_106 = arith.minimumf %dot_general3A_100, %min3A_105 : vector<512x896xf32>
    %exp3A_107 = math.exp %min3A_106 : vector<512x896xf32>
    %sub3A_108 = arith.constant 1.000000e+00 : f32
    %sub3A_109 = vector.broadcast %sub3A_108 : f32 to vector<512x896xf32>
    %sub3A_110 = arith.subf %exp3A_107, %sub3A_109 : vector<512x896xf32>
    %select_n3A_111 = arith.select %gt3A_103, %dot_general3A_100, %sub3A_110 : vector<512x896xi1>, vector<512x896xf32>
    %add3A_112 = arith.addf %add3A_56, %select_n3A_111 : vector<512x896xf32>
    %get3A_113 = arith.constant 2 : index
    %get3A_114 = arith.constant 0 : index
    %get3A_115 = arith.constant 0 : index
    %get3A_116 = vector.load %arg3[%get3A_113, %get3A_114, %get3A_115] : memref<4x896x896xf32, #tpu.memory_space<vmem>>, vector<1x896x896xf32>
    %get3A_117 = vector.shape_cast %get3A_116 : vector<1x896x896xf32> to vector<896x896xf32>
    %dot_general3A_118 = arith.constant dense<0.000000e+00> : vector<512x896xf32>
    %dot_general3A_119 = tpu.matmul %get3A_1, %get3A_117, %dot_general3A_118 {dimension_numbers = #tpu.dot_dimension_numbers<[1], [0], [0], [1], [0, 0, 1, 1], [], []>, transpose_lhs_hint = false} : vector<512x896xf32>, vector<896x896xf32>, vector<512x896xf32> -> vector<512x896xf32>
    %slice3A_120 = vector.extract_strided_slice %get3A_10 {offsets = [0, 2], sizes = [896, 1], strides = [1, 1]} : vector<896x4xf32> to vector<896x1xf32>
    %dot_general3A_121 = arith.constant dense<0.000000e+00> : vector<512x1xf32>
    %dot_general3A_122 = tpu.matmul %dot_general3A_119, %slice3A_120, %dot_general3A_121 {dimension_numbers = #tpu.dot_dimension_numbers<[1], [0], [0], [1], [0, 0, 1, 1], [], []>, transpose_lhs_hint = false} : vector<512x896xf32>, vector<896x1xf32>, vector<512x1xf32> -> vector<512x1xf32>
    %slice3A_123 = vector.extract_strided_slice %get3A_13 {offsets = [0, 2], sizes = [896, 1], strides = [1, 1]} : vector<896x4xf32> to vector<896x1xf32>
    %dot_general3A_124 = arith.constant dense<0.000000e+00> : vector<512x1xf32>
    %dot_general3A_125 = tpu.matmul %dot_general3A_119, %slice3A_123, %dot_general3A_124 {dimension_numbers = #tpu.dot_dimension_numbers<[1], [0], [0], [1], [0, 0, 1, 1], [], []>, transpose_lhs_hint = false} : vector<512x896xf32>, vector<896x1xf32>, vector<512x1xf32> -> vector<512x1xf32>
    %transpose3A_126 = tpu.transpose %dot_general3A_125, [1, 0] : vector<512x1xf32> -> vector<1x512xf32>
    %add3A_127 = vector.broadcast %dot_general3A_122 : vector<512x1xf32> to vector<512x512xf32>
    %add3A_128 = vector.broadcast %transpose3A_126 : vector<1x512xf32> to vector<512x512xf32>
    %add3A_129 = arith.addf %add3A_127, %add3A_128 : vector<512x512xf32>
    %gt3A_130 = arith.constant 0.000000e+00 : f32
    %gt3A_131 = vector.broadcast %gt3A_130 : f32 to vector<512x512xf32>
    %gt3A_132 = arith.cmpf ogt, %add3A_129, %gt3A_131 : vector<512x512xf32>
    %mul3A_133 = arith.constant 2.000000e-01 : f32
    %mul3A_134 = vector.broadcast %mul3A_133 : f32 to vector<512x512xf32>
    %mul3A_135 = arith.mulf %mul3A_134, %add3A_129 : vector<512x512xf32>
    %select_n3A_136 = arith.select %gt3A_132, %add3A_129, %mul3A_135 : vector<512x512xi1>, vector<512x512xf32>
    %add3A_137 = arith.addf %select_n3A_136, %get3A_7 : vector<512x512xf32>
    %gt3A_138 = arith.constant 0.000000e+00 : f32
    %gt3A_139 = vector.broadcast %gt3A_138 : f32 to vector<512x512xf32>
    %gt3A_140 = arith.cmpf ogt, %get3A_4, %gt3A_139 : vector<512x512xf32>
    %jit3A_141 = arith.constant -1.000000e+09 : f32
    %broadcast_in_dim3A_142 = vector.broadcast %jit3A_141 : f32 to vector<512x512xf32>
    %select_n3A_143 = arith.select %gt3A_140, %add3A_137, %broadcast_in_dim3A_142 : vector<512x512xi1>, vector<512x512xf32>
    %reduce_max3A_144 = arith.constant dense<0xFF800000> : vector<512xf32>
    %reduce_max3A_145 = vector.multi_reduction <maximumf>, %select_n3A_143, %reduce_max3A_144 [1] : vector<512x512xf32> to vector<512xf32>
    %broadcast_in_dim3A_146 = vector.shape_cast %reduce_max3A_145 : vector<512xf32> to vector<512x1xf32>
    %sub3A_147 = vector.broadcast %broadcast_in_dim3A_146 : vector<512x1xf32> to vector<512x512xf32>
    %sub3A_148 = arith.subf %select_n3A_143, %sub3A_147 : vector<512x512xf32>
    %exp3A_149 = math.exp %sub3A_148 : vector<512x512xf32>
    %reduce_sum3A_150 = arith.constant dense<0.000000e+00> : vector<512xf32>
    %reduce_sum3A_151 = vector.multi_reduction <add>, %exp3A_149, %reduce_sum3A_150 [1] : vector<512x512xf32> to vector<512xf32>
    %broadcast_in_dim3A_152 = vector.shape_cast %reduce_sum3A_151 : vector<512xf32> to vector<512x1xf32>
    %div3A_153 = vector.broadcast %broadcast_in_dim3A_152 : vector<512x1xf32> to vector<512x512xf32>
    %div3A_154 = arith.divf %exp3A_149, %div3A_153 : vector<512x512xf32>
    %dot_general3A_155 = arith.constant dense<0.000000e+00> : vector<512x896xf32>
    %dot_general3A_156 = tpu.matmul %div3A_154, %dot_general3A_119, %dot_general3A_155 {dimension_numbers = #tpu.dot_dimension_numbers<[1], [0], [0], [1], [0, 0, 1, 1], [], []>, transpose_lhs_hint = false} : vector<512x512xf32>, vector<512x896xf32>, vector<512x896xf32> -> vector<512x896xf32>
    %gt3A_157 = arith.constant 0.000000e+00 : f32
    %gt3A_158 = vector.broadcast %gt3A_157 : f32 to vector<512x896xf32>
    %gt3A_159 = arith.cmpf ogt, %dot_general3A_156, %gt3A_158 : vector<512x896xf32>
    %min3A_160 = arith.constant 0.000000e+00 : f32
    %min3A_161 = vector.broadcast %min3A_160 : f32 to vector<512x896xf32>
    %min3A_162 = arith.minimumf %dot_general3A_156, %min3A_161 : vector<512x896xf32>
    %exp3A_163 = math.exp %min3A_162 : vector<512x896xf32>
    %sub3A_164 = arith.constant 1.000000e+00 : f32
    %sub3A_165 = vector.broadcast %sub3A_164 : f32 to vector<512x896xf32>
    %sub3A_166 = arith.subf %exp3A_163, %sub3A_165 : vector<512x896xf32>
    %select_n3A_167 = arith.select %gt3A_159, %dot_general3A_156, %sub3A_166 : vector<512x896xi1>, vector<512x896xf32>
    %add3A_168 = arith.addf %add3A_112, %select_n3A_167 : vector<512x896xf32>
    %get3A_169 = arith.constant 3 : index
    %get3A_170 = arith.constant 0 : index
    %get3A_171 = arith.constant 0 : index
    %get3A_172 = vector.load %arg3[%get3A_169, %get3A_170, %get3A_171] : memref<4x896x896xf32, #tpu.memory_space<vmem>>, vector<1x896x896xf32>
    %get3A_173 = vector.shape_cast %get3A_172 : vector<1x896x896xf32> to vector<896x896xf32>
    %dot_general3A_174 = arith.constant dense<0.000000e+00> : vector<512x896xf32>
    %dot_general3A_175 = tpu.matmul %get3A_1, %get3A_173, %dot_general3A_174 {dimension_numbers = #tpu.dot_dimension_numbers<[1], [0], [0], [1], [0, 0, 1, 1], [], []>, transpose_lhs_hint = false} : vector<512x896xf32>, vector<896x896xf32>, vector<512x896xf32> -> vector<512x896xf32>
    %slice3A_176 = vector.extract_strided_slice %get3A_10 {offsets = [0, 3], sizes = [896, 1], strides = [1, 1]} : vector<896x4xf32> to vector<896x1xf32>
    %dot_general3A_177 = arith.constant dense<0.000000e+00> : vector<512x1xf32>
    %dot_general3A_178 = tpu.matmul %dot_general3A_175, %slice3A_176, %dot_general3A_177 {dimension_numbers = #tpu.dot_dimension_numbers<[1], [0], [0], [1], [0, 0, 1, 1], [], []>, transpose_lhs_hint = false} : vector<512x896xf32>, vector<896x1xf32>, vector<512x1xf32> -> vector<512x1xf32>
    %slice3A_179 = vector.extract_strided_slice %get3A_13 {offsets = [0, 3], sizes = [896, 1], strides = [1, 1]} : vector<896x4xf32> to vector<896x1xf32>
    %dot_general3A_180 = arith.constant dense<0.000000e+00> : vector<512x1xf32>
    %dot_general3A_181 = tpu.matmul %dot_general3A_175, %slice3A_179, %dot_general3A_180 {dimension_numbers = #tpu.dot_dimension_numbers<[1], [0], [0], [1], [0, 0, 1, 1], [], []>, transpose_lhs_hint = false} : vector<512x896xf32>, vector<896x1xf32>, vector<512x1xf32> -> vector<512x1xf32>
    %transpose3A_182 = tpu.transpose %dot_general3A_181, [1, 0] : vector<512x1xf32> -> vector<1x512xf32>
    %add3A_183 = vector.broadcast %dot_general3A_178 : vector<512x1xf32> to vector<512x512xf32>
    %add3A_184 = vector.broadcast %transpose3A_182 : vector<1x512xf32> to vector<512x512xf32>
    %add3A_185 = arith.addf %add3A_183, %add3A_184 : vector<512x512xf32>
    %gt3A_186 = arith.constant 0.000000e+00 : f32
    %gt3A_187 = vector.broadcast %gt3A_186 : f32 to vector<512x512xf32>
    %gt3A_188 = arith.cmpf ogt, %add3A_185, %gt3A_187 : vector<512x512xf32>
    %mul3A_189 = arith.constant 2.000000e-01 : f32
    %mul3A_190 = vector.broadcast %mul3A_189 : f32 to vector<512x512xf32>
    %mul3A_191 = arith.mulf %mul3A_190, %add3A_185 : vector<512x512xf32>
    %select_n3A_192 = arith.select %gt3A_188, %add3A_185, %mul3A_191 : vector<512x512xi1>, vector<512x512xf32>
    %add3A_193 = arith.addf %select_n3A_192, %get3A_7 : vector<512x512xf32>
    %gt3A_194 = arith.constant 0.000000e+00 : f32
    %gt3A_195 = vector.broadcast %gt3A_194 : f32 to vector<512x512xf32>
    %gt3A_196 = arith.cmpf ogt, %get3A_4, %gt3A_195 : vector<512x512xf32>
    %jit3A_197 = arith.constant -1.000000e+09 : f32
    %broadcast_in_dim3A_198 = vector.broadcast %jit3A_197 : f32 to vector<512x512xf32>
    %select_n3A_199 = arith.select %gt3A_196, %add3A_193, %broadcast_in_dim3A_198 : vector<512x512xi1>, vector<512x512xf32>
    %reduce_max3A_200 = arith.constant dense<0xFF800000> : vector<512xf32>
    %reduce_max3A_201 = vector.multi_reduction <maximumf>, %select_n3A_199, %reduce_max3A_200 [1] : vector<512x512xf32> to vector<512xf32>
    %broadcast_in_dim3A_202 = vector.shape_cast %reduce_max3A_201 : vector<512xf32> to vector<512x1xf32>
    %sub3A_203 = vector.broadcast %broadcast_in_dim3A_202 : vector<512x1xf32> to vector<512x512xf32>
    %sub3A_204 = arith.subf %select_n3A_199, %sub3A_203 : vector<512x512xf32>
    %exp3A_205 = math.exp %sub3A_204 : vector<512x512xf32>
    %reduce_sum3A_206 = arith.constant dense<0.000000e+00> : vector<512xf32>
    %reduce_sum3A_207 = vector.multi_reduction <add>, %exp3A_205, %reduce_sum3A_206 [1] : vector<512x512xf32> to vector<512xf32>
    %broadcast_in_dim3A_208 = vector.shape_cast %reduce_sum3A_207 : vector<512xf32> to vector<512x1xf32>
    %div3A_209 = vector.broadcast %broadcast_in_dim3A_208 : vector<512x1xf32> to vector<512x512xf32>
    %div3A_210 = arith.divf %exp3A_205, %div3A_209 : vector<512x512xf32>
    %dot_general3A_211 = arith.constant dense<0.000000e+00> : vector<512x896xf32>
    %dot_general3A_212 = tpu.matmul %div3A_210, %dot_general3A_175, %dot_general3A_211 {dimension_numbers = #tpu.dot_dimension_numbers<[1], [0], [0], [1], [0, 0, 1, 1], [], []>, transpose_lhs_hint = false} : vector<512x512xf32>, vector<512x896xf32>, vector<512x896xf32> -> vector<512x896xf32>
    %gt3A_213 = arith.constant 0.000000e+00 : f32
    %gt3A_214 = vector.broadcast %gt3A_213 : f32 to vector<512x896xf32>
    %gt3A_215 = arith.cmpf ogt, %dot_general3A_212, %gt3A_214 : vector<512x896xf32>
    %min3A_216 = arith.constant 0.000000e+00 : f32
    %min3A_217 = vector.broadcast %min3A_216 : f32 to vector<512x896xf32>
    %min3A_218 = arith.minimumf %dot_general3A_212, %min3A_217 : vector<512x896xf32>
    %exp3A_219 = math.exp %min3A_218 : vector<512x896xf32>
    %sub3A_220 = arith.constant 1.000000e+00 : f32
    %sub3A_221 = vector.broadcast %sub3A_220 : f32 to vector<512x896xf32>
    %sub3A_222 = arith.subf %exp3A_219, %sub3A_221 : vector<512x896xf32>
    %select_n3A_223 = arith.select %gt3A_215, %dot_general3A_212, %sub3A_222 : vector<512x896xi1>, vector<512x896xf32>
    %add3A_224 = arith.addf %add3A_168, %select_n3A_223 : vector<512x896xf32>
    %mul3A_225 = arith.constant 2.500000e-01 : f32
    %mul3A_226 = vector.broadcast %mul3A_225 : f32 to vector<512x896xf32>
    %mul3A_227 = arith.mulf %add3A_224, %mul3A_226 : vector<512x896xf32>
    %swap3A = arith.constant 0 : index
    %swap3A_228 = arith.constant 0 : index
    %swap3A_229 = vector.load %arg9[%swap3A, %swap3A_228] : memref<512x896xf32, #tpu.memory_space<vmem>>, vector<512x896xf32>
    tpu.vector_store %arg9[%swap3A, %swap3A_228], %mul3A_227 {strides = array<i32>} : memref<512x896xf32, #tpu.memory_space<vmem>>, vector<512x896xf32>,
    %get3A_230 = arith.constant 0 : index
    %get3A_231 = arith.constant 0 : index
    %get3A_232 = vector.load %arg6[%get3A_230, %get3A_231] : memref<896x896xf32, #tpu.memory_space<vmem>>, vector<896x896xf32>
    %dot_general3A_233 = arith.constant dense<0.000000e+00> : vector<512x896xf32>
    %dot_general3A_234 = tpu.matmul %mul3A_227, %get3A_232, %dot_general3A_233 {dimension_numbers = #tpu.dot_dimension_numbers<[1], [0], [0], [1], [0, 0, 1, 1], [], []>, transpose_lhs_hint = false} : vector<512x896xf32>, vector<896x896xf32>, vector<512x896xf32> -> vector<512x896xf32>
    %get3A_235 = arith.constant 0 : index
    %get3A_236 = arith.constant 0 : index
    %get3A_237 = vector.load %arg7[%get3A_235, %get3A_236] : memref<896x1xf32, #tpu.memory_space<vmem>>, vector<896x1xf32>
    %dot_general3A_238 = arith.constant dense<0.000000e+00> : vector<512x1xf32>
    %dot_general3A_239 = tpu.matmul %dot_general3A_234, %get3A_237, %dot_general3A_238 {dimension_numbers = #tpu.dot_dimension_numbers<[1], [0], [0], [1], [0, 0, 1, 1], [], []>, transpose_lhs_hint = false} : vector<512x896xf32>, vector<896x1xf32>, vector<512x1xf32> -> vector<512x1xf32>
    %get3A_240 = arith.constant 0 : index
    %get3A_241 = arith.constant 0 : index
    %get3A_242 = vector.load %arg8[%get3A_240, %get3A_241] : memref<896x1xf32, #tpu.memory_space<vmem>>, vector<896x1xf32>
    %dot_general3A_243 = arith.constant dense<0.000000e+00> : vector<512x1xf32>
    %dot_general3A_244 = tpu.matmul %dot_general3A_234, %get3A_242, %dot_general3A_243 {dimension_numbers = #tpu.dot_dimension_numbers<[1], [0], [0], [1], [0, 0, 1, 1], [], []>, transpose_lhs_hint = false} : vector<512x896xf32>, vector<896x1xf32>, vector<512x1xf32> -> vector<512x1xf32>
    %transpose3A_245 = tpu.transpose %dot_general3A_244, [1, 0] : vector<512x1xf32> -> vector<1x512xf32>
    %add3A_246 = vector.broadcast %dot_general3A_239 : vector<512x1xf32> to vector<512x512xf32>
    %add3A_247 = vector.broadcast %transpose3A_245 : vector<1x512xf32> to vector<512x512xf32>
    %add3A_248 = arith.addf %add3A_246, %add3A_247 : vector<512x512xf32>
    %gt3A_249 = arith.constant 0.000000e+00 : f32
    %gt3A_250 = vector.broadcast %gt3A_249 : f32 to vector<512x512xf32>
    %gt3A_251 = arith.cmpf ogt, %add3A_248, %gt3A_250 : vector<512x512xf32>
    %mul3A_252 = arith.constant 2.000000e-01 : f32
    %mul3A_253 = vector.broadcast %mul3A_252 : f32 to vector<512x512xf32>
    %mul3A_254 = arith.mulf %mul3A_253, %add3A_248 : vector<512x512xf32>
    %select_n3A_255 = arith.select %gt3A_251, %add3A_248, %mul3A_254 : vector<512x512xi1>, vector<512x512xf32>
    %add3A_256 = arith.addf %select_n3A_255, %get3A_7 : vector<512x512xf32>
    %gt3A_257 = arith.constant 0.000000e+00 : f32
    %gt3A_258 = vector.broadcast %gt3A_257 : f32 to vector<512x512xf32>
    %gt3A_259 = arith.cmpf ogt, %get3A_4, %gt3A_258 : vector<512x512xf32>
    %jit3A_260 = arith.constant -1.000000e+09 : f32
    %broadcast_in_dim3A_261 = vector.broadcast %jit3A_260 : f32 to vector<512x512xf32>
    %select_n3A_262 = arith.select %gt3A_259, %add3A_256, %broadcast_in_dim3A_261 : vector<512x512xi1>, vector<512x512xf32>
    %reduce_max3A_263 = arith.constant dense<0xFF800000> : vector<512xf32>
    %reduce_max3A_264 = vector.multi_reduction <maximumf>, %select_n3A_262, %reduce_max3A_263 [1] : vector<512x512xf32> to vector<512xf32>
    %broadcast_in_dim3A_265 = vector.shape_cast %reduce_max3A_264 : vector<512xf32> to vector<512x1xf32>
    %sub3A_266 = vector.broadcast %broadcast_in_dim3A_265 : vector<512x1xf32> to vector<512x512xf32>
    %sub3A_267 = arith.subf %select_n3A_262, %sub3A_266 : vector<512x512xf32>
    %exp3A_268 = math.exp %sub3A_267 : vector<512x512xf32>
    %reduce_sum3A_269 = arith.constant dense<0.000000e+00> : vector<512xf32>
    %reduce_sum3A_270 = vector.multi_reduction <add>, %exp3A_268, %reduce_sum3A_269 [1] : vector<512x512xf32> to vector<512xf32>
    %broadcast_in_dim3A_271 = vector.shape_cast %reduce_sum3A_270 : vector<512xf32> to vector<512x1xf32>
    %div3A_272 = vector.broadcast %broadcast_in_dim3A_271 : vector<512x1xf32> to vector<512x512xf32>
    %div3A_273 = arith.divf %exp3A_268, %div3A_272 : vector<512x512xf32>
    %dot_general3A_274 = arith.constant dense<0.000000e+00> : vector<512x896xf32>
    %dot_general3A_275 = tpu.matmul %div3A_273, %dot_general3A_234, %dot_general3A_274 {dimension_numbers = #tpu.dot_dimension_numbers<[1], [0], [0], [1], [0, 0, 1, 1], [], []>, transpose_lhs_hint = false} : vector<512x512xf32>, vector<512x896xf32>, vector<512x896xf32> -> vector<512x896xf32>
    %max3A = arith.constant 0.000000e+00 : f32
    %max3A_276 = vector.broadcast %max3A : f32 to vector<512x896xf32>
    %max3A_277 = arith.maximumf %dot_general3A_275, %max3A_276 : vector<512x896xf32>
    %swap3A_278 = arith.constant 0 : index
    %swap3A_279 = arith.constant 0 : index
    %swap3A_280 = vector.load %arg10[%swap3A_278, %swap3A_279] : memref<512x896xf32, #tpu.memory_space<vmem>>, vector<512x896xf32>
    tpu.vector_store %arg10[%swap3A_278, %swap3A_279], %max3A_277 {strides = array<i32>} : memref<512x896xf32, #tpu.memory_space<vmem>>, vector<512x896xf32>,
    return
  }
}

module attributes {stable_mosaic.version = 14 : i64} {
  func.func @_mlp_body(%arg0: memref<512x1536xf32, #tpu.memory_space<vmem>>, %arg1: memref<512x896xf32, #tpu.memory_space<vmem>>, %arg2: memref<512x896xf32, #tpu.memory_space<vmem>>, %arg3: memref<512x896xf32, #tpu.memory_space<vmem>>, %arg4: memref<512x256xf32, #tpu.memory_space<vmem>>, %arg5: memref<4480x512xf32, #tpu.memory_space<vmem>>, %arg6: memref<1x512xf32, #tpu.memory_space<vmem>>, %arg7: memref<512x512xf32, #tpu.memory_space<vmem>>, %arg8: memref<1x512xf32, #tpu.memory_space<vmem>>, %arg9: memref<512x2xf32, #tpu.memory_space<vmem>>, %arg10: memref<1x2xf32, #tpu.memory_space<vmem>>, %arg11: memref<512x2xf32, #tpu.memory_space<vmem>>) attributes {dimension_semantics = [], scalar_prefetch = 0 : i64, scratch_operands = 0 : i64, tpu.core_type = #tpu.core_type<tc>} {
    %get3A = arith.constant 0 : index
    %get3A_0 = arith.constant 0 : index
    %get3A_1 = vector.load %arg0[%get3A, %get3A_0] : memref<512x1536xf32, #tpu.memory_space<vmem>>, vector<512x1536xf32>
    %get3A_2 = arith.constant 0 : index
    %get3A_3 = arith.constant 0 : index
    %get3A_4 = vector.load %arg5[%get3A_2, %get3A_3] : memref<4480x512xf32, #tpu.memory_space<vmem>>, vector<1536x512xf32>
    %dot_general3A = arith.constant dense<0.000000e+00> : vector<512x512xf32>
    %dot_general3A_5 = tpu.matmul %get3A_1, %get3A_4, %dot_general3A {dimension_numbers = #tpu.dot_dimension_numbers<[1], [0], [0], [1], [0, 0, 1, 1], [], []>, transpose_lhs_hint = false} : vector<512x1536xf32>, vector<1536x512xf32>, vector<512x512xf32> -> vector<512x512xf32>
    %get3A_6 = arith.constant 0 : index
    %get3A_7 = arith.constant 0 : index
    %get3A_8 = vector.load %arg1[%get3A_6, %get3A_7] : memref<512x896xf32, #tpu.memory_space<vmem>>, vector<512x896xf32>
    %get3A_9 = arith.constant 1536 : index
    %get3A_10 = arith.constant 0 : index
    %get3A_11 = vector.load %arg5[%get3A_9, %get3A_10] : memref<4480x512xf32, #tpu.memory_space<vmem>>, vector<896x512xf32>
    %dot_general3A_12 = arith.constant dense<0.000000e+00> : vector<512x512xf32>
    %dot_general3A_13 = tpu.matmul %get3A_8, %get3A_11, %dot_general3A_12 {dimension_numbers = #tpu.dot_dimension_numbers<[1], [0], [0], [1], [0, 0, 1, 1], [], []>, transpose_lhs_hint = false} : vector<512x896xf32>, vector<896x512xf32>, vector<512x512xf32> -> vector<512x512xf32>
    %add3A = arith.addf %dot_general3A_5, %dot_general3A_13 : vector<512x512xf32>
    %get3A_14 = arith.constant 0 : index
    %get3A_15 = arith.constant 0 : index
    %get3A_16 = vector.load %arg2[%get3A_14, %get3A_15] : memref<512x896xf32, #tpu.memory_space<vmem>>, vector<512x896xf32>
    %get3A_17 = arith.constant 2432 : index
    %get3A_18 = arith.constant 0 : index
    %get3A_19 = vector.load %arg5[%get3A_17, %get3A_18] : memref<4480x512xf32, #tpu.memory_space<vmem>>, vector<896x512xf32>
    %dot_general3A_20 = arith.constant dense<0.000000e+00> : vector<512x512xf32>
    %dot_general3A_21 = tpu.matmul %get3A_16, %get3A_19, %dot_general3A_20 {dimension_numbers = #tpu.dot_dimension_numbers<[1], [0], [0], [1], [0, 0, 1, 1], [], []>, transpose_lhs_hint = false} : vector<512x896xf32>, vector<896x512xf32>, vector<512x512xf32> -> vector<512x512xf32>
    %add3A_22 = arith.addf %add3A, %dot_general3A_21 : vector<512x512xf32>
    %get3A_23 = arith.constant 0 : index
    %get3A_24 = arith.constant 0 : index
    %get3A_25 = vector.load %arg3[%get3A_23, %get3A_24] : memref<512x896xf32, #tpu.memory_space<vmem>>, vector<512x896xf32>
    %get3A_26 = arith.constant 3328 : index
    %get3A_27 = arith.constant 0 : index
    %get3A_28 = vector.load %arg5[%get3A_26, %get3A_27] : memref<4480x512xf32, #tpu.memory_space<vmem>>, vector<896x512xf32>
    %dot_general3A_29 = arith.constant dense<0.000000e+00> : vector<512x512xf32>
    %dot_general3A_30 = tpu.matmul %get3A_25, %get3A_28, %dot_general3A_29 {dimension_numbers = #tpu.dot_dimension_numbers<[1], [0], [0], [1], [0, 0, 1, 1], [], []>, transpose_lhs_hint = false} : vector<512x896xf32>, vector<896x512xf32>, vector<512x512xf32> -> vector<512x512xf32>
    %add3A_31 = arith.addf %add3A_22, %dot_general3A_30 : vector<512x512xf32>
    %get3A_32 = arith.constant 0 : index
    %get3A_33 = arith.constant 0 : index
    %get3A_34 = vector.load %arg4[%get3A_32, %get3A_33] : memref<512x256xf32, #tpu.memory_space<vmem>>, vector<512x256xf32>
    %get3A_35 = arith.constant 4224 : index
    %get3A_36 = arith.constant 0 : index
    %get3A_37 = vector.load %arg5[%get3A_35, %get3A_36] : memref<4480x512xf32, #tpu.memory_space<vmem>>, vector<256x512xf32>
    %dot_general3A_38 = arith.constant dense<0.000000e+00> : vector<512x512xf32>
    %dot_general3A_39 = tpu.matmul %get3A_34, %get3A_37, %dot_general3A_38 {dimension_numbers = #tpu.dot_dimension_numbers<[1], [0], [0], [1], [0, 0, 1, 1], [], []>, transpose_lhs_hint = false} : vector<512x256xf32>, vector<256x512xf32>, vector<512x512xf32> -> vector<512x512xf32>
    %add3A_40 = arith.addf %add3A_31, %dot_general3A_39 : vector<512x512xf32>
    %get3A_41 = arith.constant 0 : index
    %get3A_42 = arith.constant 0 : index
    %get3A_43 = vector.load %arg6[%get3A_41, %get3A_42] : memref<1x512xf32, #tpu.memory_space<vmem>>, vector<1x512xf32>
    %add3A_44 = vector.broadcast %get3A_43 : vector<1x512xf32> to vector<512x512xf32>
    %add3A_45 = arith.addf %add3A_40, %add3A_44 : vector<512x512xf32>
    %gt3A = arith.constant 0.000000e+00 : f32
    %gt3A_46 = vector.broadcast %gt3A : f32 to vector<512x512xf32>
    %gt3A_47 = arith.cmpf ogt, %add3A_45, %gt3A_46 : vector<512x512xf32>
    %mul3A = arith.constant 0.00999999977 : f32
    %mul3A_48 = vector.broadcast %mul3A : f32 to vector<512x512xf32>
    %mul3A_49 = arith.mulf %mul3A_48, %add3A_45 : vector<512x512xf32>
    %select_n3A = arith.select %gt3A_47, %add3A_45, %mul3A_49 : vector<512x512xi1>, vector<512x512xf32>
    %get3A_50 = arith.constant 0 : index
    %get3A_51 = arith.constant 0 : index
    %get3A_52 = vector.load %arg7[%get3A_50, %get3A_51] : memref<512x512xf32, #tpu.memory_space<vmem>>, vector<512x512xf32>
    %dot_general3A_53 = arith.constant dense<0.000000e+00> : vector<512x512xf32>
    %dot_general3A_54 = tpu.matmul %select_n3A, %get3A_52, %dot_general3A_53 {dimension_numbers = #tpu.dot_dimension_numbers<[1], [0], [0], [1], [0, 0, 1, 1], [], []>, transpose_lhs_hint = false} : vector<512x512xf32>, vector<512x512xf32>, vector<512x512xf32> -> vector<512x512xf32>
    %get3A_55 = arith.constant 0 : index
    %get3A_56 = arith.constant 0 : index
    %get3A_57 = vector.load %arg8[%get3A_55, %get3A_56] : memref<1x512xf32, #tpu.memory_space<vmem>>, vector<1x512xf32>
    %add3A_58 = vector.broadcast %get3A_57 : vector<1x512xf32> to vector<512x512xf32>
    %add3A_59 = arith.addf %dot_general3A_54, %add3A_58 : vector<512x512xf32>
    %gt3A_60 = arith.constant 0.000000e+00 : f32
    %gt3A_61 = vector.broadcast %gt3A_60 : f32 to vector<512x512xf32>
    %gt3A_62 = arith.cmpf ogt, %add3A_59, %gt3A_61 : vector<512x512xf32>
    %mul3A_63 = arith.constant 0.00999999977 : f32
    %mul3A_64 = vector.broadcast %mul3A_63 : f32 to vector<512x512xf32>
    %mul3A_65 = arith.mulf %mul3A_64, %add3A_59 : vector<512x512xf32>
    %select_n3A_66 = arith.select %gt3A_62, %add3A_59, %mul3A_65 : vector<512x512xi1>, vector<512x512xf32>
    %get3A_67 = arith.constant 0 : index
    %get3A_68 = arith.constant 0 : index
    %get3A_69 = vector.load %arg9[%get3A_67, %get3A_68] : memref<512x2xf32, #tpu.memory_space<vmem>>, vector<512x2xf32>
    %dot_general3A_70 = arith.constant dense<0.000000e+00> : vector<512x2xf32>
    %dot_general3A_71 = tpu.matmul %select_n3A_66, %get3A_69, %dot_general3A_70 {dimension_numbers = #tpu.dot_dimension_numbers<[1], [0], [0], [1], [0, 0, 1, 1], [], []>, transpose_lhs_hint = false} : vector<512x512xf32>, vector<512x2xf32>, vector<512x2xf32> -> vector<512x2xf32>
    %get3A_72 = arith.constant 0 : index
    %get3A_73 = arith.constant 0 : index
    %get3A_74 = vector.load %arg10[%get3A_72, %get3A_73] : memref<1x2xf32, #tpu.memory_space<vmem>>, vector<1x2xf32>
    %add3A_75 = vector.broadcast %get3A_74 : vector<1x2xf32> to vector<512x2xf32>
    %add3A_76 = arith.addf %dot_general3A_71, %add3A_75 : vector<512x2xf32>
    %swap3A = arith.constant 0 : index
    %swap3A_77 = arith.constant 0 : index
    %swap3A_78 = vector.load %arg11[%swap3A, %swap3A_77] : memref<512x2xf32, #tpu.memory_space<vmem>>, vector<512x2xf32>
    tpu.vector_store %arg11[%swap3A, %swap3A_77], %add3A_76 {strides = array<i32>} : memref<512x2xf32, #tpu.memory_space<vmem>>, vector<512x2xf32>,
    return
  }
}

module attributes {stable_mosaic.version = 14 : i64} {
  func.func @_tc1_body(%arg0: memref<3x512x300xf32, #tpu.memory_space<vmem>>, %arg1: memref<300x512xf32, #tpu.memory_space<vmem>>, %arg2: memref<128x512xf32, #tpu.memory_space<vmem>>, %arg3: memref<1x512xf32, #tpu.memory_space<vmem>>, %arg4: memref<300x512xf32, #tpu.memory_space<vmem>>, %arg5: memref<128x512xf32, #tpu.memory_space<vmem>>, %arg6: memref<1x512xf32, #tpu.memory_space<vmem>>, %arg7: memref<256x1024xf32, #tpu.memory_space<vmem>>, %arg8: memref<256x4xf32, #tpu.memory_space<vmem>>, %arg9: memref<256x4xf32, #tpu.memory_space<vmem>>, %arg10: memref<256x256xf32, #tpu.memory_space<vmem>>, %arg11: memref<256x1xf32, #tpu.memory_space<vmem>>, %arg12: memref<256x1xf32, #tpu.memory_space<vmem>>, %arg13: memref<512x9xf32, #tpu.memory_space<vmem>>, %arg14: memref<512x9xf32, #tpu.memory_space<vmem>>, %arg15: memref<512x3xi32, #tpu.memory_space<vmem>>, %arg16: memref<512x3xi32, #tpu.memory_space<vmem>>, %arg17: memref<512x1xi32, #tpu.memory_space<vmem>>, %arg18: memref<40x128xf32, #tpu.memory_space<vmem>>, %arg19: memref<40x128xf32, #tpu.memory_space<vmem>>, %arg20: memref<64x128xf32, #tpu.memory_space<vmem>>, %arg21: memref<256x512xf32, #tpu.memory_space<vmem>>, %arg22: memref<128x512xf32, #tpu.memory_space<vmem>>, %arg23: memref<128x512xf32, #tpu.memory_space<vmem>>, %arg24: memref<256x4xf32, #tpu.memory_space<vmem>>, %arg25: memref<128x512xf32, #tpu.memory_space<vmem>>, %arg26: memref<256x512xf32, #tpu.memory_space<vmem>>, %arg27: memref<128x512xf32, #tpu.memory_space<vmem>>, %arg28: memref<128x512xf32, #tpu.memory_space<vmem>>, %arg29: memref<256x4xf32, #tpu.memory_space<vmem>>, %arg30: memref<128x512xf32, #tpu.memory_space<vmem>>, %arg31: memref<512x1536xf32, #tpu.memory_space<vmem>>, %arg32: memref<512x256xf32, #tpu.memory_space<vmem>>, %arg33: memref<512x896xf32, #tpu.memory_space<vmem>>) attributes {dimension_semantics = [], scalar_prefetch = 0 : i64, scratch_operands = 0 : i64, tpu.core_type = #tpu.core_type<tc>} {
    %get3A = arith.constant 0 : index
    %get3A_0 = arith.constant 0 : index
    %get3A_1 = arith.constant 0 : index
    %get3A_2 = vector.load %arg0[%get3A, %get3A_0, %get3A_1] : memref<3x512x300xf32, #tpu.memory_space<vmem>>, vector<1x512x300xf32>
    %get3A_3 = vector.shape_cast %get3A_2 : vector<1x512x300xf32> to vector<512x300xf32>
    %get3A_4 = arith.constant 1 : index
    %get3A_5 = arith.constant 0 : index
    %get3A_6 = arith.constant 0 : index
    %get3A_7 = vector.load %arg0[%get3A_4, %get3A_5, %get3A_6] : memref<3x512x300xf32, #tpu.memory_space<vmem>>, vector<1x512x300xf32>
    %get3A_8 = vector.shape_cast %get3A_7 : vector<1x512x300xf32> to vector<512x300xf32>
    %get3A_9 = arith.constant 2 : index
    %get3A_10 = arith.constant 0 : index
    %get3A_11 = arith.constant 0 : index
    %get3A_12 = vector.load %arg0[%get3A_9, %get3A_10, %get3A_11] : memref<3x512x300xf32, #tpu.memory_space<vmem>>, vector<1x512x300xf32>
    %get3A_13 = vector.shape_cast %get3A_12 : vector<1x512x300xf32> to vector<512x300xf32>
    %get3A_14 = arith.constant 0 : index
    %get3A_15 = arith.constant 0 : index
    %get3A_16 = vector.load %arg1[%get3A_14, %get3A_15] : memref<300x512xf32, #tpu.memory_space<vmem>>, vector<300x512xf32>
    %get3A_17 = arith.constant 0 : index
    %get3A_18 = arith.constant 0 : index
    %get3A_19 = vector.load %arg2[%get3A_17, %get3A_18] : memref<128x512xf32, #tpu.memory_space<vmem>>, vector<128x512xf32>
    %get3A_20 = arith.constant 0 : index
    %get3A_21 = arith.constant 0 : index
    %get3A_22 = vector.load %arg3[%get3A_20, %get3A_21] : memref<1x512xf32, #tpu.memory_space<vmem>>, vector<1x512xf32>
    %broadcast_in_dim3A = arith.constant 0.000000e+00 : f32
    %broadcast_in_dim3A_23 = vector.broadcast %broadcast_in_dim3A : f32 to vector<512x128xf32>
    %broadcast_in_dim3A_24 = arith.constant 0.000000e+00 : f32
    %broadcast_in_dim3A_25 = vector.broadcast %broadcast_in_dim3A_24 : f32 to vector<512x128xf32>
    %dot_general3A = arith.constant dense<0.000000e+00> : vector<512x512xf32>
    %dot_general3A_26 = tpu.matmul %get3A_3, %get3A_16, %dot_general3A {dimension_numbers = #tpu.dot_dimension_numbers<[1], [0], [0], [1], [0, 0, 1, 1], [], []>, transpose_lhs_hint = false} : vector<512x300xf32>, vector<300x512xf32>, vector<512x512xf32> -> vector<512x512xf32>
    %dot_general3A_27 = arith.constant dense<0.000000e+00> : vector<512x512xf32>
    %dot_general3A_28 = tpu.matmul %broadcast_in_dim3A_23, %get3A_19, %dot_general3A_27 {dimension_numbers = #tpu.dot_dimension_numbers<[1], [0], [0], [1], [0, 0, 1, 1], [], []>, transpose_lhs_hint = false} : vector<512x128xf32>, vector<128x512xf32>, vector<512x512xf32> -> vector<512x512xf32>
    %add3A = arith.addf %dot_general3A_26, %dot_general3A_28 : vector<512x512xf32>
    %add3A_29 = vector.broadcast %get3A_22 : vector<1x512xf32> to vector<512x512xf32>
    %add3A_30 = arith.addf %add3A, %add3A_29 : vector<512x512xf32>
    %slice3A = vector.extract_strided_slice %add3A_30 {offsets = [0, 0], sizes = [512, 128], strides = [1, 1]} : vector<512x512xf32> to vector<512x128xf32>
    %logistic3A = arith.negf %slice3A : vector<512x128xf32>
    %logistic3A_31 = math.exp %logistic3A : vector<512x128xf32>
    %logistic3A_32 = arith.constant 1.000000e+00 : f32
    %logistic3A_33 = vector.broadcast %logistic3A_32 : f32 to vector<512x128xf32>
    %logistic3A_34 = arith.addf %logistic3A_33, %logistic3A_31 : vector<512x128xf32>
    %logistic3A_35 = arith.divf %logistic3A_33, %logistic3A_34 : vector<512x128xf32>
    %slice3A_36 = vector.extract_strided_slice %add3A_30 {offsets = [0, 128], sizes = [512, 128], strides = [1, 1]} : vector<512x512xf32> to vector<512x128xf32>
    %logistic3A_37 = arith.negf %slice3A_36 : vector<512x128xf32>
    %logistic3A_38 = math.exp %logistic3A_37 : vector<512x128xf32>
    %logistic3A_39 = arith.constant 1.000000e+00 : f32
    %logistic3A_40 = vector.broadcast %logistic3A_39 : f32 to vector<512x128xf32>
    %logistic3A_41 = arith.addf %logistic3A_40, %logistic3A_38 : vector<512x128xf32>
    %logistic3A_42 = arith.divf %logistic3A_40, %logistic3A_41 : vector<512x128xf32>
    %slice3A_43 = vector.extract_strided_slice %add3A_30 {offsets = [0, 256], sizes = [512, 128], strides = [1, 1]} : vector<512x512xf32> to vector<512x128xf32>
    %tanh3A = math.tanh %slice3A_43 : vector<512x128xf32>
    %slice3A_44 = vector.extract_strided_slice %add3A_30 {offsets = [0, 384], sizes = [512, 128], strides = [1, 1]} : vector<512x512xf32> to vector<512x128xf32>
    %logistic3A_45 = arith.negf %slice3A_44 : vector<512x128xf32>
    %logistic3A_46 = math.exp %logistic3A_45 : vector<512x128xf32>
    %logistic3A_47 = arith.constant 1.000000e+00 : f32
    %logistic3A_48 = vector.broadcast %logistic3A_47 : f32 to vector<512x128xf32>
    %logistic3A_49 = arith.addf %logistic3A_48, %logistic3A_46 : vector<512x128xf32>
    %logistic3A_50 = arith.divf %logistic3A_48, %logistic3A_49 : vector<512x128xf32>
    %mul3A = arith.mulf %logistic3A_42, %broadcast_in_dim3A_25 : vector<512x128xf32>
    %mul3A_51 = arith.mulf %logistic3A_35, %tanh3A : vector<512x128xf32>
    %add3A_52 = arith.addf %mul3A, %mul3A_51 : vector<512x128xf32>
    %tanh3A_53 = math.tanh %add3A_52 : vector<512x128xf32>
    %mul3A_54 = arith.mulf %logistic3A_50, %tanh3A_53 : vector<512x128xf32>
    %dot_general3A_55 = arith.constant dense<0.000000e+00> : vector<512x512xf32>
    %dot_general3A_56 = tpu.matmul %get3A_8, %get3A_16, %dot_general3A_55 {dimension_numbers = #tpu.dot_dimension_numbers<[1], [0], [0], [1], [0, 0, 1, 1], [], []>, transpose_lhs_hint = false} : vector<512x300xf32>, vector<300x512xf32>, vector<512x512xf32> -> vector<512x512xf32>
    %dot_general3A_57 = arith.constant dense<0.000000e+00> : vector<512x512xf32>
    %dot_general3A_58 = tpu.matmul %mul3A_54, %get3A_19, %dot_general3A_57 {dimension_numbers = #tpu.dot_dimension_numbers<[1], [0], [0], [1], [0, 0, 1, 1], [], []>, transpose_lhs_hint = false} : vector<512x128xf32>, vector<128x512xf32>, vector<512x512xf32> -> vector<512x512xf32>
    %add3A_59 = arith.addf %dot_general3A_56, %dot_general3A_58 : vector<512x512xf32>
    %add3A_60 = vector.broadcast %get3A_22 : vector<1x512xf32> to vector<512x512xf32>
    %add3A_61 = arith.addf %add3A_59, %add3A_60 : vector<512x512xf32>
    %slice3A_62 = vector.extract_strided_slice %add3A_61 {offsets = [0, 0], sizes = [512, 128], strides = [1, 1]} : vector<512x512xf32> to vector<512x128xf32>
    %logistic3A_63 = arith.negf %slice3A_62 : vector<512x128xf32>
    %logistic3A_64 = math.exp %logistic3A_63 : vector<512x128xf32>
    %logistic3A_65 = arith.constant 1.000000e+00 : f32
    %logistic3A_66 = vector.broadcast %logistic3A_65 : f32 to vector<512x128xf32>
    %logistic3A_67 = arith.addf %logistic3A_66, %logistic3A_64 : vector<512x128xf32>
    %logistic3A_68 = arith.divf %logistic3A_66, %logistic3A_67 : vector<512x128xf32>
    %slice3A_69 = vector.extract_strided_slice %add3A_61 {offsets = [0, 128], sizes = [512, 128], strides = [1, 1]} : vector<512x512xf32> to vector<512x128xf32>
    %logistic3A_70 = arith.negf %slice3A_69 : vector<512x128xf32>
    %logistic3A_71 = math.exp %logistic3A_70 : vector<512x128xf32>
    %logistic3A_72 = arith.constant 1.000000e+00 : f32
    %logistic3A_73 = vector.broadcast %logistic3A_72 : f32 to vector<512x128xf32>
    %logistic3A_74 = arith.addf %logistic3A_73, %logistic3A_71 : vector<512x128xf32>
    %logistic3A_75 = arith.divf %logistic3A_73, %logistic3A_74 : vector<512x128xf32>
    %slice3A_76 = vector.extract_strided_slice %add3A_61 {offsets = [0, 256], sizes = [512, 128], strides = [1, 1]} : vector<512x512xf32> to vector<512x128xf32>
    %tanh3A_77 = math.tanh %slice3A_76 : vector<512x128xf32>
    %slice3A_78 = vector.extract_strided_slice %add3A_61 {offsets = [0, 384], sizes = [512, 128], strides = [1, 1]} : vector<512x512xf32> to vector<512x128xf32>
    %logistic3A_79 = arith.negf %slice3A_78 : vector<512x128xf32>
    %logistic3A_80 = math.exp %logistic3A_79 : vector<512x128xf32>
    %logistic3A_81 = arith.constant 1.000000e+00 : f32
    %logistic3A_82 = vector.broadcast %logistic3A_81 : f32 to vector<512x128xf32>
    %logistic3A_83 = arith.addf %logistic3A_82, %logistic3A_80 : vector<512x128xf32>
    %logistic3A_84 = arith.divf %logistic3A_82, %logistic3A_83 : vector<512x128xf32>
    %mul3A_85 = arith.mulf %logistic3A_75, %add3A_52 : vector<512x128xf32>
    %mul3A_86 = arith.mulf %logistic3A_68, %tanh3A_77 : vector<512x128xf32>
    %add3A_87 = arith.addf %mul3A_85, %mul3A_86 : vector<512x128xf32>
    %tanh3A_88 = math.tanh %add3A_87 : vector<512x128xf32>
    %mul3A_89 = arith.mulf %logistic3A_84, %tanh3A_88 : vector<512x128xf32>
    %dot_general3A_90 = arith.constant dense<0.000000e+00> : vector<512x512xf32>
    %dot_general3A_91 = tpu.matmul %get3A_13, %get3A_16, %dot_general3A_90 {dimension_numbers = #tpu.dot_dimension_numbers<[1], [0], [0], [1], [0, 0, 1, 1], [], []>, transpose_lhs_hint = false} : vector<512x300xf32>, vector<300x512xf32>, vector<512x512xf32> -> vector<512x512xf32>
    %dot_general3A_92 = arith.constant dense<0.000000e+00> : vector<512x512xf32>
    %dot_general3A_93 = tpu.matmul %mul3A_89, %get3A_19, %dot_general3A_92 {dimension_numbers = #tpu.dot_dimension_numbers<[1], [0], [0], [1], [0, 0, 1, 1], [], []>, transpose_lhs_hint = false} : vector<512x128xf32>, vector<128x512xf32>, vector<512x512xf32> -> vector<512x512xf32>
    %add3A_94 = arith.addf %dot_general3A_91, %dot_general3A_93 : vector<512x512xf32>
    %add3A_95 = vector.broadcast %get3A_22 : vector<1x512xf32> to vector<512x512xf32>
    %add3A_96 = arith.addf %add3A_94, %add3A_95 : vector<512x512xf32>
    %slice3A_97 = vector.extract_strided_slice %add3A_96 {offsets = [0, 0], sizes = [512, 128], strides = [1, 1]} : vector<512x512xf32> to vector<512x128xf32>
    %logistic3A_98 = arith.negf %slice3A_97 : vector<512x128xf32>
    %logistic3A_99 = math.exp %logistic3A_98 : vector<512x128xf32>
    %logistic3A_100 = arith.constant 1.000000e+00 : f32
    %logistic3A_101 = vector.broadcast %logistic3A_100 : f32 to vector<512x128xf32>
    %logistic3A_102 = arith.addf %logistic3A_101, %logistic3A_99 : vector<512x128xf32>
    %logistic3A_103 = arith.divf %logistic3A_101, %logistic3A_102 : vector<512x128xf32>
    %slice3A_104 = vector.extract_strided_slice %add3A_96 {offsets = [0, 128], sizes = [512, 128], strides = [1, 1]} : vector<512x512xf32> to vector<512x128xf32>
    %logistic3A_105 = arith.negf %slice3A_104 : vector<512x128xf32>
    %logistic3A_106 = math.exp %logistic3A_105 : vector<512x128xf32>
    %logistic3A_107 = arith.constant 1.000000e+00 : f32
    %logistic3A_108 = vector.broadcast %logistic3A_107 : f32 to vector<512x128xf32>
    %logistic3A_109 = arith.addf %logistic3A_108, %logistic3A_106 : vector<512x128xf32>
    %logistic3A_110 = arith.divf %logistic3A_108, %logistic3A_109 : vector<512x128xf32>
    %slice3A_111 = vector.extract_strided_slice %add3A_96 {offsets = [0, 256], sizes = [512, 128], strides = [1, 1]} : vector<512x512xf32> to vector<512x128xf32>
    %tanh3A_112 = math.tanh %slice3A_111 : vector<512x128xf32>
    %slice3A_113 = vector.extract_strided_slice %add3A_96 {offsets = [0, 384], sizes = [512, 128], strides = [1, 1]} : vector<512x512xf32> to vector<512x128xf32>
    %logistic3A_114 = arith.negf %slice3A_113 : vector<512x128xf32>
    %logistic3A_115 = math.exp %logistic3A_114 : vector<512x128xf32>
    %logistic3A_116 = arith.constant 1.000000e+00 : f32
    %logistic3A_117 = vector.broadcast %logistic3A_116 : f32 to vector<512x128xf32>
    %logistic3A_118 = arith.addf %logistic3A_117, %logistic3A_115 : vector<512x128xf32>
    %logistic3A_119 = arith.divf %logistic3A_117, %logistic3A_118 : vector<512x128xf32>
    %mul3A_120 = arith.mulf %logistic3A_110, %add3A_87 : vector<512x128xf32>
    %mul3A_121 = arith.mulf %logistic3A_103, %tanh3A_112 : vector<512x128xf32>
    %add3A_122 = arith.addf %mul3A_120, %mul3A_121 : vector<512x128xf32>
    %tanh3A_123 = math.tanh %add3A_122 : vector<512x128xf32>
    %mul3A_124 = arith.mulf %logistic3A_119, %tanh3A_123 : vector<512x128xf32>
    %get3A_125 = arith.constant 0 : index
    %get3A_126 = arith.constant 0 : index
    %get3A_127 = vector.load %arg4[%get3A_125, %get3A_126] : memref<300x512xf32, #tpu.memory_space<vmem>>, vector<300x512xf32>
    %get3A_128 = arith.constant 0 : index
    %get3A_129 = arith.constant 0 : index
    %get3A_130 = vector.load %arg5[%get3A_128, %get3A_129] : memref<128x512xf32, #tpu.memory_space<vmem>>, vector<128x512xf32>
    %get3A_131 = arith.constant 0 : index
    %get3A_132 = arith.constant 0 : index
    %get3A_133 = vector.load %arg6[%get3A_131, %get3A_132] : memref<1x512xf32, #tpu.memory_space<vmem>>, vector<1x512xf32>
    %broadcast_in_dim3A_134 = arith.constant 0.000000e+00 : f32
    %broadcast_in_dim3A_135 = vector.broadcast %broadcast_in_dim3A_134 : f32 to vector<512x128xf32>
    %broadcast_in_dim3A_136 = arith.constant 0.000000e+00 : f32
    %broadcast_in_dim3A_137 = vector.broadcast %broadcast_in_dim3A_136 : f32 to vector<512x128xf32>
    %dot_general3A_138 = arith.constant dense<0.000000e+00> : vector<512x512xf32>
    %dot_general3A_139 = tpu.matmul %get3A_13, %get3A_127, %dot_general3A_138 {dimension_numbers = #tpu.dot_dimension_numbers<[1], [0], [0], [1], [0, 0, 1, 1], [], []>, transpose_lhs_hint = false} : vector<512x300xf32>, vector<300x512xf32>, vector<512x512xf32> -> vector<512x512xf32>
    %dot_general3A_140 = arith.constant dense<0.000000e+00> : vector<512x512xf32>
    %dot_general3A_141 = tpu.matmul %broadcast_in_dim3A_135, %get3A_130, %dot_general3A_140 {dimension_numbers = #tpu.dot_dimension_numbers<[1], [0], [0], [1], [0, 0, 1, 1], [], []>, transpose_lhs_hint = false} : vector<512x128xf32>, vector<128x512xf32>, vector<512x512xf32> -> vector<512x512xf32>
    %add3A_142 = arith.addf %dot_general3A_139, %dot_general3A_141 : vector<512x512xf32>
    %add3A_143 = vector.broadcast %get3A_133 : vector<1x512xf32> to vector<512x512xf32>
    %add3A_144 = arith.addf %add3A_142, %add3A_143 : vector<512x512xf32>
    %slice3A_145 = vector.extract_strided_slice %add3A_144 {offsets = [0, 0], sizes = [512, 128], strides = [1, 1]} : vector<512x512xf32> to vector<512x128xf32>
    %logistic3A_146 = arith.negf %slice3A_145 : vector<512x128xf32>
    %logistic3A_147 = math.exp %logistic3A_146 : vector<512x128xf32>
    %logistic3A_148 = arith.constant 1.000000e+00 : f32
    %logistic3A_149 = vector.broadcast %logistic3A_148 : f32 to vector<512x128xf32>
    %logistic3A_150 = arith.addf %logistic3A_149, %logistic3A_147 : vector<512x128xf32>
    %logistic3A_151 = arith.divf %logistic3A_149, %logistic3A_150 : vector<512x128xf32>
    %slice3A_152 = vector.extract_strided_slice %add3A_144 {offsets = [0, 128], sizes = [512, 128], strides = [1, 1]} : vector<512x512xf32> to vector<512x128xf32>
    %logistic3A_153 = arith.negf %slice3A_152 : vector<512x128xf32>
    %logistic3A_154 = math.exp %logistic3A_153 : vector<512x128xf32>
    %logistic3A_155 = arith.constant 1.000000e+00 : f32
    %logistic3A_156 = vector.broadcast %logistic3A_155 : f32 to vector<512x128xf32>
    %logistic3A_157 = arith.addf %logistic3A_156, %logistic3A_154 : vector<512x128xf32>
    %logistic3A_158 = arith.divf %logistic3A_156, %logistic3A_157 : vector<512x128xf32>
    %slice3A_159 = vector.extract_strided_slice %add3A_144 {offsets = [0, 256], sizes = [512, 128], strides = [1, 1]} : vector<512x512xf32> to vector<512x128xf32>
    %tanh3A_160 = math.tanh %slice3A_159 : vector<512x128xf32>
    %slice3A_161 = vector.extract_strided_slice %add3A_144 {offsets = [0, 384], sizes = [512, 128], strides = [1, 1]} : vector<512x512xf32> to vector<512x128xf32>
    %logistic3A_162 = arith.negf %slice3A_161 : vector<512x128xf32>
    %logistic3A_163 = math.exp %logistic3A_162 : vector<512x128xf32>
    %logistic3A_164 = arith.constant 1.000000e+00 : f32
    %logistic3A_165 = vector.broadcast %logistic3A_164 : f32 to vector<512x128xf32>
    %logistic3A_166 = arith.addf %logistic3A_165, %logistic3A_163 : vector<512x128xf32>
    %logistic3A_167 = arith.divf %logistic3A_165, %logistic3A_166 : vector<512x128xf32>
    %mul3A_168 = arith.mulf %logistic3A_158, %broadcast_in_dim3A_137 : vector<512x128xf32>
    %mul3A_169 = arith.mulf %logistic3A_151, %tanh3A_160 : vector<512x128xf32>
    %add3A_170 = arith.addf %mul3A_168, %mul3A_169 : vector<512x128xf32>
    %tanh3A_171 = math.tanh %add3A_170 : vector<512x128xf32>
    %mul3A_172 = arith.mulf %logistic3A_167, %tanh3A_171 : vector<512x128xf32>
    %dot_general3A_173 = arith.constant dense<0.000000e+00> : vector<512x512xf32>
    %dot_general3A_174 = tpu.matmul %get3A_8, %get3A_127, %dot_general3A_173 {dimension_numbers = #tpu.dot_dimension_numbers<[1], [0], [0], [1], [0, 0, 1, 1], [], []>, transpose_lhs_hint = false} : vector<512x300xf32>, vector<300x512xf32>, vector<512x512xf32> -> vector<512x512xf32>
    %dot_general3A_175 = arith.constant dense<0.000000e+00> : vector<512x512xf32>
    %dot_general3A_176 = tpu.matmul %mul3A_172, %get3A_130, %dot_general3A_175 {dimension_numbers = #tpu.dot_dimension_numbers<[1], [0], [0], [1], [0, 0, 1, 1], [], []>, transpose_lhs_hint = false} : vector<512x128xf32>, vector<128x512xf32>, vector<512x512xf32> -> vector<512x512xf32>
    %add3A_177 = arith.addf %dot_general3A_174, %dot_general3A_176 : vector<512x512xf32>
    %add3A_178 = vector.broadcast %get3A_133 : vector<1x512xf32> to vector<512x512xf32>
    %add3A_179 = arith.addf %add3A_177, %add3A_178 : vector<512x512xf32>
    %slice3A_180 = vector.extract_strided_slice %add3A_179 {offsets = [0, 0], sizes = [512, 128], strides = [1, 1]} : vector<512x512xf32> to vector<512x128xf32>
    %logistic3A_181 = arith.negf %slice3A_180 : vector<512x128xf32>
    %logistic3A_182 = math.exp %logistic3A_181 : vector<512x128xf32>
    %logistic3A_183 = arith.constant 1.000000e+00 : f32
    %logistic3A_184 = vector.broadcast %logistic3A_183 : f32 to vector<512x128xf32>
    %logistic3A_185 = arith.addf %logistic3A_184, %logistic3A_182 : vector<512x128xf32>
    %logistic3A_186 = arith.divf %logistic3A_184, %logistic3A_185 : vector<512x128xf32>
    %slice3A_187 = vector.extract_strided_slice %add3A_179 {offsets = [0, 128], sizes = [512, 128], strides = [1, 1]} : vector<512x512xf32> to vector<512x128xf32>
    %logistic3A_188 = arith.negf %slice3A_187 : vector<512x128xf32>
    %logistic3A_189 = math.exp %logistic3A_188 : vector<512x128xf32>
    %logistic3A_190 = arith.constant 1.000000e+00 : f32
    %logistic3A_191 = vector.broadcast %logistic3A_190 : f32 to vector<512x128xf32>
    %logistic3A_192 = arith.addf %logistic3A_191, %logistic3A_189 : vector<512x128xf32>
    %logistic3A_193 = arith.divf %logistic3A_191, %logistic3A_192 : vector<512x128xf32>
    %slice3A_194 = vector.extract_strided_slice %add3A_179 {offsets = [0, 256], sizes = [512, 128], strides = [1, 1]} : vector<512x512xf32> to vector<512x128xf32>
    %tanh3A_195 = math.tanh %slice3A_194 : vector<512x128xf32>
    %slice3A_196 = vector.extract_strided_slice %add3A_179 {offsets = [0, 384], sizes = [512, 128], strides = [1, 1]} : vector<512x512xf32> to vector<512x128xf32>
    %logistic3A_197 = arith.negf %slice3A_196 : vector<512x128xf32>
    %logistic3A_198 = math.exp %logistic3A_197 : vector<512x128xf32>
    %logistic3A_199 = arith.constant 1.000000e+00 : f32
    %logistic3A_200 = vector.broadcast %logistic3A_199 : f32 to vector<512x128xf32>
    %logistic3A_201 = arith.addf %logistic3A_200, %logistic3A_198 : vector<512x128xf32>
    %logistic3A_202 = arith.divf %logistic3A_200, %logistic3A_201 : vector<512x128xf32>
    %mul3A_203 = arith.mulf %logistic3A_193, %add3A_170 : vector<512x128xf32>
    %mul3A_204 = arith.mulf %logistic3A_186, %tanh3A_195 : vector<512x128xf32>
    %add3A_205 = arith.addf %mul3A_203, %mul3A_204 : vector<512x128xf32>
    %tanh3A_206 = math.tanh %add3A_205 : vector<512x128xf32>
    %mul3A_207 = arith.mulf %logistic3A_202, %tanh3A_206 : vector<512x128xf32>
    %dot_general3A_208 = arith.constant dense<0.000000e+00> : vector<512x512xf32>
    %dot_general3A_209 = tpu.matmul %get3A_3, %get3A_127, %dot_general3A_208 {dimension_numbers = #tpu.dot_dimension_numbers<[1], [0], [0], [1], [0, 0, 1, 1], [], []>, transpose_lhs_hint = false} : vector<512x300xf32>, vector<300x512xf32>, vector<512x512xf32> -> vector<512x512xf32>
    %dot_general3A_210 = arith.constant dense<0.000000e+00> : vector<512x512xf32>
    %dot_general3A_211 = tpu.matmul %mul3A_207, %get3A_130, %dot_general3A_210 {dimension_numbers = #tpu.dot_dimension_numbers<[1], [0], [0], [1], [0, 0, 1, 1], [], []>, transpose_lhs_hint = false} : vector<512x128xf32>, vector<128x512xf32>, vector<512x512xf32> -> vector<512x512xf32>
    %add3A_212 = arith.addf %dot_general3A_209, %dot_general3A_211 : vector<512x512xf32>
    %add3A_213 = vector.broadcast %get3A_133 : vector<1x512xf32> to vector<512x512xf32>
    %add3A_214 = arith.addf %add3A_212, %add3A_213 : vector<512x512xf32>
    %slice3A_215 = vector.extract_strided_slice %add3A_214 {offsets = [0, 0], sizes = [512, 128], strides = [1, 1]} : vector<512x512xf32> to vector<512x128xf32>
    %logistic3A_216 = arith.negf %slice3A_215 : vector<512x128xf32>
    %logistic3A_217 = math.exp %logistic3A_216 : vector<512x128xf32>
    %logistic3A_218 = arith.constant 1.000000e+00 : f32
    %logistic3A_219 = vector.broadcast %logistic3A_218 : f32 to vector<512x128xf32>
    %logistic3A_220 = arith.addf %logistic3A_219, %logistic3A_217 : vector<512x128xf32>
    %logistic3A_221 = arith.divf %logistic3A_219, %logistic3A_220 : vector<512x128xf32>
    %slice3A_222 = vector.extract_strided_slice %add3A_214 {offsets = [0, 128], sizes = [512, 128], strides = [1, 1]} : vector<512x512xf32> to vector<512x128xf32>
    %logistic3A_223 = arith.negf %slice3A_222 : vector<512x128xf32>
    %logistic3A_224 = math.exp %logistic3A_223 : vector<512x128xf32>
    %logistic3A_225 = arith.constant 1.000000e+00 : f32
    %logistic3A_226 = vector.broadcast %logistic3A_225 : f32 to vector<512x128xf32>
    %logistic3A_227 = arith.addf %logistic3A_226, %logistic3A_224 : vector<512x128xf32>
    %logistic3A_228 = arith.divf %logistic3A_226, %logistic3A_227 : vector<512x128xf32>
    %slice3A_229 = vector.extract_strided_slice %add3A_214 {offsets = [0, 256], sizes = [512, 128], strides = [1, 1]} : vector<512x512xf32> to vector<512x128xf32>
    %tanh3A_230 = math.tanh %slice3A_229 : vector<512x128xf32>
    %slice3A_231 = vector.extract_strided_slice %add3A_214 {offsets = [0, 384], sizes = [512, 128], strides = [1, 1]} : vector<512x512xf32> to vector<512x128xf32>
    %logistic3A_232 = arith.negf %slice3A_231 : vector<512x128xf32>
    %logistic3A_233 = math.exp %logistic3A_232 : vector<512x128xf32>
    %logistic3A_234 = arith.constant 1.000000e+00 : f32
    %logistic3A_235 = vector.broadcast %logistic3A_234 : f32 to vector<512x128xf32>
    %logistic3A_236 = arith.addf %logistic3A_235, %logistic3A_233 : vector<512x128xf32>
    %logistic3A_237 = arith.divf %logistic3A_235, %logistic3A_236 : vector<512x128xf32>
    %mul3A_238 = arith.mulf %logistic3A_228, %add3A_205 : vector<512x128xf32>
    %mul3A_239 = arith.mulf %logistic3A_221, %tanh3A_230 : vector<512x128xf32>
    %add3A_240 = arith.addf %mul3A_238, %mul3A_239 : vector<512x128xf32>
    %tanh3A_241 = math.tanh %add3A_240 : vector<512x128xf32>
    %mul3A_242 = arith.mulf %logistic3A_237, %tanh3A_241 : vector<512x128xf32>
    %concatenate3A = tpu.concatenate %mul3A_54, %mul3A_242 in 1 : vector<512x128xf32>, vector<512x128xf32> -> vector<512x256xf32>
    %concatenate3A_243 = tpu.concatenate %mul3A_89, %mul3A_207 in 1 : vector<512x128xf32>, vector<512x128xf32> -> vector<512x256xf32>
    %concatenate3A_244 = tpu.concatenate %mul3A_124, %mul3A_172 in 1 : vector<512x128xf32>, vector<512x128xf32> -> vector<512x256xf32>
    %get3A_245 = arith.constant 0 : index
    %get3A_246 = arith.constant 0 : index
    %get3A_247 = vector.load %arg13[%get3A_245, %get3A_246] : memref<512x9xf32, #tpu.memory_space<vmem>>, vector<512x9xf32>
    %get3A_248 = arith.constant 0 : index
    %get3A_249 = arith.constant 0 : index
    %get3A_250 = vector.load %arg14[%get3A_248, %get3A_249] : memref<512x9xf32, #tpu.memory_space<vmem>>, vector<512x9xf32>
    %get3A_251 = arith.constant 0 : index
    %get3A_252 = arith.constant 0 : index
    %get3A_253 = vector.load %arg7[%get3A_251, %get3A_252] : memref<256x1024xf32, #tpu.memory_space<vmem>>, vector<256x1024xf32>
    %get3A_254 = arith.constant 0 : index
    %get3A_255 = arith.constant 0 : index
    %get3A_256 = vector.load %arg8[%get3A_254, %get3A_255] : memref<256x4xf32, #tpu.memory_space<vmem>>, vector<256x4xf32>
    %get3A_257 = arith.constant 0 : index
    %get3A_258 = arith.constant 0 : index
    %get3A_259 = vector.load %arg9[%get3A_257, %get3A_258] : memref<256x4xf32, #tpu.memory_space<vmem>>, vector<256x4xf32>
    %dot_general3A_260 = arith.constant dense<0.000000e+00> : vector<512x1024xf32>
    %dot_general3A_261 = tpu.matmul %concatenate3A, %get3A_253, %dot_general3A_260 {dimension_numbers = #tpu.dot_dimension_numbers<[1], [0], [0], [1], [0, 0, 1, 1], [], []>, transpose_lhs_hint = false} : vector<512x256xf32>, vector<256x1024xf32>, vector<512x1024xf32> -> vector<512x1024xf32>
    %dot_general3A_262 = arith.constant dense<0.000000e+00> : vector<512x1024xf32>
    %dot_general3A_263 = tpu.matmul %concatenate3A_243, %get3A_253, %dot_general3A_262 {dimension_numbers = #tpu.dot_dimension_numbers<[1], [0], [0], [1], [0, 0, 1, 1], [], []>, transpose_lhs_hint = false} : vector<512x256xf32>, vector<256x1024xf32>, vector<512x1024xf32> -> vector<512x1024xf32>
    %dot_general3A_264 = arith.constant dense<0.000000e+00> : vector<512x1024xf32>
    %dot_general3A_265 = tpu.matmul %concatenate3A_244, %get3A_253, %dot_general3A_264 {dimension_numbers = #tpu.dot_dimension_numbers<[1], [0], [0], [1], [0, 0, 1, 1], [], []>, transpose_lhs_hint = false} : vector<512x256xf32>, vector<256x1024xf32>, vector<512x1024xf32> -> vector<512x1024xf32>
    %slice3A_266 = vector.extract_strided_slice %dot_general3A_261 {offsets = [0, 0], sizes = [512, 256], strides = [1, 1]} : vector<512x1024xf32> to vector<512x256xf32>
    %slice3A_267 = vector.extract_strided_slice %dot_general3A_263 {offsets = [0, 0], sizes = [512, 256], strides = [1, 1]} : vector<512x1024xf32> to vector<512x256xf32>
    %slice3A_268 = vector.extract_strided_slice %dot_general3A_265 {offsets = [0, 0], sizes = [512, 256], strides = [1, 1]} : vector<512x1024xf32> to vector<512x256xf32>
    %slice3A_269 = vector.extract_strided_slice %get3A_256 {offsets = [0, 0], sizes = [256, 1], strides = [1, 1]} : vector<256x4xf32> to vector<256x1xf32>
    %dot_general3A_270 = arith.constant dense<0.000000e+00> : vector<512x1xf32>
    %dot_general3A_271 = tpu.matmul %slice3A_266, %slice3A_269, %dot_general3A_270 {dimension_numbers = #tpu.dot_dimension_numbers<[1], [0], [0], [1], [0, 0, 1, 1], [], []>, transpose_lhs_hint = false} : vector<512x256xf32>, vector<256x1xf32>, vector<512x1xf32> -> vector<512x1xf32>
    %slice3A_272 = vector.extract_strided_slice %get3A_256 {offsets = [0, 0], sizes = [256, 1], strides = [1, 1]} : vector<256x4xf32> to vector<256x1xf32>
    %dot_general3A_273 = arith.constant dense<0.000000e+00> : vector<512x1xf32>
    %dot_general3A_274 = tpu.matmul %slice3A_267, %slice3A_272, %dot_general3A_273 {dimension_numbers = #tpu.dot_dimension_numbers<[1], [0], [0], [1], [0, 0, 1, 1], [], []>, transpose_lhs_hint = false} : vector<512x256xf32>, vector<256x1xf32>, vector<512x1xf32> -> vector<512x1xf32>
    %slice3A_275 = vector.extract_strided_slice %get3A_256 {offsets = [0, 0], sizes = [256, 1], strides = [1, 1]} : vector<256x4xf32> to vector<256x1xf32>
    %dot_general3A_276 = arith.constant dense<0.000000e+00> : vector<512x1xf32>
    %dot_general3A_277 = tpu.matmul %slice3A_268, %slice3A_275, %dot_general3A_276 {dimension_numbers = #tpu.dot_dimension_numbers<[1], [0], [0], [1], [0, 0, 1, 1], [], []>, transpose_lhs_hint = false} : vector<512x256xf32>, vector<256x1xf32>, vector<512x1xf32> -> vector<512x1xf32>
    %slice3A_278 = vector.extract_strided_slice %get3A_259 {offsets = [0, 0], sizes = [256, 1], strides = [1, 1]} : vector<256x4xf32> to vector<256x1xf32>
    %dot_general3A_279 = arith.constant dense<0.000000e+00> : vector<512x1xf32>
    %dot_general3A_280 = tpu.matmul %slice3A_266, %slice3A_278, %dot_general3A_279 {dimension_numbers = #tpu.dot_dimension_numbers<[1], [0], [0], [1], [0, 0, 1, 1], [], []>, transpose_lhs_hint = false} : vector<512x256xf32>, vector<256x1xf32>, vector<512x1xf32> -> vector<512x1xf32>
    %slice3A_281 = vector.extract_strided_slice %get3A_259 {offsets = [0, 0], sizes = [256, 1], strides = [1, 1]} : vector<256x4xf32> to vector<256x1xf32>
    %dot_general3A_282 = arith.constant dense<0.000000e+00> : vector<512x1xf32>
    %dot_general3A_283 = tpu.matmul %slice3A_267, %slice3A_281, %dot_general3A_282 {dimension_numbers = #tpu.dot_dimension_numbers<[1], [0], [0], [1], [0, 0, 1, 1], [], []>, transpose_lhs_hint = false} : vector<512x256xf32>, vector<256x1xf32>, vector<512x1xf32> -> vector<512x1xf32>
    %slice3A_284 = vector.extract_strided_slice %get3A_259 {offsets = [0, 0], sizes = [256, 1], strides = [1, 1]} : vector<256x4xf32> to vector<256x1xf32>
    %dot_general3A_285 = arith.constant dense<0.000000e+00> : vector<512x1xf32>
    %dot_general3A_286 = tpu.matmul %slice3A_268, %slice3A_284, %dot_general3A_285 {dimension_numbers = #tpu.dot_dimension_numbers<[1], [0], [0], [1], [0, 0, 1, 1], [], []>, transpose_lhs_hint = false} : vector<512x256xf32>, vector<256x1xf32>, vector<512x1xf32> -> vector<512x1xf32>
    %add3A_287 = arith.addf %dot_general3A_271, %dot_general3A_280 : vector<512x1xf32>
    %gt3A = arith.constant 0.000000e+00 : f32
    %gt3A_288 = vector.broadcast %gt3A : f32 to vector<512x1xf32>
    %gt3A_289 = arith.cmpf ogt, %add3A_287, %gt3A_288 : vector<512x1xf32>
    %mul3A_290 = arith.constant 2.000000e-01 : f32
    %mul3A_291 = vector.broadcast %mul3A_290 : f32 to vector<512x1xf32>
    %mul3A_292 = arith.mulf %mul3A_291, %add3A_287 : vector<512x1xf32>
    %select_n3A = arith.select %gt3A_289, %add3A_287, %mul3A_292 : vector<512x1xi1>, vector<512x1xf32>
    %add3A_293 = arith.addf %dot_general3A_271, %dot_general3A_283 : vector<512x1xf32>
    %gt3A_294 = arith.constant 0.000000e+00 : f32
    %gt3A_295 = vector.broadcast %gt3A_294 : f32 to vector<512x1xf32>
    %gt3A_296 = arith.cmpf ogt, %add3A_293, %gt3A_295 : vector<512x1xf32>
    %mul3A_297 = arith.constant 2.000000e-01 : f32
    %mul3A_298 = vector.broadcast %mul3A_297 : f32 to vector<512x1xf32>
    %mul3A_299 = arith.mulf %mul3A_298, %add3A_293 : vector<512x1xf32>
    %select_n3A_300 = arith.select %gt3A_296, %add3A_293, %mul3A_299 : vector<512x1xi1>, vector<512x1xf32>
    %add3A_301 = arith.addf %dot_general3A_271, %dot_general3A_286 : vector<512x1xf32>
    %gt3A_302 = arith.constant 0.000000e+00 : f32
    %gt3A_303 = vector.broadcast %gt3A_302 : f32 to vector<512x1xf32>
    %gt3A_304 = arith.cmpf ogt, %add3A_301, %gt3A_303 : vector<512x1xf32>
    %mul3A_305 = arith.constant 2.000000e-01 : f32
    %mul3A_306 = vector.broadcast %mul3A_305 : f32 to vector<512x1xf32>
    %mul3A_307 = arith.mulf %mul3A_306, %add3A_301 : vector<512x1xf32>
    %select_n3A_308 = arith.select %gt3A_304, %add3A_301, %mul3A_307 : vector<512x1xi1>, vector<512x1xf32>
    %concatenate3A_309 = tpu.concatenate %select_n3A, %select_n3A_300, %select_n3A_308 in 1 : vector<512x1xf32>, vector<512x1xf32>, vector<512x1xf32> -> vector<512x3xf32>
    %slice3A_310 = vector.extract_strided_slice %get3A_247 {offsets = [0, 0], sizes = [512, 3], strides = [1, 1]} : vector<512x9xf32> to vector<512x3xf32>
    %add3A_311 = arith.addf %concatenate3A_309, %slice3A_310 : vector<512x3xf32>
    %slice3A_312 = vector.extract_strided_slice %get3A_250 {offsets = [0, 0], sizes = [512, 3], strides = [1, 1]} : vector<512x9xf32> to vector<512x3xf32>
    %gt3A_313 = arith.constant 0.000000e+00 : f32
    %gt3A_314 = vector.broadcast %gt3A_313 : f32 to vector<512x3xf32>
    %gt3A_315 = arith.cmpf ogt, %slice3A_312, %gt3A_314 : vector<512x3xf32>
    %jit3A = arith.constant -1.000000e+09 : f32
    %broadcast_in_dim3A_316 = vector.broadcast %jit3A : f32 to vector<512x3xf32>
    %select_n3A_317 = arith.select %gt3A_315, %add3A_311, %broadcast_in_dim3A_316 : vector<512x3xi1>, vector<512x3xf32>
    %reduce_max3A = arith.constant dense<0xFF800000> : vector<512xf32>
    %reduce_max3A_318 = vector.multi_reduction <maximumf>, %select_n3A_317, %reduce_max3A [1] : vector<512x3xf32> to vector<512xf32>
    %broadcast_in_dim3A_319 = vector.shape_cast %reduce_max3A_318 : vector<512xf32> to vector<512x1xf32>
    %sub3A = vector.broadcast %broadcast_in_dim3A_319 : vector<512x1xf32> to vector<512x3xf32>
    %sub3A_320 = arith.subf %select_n3A_317, %sub3A : vector<512x3xf32>
    %exp3A = math.exp %sub3A_320 : vector<512x3xf32>
    %reduce_sum3A = arith.constant dense<0.000000e+00> : vector<512xf32>
    %reduce_sum3A_321 = vector.multi_reduction <add>, %exp3A, %reduce_sum3A [1] : vector<512x3xf32> to vector<512xf32>
    %broadcast_in_dim3A_322 = vector.shape_cast %reduce_sum3A_321 : vector<512xf32> to vector<512x1xf32>
    %div3A = vector.broadcast %broadcast_in_dim3A_322 : vector<512x1xf32> to vector<512x3xf32>
    %div3A_323 = arith.divf %exp3A, %div3A : vector<512x3xf32>
    %slice3A_324 = vector.extract_strided_slice %div3A_323 {offsets = [0, 0], sizes = [512, 1], strides = [1, 1]} : vector<512x3xf32> to vector<512x1xf32>
    %mul3A_325 = vector.broadcast %slice3A_324 : vector<512x1xf32> to vector<512x256xf32>
    %mul3A_326 = arith.mulf %mul3A_325, %slice3A_266 : vector<512x256xf32>
    %slice3A_327 = vector.extract_strided_slice %div3A_323 {offsets = [0, 1], sizes = [512, 1], strides = [1, 1]} : vector<512x3xf32> to vector<512x1xf32>
    %mul3A_328 = vector.broadcast %slice3A_327 : vector<512x1xf32> to vector<512x256xf32>
    %mul3A_329 = arith.mulf %mul3A_328, %slice3A_267 : vector<512x256xf32>
    %add3A_330 = arith.addf %mul3A_326, %mul3A_329 : vector<512x256xf32>
    %slice3A_331 = vector.extract_strided_slice %div3A_323 {offsets = [0, 2], sizes = [512, 1], strides = [1, 1]} : vector<512x3xf32> to vector<512x1xf32>
    %mul3A_332 = vector.broadcast %slice3A_331 : vector<512x1xf32> to vector<512x256xf32>
    %mul3A_333 = arith.mulf %mul3A_332, %slice3A_268 : vector<512x256xf32>
    %add3A_334 = arith.addf %add3A_330, %mul3A_333 : vector<512x256xf32>
    %add3A_335 = arith.addf %dot_general3A_274, %dot_general3A_280 : vector<512x1xf32>
    %gt3A_336 = arith.constant 0.000000e+00 : f32
    %gt3A_337 = vector.broadcast %gt3A_336 : f32 to vector<512x1xf32>
    %gt3A_338 = arith.cmpf ogt, %add3A_335, %gt3A_337 : vector<512x1xf32>
    %mul3A_339 = arith.constant 2.000000e-01 : f32
    %mul3A_340 = vector.broadcast %mul3A_339 : f32 to vector<512x1xf32>
    %mul3A_341 = arith.mulf %mul3A_340, %add3A_335 : vector<512x1xf32>
    %select_n3A_342 = arith.select %gt3A_338, %add3A_335, %mul3A_341 : vector<512x1xi1>, vector<512x1xf32>
    %add3A_343 = arith.addf %dot_general3A_274, %dot_general3A_283 : vector<512x1xf32>
    %gt3A_344 = arith.constant 0.000000e+00 : f32
    %gt3A_345 = vector.broadcast %gt3A_344 : f32 to vector<512x1xf32>
    %gt3A_346 = arith.cmpf ogt, %add3A_343, %gt3A_345 : vector<512x1xf32>
    %mul3A_347 = arith.constant 2.000000e-01 : f32
    %mul3A_348 = vector.broadcast %mul3A_347 : f32 to vector<512x1xf32>
    %mul3A_349 = arith.mulf %mul3A_348, %add3A_343 : vector<512x1xf32>
    %select_n3A_350 = arith.select %gt3A_346, %add3A_343, %mul3A_349 : vector<512x1xi1>, vector<512x1xf32>
    %add3A_351 = arith.addf %dot_general3A_274, %dot_general3A_286 : vector<512x1xf32>
    %gt3A_352 = arith.constant 0.000000e+00 : f32
    %gt3A_353 = vector.broadcast %gt3A_352 : f32 to vector<512x1xf32>
    %gt3A_354 = arith.cmpf ogt, %add3A_351, %gt3A_353 : vector<512x1xf32>
    %mul3A_355 = arith.constant 2.000000e-01 : f32
    %mul3A_356 = vector.broadcast %mul3A_355 : f32 to vector<512x1xf32>
    %mul3A_357 = arith.mulf %mul3A_356, %add3A_351 : vector<512x1xf32>
    %select_n3A_358 = arith.select %gt3A_354, %add3A_351, %mul3A_357 : vector<512x1xi1>, vector<512x1xf32>
    %concatenate3A_359 = tpu.concatenate %select_n3A_342, %select_n3A_350, %select_n3A_358 in 1 : vector<512x1xf32>, vector<512x1xf32>, vector<512x1xf32> -> vector<512x3xf32>
    %slice3A_360 = vector.extract_strided_slice %get3A_247 {offsets = [0, 3], sizes = [512, 3], strides = [1, 1]} : vector<512x9xf32> to vector<512x3xf32>
    %add3A_361 = arith.addf %concatenate3A_359, %slice3A_360 : vector<512x3xf32>
    %slice3A_362 = vector.extract_strided_slice %get3A_250 {offsets = [0, 3], sizes = [512, 3], strides = [1, 1]} : vector<512x9xf32> to vector<512x3xf32>
    %gt3A_363 = arith.constant 0.000000e+00 : f32
    %gt3A_364 = vector.broadcast %gt3A_363 : f32 to vector<512x3xf32>
    %gt3A_365 = arith.cmpf ogt, %slice3A_362, %gt3A_364 : vector<512x3xf32>
    %jit3A_366 = arith.constant -1.000000e+09 : f32
    %broadcast_in_dim3A_367 = vector.broadcast %jit3A_366 : f32 to vector<512x3xf32>
    %select_n3A_368 = arith.select %gt3A_365, %add3A_361, %broadcast_in_dim3A_367 : vector<512x3xi1>, vector<512x3xf32>
    %reduce_max3A_369 = arith.constant dense<0xFF800000> : vector<512xf32>
    %reduce_max3A_370 = vector.multi_reduction <maximumf>, %select_n3A_368, %reduce_max3A_369 [1] : vector<512x3xf32> to vector<512xf32>
    %broadcast_in_dim3A_371 = vector.shape_cast %reduce_max3A_370 : vector<512xf32> to vector<512x1xf32>
    %sub3A_372 = vector.broadcast %broadcast_in_dim3A_371 : vector<512x1xf32> to vector<512x3xf32>
    %sub3A_373 = arith.subf %select_n3A_368, %sub3A_372 : vector<512x3xf32>
    %exp3A_374 = math.exp %sub3A_373 : vector<512x3xf32>
    %reduce_sum3A_375 = arith.constant dense<0.000000e+00> : vector<512xf32>
    %reduce_sum3A_376 = vector.multi_reduction <add>, %exp3A_374, %reduce_sum3A_375 [1] : vector<512x3xf32> to vector<512xf32>
    %broadcast_in_dim3A_377 = vector.shape_cast %reduce_sum3A_376 : vector<512xf32> to vector<512x1xf32>
    %div3A_378 = vector.broadcast %broadcast_in_dim3A_377 : vector<512x1xf32> to vector<512x3xf32>
    %div3A_379 = arith.divf %exp3A_374, %div3A_378 : vector<512x3xf32>
    %slice3A_380 = vector.extract_strided_slice %div3A_379 {offsets = [0, 0], sizes = [512, 1], strides = [1, 1]} : vector<512x3xf32> to vector<512x1xf32>
    %mul3A_381 = vector.broadcast %slice3A_380 : vector<512x1xf32> to vector<512x256xf32>
    %mul3A_382 = arith.mulf %mul3A_381, %slice3A_266 : vector<512x256xf32>
    %slice3A_383 = vector.extract_strided_slice %div3A_379 {offsets = [0, 1], sizes = [512, 1], strides = [1, 1]} : vector<512x3xf32> to vector<512x1xf32>
    %mul3A_384 = vector.broadcast %slice3A_383 : vector<512x1xf32> to vector<512x256xf32>
    %mul3A_385 = arith.mulf %mul3A_384, %slice3A_267 : vector<512x256xf32>
    %add3A_386 = arith.addf %mul3A_382, %mul3A_385 : vector<512x256xf32>
    %slice3A_387 = vector.extract_strided_slice %div3A_379 {offsets = [0, 2], sizes = [512, 1], strides = [1, 1]} : vector<512x3xf32> to vector<512x1xf32>
    %mul3A_388 = vector.broadcast %slice3A_387 : vector<512x1xf32> to vector<512x256xf32>
    %mul3A_389 = arith.mulf %mul3A_388, %slice3A_268 : vector<512x256xf32>
    %add3A_390 = arith.addf %add3A_386, %mul3A_389 : vector<512x256xf32>
    %add3A_391 = arith.addf %dot_general3A_277, %dot_general3A_280 : vector<512x1xf32>
    %gt3A_392 = arith.constant 0.000000e+00 : f32
    %gt3A_393 = vector.broadcast %gt3A_392 : f32 to vector<512x1xf32>
    %gt3A_394 = arith.cmpf ogt, %add3A_391, %gt3A_393 : vector<512x1xf32>
    %mul3A_395 = arith.constant 2.000000e-01 : f32
    %mul3A_396 = vector.broadcast %mul3A_395 : f32 to vector<512x1xf32>
    %mul3A_397 = arith.mulf %mul3A_396, %add3A_391 : vector<512x1xf32>
    %select_n3A_398 = arith.select %gt3A_394, %add3A_391, %mul3A_397 : vector<512x1xi1>, vector<512x1xf32>
    %add3A_399 = arith.addf %dot_general3A_277, %dot_general3A_283 : vector<512x1xf32>
    %gt3A_400 = arith.constant 0.000000e+00 : f32
    %gt3A_401 = vector.broadcast %gt3A_400 : f32 to vector<512x1xf32>
    %gt3A_402 = arith.cmpf ogt, %add3A_399, %gt3A_401 : vector<512x1xf32>
    %mul3A_403 = arith.constant 2.000000e-01 : f32
    %mul3A_404 = vector.broadcast %mul3A_403 : f32 to vector<512x1xf32>
    %mul3A_405 = arith.mulf %mul3A_404, %add3A_399 : vector<512x1xf32>
    %select_n3A_406 = arith.select %gt3A_402, %add3A_399, %mul3A_405 : vector<512x1xi1>, vector<512x1xf32>
    %add3A_407 = arith.addf %dot_general3A_277, %dot_general3A_286 : vector<512x1xf32>
    %gt3A_408 = arith.constant 0.000000e+00 : f32
    %gt3A_409 = vector.broadcast %gt3A_408 : f32 to vector<512x1xf32>
    %gt3A_410 = arith.cmpf ogt, %add3A_407, %gt3A_409 : vector<512x1xf32>
    %mul3A_411 = arith.constant 2.000000e-01 : f32
    %mul3A_412 = vector.broadcast %mul3A_411 : f32 to vector<512x1xf32>
    %mul3A_413 = arith.mulf %mul3A_412, %add3A_407 : vector<512x1xf32>
    %select_n3A_414 = arith.select %gt3A_410, %add3A_407, %mul3A_413 : vector<512x1xi1>, vector<512x1xf32>
    %concatenate3A_415 = tpu.concatenate %select_n3A_398, %select_n3A_406, %select_n3A_414 in 1 : vector<512x1xf32>, vector<512x1xf32>, vector<512x1xf32> -> vector<512x3xf32>
    %slice3A_416 = vector.extract_strided_slice %get3A_247 {offsets = [0, 6], sizes = [512, 3], strides = [1, 1]} : vector<512x9xf32> to vector<512x3xf32>
    %add3A_417 = arith.addf %concatenate3A_415, %slice3A_416 : vector<512x3xf32>
    %slice3A_418 = vector.extract_strided_slice %get3A_250 {offsets = [0, 6], sizes = [512, 3], strides = [1, 1]} : vector<512x9xf32> to vector<512x3xf32>
    %gt3A_419 = arith.constant 0.000000e+00 : f32
    %gt3A_420 = vector.broadcast %gt3A_419 : f32 to vector<512x3xf32>
    %gt3A_421 = arith.cmpf ogt, %slice3A_418, %gt3A_420 : vector<512x3xf32>
    %jit3A_422 = arith.constant -1.000000e+09 : f32
    %broadcast_in_dim3A_423 = vector.broadcast %jit3A_422 : f32 to vector<512x3xf32>
    %select_n3A_424 = arith.select %gt3A_421, %add3A_417, %broadcast_in_dim3A_423 : vector<512x3xi1>, vector<512x3xf32>
    %reduce_max3A_425 = arith.constant dense<0xFF800000> : vector<512xf32>
    %reduce_max3A_426 = vector.multi_reduction <maximumf>, %select_n3A_424, %reduce_max3A_425 [1] : vector<512x3xf32> to vector<512xf32>
    %broadcast_in_dim3A_427 = vector.shape_cast %reduce_max3A_426 : vector<512xf32> to vector<512x1xf32>
    %sub3A_428 = vector.broadcast %broadcast_in_dim3A_427 : vector<512x1xf32> to vector<512x3xf32>
    %sub3A_429 = arith.subf %select_n3A_424, %sub3A_428 : vector<512x3xf32>
    %exp3A_430 = math.exp %sub3A_429 : vector<512x3xf32>
    %reduce_sum3A_431 = arith.constant dense<0.000000e+00> : vector<512xf32>
    %reduce_sum3A_432 = vector.multi_reduction <add>, %exp3A_430, %reduce_sum3A_431 [1] : vector<512x3xf32> to vector<512xf32>
    %broadcast_in_dim3A_433 = vector.shape_cast %reduce_sum3A_432 : vector<512xf32> to vector<512x1xf32>
    %div3A_434 = vector.broadcast %broadcast_in_dim3A_433 : vector<512x1xf32> to vector<512x3xf32>
    %div3A_435 = arith.divf %exp3A_430, %div3A_434 : vector<512x3xf32>
    %slice3A_436 = vector.extract_strided_slice %div3A_435 {offsets = [0, 0], sizes = [512, 1], strides = [1, 1]} : vector<512x3xf32> to vector<512x1xf32>
    %mul3A_437 = vector.broadcast %slice3A_436 : vector<512x1xf32> to vector<512x256xf32>
    %mul3A_438 = arith.mulf %mul3A_437, %slice3A_266 : vector<512x256xf32>
    %slice3A_439 = vector.extract_strided_slice %div3A_435 {offsets = [0, 1], sizes = [512, 1], strides = [1, 1]} : vector<512x3xf32> to vector<512x1xf32>
    %mul3A_440 = vector.broadcast %slice3A_439 : vector<512x1xf32> to vector<512x256xf32>
    %mul3A_441 = arith.mulf %mul3A_440, %slice3A_267 : vector<512x256xf32>
    %add3A_442 = arith.addf %mul3A_438, %mul3A_441 : vector<512x256xf32>
    %slice3A_443 = vector.extract_strided_slice %div3A_435 {offsets = [0, 2], sizes = [512, 1], strides = [1, 1]} : vector<512x3xf32> to vector<512x1xf32>
    %mul3A_444 = vector.broadcast %slice3A_443 : vector<512x1xf32> to vector<512x256xf32>
    %mul3A_445 = arith.mulf %mul3A_444, %slice3A_268 : vector<512x256xf32>
    %add3A_446 = arith.addf %add3A_442, %mul3A_445 : vector<512x256xf32>
    %slice3A_447 = vector.extract_strided_slice %dot_general3A_261 {offsets = [0, 256], sizes = [512, 256], strides = [1, 1]} : vector<512x1024xf32> to vector<512x256xf32>
    %slice3A_448 = vector.extract_strided_slice %dot_general3A_263 {offsets = [0, 256], sizes = [512, 256], strides = [1, 1]} : vector<512x1024xf32> to vector<512x256xf32>
    %slice3A_449 = vector.extract_strided_slice %dot_general3A_265 {offsets = [0, 256], sizes = [512, 256], strides = [1, 1]} : vector<512x1024xf32> to vector<512x256xf32>
    %slice3A_450 = vector.extract_strided_slice %get3A_256 {offsets = [0, 1], sizes = [256, 1], strides = [1, 1]} : vector<256x4xf32> to vector<256x1xf32>
    %dot_general3A_451 = arith.constant dense<0.000000e+00> : vector<512x1xf32>
    %dot_general3A_452 = tpu.matmul %slice3A_447, %slice3A_450, %dot_general3A_451 {dimension_numbers = #tpu.dot_dimension_numbers<[1], [0], [0], [1], [0, 0, 1, 1], [], []>, transpose_lhs_hint = false} : vector<512x256xf32>, vector<256x1xf32>, vector<512x1xf32> -> vector<512x1xf32>
    %slice3A_453 = vector.extract_strided_slice %get3A_256 {offsets = [0, 1], sizes = [256, 1], strides = [1, 1]} : vector<256x4xf32> to vector<256x1xf32>
    %dot_general3A_454 = arith.constant dense<0.000000e+00> : vector<512x1xf32>
    %dot_general3A_455 = tpu.matmul %slice3A_448, %slice3A_453, %dot_general3A_454 {dimension_numbers = #tpu.dot_dimension_numbers<[1], [0], [0], [1], [0, 0, 1, 1], [], []>, transpose_lhs_hint = false} : vector<512x256xf32>, vector<256x1xf32>, vector<512x1xf32> -> vector<512x1xf32>
    %slice3A_456 = vector.extract_strided_slice %get3A_256 {offsets = [0, 1], sizes = [256, 1], strides = [1, 1]} : vector<256x4xf32> to vector<256x1xf32>
    %dot_general3A_457 = arith.constant dense<0.000000e+00> : vector<512x1xf32>
    %dot_general3A_458 = tpu.matmul %slice3A_449, %slice3A_456, %dot_general3A_457 {dimension_numbers = #tpu.dot_dimension_numbers<[1], [0], [0], [1], [0, 0, 1, 1], [], []>, transpose_lhs_hint = false} : vector<512x256xf32>, vector<256x1xf32>, vector<512x1xf32> -> vector<512x1xf32>
    %slice3A_459 = vector.extract_strided_slice %get3A_259 {offsets = [0, 1], sizes = [256, 1], strides = [1, 1]} : vector<256x4xf32> to vector<256x1xf32>
    %dot_general3A_460 = arith.constant dense<0.000000e+00> : vector<512x1xf32>
    %dot_general3A_461 = tpu.matmul %slice3A_447, %slice3A_459, %dot_general3A_460 {dimension_numbers = #tpu.dot_dimension_numbers<[1], [0], [0], [1], [0, 0, 1, 1], [], []>, transpose_lhs_hint = false} : vector<512x256xf32>, vector<256x1xf32>, vector<512x1xf32> -> vector<512x1xf32>
    %slice3A_462 = vector.extract_strided_slice %get3A_259 {offsets = [0, 1], sizes = [256, 1], strides = [1, 1]} : vector<256x4xf32> to vector<256x1xf32>
    %dot_general3A_463 = arith.constant dense<0.000000e+00> : vector<512x1xf32>
    %dot_general3A_464 = tpu.matmul %slice3A_448, %slice3A_462, %dot_general3A_463 {dimension_numbers = #tpu.dot_dimension_numbers<[1], [0], [0], [1], [0, 0, 1, 1], [], []>, transpose_lhs_hint = false} : vector<512x256xf32>, vector<256x1xf32>, vector<512x1xf32> -> vector<512x1xf32>
    %slice3A_465 = vector.extract_strided_slice %get3A_259 {offsets = [0, 1], sizes = [256, 1], strides = [1, 1]} : vector<256x4xf32> to vector<256x1xf32>
    %dot_general3A_466 = arith.constant dense<0.000000e+00> : vector<512x1xf32>
    %dot_general3A_467 = tpu.matmul %slice3A_449, %slice3A_465, %dot_general3A_466 {dimension_numbers = #tpu.dot_dimension_numbers<[1], [0], [0], [1], [0, 0, 1, 1], [], []>, transpose_lhs_hint = false} : vector<512x256xf32>, vector<256x1xf32>, vector<512x1xf32> -> vector<512x1xf32>
    %add3A_468 = arith.addf %dot_general3A_452, %dot_general3A_461 : vector<512x1xf32>
    %gt3A_469 = arith.constant 0.000000e+00 : f32
    %gt3A_470 = vector.broadcast %gt3A_469 : f32 to vector<512x1xf32>
    %gt3A_471 = arith.cmpf ogt, %add3A_468, %gt3A_470 : vector<512x1xf32>
    %mul3A_472 = arith.constant 2.000000e-01 : f32
    %mul3A_473 = vector.broadcast %mul3A_472 : f32 to vector<512x1xf32>
    %mul3A_474 = arith.mulf %mul3A_473, %add3A_468 : vector<512x1xf32>
    %select_n3A_475 = arith.select %gt3A_471, %add3A_468, %mul3A_474 : vector<512x1xi1>, vector<512x1xf32>
    %add3A_476 = arith.addf %dot_general3A_452, %dot_general3A_464 : vector<512x1xf32>
    %gt3A_477 = arith.constant 0.000000e+00 : f32
    %gt3A_478 = vector.broadcast %gt3A_477 : f32 to vector<512x1xf32>
    %gt3A_479 = arith.cmpf ogt, %add3A_476, %gt3A_478 : vector<512x1xf32>
    %mul3A_480 = arith.constant 2.000000e-01 : f32
    %mul3A_481 = vector.broadcast %mul3A_480 : f32 to vector<512x1xf32>
    %mul3A_482 = arith.mulf %mul3A_481, %add3A_476 : vector<512x1xf32>
    %select_n3A_483 = arith.select %gt3A_479, %add3A_476, %mul3A_482 : vector<512x1xi1>, vector<512x1xf32>
    %add3A_484 = arith.addf %dot_general3A_452, %dot_general3A_467 : vector<512x1xf32>
    %gt3A_485 = arith.constant 0.000000e+00 : f32
    %gt3A_486 = vector.broadcast %gt3A_485 : f32 to vector<512x1xf32>
    %gt3A_487 = arith.cmpf ogt, %add3A_484, %gt3A_486 : vector<512x1xf32>
    %mul3A_488 = arith.constant 2.000000e-01 : f32
    %mul3A_489 = vector.broadcast %mul3A_488 : f32 to vector<512x1xf32>
    %mul3A_490 = arith.mulf %mul3A_489, %add3A_484 : vector<512x1xf32>
    %select_n3A_491 = arith.select %gt3A_487, %add3A_484, %mul3A_490 : vector<512x1xi1>, vector<512x1xf32>
    %concatenate3A_492 = tpu.concatenate %select_n3A_475, %select_n3A_483, %select_n3A_491 in 1 : vector<512x1xf32>, vector<512x1xf32>, vector<512x1xf32> -> vector<512x3xf32>
    %slice3A_493 = vector.extract_strided_slice %get3A_247 {offsets = [0, 0], sizes = [512, 3], strides = [1, 1]} : vector<512x9xf32> to vector<512x3xf32>
    %add3A_494 = arith.addf %concatenate3A_492, %slice3A_493 : vector<512x3xf32>
    %slice3A_495 = vector.extract_strided_slice %get3A_250 {offsets = [0, 0], sizes = [512, 3], strides = [1, 1]} : vector<512x9xf32> to vector<512x3xf32>
    %gt3A_496 = arith.constant 0.000000e+00 : f32
    %gt3A_497 = vector.broadcast %gt3A_496 : f32 to vector<512x3xf32>
    %gt3A_498 = arith.cmpf ogt, %slice3A_495, %gt3A_497 : vector<512x3xf32>
    %jit3A_499 = arith.constant -1.000000e+09 : f32
    %broadcast_in_dim3A_500 = vector.broadcast %jit3A_499 : f32 to vector<512x3xf32>
    %select_n3A_501 = arith.select %gt3A_498, %add3A_494, %broadcast_in_dim3A_500 : vector<512x3xi1>, vector<512x3xf32>
    %reduce_max3A_502 = arith.constant dense<0xFF800000> : vector<512xf32>
    %reduce_max3A_503 = vector.multi_reduction <maximumf>, %select_n3A_501, %reduce_max3A_502 [1] : vector<512x3xf32> to vector<512xf32>
    %broadcast_in_dim3A_504 = vector.shape_cast %reduce_max3A_503 : vector<512xf32> to vector<512x1xf32>
    %sub3A_505 = vector.broadcast %broadcast_in_dim3A_504 : vector<512x1xf32> to vector<512x3xf32>
    %sub3A_506 = arith.subf %select_n3A_501, %sub3A_505 : vector<512x3xf32>
    %exp3A_507 = math.exp %sub3A_506 : vector<512x3xf32>
    %reduce_sum3A_508 = arith.constant dense<0.000000e+00> : vector<512xf32>
    %reduce_sum3A_509 = vector.multi_reduction <add>, %exp3A_507, %reduce_sum3A_508 [1] : vector<512x3xf32> to vector<512xf32>
    %broadcast_in_dim3A_510 = vector.shape_cast %reduce_sum3A_509 : vector<512xf32> to vector<512x1xf32>
    %div3A_511 = vector.broadcast %broadcast_in_dim3A_510 : vector<512x1xf32> to vector<512x3xf32>
    %div3A_512 = arith.divf %exp3A_507, %div3A_511 : vector<512x3xf32>
    %slice3A_513 = vector.extract_strided_slice %div3A_512 {offsets = [0, 0], sizes = [512, 1], strides = [1, 1]} : vector<512x3xf32> to vector<512x1xf32>
    %mul3A_514 = vector.broadcast %slice3A_513 : vector<512x1xf32> to vector<512x256xf32>
    %mul3A_515 = arith.mulf %mul3A_514, %slice3A_447 : vector<512x256xf32>
    %slice3A_516 = vector.extract_strided_slice %div3A_512 {offsets = [0, 1], sizes = [512, 1], strides = [1, 1]} : vector<512x3xf32> to vector<512x1xf32>
    %mul3A_517 = vector.broadcast %slice3A_516 : vector<512x1xf32> to vector<512x256xf32>
    %mul3A_518 = arith.mulf %mul3A_517, %slice3A_448 : vector<512x256xf32>
    %add3A_519 = arith.addf %mul3A_515, %mul3A_518 : vector<512x256xf32>
    %slice3A_520 = vector.extract_strided_slice %div3A_512 {offsets = [0, 2], sizes = [512, 1], strides = [1, 1]} : vector<512x3xf32> to vector<512x1xf32>
    %mul3A_521 = vector.broadcast %slice3A_520 : vector<512x1xf32> to vector<512x256xf32>
    %mul3A_522 = arith.mulf %mul3A_521, %slice3A_449 : vector<512x256xf32>
    %add3A_523 = arith.addf %add3A_519, %mul3A_522 : vector<512x256xf32>
    %add3A_524 = arith.addf %dot_general3A_455, %dot_general3A_461 : vector<512x1xf32>
    %gt3A_525 = arith.constant 0.000000e+00 : f32
    %gt3A_526 = vector.broadcast %gt3A_525 : f32 to vector<512x1xf32>
    %gt3A_527 = arith.cmpf ogt, %add3A_524, %gt3A_526 : vector<512x1xf32>
    %mul3A_528 = arith.constant 2.000000e-01 : f32
    %mul3A_529 = vector.broadcast %mul3A_528 : f32 to vector<512x1xf32>
    %mul3A_530 = arith.mulf %mul3A_529, %add3A_524 : vector<512x1xf32>
    %select_n3A_531 = arith.select %gt3A_527, %add3A_524, %mul3A_530 : vector<512x1xi1>, vector<512x1xf32>
    %add3A_532 = arith.addf %dot_general3A_455, %dot_general3A_464 : vector<512x1xf32>
    %gt3A_533 = arith.constant 0.000000e+00 : f32
    %gt3A_534 = vector.broadcast %gt3A_533 : f32 to vector<512x1xf32>
    %gt3A_535 = arith.cmpf ogt, %add3A_532, %gt3A_534 : vector<512x1xf32>
    %mul3A_536 = arith.constant 2.000000e-01 : f32
    %mul3A_537 = vector.broadcast %mul3A_536 : f32 to vector<512x1xf32>
    %mul3A_538 = arith.mulf %mul3A_537, %add3A_532 : vector<512x1xf32>
    %select_n3A_539 = arith.select %gt3A_535, %add3A_532, %mul3A_538 : vector<512x1xi1>, vector<512x1xf32>
    %add3A_540 = arith.addf %dot_general3A_455, %dot_general3A_467 : vector<512x1xf32>
    %gt3A_541 = arith.constant 0.000000e+00 : f32
    %gt3A_542 = vector.broadcast %gt3A_541 : f32 to vector<512x1xf32>
    %gt3A_543 = arith.cmpf ogt, %add3A_540, %gt3A_542 : vector<512x1xf32>
    %mul3A_544 = arith.constant 2.000000e-01 : f32
    %mul3A_545 = vector.broadcast %mul3A_544 : f32 to vector<512x1xf32>
    %mul3A_546 = arith.mulf %mul3A_545, %add3A_540 : vector<512x1xf32>
    %select_n3A_547 = arith.select %gt3A_543, %add3A_540, %mul3A_546 : vector<512x1xi1>, vector<512x1xf32>
    %concatenate3A_548 = tpu.concatenate %select_n3A_531, %select_n3A_539, %select_n3A_547 in 1 : vector<512x1xf32>, vector<512x1xf32>, vector<512x1xf32> -> vector<512x3xf32>
    %slice3A_549 = vector.extract_strided_slice %get3A_247 {offsets = [0, 3], sizes = [512, 3], strides = [1, 1]} : vector<512x9xf32> to vector<512x3xf32>
    %add3A_550 = arith.addf %concatenate3A_548, %slice3A_549 : vector<512x3xf32>
    %slice3A_551 = vector.extract_strided_slice %get3A_250 {offsets = [0, 3], sizes = [512, 3], strides = [1, 1]} : vector<512x9xf32> to vector<512x3xf32>
    %gt3A_552 = arith.constant 0.000000e+00 : f32
    %gt3A_553 = vector.broadcast %gt3A_552 : f32 to vector<512x3xf32>
    %gt3A_554 = arith.cmpf ogt, %slice3A_551, %gt3A_553 : vector<512x3xf32>
    %jit3A_555 = arith.constant -1.000000e+09 : f32
    %broadcast_in_dim3A_556 = vector.broadcast %jit3A_555 : f32 to vector<512x3xf32>
    %select_n3A_557 = arith.select %gt3A_554, %add3A_550, %broadcast_in_dim3A_556 : vector<512x3xi1>, vector<512x3xf32>
    %reduce_max3A_558 = arith.constant dense<0xFF800000> : vector<512xf32>
    %reduce_max3A_559 = vector.multi_reduction <maximumf>, %select_n3A_557, %reduce_max3A_558 [1] : vector<512x3xf32> to vector<512xf32>
    %broadcast_in_dim3A_560 = vector.shape_cast %reduce_max3A_559 : vector<512xf32> to vector<512x1xf32>
    %sub3A_561 = vector.broadcast %broadcast_in_dim3A_560 : vector<512x1xf32> to vector<512x3xf32>
    %sub3A_562 = arith.subf %select_n3A_557, %sub3A_561 : vector<512x3xf32>
    %exp3A_563 = math.exp %sub3A_562 : vector<512x3xf32>
    %reduce_sum3A_564 = arith.constant dense<0.000000e+00> : vector<512xf32>
    %reduce_sum3A_565 = vector.multi_reduction <add>, %exp3A_563, %reduce_sum3A_564 [1] : vector<512x3xf32> to vector<512xf32>
    %broadcast_in_dim3A_566 = vector.shape_cast %reduce_sum3A_565 : vector<512xf32> to vector<512x1xf32>
    %div3A_567 = vector.broadcast %broadcast_in_dim3A_566 : vector<512x1xf32> to vector<512x3xf32>
    %div3A_568 = arith.divf %exp3A_563, %div3A_567 : vector<512x3xf32>
    %slice3A_569 = vector.extract_strided_slice %div3A_568 {offsets = [0, 0], sizes = [512, 1], strides = [1, 1]} : vector<512x3xf32> to vector<512x1xf32>
    %mul3A_570 = vector.broadcast %slice3A_569 : vector<512x1xf32> to vector<512x256xf32>
    %mul3A_571 = arith.mulf %mul3A_570, %slice3A_447 : vector<512x256xf32>
    %slice3A_572 = vector.extract_strided_slice %div3A_568 {offsets = [0, 1], sizes = [512, 1], strides = [1, 1]} : vector<512x3xf32> to vector<512x1xf32>
    %mul3A_573 = vector.broadcast %slice3A_572 : vector<512x1xf32> to vector<512x256xf32>
    %mul3A_574 = arith.mulf %mul3A_573, %slice3A_448 : vector<512x256xf32>
    %add3A_575 = arith.addf %mul3A_571, %mul3A_574 : vector<512x256xf32>
    %slice3A_576 = vector.extract_strided_slice %div3A_568 {offsets = [0, 2], sizes = [512, 1], strides = [1, 1]} : vector<512x3xf32> to vector<512x1xf32>
    %mul3A_577 = vector.broadcast %slice3A_576 : vector<512x1xf32> to vector<512x256xf32>
    %mul3A_578 = arith.mulf %mul3A_577, %slice3A_449 : vector<512x256xf32>
    %add3A_579 = arith.addf %add3A_575, %mul3A_578 : vector<512x256xf32>
    %add3A_580 = arith.addf %dot_general3A_458, %dot_general3A_461 : vector<512x1xf32>
    %gt3A_581 = arith.constant 0.000000e+00 : f32
    %gt3A_582 = vector.broadcast %gt3A_581 : f32 to vector<512x1xf32>
    %gt3A_583 = arith.cmpf ogt, %add3A_580, %gt3A_582 : vector<512x1xf32>
    %mul3A_584 = arith.constant 2.000000e-01 : f32
    %mul3A_585 = vector.broadcast %mul3A_584 : f32 to vector<512x1xf32>
    %mul3A_586 = arith.mulf %mul3A_585, %add3A_580 : vector<512x1xf32>
    %select_n3A_587 = arith.select %gt3A_583, %add3A_580, %mul3A_586 : vector<512x1xi1>, vector<512x1xf32>
    %add3A_588 = arith.addf %dot_general3A_458, %dot_general3A_464 : vector<512x1xf32>
    %gt3A_589 = arith.constant 0.000000e+00 : f32
    %gt3A_590 = vector.broadcast %gt3A_589 : f32 to vector<512x1xf32>
    %gt3A_591 = arith.cmpf ogt, %add3A_588, %gt3A_590 : vector<512x1xf32>
    %mul3A_592 = arith.constant 2.000000e-01 : f32
    %mul3A_593 = vector.broadcast %mul3A_592 : f32 to vector<512x1xf32>
    %mul3A_594 = arith.mulf %mul3A_593, %add3A_588 : vector<512x1xf32>
    %select_n3A_595 = arith.select %gt3A_591, %add3A_588, %mul3A_594 : vector<512x1xi1>, vector<512x1xf32>
    %add3A_596 = arith.addf %dot_general3A_458, %dot_general3A_467 : vector<512x1xf32>
    %gt3A_597 = arith.constant 0.000000e+00 : f32
    %gt3A_598 = vector.broadcast %gt3A_597 : f32 to vector<512x1xf32>
    %gt3A_599 = arith.cmpf ogt, %add3A_596, %gt3A_598 : vector<512x1xf32>
    %mul3A_600 = arith.constant 2.000000e-01 : f32
    %mul3A_601 = vector.broadcast %mul3A_600 : f32 to vector<512x1xf32>
    %mul3A_602 = arith.mulf %mul3A_601, %add3A_596 : vector<512x1xf32>
    %select_n3A_603 = arith.select %gt3A_599, %add3A_596, %mul3A_602 : vector<512x1xi1>, vector<512x1xf32>
    %concatenate3A_604 = tpu.concatenate %select_n3A_587, %select_n3A_595, %select_n3A_603 in 1 : vector<512x1xf32>, vector<512x1xf32>, vector<512x1xf32> -> vector<512x3xf32>
    %slice3A_605 = vector.extract_strided_slice %get3A_247 {offsets = [0, 6], sizes = [512, 3], strides = [1, 1]} : vector<512x9xf32> to vector<512x3xf32>
    %add3A_606 = arith.addf %concatenate3A_604, %slice3A_605 : vector<512x3xf32>
    %slice3A_607 = vector.extract_strided_slice %get3A_250 {offsets = [0, 6], sizes = [512, 3], strides = [1, 1]} : vector<512x9xf32> to vector<512x3xf32>
    %gt3A_608 = arith.constant 0.000000e+00 : f32
    %gt3A_609 = vector.broadcast %gt3A_608 : f32 to vector<512x3xf32>
    %gt3A_610 = arith.cmpf ogt, %slice3A_607, %gt3A_609 : vector<512x3xf32>
    %jit3A_611 = arith.constant -1.000000e+09 : f32
    %broadcast_in_dim3A_612 = vector.broadcast %jit3A_611 : f32 to vector<512x3xf32>
    %select_n3A_613 = arith.select %gt3A_610, %add3A_606, %broadcast_in_dim3A_612 : vector<512x3xi1>, vector<512x3xf32>
    %reduce_max3A_614 = arith.constant dense<0xFF800000> : vector<512xf32>
    %reduce_max3A_615 = vector.multi_reduction <maximumf>, %select_n3A_613, %reduce_max3A_614 [1] : vector<512x3xf32> to vector<512xf32>
    %broadcast_in_dim3A_616 = vector.shape_cast %reduce_max3A_615 : vector<512xf32> to vector<512x1xf32>
    %sub3A_617 = vector.broadcast %broadcast_in_dim3A_616 : vector<512x1xf32> to vector<512x3xf32>
    %sub3A_618 = arith.subf %select_n3A_613, %sub3A_617 : vector<512x3xf32>
    %exp3A_619 = math.exp %sub3A_618 : vector<512x3xf32>
    %reduce_sum3A_620 = arith.constant dense<0.000000e+00> : vector<512xf32>
    %reduce_sum3A_621 = vector.multi_reduction <add>, %exp3A_619, %reduce_sum3A_620 [1] : vector<512x3xf32> to vector<512xf32>
    %broadcast_in_dim3A_622 = vector.shape_cast %reduce_sum3A_621 : vector<512xf32> to vector<512x1xf32>
    %div3A_623 = vector.broadcast %broadcast_in_dim3A_622 : vector<512x1xf32> to vector<512x3xf32>
    %div3A_624 = arith.divf %exp3A_619, %div3A_623 : vector<512x3xf32>
    %slice3A_625 = vector.extract_strided_slice %div3A_624 {offsets = [0, 0], sizes = [512, 1], strides = [1, 1]} : vector<512x3xf32> to vector<512x1xf32>
    %mul3A_626 = vector.broadcast %slice3A_625 : vector<512x1xf32> to vector<512x256xf32>
    %mul3A_627 = arith.mulf %mul3A_626, %slice3A_447 : vector<512x256xf32>
    %slice3A_628 = vector.extract_strided_slice %div3A_624 {offsets = [0, 1], sizes = [512, 1], strides = [1, 1]} : vector<512x3xf32> to vector<512x1xf32>
    %mul3A_629 = vector.broadcast %slice3A_628 : vector<512x1xf32> to vector<512x256xf32>
    %mul3A_630 = arith.mulf %mul3A_629, %slice3A_448 : vector<512x256xf32>
    %add3A_631 = arith.addf %mul3A_627, %mul3A_630 : vector<512x256xf32>
    %slice3A_632 = vector.extract_strided_slice %div3A_624 {offsets = [0, 2], sizes = [512, 1], strides = [1, 1]} : vector<512x3xf32> to vector<512x1xf32>
    %mul3A_633 = vector.broadcast %slice3A_632 : vector<512x1xf32> to vector<512x256xf32>
    %mul3A_634 = arith.mulf %mul3A_633, %slice3A_449 : vector<512x256xf32>
    %add3A_635 = arith.addf %add3A_631, %mul3A_634 : vector<512x256xf32>
    %slice3A_636 = vector.extract_strided_slice %dot_general3A_261 {offsets = [0, 512], sizes = [512, 256], strides = [1, 1]} : vector<512x1024xf32> to vector<512x256xf32>
    %slice3A_637 = vector.extract_strided_slice %dot_general3A_263 {offsets = [0, 512], sizes = [512, 256], strides = [1, 1]} : vector<512x1024xf32> to vector<512x256xf32>
    %slice3A_638 = vector.extract_strided_slice %dot_general3A_265 {offsets = [0, 512], sizes = [512, 256], strides = [1, 1]} : vector<512x1024xf32> to vector<512x256xf32>
    %slice3A_639 = vector.extract_strided_slice %get3A_256 {offsets = [0, 2], sizes = [256, 1], strides = [1, 1]} : vector<256x4xf32> to vector<256x1xf32>
    %dot_general3A_640 = arith.constant dense<0.000000e+00> : vector<512x1xf32>
    %dot_general3A_641 = tpu.matmul %slice3A_636, %slice3A_639, %dot_general3A_640 {dimension_numbers = #tpu.dot_dimension_numbers<[1], [0], [0], [1], [0, 0, 1, 1], [], []>, transpose_lhs_hint = false} : vector<512x256xf32>, vector<256x1xf32>, vector<512x1xf32> -> vector<512x1xf32>
    %slice3A_642 = vector.extract_strided_slice %get3A_256 {offsets = [0, 2], sizes = [256, 1], strides = [1, 1]} : vector<256x4xf32> to vector<256x1xf32>
    %dot_general3A_643 = arith.constant dense<0.000000e+00> : vector<512x1xf32>
    %dot_general3A_644 = tpu.matmul %slice3A_637, %slice3A_642, %dot_general3A_643 {dimension_numbers = #tpu.dot_dimension_numbers<[1], [0], [0], [1], [0, 0, 1, 1], [], []>, transpose_lhs_hint = false} : vector<512x256xf32>, vector<256x1xf32>, vector<512x1xf32> -> vector<512x1xf32>
    %slice3A_645 = vector.extract_strided_slice %get3A_256 {offsets = [0, 2], sizes = [256, 1], strides = [1, 1]} : vector<256x4xf32> to vector<256x1xf32>
    %dot_general3A_646 = arith.constant dense<0.000000e+00> : vector<512x1xf32>
    %dot_general3A_647 = tpu.matmul %slice3A_638, %slice3A_645, %dot_general3A_646 {dimension_numbers = #tpu.dot_dimension_numbers<[1], [0], [0], [1], [0, 0, 1, 1], [], []>, transpose_lhs_hint = false} : vector<512x256xf32>, vector<256x1xf32>, vector<512x1xf32> -> vector<512x1xf32>
    %slice3A_648 = vector.extract_strided_slice %get3A_259 {offsets = [0, 2], sizes = [256, 1], strides = [1, 1]} : vector<256x4xf32> to vector<256x1xf32>
    %dot_general3A_649 = arith.constant dense<0.000000e+00> : vector<512x1xf32>
    %dot_general3A_650 = tpu.matmul %slice3A_636, %slice3A_648, %dot_general3A_649 {dimension_numbers = #tpu.dot_dimension_numbers<[1], [0], [0], [1], [0, 0, 1, 1], [], []>, transpose_lhs_hint = false} : vector<512x256xf32>, vector<256x1xf32>, vector<512x1xf32> -> vector<512x1xf32>
    %slice3A_651 = vector.extract_strided_slice %get3A_259 {offsets = [0, 2], sizes = [256, 1], strides = [1, 1]} : vector<256x4xf32> to vector<256x1xf32>
    %dot_general3A_652 = arith.constant dense<0.000000e+00> : vector<512x1xf32>
    %dot_general3A_653 = tpu.matmul %slice3A_637, %slice3A_651, %dot_general3A_652 {dimension_numbers = #tpu.dot_dimension_numbers<[1], [0], [0], [1], [0, 0, 1, 1], [], []>, transpose_lhs_hint = false} : vector<512x256xf32>, vector<256x1xf32>, vector<512x1xf32> -> vector<512x1xf32>
    %slice3A_654 = vector.extract_strided_slice %get3A_259 {offsets = [0, 2], sizes = [256, 1], strides = [1, 1]} : vector<256x4xf32> to vector<256x1xf32>
    %dot_general3A_655 = arith.constant dense<0.000000e+00> : vector<512x1xf32>
    %dot_general3A_656 = tpu.matmul %slice3A_638, %slice3A_654, %dot_general3A_655 {dimension_numbers = #tpu.dot_dimension_numbers<[1], [0], [0], [1], [0, 0, 1, 1], [], []>, transpose_lhs_hint = false} : vector<512x256xf32>, vector<256x1xf32>, vector<512x1xf32> -> vector<512x1xf32>
    %add3A_657 = arith.addf %dot_general3A_641, %dot_general3A_650 : vector<512x1xf32>
    %gt3A_658 = arith.constant 0.000000e+00 : f32
    %gt3A_659 = vector.broadcast %gt3A_658 : f32 to vector<512x1xf32>
    %gt3A_660 = arith.cmpf ogt, %add3A_657, %gt3A_659 : vector<512x1xf32>
    %mul3A_661 = arith.constant 2.000000e-01 : f32
    %mul3A_662 = vector.broadcast %mul3A_661 : f32 to vector<512x1xf32>
    %mul3A_663 = arith.mulf %mul3A_662, %add3A_657 : vector<512x1xf32>
    %select_n3A_664 = arith.select %gt3A_660, %add3A_657, %mul3A_663 : vector<512x1xi1>, vector<512x1xf32>
    %add3A_665 = arith.addf %dot_general3A_641, %dot_general3A_653 : vector<512x1xf32>
    %gt3A_666 = arith.constant 0.000000e+00 : f32
    %gt3A_667 = vector.broadcast %gt3A_666 : f32 to vector<512x1xf32>
    %gt3A_668 = arith.cmpf ogt, %add3A_665, %gt3A_667 : vector<512x1xf32>
    %mul3A_669 = arith.constant 2.000000e-01 : f32
    %mul3A_670 = vector.broadcast %mul3A_669 : f32 to vector<512x1xf32>
    %mul3A_671 = arith.mulf %mul3A_670, %add3A_665 : vector<512x1xf32>
    %select_n3A_672 = arith.select %gt3A_668, %add3A_665, %mul3A_671 : vector<512x1xi1>, vector<512x1xf32>
    %add3A_673 = arith.addf %dot_general3A_641, %dot_general3A_656 : vector<512x1xf32>
    %gt3A_674 = arith.constant 0.000000e+00 : f32
    %gt3A_675 = vector.broadcast %gt3A_674 : f32 to vector<512x1xf32>
    %gt3A_676 = arith.cmpf ogt, %add3A_673, %gt3A_675 : vector<512x1xf32>
    %mul3A_677 = arith.constant 2.000000e-01 : f32
    %mul3A_678 = vector.broadcast %mul3A_677 : f32 to vector<512x1xf32>
    %mul3A_679 = arith.mulf %mul3A_678, %add3A_673 : vector<512x1xf32>
    %select_n3A_680 = arith.select %gt3A_676, %add3A_673, %mul3A_679 : vector<512x1xi1>, vector<512x1xf32>
    %concatenate3A_681 = tpu.concatenate %select_n3A_664, %select_n3A_672, %select_n3A_680 in 1 : vector<512x1xf32>, vector<512x1xf32>, vector<512x1xf32> -> vector<512x3xf32>
    %slice3A_682 = vector.extract_strided_slice %get3A_247 {offsets = [0, 0], sizes = [512, 3], strides = [1, 1]} : vector<512x9xf32> to vector<512x3xf32>
    %add3A_683 = arith.addf %concatenate3A_681, %slice3A_682 : vector<512x3xf32>
    %slice3A_684 = vector.extract_strided_slice %get3A_250 {offsets = [0, 0], sizes = [512, 3], strides = [1, 1]} : vector<512x9xf32> to vector<512x3xf32>
    %gt3A_685 = arith.constant 0.000000e+00 : f32
    %gt3A_686 = vector.broadcast %gt3A_685 : f32 to vector<512x3xf32>
    %gt3A_687 = arith.cmpf ogt, %slice3A_684, %gt3A_686 : vector<512x3xf32>
    %jit3A_688 = arith.constant -1.000000e+09 : f32
    %broadcast_in_dim3A_689 = vector.broadcast %jit3A_688 : f32 to vector<512x3xf32>
    %select_n3A_690 = arith.select %gt3A_687, %add3A_683, %broadcast_in_dim3A_689 : vector<512x3xi1>, vector<512x3xf32>
    %reduce_max3A_691 = arith.constant dense<0xFF800000> : vector<512xf32>
    %reduce_max3A_692 = vector.multi_reduction <maximumf>, %select_n3A_690, %reduce_max3A_691 [1] : vector<512x3xf32> to vector<512xf32>
    %broadcast_in_dim3A_693 = vector.shape_cast %reduce_max3A_692 : vector<512xf32> to vector<512x1xf32>
    %sub3A_694 = vector.broadcast %broadcast_in_dim3A_693 : vector<512x1xf32> to vector<512x3xf32>
    %sub3A_695 = arith.subf %select_n3A_690, %sub3A_694 : vector<512x3xf32>
    %exp3A_696 = math.exp %sub3A_695 : vector<512x3xf32>
    %reduce_sum3A_697 = arith.constant dense<0.000000e+00> : vector<512xf32>
    %reduce_sum3A_698 = vector.multi_reduction <add>, %exp3A_696, %reduce_sum3A_697 [1] : vector<512x3xf32> to vector<512xf32>
    %broadcast_in_dim3A_699 = vector.shape_cast %reduce_sum3A_698 : vector<512xf32> to vector<512x1xf32>
    %div3A_700 = vector.broadcast %broadcast_in_dim3A_699 : vector<512x1xf32> to vector<512x3xf32>
    %div3A_701 = arith.divf %exp3A_696, %div3A_700 : vector<512x3xf32>
    %slice3A_702 = vector.extract_strided_slice %div3A_701 {offsets = [0, 0], sizes = [512, 1], strides = [1, 1]} : vector<512x3xf32> to vector<512x1xf32>
    %mul3A_703 = vector.broadcast %slice3A_702 : vector<512x1xf32> to vector<512x256xf32>
    %mul3A_704 = arith.mulf %mul3A_703, %slice3A_636 : vector<512x256xf32>
    %slice3A_705 = vector.extract_strided_slice %div3A_701 {offsets = [0, 1], sizes = [512, 1], strides = [1, 1]} : vector<512x3xf32> to vector<512x1xf32>
    %mul3A_706 = vector.broadcast %slice3A_705 : vector<512x1xf32> to vector<512x256xf32>
    %mul3A_707 = arith.mulf %mul3A_706, %slice3A_637 : vector<512x256xf32>
    %add3A_708 = arith.addf %mul3A_704, %mul3A_707 : vector<512x256xf32>
    %slice3A_709 = vector.extract_strided_slice %div3A_701 {offsets = [0, 2], sizes = [512, 1], strides = [1, 1]} : vector<512x3xf32> to vector<512x1xf32>
    %mul3A_710 = vector.broadcast %slice3A_709 : vector<512x1xf32> to vector<512x256xf32>
    %mul3A_711 = arith.mulf %mul3A_710, %slice3A_638 : vector<512x256xf32>
    %add3A_712 = arith.addf %add3A_708, %mul3A_711 : vector<512x256xf32>
    %add3A_713 = arith.addf %dot_general3A_644, %dot_general3A_650 : vector<512x1xf32>
    %gt3A_714 = arith.constant 0.000000e+00 : f32
    %gt3A_715 = vector.broadcast %gt3A_714 : f32 to vector<512x1xf32>
    %gt3A_716 = arith.cmpf ogt, %add3A_713, %gt3A_715 : vector<512x1xf32>
    %mul3A_717 = arith.constant 2.000000e-01 : f32
    %mul3A_718 = vector.broadcast %mul3A_717 : f32 to vector<512x1xf32>
    %mul3A_719 = arith.mulf %mul3A_718, %add3A_713 : vector<512x1xf32>
    %select_n3A_720 = arith.select %gt3A_716, %add3A_713, %mul3A_719 : vector<512x1xi1>, vector<512x1xf32>
    %add3A_721 = arith.addf %dot_general3A_644, %dot_general3A_653 : vector<512x1xf32>
    %gt3A_722 = arith.constant 0.000000e+00 : f32
    %gt3A_723 = vector.broadcast %gt3A_722 : f32 to vector<512x1xf32>
    %gt3A_724 = arith.cmpf ogt, %add3A_721, %gt3A_723 : vector<512x1xf32>
    %mul3A_725 = arith.constant 2.000000e-01 : f32
    %mul3A_726 = vector.broadcast %mul3A_725 : f32 to vector<512x1xf32>
    %mul3A_727 = arith.mulf %mul3A_726, %add3A_721 : vector<512x1xf32>
    %select_n3A_728 = arith.select %gt3A_724, %add3A_721, %mul3A_727 : vector<512x1xi1>, vector<512x1xf32>
    %add3A_729 = arith.addf %dot_general3A_644, %dot_general3A_656 : vector<512x1xf32>
    %gt3A_730 = arith.constant 0.000000e+00 : f32
    %gt3A_731 = vector.broadcast %gt3A_730 : f32 to vector<512x1xf32>
    %gt3A_732 = arith.cmpf ogt, %add3A_729, %gt3A_731 : vector<512x1xf32>
    %mul3A_733 = arith.constant 2.000000e-01 : f32
    %mul3A_734 = vector.broadcast %mul3A_733 : f32 to vector<512x1xf32>
    %mul3A_735 = arith.mulf %mul3A_734, %add3A_729 : vector<512x1xf32>
    %select_n3A_736 = arith.select %gt3A_732, %add3A_729, %mul3A_735 : vector<512x1xi1>, vector<512x1xf32>
    %concatenate3A_737 = tpu.concatenate %select_n3A_720, %select_n3A_728, %select_n3A_736 in 1 : vector<512x1xf32>, vector<512x1xf32>, vector<512x1xf32> -> vector<512x3xf32>
    %slice3A_738 = vector.extract_strided_slice %get3A_247 {offsets = [0, 3], sizes = [512, 3], strides = [1, 1]} : vector<512x9xf32> to vector<512x3xf32>
    %add3A_739 = arith.addf %concatenate3A_737, %slice3A_738 : vector<512x3xf32>
    %slice3A_740 = vector.extract_strided_slice %get3A_250 {offsets = [0, 3], sizes = [512, 3], strides = [1, 1]} : vector<512x9xf32> to vector<512x3xf32>
    %gt3A_741 = arith.constant 0.000000e+00 : f32
    %gt3A_742 = vector.broadcast %gt3A_741 : f32 to vector<512x3xf32>
    %gt3A_743 = arith.cmpf ogt, %slice3A_740, %gt3A_742 : vector<512x3xf32>
    %jit3A_744 = arith.constant -1.000000e+09 : f32
    %broadcast_in_dim3A_745 = vector.broadcast %jit3A_744 : f32 to vector<512x3xf32>
    %select_n3A_746 = arith.select %gt3A_743, %add3A_739, %broadcast_in_dim3A_745 : vector<512x3xi1>, vector<512x3xf32>
    %reduce_max3A_747 = arith.constant dense<0xFF800000> : vector<512xf32>
    %reduce_max3A_748 = vector.multi_reduction <maximumf>, %select_n3A_746, %reduce_max3A_747 [1] : vector<512x3xf32> to vector<512xf32>
    %broadcast_in_dim3A_749 = vector.shape_cast %reduce_max3A_748 : vector<512xf32> to vector<512x1xf32>
    %sub3A_750 = vector.broadcast %broadcast_in_dim3A_749 : vector<512x1xf32> to vector<512x3xf32>
    %sub3A_751 = arith.subf %select_n3A_746, %sub3A_750 : vector<512x3xf32>
    %exp3A_752 = math.exp %sub3A_751 : vector<512x3xf32>
    %reduce_sum3A_753 = arith.constant dense<0.000000e+00> : vector<512xf32>
    %reduce_sum3A_754 = vector.multi_reduction <add>, %exp3A_752, %reduce_sum3A_753 [1] : vector<512x3xf32> to vector<512xf32>
    %broadcast_in_dim3A_755 = vector.shape_cast %reduce_sum3A_754 : vector<512xf32> to vector<512x1xf32>
    %div3A_756 = vector.broadcast %broadcast_in_dim3A_755 : vector<512x1xf32> to vector<512x3xf32>
    %div3A_757 = arith.divf %exp3A_752, %div3A_756 : vector<512x3xf32>
    %slice3A_758 = vector.extract_strided_slice %div3A_757 {offsets = [0, 0], sizes = [512, 1], strides = [1, 1]} : vector<512x3xf32> to vector<512x1xf32>
    %mul3A_759 = vector.broadcast %slice3A_758 : vector<512x1xf32> to vector<512x256xf32>
    %mul3A_760 = arith.mulf %mul3A_759, %slice3A_636 : vector<512x256xf32>
    %slice3A_761 = vector.extract_strided_slice %div3A_757 {offsets = [0, 1], sizes = [512, 1], strides = [1, 1]} : vector<512x3xf32> to vector<512x1xf32>
    %mul3A_762 = vector.broadcast %slice3A_761 : vector<512x1xf32> to vector<512x256xf32>
    %mul3A_763 = arith.mulf %mul3A_762, %slice3A_637 : vector<512x256xf32>
    %add3A_764 = arith.addf %mul3A_760, %mul3A_763 : vector<512x256xf32>
    %slice3A_765 = vector.extract_strided_slice %div3A_757 {offsets = [0, 2], sizes = [512, 1], strides = [1, 1]} : vector<512x3xf32> to vector<512x1xf32>
    %mul3A_766 = vector.broadcast %slice3A_765 : vector<512x1xf32> to vector<512x256xf32>
    %mul3A_767 = arith.mulf %mul3A_766, %slice3A_638 : vector<512x256xf32>
    %add3A_768 = arith.addf %add3A_764, %mul3A_767 : vector<512x256xf32>
    %add3A_769 = arith.addf %dot_general3A_647, %dot_general3A_650 : vector<512x1xf32>
    %gt3A_770 = arith.constant 0.000000e+00 : f32
    %gt3A_771 = vector.broadcast %gt3A_770 : f32 to vector<512x1xf32>
    %gt3A_772 = arith.cmpf ogt, %add3A_769, %gt3A_771 : vector<512x1xf32>
    %mul3A_773 = arith.constant 2.000000e-01 : f32
    %mul3A_774 = vector.broadcast %mul3A_773 : f32 to vector<512x1xf32>
    %mul3A_775 = arith.mulf %mul3A_774, %add3A_769 : vector<512x1xf32>
    %select_n3A_776 = arith.select %gt3A_772, %add3A_769, %mul3A_775 : vector<512x1xi1>, vector<512x1xf32>
    %add3A_777 = arith.addf %dot_general3A_647, %dot_general3A_653 : vector<512x1xf32>
    %gt3A_778 = arith.constant 0.000000e+00 : f32
    %gt3A_779 = vector.broadcast %gt3A_778 : f32 to vector<512x1xf32>
    %gt3A_780 = arith.cmpf ogt, %add3A_777, %gt3A_779 : vector<512x1xf32>
    %mul3A_781 = arith.constant 2.000000e-01 : f32
    %mul3A_782 = vector.broadcast %mul3A_781 : f32 to vector<512x1xf32>
    %mul3A_783 = arith.mulf %mul3A_782, %add3A_777 : vector<512x1xf32>
    %select_n3A_784 = arith.select %gt3A_780, %add3A_777, %mul3A_783 : vector<512x1xi1>, vector<512x1xf32>
    %add3A_785 = arith.addf %dot_general3A_647, %dot_general3A_656 : vector<512x1xf32>
    %gt3A_786 = arith.constant 0.000000e+00 : f32
    %gt3A_787 = vector.broadcast %gt3A_786 : f32 to vector<512x1xf32>
    %gt3A_788 = arith.cmpf ogt, %add3A_785, %gt3A_787 : vector<512x1xf32>
    %mul3A_789 = arith.constant 2.000000e-01 : f32
    %mul3A_790 = vector.broadcast %mul3A_789 : f32 to vector<512x1xf32>
    %mul3A_791 = arith.mulf %mul3A_790, %add3A_785 : vector<512x1xf32>
    %select_n3A_792 = arith.select %gt3A_788, %add3A_785, %mul3A_791 : vector<512x1xi1>, vector<512x1xf32>
    %concatenate3A_793 = tpu.concatenate %select_n3A_776, %select_n3A_784, %select_n3A_792 in 1 : vector<512x1xf32>, vector<512x1xf32>, vector<512x1xf32> -> vector<512x3xf32>
    %slice3A_794 = vector.extract_strided_slice %get3A_247 {offsets = [0, 6], sizes = [512, 3], strides = [1, 1]} : vector<512x9xf32> to vector<512x3xf32>
    %add3A_795 = arith.addf %concatenate3A_793, %slice3A_794 : vector<512x3xf32>
    %slice3A_796 = vector.extract_strided_slice %get3A_250 {offsets = [0, 6], sizes = [512, 3], strides = [1, 1]} : vector<512x9xf32> to vector<512x3xf32>
    %gt3A_797 = arith.constant 0.000000e+00 : f32
    %gt3A_798 = vector.broadcast %gt3A_797 : f32 to vector<512x3xf32>
    %gt3A_799 = arith.cmpf ogt, %slice3A_796, %gt3A_798 : vector<512x3xf32>
    %jit3A_800 = arith.constant -1.000000e+09 : f32
    %broadcast_in_dim3A_801 = vector.broadcast %jit3A_800 : f32 to vector<512x3xf32>
    %select_n3A_802 = arith.select %gt3A_799, %add3A_795, %broadcast_in_dim3A_801 : vector<512x3xi1>, vector<512x3xf32>
    %reduce_max3A_803 = arith.constant dense<0xFF800000> : vector<512xf32>
    %reduce_max3A_804 = vector.multi_reduction <maximumf>, %select_n3A_802, %reduce_max3A_803 [1] : vector<512x3xf32> to vector<512xf32>
    %broadcast_in_dim3A_805 = vector.shape_cast %reduce_max3A_804 : vector<512xf32> to vector<512x1xf32>
    %sub3A_806 = vector.broadcast %broadcast_in_dim3A_805 : vector<512x1xf32> to vector<512x3xf32>
    %sub3A_807 = arith.subf %select_n3A_802, %sub3A_806 : vector<512x3xf32>
    %exp3A_808 = math.exp %sub3A_807 : vector<512x3xf32>
    %reduce_sum3A_809 = arith.constant dense<0.000000e+00> : vector<512xf32>
    %reduce_sum3A_810 = vector.multi_reduction <add>, %exp3A_808, %reduce_sum3A_809 [1] : vector<512x3xf32> to vector<512xf32>
    %broadcast_in_dim3A_811 = vector.shape_cast %reduce_sum3A_810 : vector<512xf32> to vector<512x1xf32>
    %div3A_812 = vector.broadcast %broadcast_in_dim3A_811 : vector<512x1xf32> to vector<512x3xf32>
    %div3A_813 = arith.divf %exp3A_808, %div3A_812 : vector<512x3xf32>
    %slice3A_814 = vector.extract_strided_slice %div3A_813 {offsets = [0, 0], sizes = [512, 1], strides = [1, 1]} : vector<512x3xf32> to vector<512x1xf32>
    %mul3A_815 = vector.broadcast %slice3A_814 : vector<512x1xf32> to vector<512x256xf32>
    %mul3A_816 = arith.mulf %mul3A_815, %slice3A_636 : vector<512x256xf32>
    %slice3A_817 = vector.extract_strided_slice %div3A_813 {offsets = [0, 1], sizes = [512, 1], strides = [1, 1]} : vector<512x3xf32> to vector<512x1xf32>
    %mul3A_818 = vector.broadcast %slice3A_817 : vector<512x1xf32> to vector<512x256xf32>
    %mul3A_819 = arith.mulf %mul3A_818, %slice3A_637 : vector<512x256xf32>
    %add3A_820 = arith.addf %mul3A_816, %mul3A_819 : vector<512x256xf32>
    %slice3A_821 = vector.extract_strided_slice %div3A_813 {offsets = [0, 2], sizes = [512, 1], strides = [1, 1]} : vector<512x3xf32> to vector<512x1xf32>
    %mul3A_822 = vector.broadcast %slice3A_821 : vector<512x1xf32> to vector<512x256xf32>
    %mul3A_823 = arith.mulf %mul3A_822, %slice3A_638 : vector<512x256xf32>
    %add3A_824 = arith.addf %add3A_820, %mul3A_823 : vector<512x256xf32>
    %slice3A_825 = vector.extract_strided_slice %dot_general3A_261 {offsets = [0, 768], sizes = [512, 256], strides = [1, 1]} : vector<512x1024xf32> to vector<512x256xf32>
    %slice3A_826 = vector.extract_strided_slice %dot_general3A_263 {offsets = [0, 768], sizes = [512, 256], strides = [1, 1]} : vector<512x1024xf32> to vector<512x256xf32>
    %slice3A_827 = vector.extract_strided_slice %dot_general3A_265 {offsets = [0, 768], sizes = [512, 256], strides = [1, 1]} : vector<512x1024xf32> to vector<512x256xf32>
    %slice3A_828 = vector.extract_strided_slice %get3A_256 {offsets = [0, 3], sizes = [256, 1], strides = [1, 1]} : vector<256x4xf32> to vector<256x1xf32>
    %dot_general3A_829 = arith.constant dense<0.000000e+00> : vector<512x1xf32>
    %dot_general3A_830 = tpu.matmul %slice3A_825, %slice3A_828, %dot_general3A_829 {dimension_numbers = #tpu.dot_dimension_numbers<[1], [0], [0], [1], [0, 0, 1, 1], [], []>, transpose_lhs_hint = false} : vector<512x256xf32>, vector<256x1xf32>, vector<512x1xf32> -> vector<512x1xf32>
    %slice3A_831 = vector.extract_strided_slice %get3A_256 {offsets = [0, 3], sizes = [256, 1], strides = [1, 1]} : vector<256x4xf32> to vector<256x1xf32>
    %dot_general3A_832 = arith.constant dense<0.000000e+00> : vector<512x1xf32>
    %dot_general3A_833 = tpu.matmul %slice3A_826, %slice3A_831, %dot_general3A_832 {dimension_numbers = #tpu.dot_dimension_numbers<[1], [0], [0], [1], [0, 0, 1, 1], [], []>, transpose_lhs_hint = false} : vector<512x256xf32>, vector<256x1xf32>, vector<512x1xf32> -> vector<512x1xf32>
    %slice3A_834 = vector.extract_strided_slice %get3A_256 {offsets = [0, 3], sizes = [256, 1], strides = [1, 1]} : vector<256x4xf32> to vector<256x1xf32>
    %dot_general3A_835 = arith.constant dense<0.000000e+00> : vector<512x1xf32>
    %dot_general3A_836 = tpu.matmul %slice3A_827, %slice3A_834, %dot_general3A_835 {dimension_numbers = #tpu.dot_dimension_numbers<[1], [0], [0], [1], [0, 0, 1, 1], [], []>, transpose_lhs_hint = false} : vector<512x256xf32>, vector<256x1xf32>, vector<512x1xf32> -> vector<512x1xf32>
    %slice3A_837 = vector.extract_strided_slice %get3A_259 {offsets = [0, 3], sizes = [256, 1], strides = [1, 1]} : vector<256x4xf32> to vector<256x1xf32>
    %dot_general3A_838 = arith.constant dense<0.000000e+00> : vector<512x1xf32>
    %dot_general3A_839 = tpu.matmul %slice3A_825, %slice3A_837, %dot_general3A_838 {dimension_numbers = #tpu.dot_dimension_numbers<[1], [0], [0], [1], [0, 0, 1, 1], [], []>, transpose_lhs_hint = false} : vector<512x256xf32>, vector<256x1xf32>, vector<512x1xf32> -> vector<512x1xf32>
    %slice3A_840 = vector.extract_strided_slice %get3A_259 {offsets = [0, 3], sizes = [256, 1], strides = [1, 1]} : vector<256x4xf32> to vector<256x1xf32>
    %dot_general3A_841 = arith.constant dense<0.000000e+00> : vector<512x1xf32>
    %dot_general3A_842 = tpu.matmul %slice3A_826, %slice3A_840, %dot_general3A_841 {dimension_numbers = #tpu.dot_dimension_numbers<[1], [0], [0], [1], [0, 0, 1, 1], [], []>, transpose_lhs_hint = false} : vector<512x256xf32>, vector<256x1xf32>, vector<512x1xf32> -> vector<512x1xf32>
    %slice3A_843 = vector.extract_strided_slice %get3A_259 {offsets = [0, 3], sizes = [256, 1], strides = [1, 1]} : vector<256x4xf32> to vector<256x1xf32>
    %dot_general3A_844 = arith.constant dense<0.000000e+00> : vector<512x1xf32>
    %dot_general3A_845 = tpu.matmul %slice3A_827, %slice3A_843, %dot_general3A_844 {dimension_numbers = #tpu.dot_dimension_numbers<[1], [0], [0], [1], [0, 0, 1, 1], [], []>, transpose_lhs_hint = false} : vector<512x256xf32>, vector<256x1xf32>, vector<512x1xf32> -> vector<512x1xf32>
    %add3A_846 = arith.addf %dot_general3A_830, %dot_general3A_839 : vector<512x1xf32>
    %gt3A_847 = arith.constant 0.000000e+00 : f32
    %gt3A_848 = vector.broadcast %gt3A_847 : f32 to vector<512x1xf32>
    %gt3A_849 = arith.cmpf ogt, %add3A_846, %gt3A_848 : vector<512x1xf32>
    %mul3A_850 = arith.constant 2.000000e-01 : f32
    %mul3A_851 = vector.broadcast %mul3A_850 : f32 to vector<512x1xf32>
    %mul3A_852 = arith.mulf %mul3A_851, %add3A_846 : vector<512x1xf32>
    %select_n3A_853 = arith.select %gt3A_849, %add3A_846, %mul3A_852 : vector<512x1xi1>, vector<512x1xf32>
    %add3A_854 = arith.addf %dot_general3A_830, %dot_general3A_842 : vector<512x1xf32>
    %gt3A_855 = arith.constant 0.000000e+00 : f32
    %gt3A_856 = vector.broadcast %gt3A_855 : f32 to vector<512x1xf32>
    %gt3A_857 = arith.cmpf ogt, %add3A_854, %gt3A_856 : vector<512x1xf32>
    %mul3A_858 = arith.constant 2.000000e-01 : f32
    %mul3A_859 = vector.broadcast %mul3A_858 : f32 to vector<512x1xf32>
    %mul3A_860 = arith.mulf %mul3A_859, %add3A_854 : vector<512x1xf32>
    %select_n3A_861 = arith.select %gt3A_857, %add3A_854, %mul3A_860 : vector<512x1xi1>, vector<512x1xf32>
    %add3A_862 = arith.addf %dot_general3A_830, %dot_general3A_845 : vector<512x1xf32>
    %gt3A_863 = arith.constant 0.000000e+00 : f32
    %gt3A_864 = vector.broadcast %gt3A_863 : f32 to vector<512x1xf32>
    %gt3A_865 = arith.cmpf ogt, %add3A_862, %gt3A_864 : vector<512x1xf32>
    %mul3A_866 = arith.constant 2.000000e-01 : f32
    %mul3A_867 = vector.broadcast %mul3A_866 : f32 to vector<512x1xf32>
    %mul3A_868 = arith.mulf %mul3A_867, %add3A_862 : vector<512x1xf32>
    %select_n3A_869 = arith.select %gt3A_865, %add3A_862, %mul3A_868 : vector<512x1xi1>, vector<512x1xf32>
    %concatenate3A_870 = tpu.concatenate %select_n3A_853, %select_n3A_861, %select_n3A_869 in 1 : vector<512x1xf32>, vector<512x1xf32>, vector<512x1xf32> -> vector<512x3xf32>
    %slice3A_871 = vector.extract_strided_slice %get3A_247 {offsets = [0, 0], sizes = [512, 3], strides = [1, 1]} : vector<512x9xf32> to vector<512x3xf32>
    %add3A_872 = arith.addf %concatenate3A_870, %slice3A_871 : vector<512x3xf32>
    %slice3A_873 = vector.extract_strided_slice %get3A_250 {offsets = [0, 0], sizes = [512, 3], strides = [1, 1]} : vector<512x9xf32> to vector<512x3xf32>
    %gt3A_874 = arith.constant 0.000000e+00 : f32
    %gt3A_875 = vector.broadcast %gt3A_874 : f32 to vector<512x3xf32>
    %gt3A_876 = arith.cmpf ogt, %slice3A_873, %gt3A_875 : vector<512x3xf32>
    %jit3A_877 = arith.constant -1.000000e+09 : f32
    %broadcast_in_dim3A_878 = vector.broadcast %jit3A_877 : f32 to vector<512x3xf32>
    %select_n3A_879 = arith.select %gt3A_876, %add3A_872, %broadcast_in_dim3A_878 : vector<512x3xi1>, vector<512x3xf32>
    %reduce_max3A_880 = arith.constant dense<0xFF800000> : vector<512xf32>
    %reduce_max3A_881 = vector.multi_reduction <maximumf>, %select_n3A_879, %reduce_max3A_880 [1] : vector<512x3xf32> to vector<512xf32>
    %broadcast_in_dim3A_882 = vector.shape_cast %reduce_max3A_881 : vector<512xf32> to vector<512x1xf32>
    %sub3A_883 = vector.broadcast %broadcast_in_dim3A_882 : vector<512x1xf32> to vector<512x3xf32>
    %sub3A_884 = arith.subf %select_n3A_879, %sub3A_883 : vector<512x3xf32>
    %exp3A_885 = math.exp %sub3A_884 : vector<512x3xf32>
    %reduce_sum3A_886 = arith.constant dense<0.000000e+00> : vector<512xf32>
    %reduce_sum3A_887 = vector.multi_reduction <add>, %exp3A_885, %reduce_sum3A_886 [1] : vector<512x3xf32> to vector<512xf32>
    %broadcast_in_dim3A_888 = vector.shape_cast %reduce_sum3A_887 : vector<512xf32> to vector<512x1xf32>
    %div3A_889 = vector.broadcast %broadcast_in_dim3A_888 : vector<512x1xf32> to vector<512x3xf32>
    %div3A_890 = arith.divf %exp3A_885, %div3A_889 : vector<512x3xf32>
    %slice3A_891 = vector.extract_strided_slice %div3A_890 {offsets = [0, 0], sizes = [512, 1], strides = [1, 1]} : vector<512x3xf32> to vector<512x1xf32>
    %mul3A_892 = vector.broadcast %slice3A_891 : vector<512x1xf32> to vector<512x256xf32>
    %mul3A_893 = arith.mulf %mul3A_892, %slice3A_825 : vector<512x256xf32>
    %slice3A_894 = vector.extract_strided_slice %div3A_890 {offsets = [0, 1], sizes = [512, 1], strides = [1, 1]} : vector<512x3xf32> to vector<512x1xf32>
    %mul3A_895 = vector.broadcast %slice3A_894 : vector<512x1xf32> to vector<512x256xf32>
    %mul3A_896 = arith.mulf %mul3A_895, %slice3A_826 : vector<512x256xf32>
    %add3A_897 = arith.addf %mul3A_893, %mul3A_896 : vector<512x256xf32>
    %slice3A_898 = vector.extract_strided_slice %div3A_890 {offsets = [0, 2], sizes = [512, 1], strides = [1, 1]} : vector<512x3xf32> to vector<512x1xf32>
    %mul3A_899 = vector.broadcast %slice3A_898 : vector<512x1xf32> to vector<512x256xf32>
    %mul3A_900 = arith.mulf %mul3A_899, %slice3A_827 : vector<512x256xf32>
    %add3A_901 = arith.addf %add3A_897, %mul3A_900 : vector<512x256xf32>
    %add3A_902 = arith.addf %dot_general3A_833, %dot_general3A_839 : vector<512x1xf32>
    %gt3A_903 = arith.constant 0.000000e+00 : f32
    %gt3A_904 = vector.broadcast %gt3A_903 : f32 to vector<512x1xf32>
    %gt3A_905 = arith.cmpf ogt, %add3A_902, %gt3A_904 : vector<512x1xf32>
    %mul3A_906 = arith.constant 2.000000e-01 : f32
    %mul3A_907 = vector.broadcast %mul3A_906 : f32 to vector<512x1xf32>
    %mul3A_908 = arith.mulf %mul3A_907, %add3A_902 : vector<512x1xf32>
    %select_n3A_909 = arith.select %gt3A_905, %add3A_902, %mul3A_908 : vector<512x1xi1>, vector<512x1xf32>
    %add3A_910 = arith.addf %dot_general3A_833, %dot_general3A_842 : vector<512x1xf32>
    %gt3A_911 = arith.constant 0.000000e+00 : f32
    %gt3A_912 = vector.broadcast %gt3A_911 : f32 to vector<512x1xf32>
    %gt3A_913 = arith.cmpf ogt, %add3A_910, %gt3A_912 : vector<512x1xf32>
    %mul3A_914 = arith.constant 2.000000e-01 : f32
    %mul3A_915 = vector.broadcast %mul3A_914 : f32 to vector<512x1xf32>
    %mul3A_916 = arith.mulf %mul3A_915, %add3A_910 : vector<512x1xf32>
    %select_n3A_917 = arith.select %gt3A_913, %add3A_910, %mul3A_916 : vector<512x1xi1>, vector<512x1xf32>
    %add3A_918 = arith.addf %dot_general3A_833, %dot_general3A_845 : vector<512x1xf32>
    %gt3A_919 = arith.constant 0.000000e+00 : f32
    %gt3A_920 = vector.broadcast %gt3A_919 : f32 to vector<512x1xf32>
    %gt3A_921 = arith.cmpf ogt, %add3A_918, %gt3A_920 : vector<512x1xf32>
    %mul3A_922 = arith.constant 2.000000e-01 : f32
    %mul3A_923 = vector.broadcast %mul3A_922 : f32 to vector<512x1xf32>
    %mul3A_924 = arith.mulf %mul3A_923, %add3A_918 : vector<512x1xf32>
    %select_n3A_925 = arith.select %gt3A_921, %add3A_918, %mul3A_924 : vector<512x1xi1>, vector<512x1xf32>
    %concatenate3A_926 = tpu.concatenate %select_n3A_909, %select_n3A_917, %select_n3A_925 in 1 : vector<512x1xf32>, vector<512x1xf32>, vector<512x1xf32> -> vector<512x3xf32>
    %slice3A_927 = vector.extract_strided_slice %get3A_247 {offsets = [0, 3], sizes = [512, 3], strides = [1, 1]} : vector<512x9xf32> to vector<512x3xf32>
    %add3A_928 = arith.addf %concatenate3A_926, %slice3A_927 : vector<512x3xf32>
    %slice3A_929 = vector.extract_strided_slice %get3A_250 {offsets = [0, 3], sizes = [512, 3], strides = [1, 1]} : vector<512x9xf32> to vector<512x3xf32>
    %gt3A_930 = arith.constant 0.000000e+00 : f32
    %gt3A_931 = vector.broadcast %gt3A_930 : f32 to vector<512x3xf32>
    %gt3A_932 = arith.cmpf ogt, %slice3A_929, %gt3A_931 : vector<512x3xf32>
    %jit3A_933 = arith.constant -1.000000e+09 : f32
    %broadcast_in_dim3A_934 = vector.broadcast %jit3A_933 : f32 to vector<512x3xf32>
    %select_n3A_935 = arith.select %gt3A_932, %add3A_928, %broadcast_in_dim3A_934 : vector<512x3xi1>, vector<512x3xf32>
    %reduce_max3A_936 = arith.constant dense<0xFF800000> : vector<512xf32>
    %reduce_max3A_937 = vector.multi_reduction <maximumf>, %select_n3A_935, %reduce_max3A_936 [1] : vector<512x3xf32> to vector<512xf32>
    %broadcast_in_dim3A_938 = vector.shape_cast %reduce_max3A_937 : vector<512xf32> to vector<512x1xf32>
    %sub3A_939 = vector.broadcast %broadcast_in_dim3A_938 : vector<512x1xf32> to vector<512x3xf32>
    %sub3A_940 = arith.subf %select_n3A_935, %sub3A_939 : vector<512x3xf32>
    %exp3A_941 = math.exp %sub3A_940 : vector<512x3xf32>
    %reduce_sum3A_942 = arith.constant dense<0.000000e+00> : vector<512xf32>
    %reduce_sum3A_943 = vector.multi_reduction <add>, %exp3A_941, %reduce_sum3A_942 [1] : vector<512x3xf32> to vector<512xf32>
    %broadcast_in_dim3A_944 = vector.shape_cast %reduce_sum3A_943 : vector<512xf32> to vector<512x1xf32>
    %div3A_945 = vector.broadcast %broadcast_in_dim3A_944 : vector<512x1xf32> to vector<512x3xf32>
    %div3A_946 = arith.divf %exp3A_941, %div3A_945 : vector<512x3xf32>
    %slice3A_947 = vector.extract_strided_slice %div3A_946 {offsets = [0, 0], sizes = [512, 1], strides = [1, 1]} : vector<512x3xf32> to vector<512x1xf32>
    %mul3A_948 = vector.broadcast %slice3A_947 : vector<512x1xf32> to vector<512x256xf32>
    %mul3A_949 = arith.mulf %mul3A_948, %slice3A_825 : vector<512x256xf32>
    %slice3A_950 = vector.extract_strided_slice %div3A_946 {offsets = [0, 1], sizes = [512, 1], strides = [1, 1]} : vector<512x3xf32> to vector<512x1xf32>
    %mul3A_951 = vector.broadcast %slice3A_950 : vector<512x1xf32> to vector<512x256xf32>
    %mul3A_952 = arith.mulf %mul3A_951, %slice3A_826 : vector<512x256xf32>
    %add3A_953 = arith.addf %mul3A_949, %mul3A_952 : vector<512x256xf32>
    %slice3A_954 = vector.extract_strided_slice %div3A_946 {offsets = [0, 2], sizes = [512, 1], strides = [1, 1]} : vector<512x3xf32> to vector<512x1xf32>
    %mul3A_955 = vector.broadcast %slice3A_954 : vector<512x1xf32> to vector<512x256xf32>
    %mul3A_956 = arith.mulf %mul3A_955, %slice3A_827 : vector<512x256xf32>
    %add3A_957 = arith.addf %add3A_953, %mul3A_956 : vector<512x256xf32>
    %add3A_958 = arith.addf %dot_general3A_836, %dot_general3A_839 : vector<512x1xf32>
    %gt3A_959 = arith.constant 0.000000e+00 : f32
    %gt3A_960 = vector.broadcast %gt3A_959 : f32 to vector<512x1xf32>
    %gt3A_961 = arith.cmpf ogt, %add3A_958, %gt3A_960 : vector<512x1xf32>
    %mul3A_962 = arith.constant 2.000000e-01 : f32
    %mul3A_963 = vector.broadcast %mul3A_962 : f32 to vector<512x1xf32>
    %mul3A_964 = arith.mulf %mul3A_963, %add3A_958 : vector<512x1xf32>
    %select_n3A_965 = arith.select %gt3A_961, %add3A_958, %mul3A_964 : vector<512x1xi1>, vector<512x1xf32>
    %add3A_966 = arith.addf %dot_general3A_836, %dot_general3A_842 : vector<512x1xf32>
    %gt3A_967 = arith.constant 0.000000e+00 : f32
    %gt3A_968 = vector.broadcast %gt3A_967 : f32 to vector<512x1xf32>
    %gt3A_969 = arith.cmpf ogt, %add3A_966, %gt3A_968 : vector<512x1xf32>
    %mul3A_970 = arith.constant 2.000000e-01 : f32
    %mul3A_971 = vector.broadcast %mul3A_970 : f32 to vector<512x1xf32>
    %mul3A_972 = arith.mulf %mul3A_971, %add3A_966 : vector<512x1xf32>
    %select_n3A_973 = arith.select %gt3A_969, %add3A_966, %mul3A_972 : vector<512x1xi1>, vector<512x1xf32>
    %add3A_974 = arith.addf %dot_general3A_836, %dot_general3A_845 : vector<512x1xf32>
    %gt3A_975 = arith.constant 0.000000e+00 : f32
    %gt3A_976 = vector.broadcast %gt3A_975 : f32 to vector<512x1xf32>
    %gt3A_977 = arith.cmpf ogt, %add3A_974, %gt3A_976 : vector<512x1xf32>
    %mul3A_978 = arith.constant 2.000000e-01 : f32
    %mul3A_979 = vector.broadcast %mul3A_978 : f32 to vector<512x1xf32>
    %mul3A_980 = arith.mulf %mul3A_979, %add3A_974 : vector<512x1xf32>
    %select_n3A_981 = arith.select %gt3A_977, %add3A_974, %mul3A_980 : vector<512x1xi1>, vector<512x1xf32>
    %concatenate3A_982 = tpu.concatenate %select_n3A_965, %select_n3A_973, %select_n3A_981 in 1 : vector<512x1xf32>, vector<512x1xf32>, vector<512x1xf32> -> vector<512x3xf32>
    %slice3A_983 = vector.extract_strided_slice %get3A_247 {offsets = [0, 6], sizes = [512, 3], strides = [1, 1]} : vector<512x9xf32> to vector<512x3xf32>
    %add3A_984 = arith.addf %concatenate3A_982, %slice3A_983 : vector<512x3xf32>
    %slice3A_985 = vector.extract_strided_slice %get3A_250 {offsets = [0, 6], sizes = [512, 3], strides = [1, 1]} : vector<512x9xf32> to vector<512x3xf32>
    %gt3A_986 = arith.constant 0.000000e+00 : f32
    %gt3A_987 = vector.broadcast %gt3A_986 : f32 to vector<512x3xf32>
    %gt3A_988 = arith.cmpf ogt, %slice3A_985, %gt3A_987 : vector<512x3xf32>
    %jit3A_989 = arith.constant -1.000000e+09 : f32
    %broadcast_in_dim3A_990 = vector.broadcast %jit3A_989 : f32 to vector<512x3xf32>
    %select_n3A_991 = arith.select %gt3A_988, %add3A_984, %broadcast_in_dim3A_990 : vector<512x3xi1>, vector<512x3xf32>
    %reduce_max3A_992 = arith.constant dense<0xFF800000> : vector<512xf32>
    %reduce_max3A_993 = vector.multi_reduction <maximumf>, %select_n3A_991, %reduce_max3A_992 [1] : vector<512x3xf32> to vector<512xf32>
    %broadcast_in_dim3A_994 = vector.shape_cast %reduce_max3A_993 : vector<512xf32> to vector<512x1xf32>
    %sub3A_995 = vector.broadcast %broadcast_in_dim3A_994 : vector<512x1xf32> to vector<512x3xf32>
    %sub3A_996 = arith.subf %select_n3A_991, %sub3A_995 : vector<512x3xf32>
    %exp3A_997 = math.exp %sub3A_996 : vector<512x3xf32>
    %reduce_sum3A_998 = arith.constant dense<0.000000e+00> : vector<512xf32>
    %reduce_sum3A_999 = vector.multi_reduction <add>, %exp3A_997, %reduce_sum3A_998 [1] : vector<512x3xf32> to vector<512xf32>
    %broadcast_in_dim3A_1000 = vector.shape_cast %reduce_sum3A_999 : vector<512xf32> to vector<512x1xf32>
    %div3A_1001 = vector.broadcast %broadcast_in_dim3A_1000 : vector<512x1xf32> to vector<512x3xf32>
    %div3A_1002 = arith.divf %exp3A_997, %div3A_1001 : vector<512x3xf32>
    %slice3A_1003 = vector.extract_strided_slice %div3A_1002 {offsets = [0, 0], sizes = [512, 1], strides = [1, 1]} : vector<512x3xf32> to vector<512x1xf32>
    %mul3A_1004 = vector.broadcast %slice3A_1003 : vector<512x1xf32> to vector<512x256xf32>
    %mul3A_1005 = arith.mulf %mul3A_1004, %slice3A_825 : vector<512x256xf32>
    %slice3A_1006 = vector.extract_strided_slice %div3A_1002 {offsets = [0, 1], sizes = [512, 1], strides = [1, 1]} : vector<512x3xf32> to vector<512x1xf32>
    %mul3A_1007 = vector.broadcast %slice3A_1006 : vector<512x1xf32> to vector<512x256xf32>
    %mul3A_1008 = arith.mulf %mul3A_1007, %slice3A_826 : vector<512x256xf32>
    %add3A_1009 = arith.addf %mul3A_1005, %mul3A_1008 : vector<512x256xf32>
    %slice3A_1010 = vector.extract_strided_slice %div3A_1002 {offsets = [0, 2], sizes = [512, 1], strides = [1, 1]} : vector<512x3xf32> to vector<512x1xf32>
    %mul3A_1011 = vector.broadcast %slice3A_1010 : vector<512x1xf32> to vector<512x256xf32>
    %mul3A_1012 = arith.mulf %mul3A_1011, %slice3A_827 : vector<512x256xf32>
    %add3A_1013 = arith.addf %add3A_1009, %mul3A_1012 : vector<512x256xf32>
    %gt3A_1014 = arith.constant 0.000000e+00 : f32
    %gt3A_1015 = vector.broadcast %gt3A_1014 : f32 to vector<512x256xf32>
    %gt3A_1016 = arith.cmpf ogt, %add3A_334, %gt3A_1015 : vector<512x256xf32>
    %min3A = arith.constant 0.000000e+00 : f32
    %min3A_1017 = vector.broadcast %min3A : f32 to vector<512x256xf32>
    %min3A_1018 = arith.minimumf %add3A_334, %min3A_1017 : vector<512x256xf32>
    %exp3A_1019 = math.exp %min3A_1018 : vector<512x256xf32>
    %sub3A_1020 = arith.constant 1.000000e+00 : f32
    %sub3A_1021 = vector.broadcast %sub3A_1020 : f32 to vector<512x256xf32>
    %sub3A_1022 = arith.subf %exp3A_1019, %sub3A_1021 : vector<512x256xf32>
    %select_n3A_1023 = arith.select %gt3A_1016, %add3A_334, %sub3A_1022 : vector<512x256xi1>, vector<512x256xf32>
    %add3A_1024 = arith.constant 0.000000e+00 : f32
    %add3A_1025 = vector.broadcast %add3A_1024 : f32 to vector<512x256xf32>
    %add3A_1026 = arith.addf %add3A_1025, %select_n3A_1023 : vector<512x256xf32>
    %gt3A_1027 = arith.constant 0.000000e+00 : f32
    %gt3A_1028 = vector.broadcast %gt3A_1027 : f32 to vector<512x256xf32>
    %gt3A_1029 = arith.cmpf ogt, %add3A_523, %gt3A_1028 : vector<512x256xf32>
    %min3A_1030 = arith.constant 0.000000e+00 : f32
    %min3A_1031 = vector.broadcast %min3A_1030 : f32 to vector<512x256xf32>
    %min3A_1032 = arith.minimumf %add3A_523, %min3A_1031 : vector<512x256xf32>
    %exp3A_1033 = math.exp %min3A_1032 : vector<512x256xf32>
    %sub3A_1034 = arith.constant 1.000000e+00 : f32
    %sub3A_1035 = vector.broadcast %sub3A_1034 : f32 to vector<512x256xf32>
    %sub3A_1036 = arith.subf %exp3A_1033, %sub3A_1035 : vector<512x256xf32>
    %select_n3A_1037 = arith.select %gt3A_1029, %add3A_523, %sub3A_1036 : vector<512x256xi1>, vector<512x256xf32>
    %add3A_1038 = arith.addf %add3A_1026, %select_n3A_1037 : vector<512x256xf32>
    %gt3A_1039 = arith.constant 0.000000e+00 : f32
    %gt3A_1040 = vector.broadcast %gt3A_1039 : f32 to vector<512x256xf32>
    %gt3A_1041 = arith.cmpf ogt, %add3A_712, %gt3A_1040 : vector<512x256xf32>
    %min3A_1042 = arith.constant 0.000000e+00 : f32
    %min3A_1043 = vector.broadcast %min3A_1042 : f32 to vector<512x256xf32>
    %min3A_1044 = arith.minimumf %add3A_712, %min3A_1043 : vector<512x256xf32>
    %exp3A_1045 = math.exp %min3A_1044 : vector<512x256xf32>
    %sub3A_1046 = arith.constant 1.000000e+00 : f32
    %sub3A_1047 = vector.broadcast %sub3A_1046 : f32 to vector<512x256xf32>
    %sub3A_1048 = arith.subf %exp3A_1045, %sub3A_1047 : vector<512x256xf32>
    %select_n3A_1049 = arith.select %gt3A_1041, %add3A_712, %sub3A_1048 : vector<512x256xi1>, vector<512x256xf32>
    %add3A_1050 = arith.addf %add3A_1038, %select_n3A_1049 : vector<512x256xf32>
    %gt3A_1051 = arith.constant 0.000000e+00 : f32
    %gt3A_1052 = vector.broadcast %gt3A_1051 : f32 to vector<512x256xf32>
    %gt3A_1053 = arith.cmpf ogt, %add3A_901, %gt3A_1052 : vector<512x256xf32>
    %min3A_1054 = arith.constant 0.000000e+00 : f32
    %min3A_1055 = vector.broadcast %min3A_1054 : f32 to vector<512x256xf32>
    %min3A_1056 = arith.minimumf %add3A_901, %min3A_1055 : vector<512x256xf32>
    %exp3A_1057 = math.exp %min3A_1056 : vector<512x256xf32>
    %sub3A_1058 = arith.constant 1.000000e+00 : f32
    %sub3A_1059 = vector.broadcast %sub3A_1058 : f32 to vector<512x256xf32>
    %sub3A_1060 = arith.subf %exp3A_1057, %sub3A_1059 : vector<512x256xf32>
    %select_n3A_1061 = arith.select %gt3A_1053, %add3A_901, %sub3A_1060 : vector<512x256xi1>, vector<512x256xf32>
    %add3A_1062 = arith.addf %add3A_1050, %select_n3A_1061 : vector<512x256xf32>
    %mul3A_1063 = arith.constant 2.500000e-01 : f32
    %mul3A_1064 = vector.broadcast %mul3A_1063 : f32 to vector<512x256xf32>
    %mul3A_1065 = arith.mulf %add3A_1062, %mul3A_1064 : vector<512x256xf32>
    %gt3A_1066 = arith.constant 0.000000e+00 : f32
    %gt3A_1067 = vector.broadcast %gt3A_1066 : f32 to vector<512x256xf32>
    %gt3A_1068 = arith.cmpf ogt, %add3A_390, %gt3A_1067 : vector<512x256xf32>
    %min3A_1069 = arith.constant 0.000000e+00 : f32
    %min3A_1070 = vector.broadcast %min3A_1069 : f32 to vector<512x256xf32>
    %min3A_1071 = arith.minimumf %add3A_390, %min3A_1070 : vector<512x256xf32>
    %exp3A_1072 = math.exp %min3A_1071 : vector<512x256xf32>
    %sub3A_1073 = arith.constant 1.000000e+00 : f32
    %sub3A_1074 = vector.broadcast %sub3A_1073 : f32 to vector<512x256xf32>
    %sub3A_1075 = arith.subf %exp3A_1072, %sub3A_1074 : vector<512x256xf32>
    %select_n3A_1076 = arith.select %gt3A_1068, %add3A_390, %sub3A_1075 : vector<512x256xi1>, vector<512x256xf32>
    %add3A_1077 = arith.constant 0.000000e+00 : f32
    %add3A_1078 = vector.broadcast %add3A_1077 : f32 to vector<512x256xf32>
    %add3A_1079 = arith.addf %add3A_1078, %select_n3A_1076 : vector<512x256xf32>
    %gt3A_1080 = arith.constant 0.000000e+00 : f32
    %gt3A_1081 = vector.broadcast %gt3A_1080 : f32 to vector<512x256xf32>
    %gt3A_1082 = arith.cmpf ogt, %add3A_579, %gt3A_1081 : vector<512x256xf32>
    %min3A_1083 = arith.constant 0.000000e+00 : f32
    %min3A_1084 = vector.broadcast %min3A_1083 : f32 to vector<512x256xf32>
    %min3A_1085 = arith.minimumf %add3A_579, %min3A_1084 : vector<512x256xf32>
    %exp3A_1086 = math.exp %min3A_1085 : vector<512x256xf32>
    %sub3A_1087 = arith.constant 1.000000e+00 : f32
    %sub3A_1088 = vector.broadcast %sub3A_1087 : f32 to vector<512x256xf32>
    %sub3A_1089 = arith.subf %exp3A_1086, %sub3A_1088 : vector<512x256xf32>
    %select_n3A_1090 = arith.select %gt3A_1082, %add3A_579, %sub3A_1089 : vector<512x256xi1>, vector<512x256xf32>
    %add3A_1091 = arith.addf %add3A_1079, %select_n3A_1090 : vector<512x256xf32>
    %gt3A_1092 = arith.constant 0.000000e+00 : f32
    %gt3A_1093 = vector.broadcast %gt3A_1092 : f32 to vector<512x256xf32>
    %gt3A_1094 = arith.cmpf ogt, %add3A_768, %gt3A_1093 : vector<512x256xf32>
    %min3A_1095 = arith.constant 0.000000e+00 : f32
    %min3A_1096 = vector.broadcast %min3A_1095 : f32 to vector<512x256xf32>
    %min3A_1097 = arith.minimumf %add3A_768, %min3A_1096 : vector<512x256xf32>
    %exp3A_1098 = math.exp %min3A_1097 : vector<512x256xf32>
    %sub3A_1099 = arith.constant 1.000000e+00 : f32
    %sub3A_1100 = vector.broadcast %sub3A_1099 : f32 to vector<512x256xf32>
    %sub3A_1101 = arith.subf %exp3A_1098, %sub3A_1100 : vector<512x256xf32>
    %select_n3A_1102 = arith.select %gt3A_1094, %add3A_768, %sub3A_1101 : vector<512x256xi1>, vector<512x256xf32>
    %add3A_1103 = arith.addf %add3A_1091, %select_n3A_1102 : vector<512x256xf32>
    %gt3A_1104 = arith.constant 0.000000e+00 : f32
    %gt3A_1105 = vector.broadcast %gt3A_1104 : f32 to vector<512x256xf32>
    %gt3A_1106 = arith.cmpf ogt, %add3A_957, %gt3A_1105 : vector<512x256xf32>
    %min3A_1107 = arith.constant 0.000000e+00 : f32
    %min3A_1108 = vector.broadcast %min3A_1107 : f32 to vector<512x256xf32>
    %min3A_1109 = arith.minimumf %add3A_957, %min3A_1108 : vector<512x256xf32>
    %exp3A_1110 = math.exp %min3A_1109 : vector<512x256xf32>
    %sub3A_1111 = arith.constant 1.000000e+00 : f32
    %sub3A_1112 = vector.broadcast %sub3A_1111 : f32 to vector<512x256xf32>
    %sub3A_1113 = arith.subf %exp3A_1110, %sub3A_1112 : vector<512x256xf32>
    %select_n3A_1114 = arith.select %gt3A_1106, %add3A_957, %sub3A_1113 : vector<512x256xi1>, vector<512x256xf32>
    %add3A_1115 = arith.addf %add3A_1103, %select_n3A_1114 : vector<512x256xf32>
    %mul3A_1116 = arith.constant 2.500000e-01 : f32
    %mul3A_1117 = vector.broadcast %mul3A_1116 : f32 to vector<512x256xf32>
    %mul3A_1118 = arith.mulf %add3A_1115, %mul3A_1117 : vector<512x256xf32>
    %gt3A_1119 = arith.constant 0.000000e+00 : f32
    %gt3A_1120 = vector.broadcast %gt3A_1119 : f32 to vector<512x256xf32>
    %gt3A_1121 = arith.cmpf ogt, %add3A_446, %gt3A_1120 : vector<512x256xf32>
    %min3A_1122 = arith.constant 0.000000e+00 : f32
    %min3A_1123 = vector.broadcast %min3A_1122 : f32 to vector<512x256xf32>
    %min3A_1124 = arith.minimumf %add3A_446, %min3A_1123 : vector<512x256xf32>
    %exp3A_1125 = math.exp %min3A_1124 : vector<512x256xf32>
    %sub3A_1126 = arith.constant 1.000000e+00 : f32
    %sub3A_1127 = vector.broadcast %sub3A_1126 : f32 to vector<512x256xf32>
    %sub3A_1128 = arith.subf %exp3A_1125, %sub3A_1127 : vector<512x256xf32>
    %select_n3A_1129 = arith.select %gt3A_1121, %add3A_446, %sub3A_1128 : vector<512x256xi1>, vector<512x256xf32>
    %add3A_1130 = arith.constant 0.000000e+00 : f32
    %add3A_1131 = vector.broadcast %add3A_1130 : f32 to vector<512x256xf32>
    %add3A_1132 = arith.addf %add3A_1131, %select_n3A_1129 : vector<512x256xf32>
    %gt3A_1133 = arith.constant 0.000000e+00 : f32
    %gt3A_1134 = vector.broadcast %gt3A_1133 : f32 to vector<512x256xf32>
    %gt3A_1135 = arith.cmpf ogt, %add3A_635, %gt3A_1134 : vector<512x256xf32>
    %min3A_1136 = arith.constant 0.000000e+00 : f32
    %min3A_1137 = vector.broadcast %min3A_1136 : f32 to vector<512x256xf32>
    %min3A_1138 = arith.minimumf %add3A_635, %min3A_1137 : vector<512x256xf32>
    %exp3A_1139 = math.exp %min3A_1138 : vector<512x256xf32>
    %sub3A_1140 = arith.constant 1.000000e+00 : f32
    %sub3A_1141 = vector.broadcast %sub3A_1140 : f32 to vector<512x256xf32>
    %sub3A_1142 = arith.subf %exp3A_1139, %sub3A_1141 : vector<512x256xf32>
    %select_n3A_1143 = arith.select %gt3A_1135, %add3A_635, %sub3A_1142 : vector<512x256xi1>, vector<512x256xf32>
    %add3A_1144 = arith.addf %add3A_1132, %select_n3A_1143 : vector<512x256xf32>
    %gt3A_1145 = arith.constant 0.000000e+00 : f32
    %gt3A_1146 = vector.broadcast %gt3A_1145 : f32 to vector<512x256xf32>
    %gt3A_1147 = arith.cmpf ogt, %add3A_824, %gt3A_1146 : vector<512x256xf32>
    %min3A_1148 = arith.constant 0.000000e+00 : f32
    %min3A_1149 = vector.broadcast %min3A_1148 : f32 to vector<512x256xf32>
    %min3A_1150 = arith.minimumf %add3A_824, %min3A_1149 : vector<512x256xf32>
    %exp3A_1151 = math.exp %min3A_1150 : vector<512x256xf32>
    %sub3A_1152 = arith.constant 1.000000e+00 : f32
    %sub3A_1153 = vector.broadcast %sub3A_1152 : f32 to vector<512x256xf32>
    %sub3A_1154 = arith.subf %exp3A_1151, %sub3A_1153 : vector<512x256xf32>
    %select_n3A_1155 = arith.select %gt3A_1147, %add3A_824, %sub3A_1154 : vector<512x256xi1>, vector<512x256xf32>
    %add3A_1156 = arith.addf %add3A_1144, %select_n3A_1155 : vector<512x256xf32>
    %gt3A_1157 = arith.constant 0.000000e+00 : f32
    %gt3A_1158 = vector.broadcast %gt3A_1157 : f32 to vector<512x256xf32>
    %gt3A_1159 = arith.cmpf ogt, %add3A_1013, %gt3A_1158 : vector<512x256xf32>
    %min3A_1160 = arith.constant 0.000000e+00 : f32
    %min3A_1161 = vector.broadcast %min3A_1160 : f32 to vector<512x256xf32>
    %min3A_1162 = arith.minimumf %add3A_1013, %min3A_1161 : vector<512x256xf32>
    %exp3A_1163 = math.exp %min3A_1162 : vector<512x256xf32>
    %sub3A_1164 = arith.constant 1.000000e+00 : f32
    %sub3A_1165 = vector.broadcast %sub3A_1164 : f32 to vector<512x256xf32>
    %sub3A_1166 = arith.subf %exp3A_1163, %sub3A_1165 : vector<512x256xf32>
    %select_n3A_1167 = arith.select %gt3A_1159, %add3A_1013, %sub3A_1166 : vector<512x256xi1>, vector<512x256xf32>
    %add3A_1168 = arith.addf %add3A_1156, %select_n3A_1167 : vector<512x256xf32>
    %mul3A_1169 = arith.constant 2.500000e-01 : f32
    %mul3A_1170 = vector.broadcast %mul3A_1169 : f32 to vector<512x256xf32>
    %mul3A_1171 = arith.mulf %add3A_1168, %mul3A_1170 : vector<512x256xf32>
    %get3A_1172 = arith.constant 0 : index
    %get3A_1173 = arith.constant 0 : index
    %get3A_1174 = vector.load %arg10[%get3A_1172, %get3A_1173] : memref<256x256xf32, #tpu.memory_space<vmem>>, vector<256x256xf32>
    %get3A_1175 = arith.constant 0 : index
    %get3A_1176 = arith.constant 0 : index
    %get3A_1177 = vector.load %arg11[%get3A_1175, %get3A_1176] : memref<256x1xf32, #tpu.memory_space<vmem>>, vector<256x1xf32>
    %get3A_1178 = arith.constant 0 : index
    %get3A_1179 = arith.constant 0 : index
    %get3A_1180 = vector.load %arg12[%get3A_1178, %get3A_1179] : memref<256x1xf32, #tpu.memory_space<vmem>>, vector<256x1xf32>
    %dot_general3A_1181 = arith.constant dense<0.000000e+00> : vector<512x256xf32>
    %dot_general3A_1182 = tpu.matmul %mul3A_1065, %get3A_1174, %dot_general3A_1181 {dimension_numbers = #tpu.dot_dimension_numbers<[1], [0], [0], [1], [0, 0, 1, 1], [], []>, transpose_lhs_hint = false} : vector<512x256xf32>, vector<256x256xf32>, vector<512x256xf32> -> vector<512x256xf32>
    %dot_general3A_1183 = arith.constant dense<0.000000e+00> : vector<512x256xf32>
    %dot_general3A_1184 = tpu.matmul %mul3A_1118, %get3A_1174, %dot_general3A_1183 {dimension_numbers = #tpu.dot_dimension_numbers<[1], [0], [0], [1], [0, 0, 1, 1], [], []>, transpose_lhs_hint = false} : vector<512x256xf32>, vector<256x256xf32>, vector<512x256xf32> -> vector<512x256xf32>
    %dot_general3A_1185 = arith.constant dense<0.000000e+00> : vector<512x256xf32>
    %dot_general3A_1186 = tpu.matmul %mul3A_1171, %get3A_1174, %dot_general3A_1185 {dimension_numbers = #tpu.dot_dimension_numbers<[1], [0], [0], [1], [0, 0, 1, 1], [], []>, transpose_lhs_hint = false} : vector<512x256xf32>, vector<256x256xf32>, vector<512x256xf32> -> vector<512x256xf32>
    %dot_general3A_1187 = arith.constant dense<0.000000e+00> : vector<512x1xf32>
    %dot_general3A_1188 = tpu.matmul %dot_general3A_1182, %get3A_1177, %dot_general3A_1187 {dimension_numbers = #tpu.dot_dimension_numbers<[1], [0], [0], [1], [0, 0, 1, 1], [], []>, transpose_lhs_hint = false} : vector<512x256xf32>, vector<256x1xf32>, vector<512x1xf32> -> vector<512x1xf32>
    %dot_general3A_1189 = arith.constant dense<0.000000e+00> : vector<512x1xf32>
    %dot_general3A_1190 = tpu.matmul %dot_general3A_1184, %get3A_1177, %dot_general3A_1189 {dimension_numbers = #tpu.dot_dimension_numbers<[1], [0], [0], [1], [0, 0, 1, 1], [], []>, transpose_lhs_hint = false} : vector<512x256xf32>, vector<256x1xf32>, vector<512x1xf32> -> vector<512x1xf32>
    %dot_general3A_1191 = arith.constant dense<0.000000e+00> : vector<512x1xf32>
    %dot_general3A_1192 = tpu.matmul %dot_general3A_1186, %get3A_1177, %dot_general3A_1191 {dimension_numbers = #tpu.dot_dimension_numbers<[1], [0], [0], [1], [0, 0, 1, 1], [], []>, transpose_lhs_hint = false} : vector<512x256xf32>, vector<256x1xf32>, vector<512x1xf32> -> vector<512x1xf32>
    %dot_general3A_1193 = arith.constant dense<0.000000e+00> : vector<512x1xf32>
    %dot_general3A_1194 = tpu.matmul %dot_general3A_1182, %get3A_1180, %dot_general3A_1193 {dimension_numbers = #tpu.dot_dimension_numbers<[1], [0], [0], [1], [0, 0, 1, 1], [], []>, transpose_lhs_hint = false} : vector<512x256xf32>, vector<256x1xf32>, vector<512x1xf32> -> vector<512x1xf32>
    %dot_general3A_1195 = arith.constant dense<0.000000e+00> : vector<512x1xf32>
    %dot_general3A_1196 = tpu.matmul %dot_general3A_1184, %get3A_1180, %dot_general3A_1195 {dimension_numbers = #tpu.dot_dimension_numbers<[1], [0], [0], [1], [0, 0, 1, 1], [], []>, transpose_lhs_hint = false} : vector<512x256xf32>, vector<256x1xf32>, vector<512x1xf32> -> vector<512x1xf32>
    %dot_general3A_1197 = arith.constant dense<0.000000e+00> : vector<512x1xf32>
    %dot_general3A_1198 = tpu.matmul %dot_general3A_1186, %get3A_1180, %dot_general3A_1197 {dimension_numbers = #tpu.dot_dimension_numbers<[1], [0], [0], [1], [0, 0, 1, 1], [], []>, transpose_lhs_hint = false} : vector<512x256xf32>, vector<256x1xf32>, vector<512x1xf32> -> vector<512x1xf32>
    %add3A_1199 = arith.addf %dot_general3A_1188, %dot_general3A_1194 : vector<512x1xf32>
    %gt3A_1200 = arith.constant 0.000000e+00 : f32
    %gt3A_1201 = vector.broadcast %gt3A_1200 : f32 to vector<512x1xf32>
    %gt3A_1202 = arith.cmpf ogt, %add3A_1199, %gt3A_1201 : vector<512x1xf32>
    %mul3A_1203 = arith.constant 2.000000e-01 : f32
    %mul3A_1204 = vector.broadcast %mul3A_1203 : f32 to vector<512x1xf32>
    %mul3A_1205 = arith.mulf %mul3A_1204, %add3A_1199 : vector<512x1xf32>
    %select_n3A_1206 = arith.select %gt3A_1202, %add3A_1199, %mul3A_1205 : vector<512x1xi1>, vector<512x1xf32>
    %add3A_1207 = arith.addf %dot_general3A_1188, %dot_general3A_1196 : vector<512x1xf32>
    %gt3A_1208 = arith.constant 0.000000e+00 : f32
    %gt3A_1209 = vector.broadcast %gt3A_1208 : f32 to vector<512x1xf32>
    %gt3A_1210 = arith.cmpf ogt, %add3A_1207, %gt3A_1209 : vector<512x1xf32>
    %mul3A_1211 = arith.constant 2.000000e-01 : f32
    %mul3A_1212 = vector.broadcast %mul3A_1211 : f32 to vector<512x1xf32>
    %mul3A_1213 = arith.mulf %mul3A_1212, %add3A_1207 : vector<512x1xf32>
    %select_n3A_1214 = arith.select %gt3A_1210, %add3A_1207, %mul3A_1213 : vector<512x1xi1>, vector<512x1xf32>
    %add3A_1215 = arith.addf %dot_general3A_1188, %dot_general3A_1198 : vector<512x1xf32>
    %gt3A_1216 = arith.constant 0.000000e+00 : f32
    %gt3A_1217 = vector.broadcast %gt3A_1216 : f32 to vector<512x1xf32>
    %gt3A_1218 = arith.cmpf ogt, %add3A_1215, %gt3A_1217 : vector<512x1xf32>
    %mul3A_1219 = arith.constant 2.000000e-01 : f32
    %mul3A_1220 = vector.broadcast %mul3A_1219 : f32 to vector<512x1xf32>
    %mul3A_1221 = arith.mulf %mul3A_1220, %add3A_1215 : vector<512x1xf32>
    %select_n3A_1222 = arith.select %gt3A_1218, %add3A_1215, %mul3A_1221 : vector<512x1xi1>, vector<512x1xf32>
    %concatenate3A_1223 = tpu.concatenate %select_n3A_1206, %select_n3A_1214, %select_n3A_1222 in 1 : vector<512x1xf32>, vector<512x1xf32>, vector<512x1xf32> -> vector<512x3xf32>
    %slice3A_1224 = vector.extract_strided_slice %get3A_247 {offsets = [0, 0], sizes = [512, 3], strides = [1, 1]} : vector<512x9xf32> to vector<512x3xf32>
    %add3A_1225 = arith.addf %concatenate3A_1223, %slice3A_1224 : vector<512x3xf32>
    %slice3A_1226 = vector.extract_strided_slice %get3A_250 {offsets = [0, 0], sizes = [512, 3], strides = [1, 1]} : vector<512x9xf32> to vector<512x3xf32>
    %gt3A_1227 = arith.constant 0.000000e+00 : f32
    %gt3A_1228 = vector.broadcast %gt3A_1227 : f32 to vector<512x3xf32>
    %gt3A_1229 = arith.cmpf ogt, %slice3A_1226, %gt3A_1228 : vector<512x3xf32>
    %jit3A_1230 = arith.constant -1.000000e+09 : f32
    %broadcast_in_dim3A_1231 = vector.broadcast %jit3A_1230 : f32 to vector<512x3xf32>
    %select_n3A_1232 = arith.select %gt3A_1229, %add3A_1225, %broadcast_in_dim3A_1231 : vector<512x3xi1>, vector<512x3xf32>
    %reduce_max3A_1233 = arith.constant dense<0xFF800000> : vector<512xf32>
    %reduce_max3A_1234 = vector.multi_reduction <maximumf>, %select_n3A_1232, %reduce_max3A_1233 [1] : vector<512x3xf32> to vector<512xf32>
    %broadcast_in_dim3A_1235 = vector.shape_cast %reduce_max3A_1234 : vector<512xf32> to vector<512x1xf32>
    %sub3A_1236 = vector.broadcast %broadcast_in_dim3A_1235 : vector<512x1xf32> to vector<512x3xf32>
    %sub3A_1237 = arith.subf %select_n3A_1232, %sub3A_1236 : vector<512x3xf32>
    %exp3A_1238 = math.exp %sub3A_1237 : vector<512x3xf32>
    %reduce_sum3A_1239 = arith.constant dense<0.000000e+00> : vector<512xf32>
    %reduce_sum3A_1240 = vector.multi_reduction <add>, %exp3A_1238, %reduce_sum3A_1239 [1] : vector<512x3xf32> to vector<512xf32>
    %broadcast_in_dim3A_1241 = vector.shape_cast %reduce_sum3A_1240 : vector<512xf32> to vector<512x1xf32>
    %div3A_1242 = vector.broadcast %broadcast_in_dim3A_1241 : vector<512x1xf32> to vector<512x3xf32>
    %div3A_1243 = arith.divf %exp3A_1238, %div3A_1242 : vector<512x3xf32>
    %slice3A_1244 = vector.extract_strided_slice %div3A_1243 {offsets = [0, 0], sizes = [512, 1], strides = [1, 1]} : vector<512x3xf32> to vector<512x1xf32>
    %mul3A_1245 = vector.broadcast %slice3A_1244 : vector<512x1xf32> to vector<512x256xf32>
    %mul3A_1246 = arith.mulf %mul3A_1245, %dot_general3A_1182 : vector<512x256xf32>
    %slice3A_1247 = vector.extract_strided_slice %div3A_1243 {offsets = [0, 1], sizes = [512, 1], strides = [1, 1]} : vector<512x3xf32> to vector<512x1xf32>
    %mul3A_1248 = vector.broadcast %slice3A_1247 : vector<512x1xf32> to vector<512x256xf32>
    %mul3A_1249 = arith.mulf %mul3A_1248, %dot_general3A_1184 : vector<512x256xf32>
    %add3A_1250 = arith.addf %mul3A_1246, %mul3A_1249 : vector<512x256xf32>
    %slice3A_1251 = vector.extract_strided_slice %div3A_1243 {offsets = [0, 2], sizes = [512, 1], strides = [1, 1]} : vector<512x3xf32> to vector<512x1xf32>
    %mul3A_1252 = vector.broadcast %slice3A_1251 : vector<512x1xf32> to vector<512x256xf32>
    %mul3A_1253 = arith.mulf %mul3A_1252, %dot_general3A_1186 : vector<512x256xf32>
    %add3A_1254 = arith.addf %add3A_1250, %mul3A_1253 : vector<512x256xf32>
    %add3A_1255 = arith.addf %dot_general3A_1190, %dot_general3A_1194 : vector<512x1xf32>
    %gt3A_1256 = arith.constant 0.000000e+00 : f32
    %gt3A_1257 = vector.broadcast %gt3A_1256 : f32 to vector<512x1xf32>
    %gt3A_1258 = arith.cmpf ogt, %add3A_1255, %gt3A_1257 : vector<512x1xf32>
    %mul3A_1259 = arith.constant 2.000000e-01 : f32
    %mul3A_1260 = vector.broadcast %mul3A_1259 : f32 to vector<512x1xf32>
    %mul3A_1261 = arith.mulf %mul3A_1260, %add3A_1255 : vector<512x1xf32>
    %select_n3A_1262 = arith.select %gt3A_1258, %add3A_1255, %mul3A_1261 : vector<512x1xi1>, vector<512x1xf32>
    %add3A_1263 = arith.addf %dot_general3A_1190, %dot_general3A_1196 : vector<512x1xf32>
    %gt3A_1264 = arith.constant 0.000000e+00 : f32
    %gt3A_1265 = vector.broadcast %gt3A_1264 : f32 to vector<512x1xf32>
    %gt3A_1266 = arith.cmpf ogt, %add3A_1263, %gt3A_1265 : vector<512x1xf32>
    %mul3A_1267 = arith.constant 2.000000e-01 : f32
    %mul3A_1268 = vector.broadcast %mul3A_1267 : f32 to vector<512x1xf32>
    %mul3A_1269 = arith.mulf %mul3A_1268, %add3A_1263 : vector<512x1xf32>
    %select_n3A_1270 = arith.select %gt3A_1266, %add3A_1263, %mul3A_1269 : vector<512x1xi1>, vector<512x1xf32>
    %add3A_1271 = arith.addf %dot_general3A_1190, %dot_general3A_1198 : vector<512x1xf32>
    %gt3A_1272 = arith.constant 0.000000e+00 : f32
    %gt3A_1273 = vector.broadcast %gt3A_1272 : f32 to vector<512x1xf32>
    %gt3A_1274 = arith.cmpf ogt, %add3A_1271, %gt3A_1273 : vector<512x1xf32>
    %mul3A_1275 = arith.constant 2.000000e-01 : f32
    %mul3A_1276 = vector.broadcast %mul3A_1275 : f32 to vector<512x1xf32>
    %mul3A_1277 = arith.mulf %mul3A_1276, %add3A_1271 : vector<512x1xf32>
    %select_n3A_1278 = arith.select %gt3A_1274, %add3A_1271, %mul3A_1277 : vector<512x1xi1>, vector<512x1xf32>
    %concatenate3A_1279 = tpu.concatenate %select_n3A_1262, %select_n3A_1270, %select_n3A_1278 in 1 : vector<512x1xf32>, vector<512x1xf32>, vector<512x1xf32> -> vector<512x3xf32>
    %slice3A_1280 = vector.extract_strided_slice %get3A_247 {offsets = [0, 3], sizes = [512, 3], strides = [1, 1]} : vector<512x9xf32> to vector<512x3xf32>
    %add3A_1281 = arith.addf %concatenate3A_1279, %slice3A_1280 : vector<512x3xf32>
    %slice3A_1282 = vector.extract_strided_slice %get3A_250 {offsets = [0, 3], sizes = [512, 3], strides = [1, 1]} : vector<512x9xf32> to vector<512x3xf32>
    %gt3A_1283 = arith.constant 0.000000e+00 : f32
    %gt3A_1284 = vector.broadcast %gt3A_1283 : f32 to vector<512x3xf32>
    %gt3A_1285 = arith.cmpf ogt, %slice3A_1282, %gt3A_1284 : vector<512x3xf32>
    %jit3A_1286 = arith.constant -1.000000e+09 : f32
    %broadcast_in_dim3A_1287 = vector.broadcast %jit3A_1286 : f32 to vector<512x3xf32>
    %select_n3A_1288 = arith.select %gt3A_1285, %add3A_1281, %broadcast_in_dim3A_1287 : vector<512x3xi1>, vector<512x3xf32>
    %reduce_max3A_1289 = arith.constant dense<0xFF800000> : vector<512xf32>
    %reduce_max3A_1290 = vector.multi_reduction <maximumf>, %select_n3A_1288, %reduce_max3A_1289 [1] : vector<512x3xf32> to vector<512xf32>
    %broadcast_in_dim3A_1291 = vector.shape_cast %reduce_max3A_1290 : vector<512xf32> to vector<512x1xf32>
    %sub3A_1292 = vector.broadcast %broadcast_in_dim3A_1291 : vector<512x1xf32> to vector<512x3xf32>
    %sub3A_1293 = arith.subf %select_n3A_1288, %sub3A_1292 : vector<512x3xf32>
    %exp3A_1294 = math.exp %sub3A_1293 : vector<512x3xf32>
    %reduce_sum3A_1295 = arith.constant dense<0.000000e+00> : vector<512xf32>
    %reduce_sum3A_1296 = vector.multi_reduction <add>, %exp3A_1294, %reduce_sum3A_1295 [1] : vector<512x3xf32> to vector<512xf32>
    %broadcast_in_dim3A_1297 = vector.shape_cast %reduce_sum3A_1296 : vector<512xf32> to vector<512x1xf32>
    %div3A_1298 = vector.broadcast %broadcast_in_dim3A_1297 : vector<512x1xf32> to vector<512x3xf32>
    %div3A_1299 = arith.divf %exp3A_1294, %div3A_1298 : vector<512x3xf32>
    %slice3A_1300 = vector.extract_strided_slice %div3A_1299 {offsets = [0, 0], sizes = [512, 1], strides = [1, 1]} : vector<512x3xf32> to vector<512x1xf32>
    %mul3A_1301 = vector.broadcast %slice3A_1300 : vector<512x1xf32> to vector<512x256xf32>
    %mul3A_1302 = arith.mulf %mul3A_1301, %dot_general3A_1182 : vector<512x256xf32>
    %slice3A_1303 = vector.extract_strided_slice %div3A_1299 {offsets = [0, 1], sizes = [512, 1], strides = [1, 1]} : vector<512x3xf32> to vector<512x1xf32>
    %mul3A_1304 = vector.broadcast %slice3A_1303 : vector<512x1xf32> to vector<512x256xf32>
    %mul3A_1305 = arith.mulf %mul3A_1304, %dot_general3A_1184 : vector<512x256xf32>
    %add3A_1306 = arith.addf %mul3A_1302, %mul3A_1305 : vector<512x256xf32>
    %slice3A_1307 = vector.extract_strided_slice %div3A_1299 {offsets = [0, 2], sizes = [512, 1], strides = [1, 1]} : vector<512x3xf32> to vector<512x1xf32>
    %mul3A_1308 = vector.broadcast %slice3A_1307 : vector<512x1xf32> to vector<512x256xf32>
    %mul3A_1309 = arith.mulf %mul3A_1308, %dot_general3A_1186 : vector<512x256xf32>
    %add3A_1310 = arith.addf %add3A_1306, %mul3A_1309 : vector<512x256xf32>
    %add3A_1311 = arith.addf %dot_general3A_1192, %dot_general3A_1194 : vector<512x1xf32>
    %gt3A_1312 = arith.constant 0.000000e+00 : f32
    %gt3A_1313 = vector.broadcast %gt3A_1312 : f32 to vector<512x1xf32>
    %gt3A_1314 = arith.cmpf ogt, %add3A_1311, %gt3A_1313 : vector<512x1xf32>
    %mul3A_1315 = arith.constant 2.000000e-01 : f32
    %mul3A_1316 = vector.broadcast %mul3A_1315 : f32 to vector<512x1xf32>
    %mul3A_1317 = arith.mulf %mul3A_1316, %add3A_1311 : vector<512x1xf32>
    %select_n3A_1318 = arith.select %gt3A_1314, %add3A_1311, %mul3A_1317 : vector<512x1xi1>, vector<512x1xf32>
    %add3A_1319 = arith.addf %dot_general3A_1192, %dot_general3A_1196 : vector<512x1xf32>
    %gt3A_1320 = arith.constant 0.000000e+00 : f32
    %gt3A_1321 = vector.broadcast %gt3A_1320 : f32 to vector<512x1xf32>
    %gt3A_1322 = arith.cmpf ogt, %add3A_1319, %gt3A_1321 : vector<512x1xf32>
    %mul3A_1323 = arith.constant 2.000000e-01 : f32
    %mul3A_1324 = vector.broadcast %mul3A_1323 : f32 to vector<512x1xf32>
    %mul3A_1325 = arith.mulf %mul3A_1324, %add3A_1319 : vector<512x1xf32>
    %select_n3A_1326 = arith.select %gt3A_1322, %add3A_1319, %mul3A_1325 : vector<512x1xi1>, vector<512x1xf32>
    %add3A_1327 = arith.addf %dot_general3A_1192, %dot_general3A_1198 : vector<512x1xf32>
    %gt3A_1328 = arith.constant 0.000000e+00 : f32
    %gt3A_1329 = vector.broadcast %gt3A_1328 : f32 to vector<512x1xf32>
    %gt3A_1330 = arith.cmpf ogt, %add3A_1327, %gt3A_1329 : vector<512x1xf32>
    %mul3A_1331 = arith.constant 2.000000e-01 : f32
    %mul3A_1332 = vector.broadcast %mul3A_1331 : f32 to vector<512x1xf32>
    %mul3A_1333 = arith.mulf %mul3A_1332, %add3A_1327 : vector<512x1xf32>
    %select_n3A_1334 = arith.select %gt3A_1330, %add3A_1327, %mul3A_1333 : vector<512x1xi1>, vector<512x1xf32>
    %concatenate3A_1335 = tpu.concatenate %select_n3A_1318, %select_n3A_1326, %select_n3A_1334 in 1 : vector<512x1xf32>, vector<512x1xf32>, vector<512x1xf32> -> vector<512x3xf32>
    %slice3A_1336 = vector.extract_strided_slice %get3A_247 {offsets = [0, 6], sizes = [512, 3], strides = [1, 1]} : vector<512x9xf32> to vector<512x3xf32>
    %add3A_1337 = arith.addf %concatenate3A_1335, %slice3A_1336 : vector<512x3xf32>
    %slice3A_1338 = vector.extract_strided_slice %get3A_250 {offsets = [0, 6], sizes = [512, 3], strides = [1, 1]} : vector<512x9xf32> to vector<512x3xf32>
    %gt3A_1339 = arith.constant 0.000000e+00 : f32
    %gt3A_1340 = vector.broadcast %gt3A_1339 : f32 to vector<512x3xf32>
    %gt3A_1341 = arith.cmpf ogt, %slice3A_1338, %gt3A_1340 : vector<512x3xf32>
    %jit3A_1342 = arith.constant -1.000000e+09 : f32
    %broadcast_in_dim3A_1343 = vector.broadcast %jit3A_1342 : f32 to vector<512x3xf32>
    %select_n3A_1344 = arith.select %gt3A_1341, %add3A_1337, %broadcast_in_dim3A_1343 : vector<512x3xi1>, vector<512x3xf32>
    %reduce_max3A_1345 = arith.constant dense<0xFF800000> : vector<512xf32>
    %reduce_max3A_1346 = vector.multi_reduction <maximumf>, %select_n3A_1344, %reduce_max3A_1345 [1] : vector<512x3xf32> to vector<512xf32>
    %broadcast_in_dim3A_1347 = vector.shape_cast %reduce_max3A_1346 : vector<512xf32> to vector<512x1xf32>
    %sub3A_1348 = vector.broadcast %broadcast_in_dim3A_1347 : vector<512x1xf32> to vector<512x3xf32>
    %sub3A_1349 = arith.subf %select_n3A_1344, %sub3A_1348 : vector<512x3xf32>
    %exp3A_1350 = math.exp %sub3A_1349 : vector<512x3xf32>
    %reduce_sum3A_1351 = arith.constant dense<0.000000e+00> : vector<512xf32>
    %reduce_sum3A_1352 = vector.multi_reduction <add>, %exp3A_1350, %reduce_sum3A_1351 [1] : vector<512x3xf32> to vector<512xf32>
    %broadcast_in_dim3A_1353 = vector.shape_cast %reduce_sum3A_1352 : vector<512xf32> to vector<512x1xf32>
    %div3A_1354 = vector.broadcast %broadcast_in_dim3A_1353 : vector<512x1xf32> to vector<512x3xf32>
    %div3A_1355 = arith.divf %exp3A_1350, %div3A_1354 : vector<512x3xf32>
    %slice3A_1356 = vector.extract_strided_slice %div3A_1355 {offsets = [0, 0], sizes = [512, 1], strides = [1, 1]} : vector<512x3xf32> to vector<512x1xf32>
    %mul3A_1357 = vector.broadcast %slice3A_1356 : vector<512x1xf32> to vector<512x256xf32>
    %mul3A_1358 = arith.mulf %mul3A_1357, %dot_general3A_1182 : vector<512x256xf32>
    %slice3A_1359 = vector.extract_strided_slice %div3A_1355 {offsets = [0, 1], sizes = [512, 1], strides = [1, 1]} : vector<512x3xf32> to vector<512x1xf32>
    %mul3A_1360 = vector.broadcast %slice3A_1359 : vector<512x1xf32> to vector<512x256xf32>
    %mul3A_1361 = arith.mulf %mul3A_1360, %dot_general3A_1184 : vector<512x256xf32>
    %add3A_1362 = arith.addf %mul3A_1358, %mul3A_1361 : vector<512x256xf32>
    %slice3A_1363 = vector.extract_strided_slice %div3A_1355 {offsets = [0, 2], sizes = [512, 1], strides = [1, 1]} : vector<512x3xf32> to vector<512x1xf32>
    %mul3A_1364 = vector.broadcast %slice3A_1363 : vector<512x1xf32> to vector<512x256xf32>
    %mul3A_1365 = arith.mulf %mul3A_1364, %dot_general3A_1186 : vector<512x256xf32>
    %add3A_1366 = arith.addf %add3A_1362, %mul3A_1365 : vector<512x256xf32>
    %max3A = arith.constant 0.000000e+00 : f32
    %max3A_1367 = vector.broadcast %max3A : f32 to vector<512x256xf32>
    %max3A_1368 = arith.maximumf %add3A_1254, %max3A_1367 : vector<512x256xf32>
    %swap3A = arith.constant 0 : index
    %swap3A_1369 = arith.constant 0 : index
    %swap3A_1370 = vector.load %arg31[%swap3A, %swap3A_1369] : memref<512x1536xf32, #tpu.memory_space<vmem>>, vector<512x256xf32>
    tpu.vector_store %arg31[%swap3A, %swap3A_1369], %max3A_1368 {strides = array<i32>} : memref<512x1536xf32, #tpu.memory_space<vmem>>, vector<512x256xf32>,
    %max3A_1371 = arith.constant 0.000000e+00 : f32
    %max3A_1372 = vector.broadcast %max3A_1371 : f32 to vector<512x256xf32>
    %max3A_1373 = arith.maximumf %add3A_1310, %max3A_1372 : vector<512x256xf32>
    %swap3A_1374 = arith.constant 0 : index
    %swap3A_1375 = arith.constant 256 : index
    %swap3A_1376 = vector.load %arg31[%swap3A_1374, %swap3A_1375] : memref<512x1536xf32, #tpu.memory_space<vmem>>, vector<512x256xf32>
    tpu.vector_store %arg31[%swap3A_1374, %swap3A_1375], %max3A_1373 {strides = array<i32>} : memref<512x1536xf32, #tpu.memory_space<vmem>>, vector<512x256xf32>,
    %max3A_1377 = arith.constant 0.000000e+00 : f32
    %max3A_1378 = vector.broadcast %max3A_1377 : f32 to vector<512x256xf32>
    %max3A_1379 = arith.maximumf %add3A_1366, %max3A_1378 : vector<512x256xf32>
    %swap3A_1380 = arith.constant 0 : index
    %swap3A_1381 = arith.constant 512 : index
    %swap3A_1382 = vector.load %arg31[%swap3A_1380, %swap3A_1381] : memref<512x1536xf32, #tpu.memory_space<vmem>>, vector<512x256xf32>
    tpu.vector_store %arg31[%swap3A_1380, %swap3A_1381], %max3A_1379 {strides = array<i32>} : memref<512x1536xf32, #tpu.memory_space<vmem>>, vector<512x256xf32>,
    %get3A_1383 = arith.constant 0 : index
    %get3A_1384 = arith.constant 0 : index
    %get3A_1385 = vector.load %arg15[%get3A_1383, %get3A_1384] : memref<512x3xi32, #tpu.memory_space<vmem>>, vector<512x3xi32>
    %get3A_1386 = arith.constant 0 : index
    %get3A_1387 = arith.constant 0 : index
    %get3A_1388 = vector.load %arg16[%get3A_1386, %get3A_1387] : memref<512x3xi32, #tpu.memory_space<vmem>>, vector<512x3xi32>
    %get3A_1389 = arith.constant 0 : index
    %get3A_1390 = arith.constant 0 : index
    %get3A_1391 = vector.load %arg18[%get3A_1389, %get3A_1390] : memref<40x128xf32, #tpu.memory_space<vmem>>, vector<40x128xf32>
    %get3A_1392 = arith.constant 0 : index
    %get3A_1393 = arith.constant 0 : index
    %get3A_1394 = vector.load %arg21[%get3A_1392, %get3A_1393] : memref<256x512xf32, #tpu.memory_space<vmem>>, vector<256x512xf32>
    %get3A_1395 = arith.constant 0 : index
    %get3A_1396 = arith.constant 0 : index
    %get3A_1397 = vector.load %arg22[%get3A_1395, %get3A_1396] : memref<128x512xf32, #tpu.memory_space<vmem>>, vector<128x512xf32>
    %get3A_1398 = arith.constant 0 : index
    %get3A_1399 = arith.constant 0 : index
    %get3A_1400 = vector.load %arg23[%get3A_1398, %get3A_1399] : memref<128x512xf32, #tpu.memory_space<vmem>>, vector<128x512xf32>
    %slice3A_1401 = vector.extract_strided_slice %get3A_1385 {offsets = [0, 0], sizes = [512, 1], strides = [1, 1]} : vector<512x3xi32> to vector<512x1xi32>
    %iota3A = tpu.iota {dimensions = array<i32: 1>} : vector<1x40xi32>
    %eq3A = vector.broadcast %slice3A_1401 : vector<512x1xi32> to vector<512x40xi32>
    %eq3A_1402 = vector.broadcast %iota3A : vector<1x40xi32> to vector<512x40xi32>
    %eq3A_1403 = arith.cmpi eq, %eq3A, %eq3A_1402 : vector<512x40xi32>
    %convert_element_type3A = arith.extui %eq3A_1403 : vector<512x40xi1> to vector<512x40xi32>
    %convert_element_type3A_1404 = arith.sitofp %convert_element_type3A : vector<512x40xi32> to vector<512x40xf32>
    %dot_general3A_1405 = arith.constant dense<0.000000e+00> : vector<512x128xf32>
    %dot_general3A_1406 = tpu.matmul %convert_element_type3A_1404, %get3A_1391, %dot_general3A_1405 {dimension_numbers = #tpu.dot_dimension_numbers<[1], [0], [0], [1], [0, 0, 1, 1], [], []>, transpose_lhs_hint = false} : vector<512x40xf32>, vector<40x128xf32>, vector<512x128xf32> -> vector<512x128xf32>
    %slice3A_1407 = vector.extract_strided_slice %get3A_1385 {offsets = [0, 1], sizes = [512, 1], strides = [1, 1]} : vector<512x3xi32> to vector<512x1xi32>
    %iota3A_1408 = tpu.iota {dimensions = array<i32: 1>} : vector<1x40xi32>
    %eq3A_1409 = vector.broadcast %slice3A_1407 : vector<512x1xi32> to vector<512x40xi32>
    %eq3A_1410 = vector.broadcast %iota3A_1408 : vector<1x40xi32> to vector<512x40xi32>
    %eq3A_1411 = arith.cmpi eq, %eq3A_1409, %eq3A_1410 : vector<512x40xi32>
    %convert_element_type3A_1412 = arith.extui %eq3A_1411 : vector<512x40xi1> to vector<512x40xi32>
    %convert_element_type3A_1413 = arith.sitofp %convert_element_type3A_1412 : vector<512x40xi32> to vector<512x40xf32>
    %dot_general3A_1414 = arith.constant dense<0.000000e+00> : vector<512x128xf32>
    %dot_general3A_1415 = tpu.matmul %convert_element_type3A_1413, %get3A_1391, %dot_general3A_1414 {dimension_numbers = #tpu.dot_dimension_numbers<[1], [0], [0], [1], [0, 0, 1, 1], [], []>, transpose_lhs_hint = false} : vector<512x40xf32>, vector<40x128xf32>, vector<512x128xf32> -> vector<512x128xf32>
    %slice3A_1416 = vector.extract_strided_slice %get3A_1385 {offsets = [0, 2], sizes = [512, 1], strides = [1, 1]} : vector<512x3xi32> to vector<512x1xi32>
    %iota3A_1417 = tpu.iota {dimensions = array<i32: 1>} : vector<1x40xi32>
    %eq3A_1418 = vector.broadcast %slice3A_1416 : vector<512x1xi32> to vector<512x40xi32>
    %eq3A_1419 = vector.broadcast %iota3A_1417 : vector<1x40xi32> to vector<512x40xi32>
    %eq3A_1420 = arith.cmpi eq, %eq3A_1418, %eq3A_1419 : vector<512x40xi32>
    %convert_element_type3A_1421 = arith.extui %eq3A_1420 : vector<512x40xi1> to vector<512x40xi32>
    %convert_element_type3A_1422 = arith.sitofp %convert_element_type3A_1421 : vector<512x40xi32> to vector<512x40xf32>
    %dot_general3A_1423 = arith.constant dense<0.000000e+00> : vector<512x128xf32>
    %dot_general3A_1424 = tpu.matmul %convert_element_type3A_1422, %get3A_1391, %dot_general3A_1423 {dimension_numbers = #tpu.dot_dimension_numbers<[1], [0], [0], [1], [0, 0, 1, 1], [], []>, transpose_lhs_hint = false} : vector<512x40xf32>, vector<40x128xf32>, vector<512x128xf32> -> vector<512x128xf32>
    %dot_general3A_1425 = arith.constant dense<0.000000e+00> : vector<512x512xf32>
    %dot_general3A_1426 = tpu.matmul %concatenate3A, %get3A_1394, %dot_general3A_1425 {dimension_numbers = #tpu.dot_dimension_numbers<[1], [0], [0], [1], [0, 0, 1, 1], [], []>, transpose_lhs_hint = false} : vector<512x256xf32>, vector<256x512xf32>, vector<512x512xf32> -> vector<512x512xf32>
    %dot_general3A_1427 = arith.constant dense<0.000000e+00> : vector<512x512xf32>
    %dot_general3A_1428 = tpu.matmul %concatenate3A_243, %get3A_1394, %dot_general3A_1427 {dimension_numbers = #tpu.dot_dimension_numbers<[1], [0], [0], [1], [0, 0, 1, 1], [], []>, transpose_lhs_hint = false} : vector<512x256xf32>, vector<256x512xf32>, vector<512x512xf32> -> vector<512x512xf32>
    %dot_general3A_1429 = arith.constant dense<0.000000e+00> : vector<512x512xf32>
    %dot_general3A_1430 = tpu.matmul %concatenate3A_244, %get3A_1394, %dot_general3A_1429 {dimension_numbers = #tpu.dot_dimension_numbers<[1], [0], [0], [1], [0, 0, 1, 1], [], []>, transpose_lhs_hint = false} : vector<512x256xf32>, vector<256x512xf32>, vector<512x512xf32> -> vector<512x512xf32>
    %dot_general3A_1431 = arith.constant dense<0.000000e+00> : vector<512x512xf32>
    %dot_general3A_1432 = tpu.matmul %dot_general3A_1406, %get3A_1397, %dot_general3A_1431 {dimension_numbers = #tpu.dot_dimension_numbers<[1], [0], [0], [1], [0, 0, 1, 1], [], []>, transpose_lhs_hint = false} : vector<512x128xf32>, vector<128x512xf32>, vector<512x512xf32> -> vector<512x512xf32>
    %dot_general3A_1433 = arith.constant dense<0.000000e+00> : vector<512x512xf32>
    %dot_general3A_1434 = tpu.matmul %dot_general3A_1415, %get3A_1397, %dot_general3A_1433 {dimension_numbers = #tpu.dot_dimension_numbers<[1], [0], [0], [1], [0, 0, 1, 1], [], []>, transpose_lhs_hint = false} : vector<512x128xf32>, vector<128x512xf32>, vector<512x512xf32> -> vector<512x512xf32>
    %dot_general3A_1435 = arith.constant dense<0.000000e+00> : vector<512x512xf32>
    %dot_general3A_1436 = tpu.matmul %dot_general3A_1424, %get3A_1397, %dot_general3A_1435 {dimension_numbers = #tpu.dot_dimension_numbers<[1], [0], [0], [1], [0, 0, 1, 1], [], []>, transpose_lhs_hint = false} : vector<512x128xf32>, vector<128x512xf32>, vector<512x512xf32> -> vector<512x512xf32>
    %dot_general3A_1437 = arith.constant dense<0.000000e+00> : vector<512x512xf32>
    %dot_general3A_1438 = tpu.matmul %dot_general3A_1406, %get3A_1400, %dot_general3A_1437 {dimension_numbers = #tpu.dot_dimension_numbers<[1], [0], [0], [1], [0, 0, 1, 1], [], []>, transpose_lhs_hint = false} : vector<512x128xf32>, vector<128x512xf32>, vector<512x512xf32> -> vector<512x512xf32>
    %dot_general3A_1439 = arith.constant dense<0.000000e+00> : vector<512x512xf32>
    %dot_general3A_1440 = tpu.matmul %dot_general3A_1415, %get3A_1400, %dot_general3A_1439 {dimension_numbers = #tpu.dot_dimension_numbers<[1], [0], [0], [1], [0, 0, 1, 1], [], []>, transpose_lhs_hint = false} : vector<512x128xf32>, vector<128x512xf32>, vector<512x512xf32> -> vector<512x512xf32>
    %dot_general3A_1441 = arith.constant dense<0.000000e+00> : vector<512x512xf32>
    %dot_general3A_1442 = tpu.matmul %dot_general3A_1424, %get3A_1400, %dot_general3A_1441 {dimension_numbers = #tpu.dot_dimension_numbers<[1], [0], [0], [1], [0, 0, 1, 1], [], []>, transpose_lhs_hint = false} : vector<512x128xf32>, vector<128x512xf32>, vector<512x512xf32> -> vector<512x512xf32>
    %broadcast_in_dim3A_1443 = arith.constant 0.000000e+00 : f32
    %broadcast_in_dim3A_1444 = vector.broadcast %broadcast_in_dim3A_1443 : f32 to vector<512x128xf32>
    %broadcast_in_dim3A_1445 = arith.constant 0.000000e+00 : f32
    %broadcast_in_dim3A_1446 = vector.broadcast %broadcast_in_dim3A_1445 : f32 to vector<512x128xf32>
    %broadcast_in_dim3A_1447 = arith.constant 0.000000e+00 : f32
    %broadcast_in_dim3A_1448 = vector.broadcast %broadcast_in_dim3A_1447 : f32 to vector<512x128xf32>
    %slice3A_1449 = vector.extract_strided_slice %dot_general3A_1426 {offsets = [0, 0], sizes = [512, 128], strides = [1, 1]} : vector<512x512xf32> to vector<512x128xf32>
    %slice3A_1450 = vector.extract_strided_slice %dot_general3A_1432 {offsets = [0, 0], sizes = [512, 128], strides = [1, 1]} : vector<512x512xf32> to vector<512x128xf32>
    %mul3A_1451 = arith.mulf %slice3A_1449, %slice3A_1450 : vector<512x128xf32>
    %reduce_sum3A_1452 = arith.constant dense<0.000000e+00> : vector<512xf32>
    %reduce_sum3A_1453 = vector.multi_reduction <add>, %mul3A_1451, %reduce_sum3A_1452 [1] : vector<512x128xf32> to vector<512xf32>
    %broadcast_in_dim3A_1454 = vector.shape_cast %reduce_sum3A_1453 : vector<512xf32> to vector<512x1xf32>
    %slice3A_1455 = vector.extract_strided_slice %dot_general3A_1426 {offsets = [0, 0], sizes = [512, 128], strides = [1, 1]} : vector<512x512xf32> to vector<512x128xf32>
    %slice3A_1456 = vector.extract_strided_slice %dot_general3A_1434 {offsets = [0, 0], sizes = [512, 128], strides = [1, 1]} : vector<512x512xf32> to vector<512x128xf32>
    %mul3A_1457 = arith.mulf %slice3A_1455, %slice3A_1456 : vector<512x128xf32>
    %reduce_sum3A_1458 = arith.constant dense<0.000000e+00> : vector<512xf32>
    %reduce_sum3A_1459 = vector.multi_reduction <add>, %mul3A_1457, %reduce_sum3A_1458 [1] : vector<512x128xf32> to vector<512xf32>
    %broadcast_in_dim3A_1460 = vector.shape_cast %reduce_sum3A_1459 : vector<512xf32> to vector<512x1xf32>
    %slice3A_1461 = vector.extract_strided_slice %dot_general3A_1426 {offsets = [0, 0], sizes = [512, 128], strides = [1, 1]} : vector<512x512xf32> to vector<512x128xf32>
    %slice3A_1462 = vector.extract_strided_slice %dot_general3A_1436 {offsets = [0, 0], sizes = [512, 128], strides = [1, 1]} : vector<512x512xf32> to vector<512x128xf32>
    %mul3A_1463 = arith.mulf %slice3A_1461, %slice3A_1462 : vector<512x128xf32>
    %reduce_sum3A_1464 = arith.constant dense<0.000000e+00> : vector<512xf32>
    %reduce_sum3A_1465 = vector.multi_reduction <add>, %mul3A_1463, %reduce_sum3A_1464 [1] : vector<512x128xf32> to vector<512xf32>
    %broadcast_in_dim3A_1466 = vector.shape_cast %reduce_sum3A_1465 : vector<512xf32> to vector<512x1xf32>
    %concatenate3A_1467 = tpu.concatenate %broadcast_in_dim3A_1454, %broadcast_in_dim3A_1460, %broadcast_in_dim3A_1466 in 1 : vector<512x1xf32>, vector<512x1xf32>, vector<512x1xf32> -> vector<512x3xf32>
    %mul3A_1468 = arith.constant 0.0883883461 : f32
    %mul3A_1469 = vector.broadcast %mul3A_1468 : f32 to vector<512x3xf32>
    %mul3A_1470 = arith.mulf %concatenate3A_1467, %mul3A_1469 : vector<512x3xf32>
    %reduce_max3A_1471 = arith.constant dense<0xFF800000> : vector<512xf32>
    %reduce_max3A_1472 = vector.multi_reduction <maximumf>, %mul3A_1470, %reduce_max3A_1471 [1] : vector<512x3xf32> to vector<512xf32>
    %broadcast_in_dim3A_1473 = vector.shape_cast %reduce_max3A_1472 : vector<512xf32> to vector<512x1xf32>
    %sub3A_1474 = vector.broadcast %broadcast_in_dim3A_1473 : vector<512x1xf32> to vector<512x3xf32>
    %sub3A_1475 = arith.subf %mul3A_1470, %sub3A_1474 : vector<512x3xf32>
    %exp3A_1476 = math.exp %sub3A_1475 : vector<512x3xf32>
    %reduce_sum3A_1477 = arith.constant dense<0.000000e+00> : vector<512xf32>
    %reduce_sum3A_1478 = vector.multi_reduction <add>, %exp3A_1476, %reduce_sum3A_1477 [1] : vector<512x3xf32> to vector<512xf32>
    %broadcast_in_dim3A_1479 = vector.shape_cast %reduce_sum3A_1478 : vector<512xf32> to vector<512x1xf32>
    %div3A_1480 = vector.broadcast %broadcast_in_dim3A_1479 : vector<512x1xf32> to vector<512x3xf32>
    %div3A_1481 = arith.divf %exp3A_1476, %div3A_1480 : vector<512x3xf32>
    %slice3A_1482 = vector.extract_strided_slice %div3A_1481 {offsets = [0, 0], sizes = [512, 1], strides = [1, 1]} : vector<512x3xf32> to vector<512x1xf32>
    %slice3A_1483 = vector.extract_strided_slice %dot_general3A_1438 {offsets = [0, 0], sizes = [512, 128], strides = [1, 1]} : vector<512x512xf32> to vector<512x128xf32>
    %mul3A_1484 = vector.broadcast %slice3A_1482 : vector<512x1xf32> to vector<512x128xf32>
    %mul3A_1485 = arith.mulf %mul3A_1484, %slice3A_1483 : vector<512x128xf32>
    %slice3A_1486 = vector.extract_strided_slice %div3A_1481 {offsets = [0, 1], sizes = [512, 1], strides = [1, 1]} : vector<512x3xf32> to vector<512x1xf32>
    %slice3A_1487 = vector.extract_strided_slice %dot_general3A_1440 {offsets = [0, 0], sizes = [512, 128], strides = [1, 1]} : vector<512x512xf32> to vector<512x128xf32>
    %mul3A_1488 = vector.broadcast %slice3A_1486 : vector<512x1xf32> to vector<512x128xf32>
    %mul3A_1489 = arith.mulf %mul3A_1488, %slice3A_1487 : vector<512x128xf32>
    %add3A_1490 = arith.addf %mul3A_1485, %mul3A_1489 : vector<512x128xf32>
    %slice3A_1491 = vector.extract_strided_slice %div3A_1481 {offsets = [0, 2], sizes = [512, 1], strides = [1, 1]} : vector<512x3xf32> to vector<512x1xf32>
    %slice3A_1492 = vector.extract_strided_slice %dot_general3A_1442 {offsets = [0, 0], sizes = [512, 128], strides = [1, 1]} : vector<512x512xf32> to vector<512x128xf32>
    %mul3A_1493 = vector.broadcast %slice3A_1491 : vector<512x1xf32> to vector<512x128xf32>
    %mul3A_1494 = arith.mulf %mul3A_1493, %slice3A_1492 : vector<512x128xf32>
    %add3A_1495 = arith.addf %add3A_1490, %mul3A_1494 : vector<512x128xf32>
    %add3A_1496 = arith.addf %broadcast_in_dim3A_1444, %add3A_1495 : vector<512x128xf32>
    %slice3A_1497 = vector.extract_strided_slice %dot_general3A_1428 {offsets = [0, 0], sizes = [512, 128], strides = [1, 1]} : vector<512x512xf32> to vector<512x128xf32>
    %slice3A_1498 = vector.extract_strided_slice %dot_general3A_1432 {offsets = [0, 0], sizes = [512, 128], strides = [1, 1]} : vector<512x512xf32> to vector<512x128xf32>
    %mul3A_1499 = arith.mulf %slice3A_1497, %slice3A_1498 : vector<512x128xf32>
    %reduce_sum3A_1500 = arith.constant dense<0.000000e+00> : vector<512xf32>
    %reduce_sum3A_1501 = vector.multi_reduction <add>, %mul3A_1499, %reduce_sum3A_1500 [1] : vector<512x128xf32> to vector<512xf32>
    %broadcast_in_dim3A_1502 = vector.shape_cast %reduce_sum3A_1501 : vector<512xf32> to vector<512x1xf32>
    %slice3A_1503 = vector.extract_strided_slice %dot_general3A_1428 {offsets = [0, 0], sizes = [512, 128], strides = [1, 1]} : vector<512x512xf32> to vector<512x128xf32>
    %slice3A_1504 = vector.extract_strided_slice %dot_general3A_1434 {offsets = [0, 0], sizes = [512, 128], strides = [1, 1]} : vector<512x512xf32> to vector<512x128xf32>
    %mul3A_1505 = arith.mulf %slice3A_1503, %slice3A_1504 : vector<512x128xf32>
    %reduce_sum3A_1506 = arith.constant dense<0.000000e+00> : vector<512xf32>
    %reduce_sum3A_1507 = vector.multi_reduction <add>, %mul3A_1505, %reduce_sum3A_1506 [1] : vector<512x128xf32> to vector<512xf32>
    %broadcast_in_dim3A_1508 = vector.shape_cast %reduce_sum3A_1507 : vector<512xf32> to vector<512x1xf32>
    %slice3A_1509 = vector.extract_strided_slice %dot_general3A_1428 {offsets = [0, 0], sizes = [512, 128], strides = [1, 1]} : vector<512x512xf32> to vector<512x128xf32>
    %slice3A_1510 = vector.extract_strided_slice %dot_general3A_1436 {offsets = [0, 0], sizes = [512, 128], strides = [1, 1]} : vector<512x512xf32> to vector<512x128xf32>
    %mul3A_1511 = arith.mulf %slice3A_1509, %slice3A_1510 : vector<512x128xf32>
    %reduce_sum3A_1512 = arith.constant dense<0.000000e+00> : vector<512xf32>
    %reduce_sum3A_1513 = vector.multi_reduction <add>, %mul3A_1511, %reduce_sum3A_1512 [1] : vector<512x128xf32> to vector<512xf32>
    %broadcast_in_dim3A_1514 = vector.shape_cast %reduce_sum3A_1513 : vector<512xf32> to vector<512x1xf32>
    %concatenate3A_1515 = tpu.concatenate %broadcast_in_dim3A_1502, %broadcast_in_dim3A_1508, %broadcast_in_dim3A_1514 in 1 : vector<512x1xf32>, vector<512x1xf32>, vector<512x1xf32> -> vector<512x3xf32>
    %mul3A_1516 = arith.constant 0.0883883461 : f32
    %mul3A_1517 = vector.broadcast %mul3A_1516 : f32 to vector<512x3xf32>
    %mul3A_1518 = arith.mulf %concatenate3A_1515, %mul3A_1517 : vector<512x3xf32>
    %reduce_max3A_1519 = arith.constant dense<0xFF800000> : vector<512xf32>
    %reduce_max3A_1520 = vector.multi_reduction <maximumf>, %mul3A_1518, %reduce_max3A_1519 [1] : vector<512x3xf32> to vector<512xf32>
    %broadcast_in_dim3A_1521 = vector.shape_cast %reduce_max3A_1520 : vector<512xf32> to vector<512x1xf32>
    %sub3A_1522 = vector.broadcast %broadcast_in_dim3A_1521 : vector<512x1xf32> to vector<512x3xf32>
    %sub3A_1523 = arith.subf %mul3A_1518, %sub3A_1522 : vector<512x3xf32>
    %exp3A_1524 = math.exp %sub3A_1523 : vector<512x3xf32>
    %reduce_sum3A_1525 = arith.constant dense<0.000000e+00> : vector<512xf32>
    %reduce_sum3A_1526 = vector.multi_reduction <add>, %exp3A_1524, %reduce_sum3A_1525 [1] : vector<512x3xf32> to vector<512xf32>
    %broadcast_in_dim3A_1527 = vector.shape_cast %reduce_sum3A_1526 : vector<512xf32> to vector<512x1xf32>
    %div3A_1528 = vector.broadcast %broadcast_in_dim3A_1527 : vector<512x1xf32> to vector<512x3xf32>
    %div3A_1529 = arith.divf %exp3A_1524, %div3A_1528 : vector<512x3xf32>
    %slice3A_1530 = vector.extract_strided_slice %div3A_1529 {offsets = [0, 0], sizes = [512, 1], strides = [1, 1]} : vector<512x3xf32> to vector<512x1xf32>
    %slice3A_1531 = vector.extract_strided_slice %dot_general3A_1438 {offsets = [0, 0], sizes = [512, 128], strides = [1, 1]} : vector<512x512xf32> to vector<512x128xf32>
    %mul3A_1532 = vector.broadcast %slice3A_1530 : vector<512x1xf32> to vector<512x128xf32>
    %mul3A_1533 = arith.mulf %mul3A_1532, %slice3A_1531 : vector<512x128xf32>
    %slice3A_1534 = vector.extract_strided_slice %div3A_1529 {offsets = [0, 1], sizes = [512, 1], strides = [1, 1]} : vector<512x3xf32> to vector<512x1xf32>
    %slice3A_1535 = vector.extract_strided_slice %dot_general3A_1440 {offsets = [0, 0], sizes = [512, 128], strides = [1, 1]} : vector<512x512xf32> to vector<512x128xf32>
    %mul3A_1536 = vector.broadcast %slice3A_1534 : vector<512x1xf32> to vector<512x128xf32>
    %mul3A_1537 = arith.mulf %mul3A_1536, %slice3A_1535 : vector<512x128xf32>
    %add3A_1538 = arith.addf %mul3A_1533, %mul3A_1537 : vector<512x128xf32>
    %slice3A_1539 = vector.extract_strided_slice %div3A_1529 {offsets = [0, 2], sizes = [512, 1], strides = [1, 1]} : vector<512x3xf32> to vector<512x1xf32>
    %slice3A_1540 = vector.extract_strided_slice %dot_general3A_1442 {offsets = [0, 0], sizes = [512, 128], strides = [1, 1]} : vector<512x512xf32> to vector<512x128xf32>
    %mul3A_1541 = vector.broadcast %slice3A_1539 : vector<512x1xf32> to vector<512x128xf32>
    %mul3A_1542 = arith.mulf %mul3A_1541, %slice3A_1540 : vector<512x128xf32>
    %add3A_1543 = arith.addf %add3A_1538, %mul3A_1542 : vector<512x128xf32>
    %add3A_1544 = arith.addf %broadcast_in_dim3A_1446, %add3A_1543 : vector<512x128xf32>
    %slice3A_1545 = vector.extract_strided_slice %dot_general3A_1430 {offsets = [0, 0], sizes = [512, 128], strides = [1, 1]} : vector<512x512xf32> to vector<512x128xf32>
    %slice3A_1546 = vector.extract_strided_slice %dot_general3A_1432 {offsets = [0, 0], sizes = [512, 128], strides = [1, 1]} : vector<512x512xf32> to vector<512x128xf32>
    %mul3A_1547 = arith.mulf %slice3A_1545, %slice3A_1546 : vector<512x128xf32>
    %reduce_sum3A_1548 = arith.constant dense<0.000000e+00> : vector<512xf32>
    %reduce_sum3A_1549 = vector.multi_reduction <add>, %mul3A_1547, %reduce_sum3A_1548 [1] : vector<512x128xf32> to vector<512xf32>
    %broadcast_in_dim3A_1550 = vector.shape_cast %reduce_sum3A_1549 : vector<512xf32> to vector<512x1xf32>
    %slice3A_1551 = vector.extract_strided_slice %dot_general3A_1430 {offsets = [0, 0], sizes = [512, 128], strides = [1, 1]} : vector<512x512xf32> to vector<512x128xf32>
    %slice3A_1552 = vector.extract_strided_slice %dot_general3A_1434 {offsets = [0, 0], sizes = [512, 128], strides = [1, 1]} : vector<512x512xf32> to vector<512x128xf32>
    %mul3A_1553 = arith.mulf %slice3A_1551, %slice3A_1552 : vector<512x128xf32>
    %reduce_sum3A_1554 = arith.constant dense<0.000000e+00> : vector<512xf32>
    %reduce_sum3A_1555 = vector.multi_reduction <add>, %mul3A_1553, %reduce_sum3A_1554 [1] : vector<512x128xf32> to vector<512xf32>
    %broadcast_in_dim3A_1556 = vector.shape_cast %reduce_sum3A_1555 : vector<512xf32> to vector<512x1xf32>
    %slice3A_1557 = vector.extract_strided_slice %dot_general3A_1430 {offsets = [0, 0], sizes = [512, 128], strides = [1, 1]} : vector<512x512xf32> to vector<512x128xf32>
    %slice3A_1558 = vector.extract_strided_slice %dot_general3A_1436 {offsets = [0, 0], sizes = [512, 128], strides = [1, 1]} : vector<512x512xf32> to vector<512x128xf32>
    %mul3A_1559 = arith.mulf %slice3A_1557, %slice3A_1558 : vector<512x128xf32>
    %reduce_sum3A_1560 = arith.constant dense<0.000000e+00> : vector<512xf32>
    %reduce_sum3A_1561 = vector.multi_reduction <add>, %mul3A_1559, %reduce_sum3A_1560 [1] : vector<512x128xf32> to vector<512xf32>
    %broadcast_in_dim3A_1562 = vector.shape_cast %reduce_sum3A_1561 : vector<512xf32> to vector<512x1xf32>
    %concatenate3A_1563 = tpu.concatenate %broadcast_in_dim3A_1550, %broadcast_in_dim3A_1556, %broadcast_in_dim3A_1562 in 1 : vector<512x1xf32>, vector<512x1xf32>, vector<512x1xf32> -> vector<512x3xf32>
    %mul3A_1564 = arith.constant 0.0883883461 : f32
    %mul3A_1565 = vector.broadcast %mul3A_1564 : f32 to vector<512x3xf32>
    %mul3A_1566 = arith.mulf %concatenate3A_1563, %mul3A_1565 : vector<512x3xf32>
    %reduce_max3A_1567 = arith.constant dense<0xFF800000> : vector<512xf32>
    %reduce_max3A_1568 = vector.multi_reduction <maximumf>, %mul3A_1566, %reduce_max3A_1567 [1] : vector<512x3xf32> to vector<512xf32>
    %broadcast_in_dim3A_1569 = vector.shape_cast %reduce_max3A_1568 : vector<512xf32> to vector<512x1xf32>
    %sub3A_1570 = vector.broadcast %broadcast_in_dim3A_1569 : vector<512x1xf32> to vector<512x3xf32>
    %sub3A_1571 = arith.subf %mul3A_1566, %sub3A_1570 : vector<512x3xf32>
    %exp3A_1572 = math.exp %sub3A_1571 : vector<512x3xf32>
    %reduce_sum3A_1573 = arith.constant dense<0.000000e+00> : vector<512xf32>
    %reduce_sum3A_1574 = vector.multi_reduction <add>, %exp3A_1572, %reduce_sum3A_1573 [1] : vector<512x3xf32> to vector<512xf32>
    %broadcast_in_dim3A_1575 = vector.shape_cast %reduce_sum3A_1574 : vector<512xf32> to vector<512x1xf32>
    %div3A_1576 = vector.broadcast %broadcast_in_dim3A_1575 : vector<512x1xf32> to vector<512x3xf32>
    %div3A_1577 = arith.divf %exp3A_1572, %div3A_1576 : vector<512x3xf32>
    %slice3A_1578 = vector.extract_strided_slice %div3A_1577 {offsets = [0, 0], sizes = [512, 1], strides = [1, 1]} : vector<512x3xf32> to vector<512x1xf32>
    %slice3A_1579 = vector.extract_strided_slice %dot_general3A_1438 {offsets = [0, 0], sizes = [512, 128], strides = [1, 1]} : vector<512x512xf32> to vector<512x128xf32>
    %mul3A_1580 = vector.broadcast %slice3A_1578 : vector<512x1xf32> to vector<512x128xf32>
    %mul3A_1581 = arith.mulf %mul3A_1580, %slice3A_1579 : vector<512x128xf32>
    %slice3A_1582 = vector.extract_strided_slice %div3A_1577 {offsets = [0, 1], sizes = [512, 1], strides = [1, 1]} : vector<512x3xf32> to vector<512x1xf32>
    %slice3A_1583 = vector.extract_strided_slice %dot_general3A_1440 {offsets = [0, 0], sizes = [512, 128], strides = [1, 1]} : vector<512x512xf32> to vector<512x128xf32>
    %mul3A_1584 = vector.broadcast %slice3A_1582 : vector<512x1xf32> to vector<512x128xf32>
    %mul3A_1585 = arith.mulf %mul3A_1584, %slice3A_1583 : vector<512x128xf32>
    %add3A_1586 = arith.addf %mul3A_1581, %mul3A_1585 : vector<512x128xf32>
    %slice3A_1587 = vector.extract_strided_slice %div3A_1577 {offsets = [0, 2], sizes = [512, 1], strides = [1, 1]} : vector<512x3xf32> to vector<512x1xf32>
    %slice3A_1588 = vector.extract_strided_slice %dot_general3A_1442 {offsets = [0, 0], sizes = [512, 128], strides = [1, 1]} : vector<512x512xf32> to vector<512x128xf32>
    %mul3A_1589 = vector.broadcast %slice3A_1587 : vector<512x1xf32> to vector<512x128xf32>
    %mul3A_1590 = arith.mulf %mul3A_1589, %slice3A_1588 : vector<512x128xf32>
    %add3A_1591 = arith.addf %add3A_1586, %mul3A_1590 : vector<512x128xf32>
    %add3A_1592 = arith.addf %broadcast_in_dim3A_1448, %add3A_1591 : vector<512x128xf32>
    %slice3A_1593 = vector.extract_strided_slice %dot_general3A_1426 {offsets = [0, 128], sizes = [512, 128], strides = [1, 1]} : vector<512x512xf32> to vector<512x128xf32>
    %slice3A_1594 = vector.extract_strided_slice %dot_general3A_1432 {offsets = [0, 128], sizes = [512, 128], strides = [1, 1]} : vector<512x512xf32> to vector<512x128xf32>
    %mul3A_1595 = arith.mulf %slice3A_1593, %slice3A_1594 : vector<512x128xf32>
    %reduce_sum3A_1596 = arith.constant dense<0.000000e+00> : vector<512xf32>
    %reduce_sum3A_1597 = vector.multi_reduction <add>, %mul3A_1595, %reduce_sum3A_1596 [1] : vector<512x128xf32> to vector<512xf32>
    %broadcast_in_dim3A_1598 = vector.shape_cast %reduce_sum3A_1597 : vector<512xf32> to vector<512x1xf32>
    %slice3A_1599 = vector.extract_strided_slice %dot_general3A_1426 {offsets = [0, 128], sizes = [512, 128], strides = [1, 1]} : vector<512x512xf32> to vector<512x128xf32>
    %slice3A_1600 = vector.extract_strided_slice %dot_general3A_1434 {offsets = [0, 128], sizes = [512, 128], strides = [1, 1]} : vector<512x512xf32> to vector<512x128xf32>
    %mul3A_1601 = arith.mulf %slice3A_1599, %slice3A_1600 : vector<512x128xf32>
    %reduce_sum3A_1602 = arith.constant dense<0.000000e+00> : vector<512xf32>
    %reduce_sum3A_1603 = vector.multi_reduction <add>, %mul3A_1601, %reduce_sum3A_1602 [1] : vector<512x128xf32> to vector<512xf32>
    %broadcast_in_dim3A_1604 = vector.shape_cast %reduce_sum3A_1603 : vector<512xf32> to vector<512x1xf32>
    %slice3A_1605 = vector.extract_strided_slice %dot_general3A_1426 {offsets = [0, 128], sizes = [512, 128], strides = [1, 1]} : vector<512x512xf32> to vector<512x128xf32>
    %slice3A_1606 = vector.extract_strided_slice %dot_general3A_1436 {offsets = [0, 128], sizes = [512, 128], strides = [1, 1]} : vector<512x512xf32> to vector<512x128xf32>
    %mul3A_1607 = arith.mulf %slice3A_1605, %slice3A_1606 : vector<512x128xf32>
    %reduce_sum3A_1608 = arith.constant dense<0.000000e+00> : vector<512xf32>
    %reduce_sum3A_1609 = vector.multi_reduction <add>, %mul3A_1607, %reduce_sum3A_1608 [1] : vector<512x128xf32> to vector<512xf32>
    %broadcast_in_dim3A_1610 = vector.shape_cast %reduce_sum3A_1609 : vector<512xf32> to vector<512x1xf32>
    %concatenate3A_1611 = tpu.concatenate %broadcast_in_dim3A_1598, %broadcast_in_dim3A_1604, %broadcast_in_dim3A_1610 in 1 : vector<512x1xf32>, vector<512x1xf32>, vector<512x1xf32> -> vector<512x3xf32>
    %mul3A_1612 = arith.constant 0.0883883461 : f32
    %mul3A_1613 = vector.broadcast %mul3A_1612 : f32 to vector<512x3xf32>
    %mul3A_1614 = arith.mulf %concatenate3A_1611, %mul3A_1613 : vector<512x3xf32>
    %reduce_max3A_1615 = arith.constant dense<0xFF800000> : vector<512xf32>
    %reduce_max3A_1616 = vector.multi_reduction <maximumf>, %mul3A_1614, %reduce_max3A_1615 [1] : vector<512x3xf32> to vector<512xf32>
    %broadcast_in_dim3A_1617 = vector.shape_cast %reduce_max3A_1616 : vector<512xf32> to vector<512x1xf32>
    %sub3A_1618 = vector.broadcast %broadcast_in_dim3A_1617 : vector<512x1xf32> to vector<512x3xf32>
    %sub3A_1619 = arith.subf %mul3A_1614, %sub3A_1618 : vector<512x3xf32>
    %exp3A_1620 = math.exp %sub3A_1619 : vector<512x3xf32>
    %reduce_sum3A_1621 = arith.constant dense<0.000000e+00> : vector<512xf32>
    %reduce_sum3A_1622 = vector.multi_reduction <add>, %exp3A_1620, %reduce_sum3A_1621 [1] : vector<512x3xf32> to vector<512xf32>
    %broadcast_in_dim3A_1623 = vector.shape_cast %reduce_sum3A_1622 : vector<512xf32> to vector<512x1xf32>
    %div3A_1624 = vector.broadcast %broadcast_in_dim3A_1623 : vector<512x1xf32> to vector<512x3xf32>
    %div3A_1625 = arith.divf %exp3A_1620, %div3A_1624 : vector<512x3xf32>
    %slice3A_1626 = vector.extract_strided_slice %div3A_1625 {offsets = [0, 0], sizes = [512, 1], strides = [1, 1]} : vector<512x3xf32> to vector<512x1xf32>
    %slice3A_1627 = vector.extract_strided_slice %dot_general3A_1438 {offsets = [0, 128], sizes = [512, 128], strides = [1, 1]} : vector<512x512xf32> to vector<512x128xf32>
    %mul3A_1628 = vector.broadcast %slice3A_1626 : vector<512x1xf32> to vector<512x128xf32>
    %mul3A_1629 = arith.mulf %mul3A_1628, %slice3A_1627 : vector<512x128xf32>
    %slice3A_1630 = vector.extract_strided_slice %div3A_1625 {offsets = [0, 1], sizes = [512, 1], strides = [1, 1]} : vector<512x3xf32> to vector<512x1xf32>
    %slice3A_1631 = vector.extract_strided_slice %dot_general3A_1440 {offsets = [0, 128], sizes = [512, 128], strides = [1, 1]} : vector<512x512xf32> to vector<512x128xf32>
    %mul3A_1632 = vector.broadcast %slice3A_1630 : vector<512x1xf32> to vector<512x128xf32>
    %mul3A_1633 = arith.mulf %mul3A_1632, %slice3A_1631 : vector<512x128xf32>
    %add3A_1634 = arith.addf %mul3A_1629, %mul3A_1633 : vector<512x128xf32>
    %slice3A_1635 = vector.extract_strided_slice %div3A_1625 {offsets = [0, 2], sizes = [512, 1], strides = [1, 1]} : vector<512x3xf32> to vector<512x1xf32>
    %slice3A_1636 = vector.extract_strided_slice %dot_general3A_1442 {offsets = [0, 128], sizes = [512, 128], strides = [1, 1]} : vector<512x512xf32> to vector<512x128xf32>
    %mul3A_1637 = vector.broadcast %slice3A_1635 : vector<512x1xf32> to vector<512x128xf32>
    %mul3A_1638 = arith.mulf %mul3A_1637, %slice3A_1636 : vector<512x128xf32>
    %add3A_1639 = arith.addf %add3A_1634, %mul3A_1638 : vector<512x128xf32>
    %add3A_1640 = arith.addf %add3A_1496, %add3A_1639 : vector<512x128xf32>
    %slice3A_1641 = vector.extract_strided_slice %dot_general3A_1428 {offsets = [0, 128], sizes = [512, 128], strides = [1, 1]} : vector<512x512xf32> to vector<512x128xf32>
    %slice3A_1642 = vector.extract_strided_slice %dot_general3A_1432 {offsets = [0, 128], sizes = [512, 128], strides = [1, 1]} : vector<512x512xf32> to vector<512x128xf32>
    %mul3A_1643 = arith.mulf %slice3A_1641, %slice3A_1642 : vector<512x128xf32>
    %reduce_sum3A_1644 = arith.constant dense<0.000000e+00> : vector<512xf32>
    %reduce_sum3A_1645 = vector.multi_reduction <add>, %mul3A_1643, %reduce_sum3A_1644 [1] : vector<512x128xf32> to vector<512xf32>
    %broadcast_in_dim3A_1646 = vector.shape_cast %reduce_sum3A_1645 : vector<512xf32> to vector<512x1xf32>
    %slice3A_1647 = vector.extract_strided_slice %dot_general3A_1428 {offsets = [0, 128], sizes = [512, 128], strides = [1, 1]} : vector<512x512xf32> to vector<512x128xf32>
    %slice3A_1648 = vector.extract_strided_slice %dot_general3A_1434 {offsets = [0, 128], sizes = [512, 128], strides = [1, 1]} : vector<512x512xf32> to vector<512x128xf32>
    %mul3A_1649 = arith.mulf %slice3A_1647, %slice3A_1648 : vector<512x128xf32>
    %reduce_sum3A_1650 = arith.constant dense<0.000000e+00> : vector<512xf32>
    %reduce_sum3A_1651 = vector.multi_reduction <add>, %mul3A_1649, %reduce_sum3A_1650 [1] : vector<512x128xf32> to vector<512xf32>
    %broadcast_in_dim3A_1652 = vector.shape_cast %reduce_sum3A_1651 : vector<512xf32> to vector<512x1xf32>
    %slice3A_1653 = vector.extract_strided_slice %dot_general3A_1428 {offsets = [0, 128], sizes = [512, 128], strides = [1, 1]} : vector<512x512xf32> to vector<512x128xf32>
    %slice3A_1654 = vector.extract_strided_slice %dot_general3A_1436 {offsets = [0, 128], sizes = [512, 128], strides = [1, 1]} : vector<512x512xf32> to vector<512x128xf32>
    %mul3A_1655 = arith.mulf %slice3A_1653, %slice3A_1654 : vector<512x128xf32>
    %reduce_sum3A_1656 = arith.constant dense<0.000000e+00> : vector<512xf32>
    %reduce_sum3A_1657 = vector.multi_reduction <add>, %mul3A_1655, %reduce_sum3A_1656 [1] : vector<512x128xf32> to vector<512xf32>
    %broadcast_in_dim3A_1658 = vector.shape_cast %reduce_sum3A_1657 : vector<512xf32> to vector<512x1xf32>
    %concatenate3A_1659 = tpu.concatenate %broadcast_in_dim3A_1646, %broadcast_in_dim3A_1652, %broadcast_in_dim3A_1658 in 1 : vector<512x1xf32>, vector<512x1xf32>, vector<512x1xf32> -> vector<512x3xf32>
    %mul3A_1660 = arith.constant 0.0883883461 : f32
    %mul3A_1661 = vector.broadcast %mul3A_1660 : f32 to vector<512x3xf32>
    %mul3A_1662 = arith.mulf %concatenate3A_1659, %mul3A_1661 : vector<512x3xf32>
    %reduce_max3A_1663 = arith.constant dense<0xFF800000> : vector<512xf32>
    %reduce_max3A_1664 = vector.multi_reduction <maximumf>, %mul3A_1662, %reduce_max3A_1663 [1] : vector<512x3xf32> to vector<512xf32>
    %broadcast_in_dim3A_1665 = vector.shape_cast %reduce_max3A_1664 : vector<512xf32> to vector<512x1xf32>
    %sub3A_1666 = vector.broadcast %broadcast_in_dim3A_1665 : vector<512x1xf32> to vector<512x3xf32>
    %sub3A_1667 = arith.subf %mul3A_1662, %sub3A_1666 : vector<512x3xf32>
    %exp3A_1668 = math.exp %sub3A_1667 : vector<512x3xf32>
    %reduce_sum3A_1669 = arith.constant dense<0.000000e+00> : vector<512xf32>
    %reduce_sum3A_1670 = vector.multi_reduction <add>, %exp3A_1668, %reduce_sum3A_1669 [1] : vector<512x3xf32> to vector<512xf32>
    %broadcast_in_dim3A_1671 = vector.shape_cast %reduce_sum3A_1670 : vector<512xf32> to vector<512x1xf32>
    %div3A_1672 = vector.broadcast %broadcast_in_dim3A_1671 : vector<512x1xf32> to vector<512x3xf32>
    %div3A_1673 = arith.divf %exp3A_1668, %div3A_1672 : vector<512x3xf32>
    %slice3A_1674 = vector.extract_strided_slice %div3A_1673 {offsets = [0, 0], sizes = [512, 1], strides = [1, 1]} : vector<512x3xf32> to vector<512x1xf32>
    %slice3A_1675 = vector.extract_strided_slice %dot_general3A_1438 {offsets = [0, 128], sizes = [512, 128], strides = [1, 1]} : vector<512x512xf32> to vector<512x128xf32>
    %mul3A_1676 = vector.broadcast %slice3A_1674 : vector<512x1xf32> to vector<512x128xf32>
    %mul3A_1677 = arith.mulf %mul3A_1676, %slice3A_1675 : vector<512x128xf32>
    %slice3A_1678 = vector.extract_strided_slice %div3A_1673 {offsets = [0, 1], sizes = [512, 1], strides = [1, 1]} : vector<512x3xf32> to vector<512x1xf32>
    %slice3A_1679 = vector.extract_strided_slice %dot_general3A_1440 {offsets = [0, 128], sizes = [512, 128], strides = [1, 1]} : vector<512x512xf32> to vector<512x128xf32>
    %mul3A_1680 = vector.broadcast %slice3A_1678 : vector<512x1xf32> to vector<512x128xf32>
    %mul3A_1681 = arith.mulf %mul3A_1680, %slice3A_1679 : vector<512x128xf32>
    %add3A_1682 = arith.addf %mul3A_1677, %mul3A_1681 : vector<512x128xf32>
    %slice3A_1683 = vector.extract_strided_slice %div3A_1673 {offsets = [0, 2], sizes = [512, 1], strides = [1, 1]} : vector<512x3xf32> to vector<512x1xf32>
    %slice3A_1684 = vector.extract_strided_slice %dot_general3A_1442 {offsets = [0, 128], sizes = [512, 128], strides = [1, 1]} : vector<512x512xf32> to vector<512x128xf32>
    %mul3A_1685 = vector.broadcast %slice3A_1683 : vector<512x1xf32> to vector<512x128xf32>
    %mul3A_1686 = arith.mulf %mul3A_1685, %slice3A_1684 : vector<512x128xf32>
    %add3A_1687 = arith.addf %add3A_1682, %mul3A_1686 : vector<512x128xf32>
    %add3A_1688 = arith.addf %add3A_1544, %add3A_1687 : vector<512x128xf32>
    %slice3A_1689 = vector.extract_strided_slice %dot_general3A_1430 {offsets = [0, 128], sizes = [512, 128], strides = [1, 1]} : vector<512x512xf32> to vector<512x128xf32>
    %slice3A_1690 = vector.extract_strided_slice %dot_general3A_1432 {offsets = [0, 128], sizes = [512, 128], strides = [1, 1]} : vector<512x512xf32> to vector<512x128xf32>
    %mul3A_1691 = arith.mulf %slice3A_1689, %slice3A_1690 : vector<512x128xf32>
    %reduce_sum3A_1692 = arith.constant dense<0.000000e+00> : vector<512xf32>
    %reduce_sum3A_1693 = vector.multi_reduction <add>, %mul3A_1691, %reduce_sum3A_1692 [1] : vector<512x128xf32> to vector<512xf32>
    %broadcast_in_dim3A_1694 = vector.shape_cast %reduce_sum3A_1693 : vector<512xf32> to vector<512x1xf32>
    %slice3A_1695 = vector.extract_strided_slice %dot_general3A_1430 {offsets = [0, 128], sizes = [512, 128], strides = [1, 1]} : vector<512x512xf32> to vector<512x128xf32>
    %slice3A_1696 = vector.extract_strided_slice %dot_general3A_1434 {offsets = [0, 128], sizes = [512, 128], strides = [1, 1]} : vector<512x512xf32> to vector<512x128xf32>
    %mul3A_1697 = arith.mulf %slice3A_1695, %slice3A_1696 : vector<512x128xf32>
    %reduce_sum3A_1698 = arith.constant dense<0.000000e+00> : vector<512xf32>
    %reduce_sum3A_1699 = vector.multi_reduction <add>, %mul3A_1697, %reduce_sum3A_1698 [1] : vector<512x128xf32> to vector<512xf32>
    %broadcast_in_dim3A_1700 = vector.shape_cast %reduce_sum3A_1699 : vector<512xf32> to vector<512x1xf32>
    %slice3A_1701 = vector.extract_strided_slice %dot_general3A_1430 {offsets = [0, 128], sizes = [512, 128], strides = [1, 1]} : vector<512x512xf32> to vector<512x128xf32>
    %slice3A_1702 = vector.extract_strided_slice %dot_general3A_1436 {offsets = [0, 128], sizes = [512, 128], strides = [1, 1]} : vector<512x512xf32> to vector<512x128xf32>
    %mul3A_1703 = arith.mulf %slice3A_1701, %slice3A_1702 : vector<512x128xf32>
    %reduce_sum3A_1704 = arith.constant dense<0.000000e+00> : vector<512xf32>
    %reduce_sum3A_1705 = vector.multi_reduction <add>, %mul3A_1703, %reduce_sum3A_1704 [1] : vector<512x128xf32> to vector<512xf32>
    %broadcast_in_dim3A_1706 = vector.shape_cast %reduce_sum3A_1705 : vector<512xf32> to vector<512x1xf32>
    %concatenate3A_1707 = tpu.concatenate %broadcast_in_dim3A_1694, %broadcast_in_dim3A_1700, %broadcast_in_dim3A_1706 in 1 : vector<512x1xf32>, vector<512x1xf32>, vector<512x1xf32> -> vector<512x3xf32>
    %mul3A_1708 = arith.constant 0.0883883461 : f32
    %mul3A_1709 = vector.broadcast %mul3A_1708 : f32 to vector<512x3xf32>
    %mul3A_1710 = arith.mulf %concatenate3A_1707, %mul3A_1709 : vector<512x3xf32>
    %reduce_max3A_1711 = arith.constant dense<0xFF800000> : vector<512xf32>
    %reduce_max3A_1712 = vector.multi_reduction <maximumf>, %mul3A_1710, %reduce_max3A_1711 [1] : vector<512x3xf32> to vector<512xf32>
    %broadcast_in_dim3A_1713 = vector.shape_cast %reduce_max3A_1712 : vector<512xf32> to vector<512x1xf32>
    %sub3A_1714 = vector.broadcast %broadcast_in_dim3A_1713 : vector<512x1xf32> to vector<512x3xf32>
    %sub3A_1715 = arith.subf %mul3A_1710, %sub3A_1714 : vector<512x3xf32>
    %exp3A_1716 = math.exp %sub3A_1715 : vector<512x3xf32>
    %reduce_sum3A_1717 = arith.constant dense<0.000000e+00> : vector<512xf32>
    %reduce_sum3A_1718 = vector.multi_reduction <add>, %exp3A_1716, %reduce_sum3A_1717 [1] : vector<512x3xf32> to vector<512xf32>
    %broadcast_in_dim3A_1719 = vector.shape_cast %reduce_sum3A_1718 : vector<512xf32> to vector<512x1xf32>
    %div3A_1720 = vector.broadcast %broadcast_in_dim3A_1719 : vector<512x1xf32> to vector<512x3xf32>
    %div3A_1721 = arith.divf %exp3A_1716, %div3A_1720 : vector<512x3xf32>
    %slice3A_1722 = vector.extract_strided_slice %div3A_1721 {offsets = [0, 0], sizes = [512, 1], strides = [1, 1]} : vector<512x3xf32> to vector<512x1xf32>
    %slice3A_1723 = vector.extract_strided_slice %dot_general3A_1438 {offsets = [0, 128], sizes = [512, 128], strides = [1, 1]} : vector<512x512xf32> to vector<512x128xf32>
    %mul3A_1724 = vector.broadcast %slice3A_1722 : vector<512x1xf32> to vector<512x128xf32>
    %mul3A_1725 = arith.mulf %mul3A_1724, %slice3A_1723 : vector<512x128xf32>
    %slice3A_1726 = vector.extract_strided_slice %div3A_1721 {offsets = [0, 1], sizes = [512, 1], strides = [1, 1]} : vector<512x3xf32> to vector<512x1xf32>
    %slice3A_1727 = vector.extract_strided_slice %dot_general3A_1440 {offsets = [0, 128], sizes = [512, 128], strides = [1, 1]} : vector<512x512xf32> to vector<512x128xf32>
    %mul3A_1728 = vector.broadcast %slice3A_1726 : vector<512x1xf32> to vector<512x128xf32>
    %mul3A_1729 = arith.mulf %mul3A_1728, %slice3A_1727 : vector<512x128xf32>
    %add3A_1730 = arith.addf %mul3A_1725, %mul3A_1729 : vector<512x128xf32>
    %slice3A_1731 = vector.extract_strided_slice %div3A_1721 {offsets = [0, 2], sizes = [512, 1], strides = [1, 1]} : vector<512x3xf32> to vector<512x1xf32>
    %slice3A_1732 = vector.extract_strided_slice %dot_general3A_1442 {offsets = [0, 128], sizes = [512, 128], strides = [1, 1]} : vector<512x512xf32> to vector<512x128xf32>
    %mul3A_1733 = vector.broadcast %slice3A_1731 : vector<512x1xf32> to vector<512x128xf32>
    %mul3A_1734 = arith.mulf %mul3A_1733, %slice3A_1732 : vector<512x128xf32>
    %add3A_1735 = arith.addf %add3A_1730, %mul3A_1734 : vector<512x128xf32>
    %add3A_1736 = arith.addf %add3A_1592, %add3A_1735 : vector<512x128xf32>
    %slice3A_1737 = vector.extract_strided_slice %dot_general3A_1426 {offsets = [0, 256], sizes = [512, 128], strides = [1, 1]} : vector<512x512xf32> to vector<512x128xf32>
    %slice3A_1738 = vector.extract_strided_slice %dot_general3A_1432 {offsets = [0, 256], sizes = [512, 128], strides = [1, 1]} : vector<512x512xf32> to vector<512x128xf32>
    %mul3A_1739 = arith.mulf %slice3A_1737, %slice3A_1738 : vector<512x128xf32>
    %reduce_sum3A_1740 = arith.constant dense<0.000000e+00> : vector<512xf32>
    %reduce_sum3A_1741 = vector.multi_reduction <add>, %mul3A_1739, %reduce_sum3A_1740 [1] : vector<512x128xf32> to vector<512xf32>
    %broadcast_in_dim3A_1742 = vector.shape_cast %reduce_sum3A_1741 : vector<512xf32> to vector<512x1xf32>
    %slice3A_1743 = vector.extract_strided_slice %dot_general3A_1426 {offsets = [0, 256], sizes = [512, 128], strides = [1, 1]} : vector<512x512xf32> to vector<512x128xf32>
    %slice3A_1744 = vector.extract_strided_slice %dot_general3A_1434 {offsets = [0, 256], sizes = [512, 128], strides = [1, 1]} : vector<512x512xf32> to vector<512x128xf32>
    %mul3A_1745 = arith.mulf %slice3A_1743, %slice3A_1744 : vector<512x128xf32>
    %reduce_sum3A_1746 = arith.constant dense<0.000000e+00> : vector<512xf32>
    %reduce_sum3A_1747 = vector.multi_reduction <add>, %mul3A_1745, %reduce_sum3A_1746 [1] : vector<512x128xf32> to vector<512xf32>
    %broadcast_in_dim3A_1748 = vector.shape_cast %reduce_sum3A_1747 : vector<512xf32> to vector<512x1xf32>
    %slice3A_1749 = vector.extract_strided_slice %dot_general3A_1426 {offsets = [0, 256], sizes = [512, 128], strides = [1, 1]} : vector<512x512xf32> to vector<512x128xf32>
    %slice3A_1750 = vector.extract_strided_slice %dot_general3A_1436 {offsets = [0, 256], sizes = [512, 128], strides = [1, 1]} : vector<512x512xf32> to vector<512x128xf32>
    %mul3A_1751 = arith.mulf %slice3A_1749, %slice3A_1750 : vector<512x128xf32>
    %reduce_sum3A_1752 = arith.constant dense<0.000000e+00> : vector<512xf32>
    %reduce_sum3A_1753 = vector.multi_reduction <add>, %mul3A_1751, %reduce_sum3A_1752 [1] : vector<512x128xf32> to vector<512xf32>
    %broadcast_in_dim3A_1754 = vector.shape_cast %reduce_sum3A_1753 : vector<512xf32> to vector<512x1xf32>
    %concatenate3A_1755 = tpu.concatenate %broadcast_in_dim3A_1742, %broadcast_in_dim3A_1748, %broadcast_in_dim3A_1754 in 1 : vector<512x1xf32>, vector<512x1xf32>, vector<512x1xf32> -> vector<512x3xf32>
    %mul3A_1756 = arith.constant 0.0883883461 : f32
    %mul3A_1757 = vector.broadcast %mul3A_1756 : f32 to vector<512x3xf32>
    %mul3A_1758 = arith.mulf %concatenate3A_1755, %mul3A_1757 : vector<512x3xf32>
    %reduce_max3A_1759 = arith.constant dense<0xFF800000> : vector<512xf32>
    %reduce_max3A_1760 = vector.multi_reduction <maximumf>, %mul3A_1758, %reduce_max3A_1759 [1] : vector<512x3xf32> to vector<512xf32>
    %broadcast_in_dim3A_1761 = vector.shape_cast %reduce_max3A_1760 : vector<512xf32> to vector<512x1xf32>
    %sub3A_1762 = vector.broadcast %broadcast_in_dim3A_1761 : vector<512x1xf32> to vector<512x3xf32>
    %sub3A_1763 = arith.subf %mul3A_1758, %sub3A_1762 : vector<512x3xf32>
    %exp3A_1764 = math.exp %sub3A_1763 : vector<512x3xf32>
    %reduce_sum3A_1765 = arith.constant dense<0.000000e+00> : vector<512xf32>
    %reduce_sum3A_1766 = vector.multi_reduction <add>, %exp3A_1764, %reduce_sum3A_1765 [1] : vector<512x3xf32> to vector<512xf32>
    %broadcast_in_dim3A_1767 = vector.shape_cast %reduce_sum3A_1766 : vector<512xf32> to vector<512x1xf32>
    %div3A_1768 = vector.broadcast %broadcast_in_dim3A_1767 : vector<512x1xf32> to vector<512x3xf32>
    %div3A_1769 = arith.divf %exp3A_1764, %div3A_1768 : vector<512x3xf32>
    %slice3A_1770 = vector.extract_strided_slice %div3A_1769 {offsets = [0, 0], sizes = [512, 1], strides = [1, 1]} : vector<512x3xf32> to vector<512x1xf32>
    %slice3A_1771 = vector.extract_strided_slice %dot_general3A_1438 {offsets = [0, 256], sizes = [512, 128], strides = [1, 1]} : vector<512x512xf32> to vector<512x128xf32>
    %mul3A_1772 = vector.broadcast %slice3A_1770 : vector<512x1xf32> to vector<512x128xf32>
    %mul3A_1773 = arith.mulf %mul3A_1772, %slice3A_1771 : vector<512x128xf32>
    %slice3A_1774 = vector.extract_strided_slice %div3A_1769 {offsets = [0, 1], sizes = [512, 1], strides = [1, 1]} : vector<512x3xf32> to vector<512x1xf32>
    %slice3A_1775 = vector.extract_strided_slice %dot_general3A_1440 {offsets = [0, 256], sizes = [512, 128], strides = [1, 1]} : vector<512x512xf32> to vector<512x128xf32>
    %mul3A_1776 = vector.broadcast %slice3A_1774 : vector<512x1xf32> to vector<512x128xf32>
    %mul3A_1777 = arith.mulf %mul3A_1776, %slice3A_1775 : vector<512x128xf32>
    %add3A_1778 = arith.addf %mul3A_1773, %mul3A_1777 : vector<512x128xf32>
    %slice3A_1779 = vector.extract_strided_slice %div3A_1769 {offsets = [0, 2], sizes = [512, 1], strides = [1, 1]} : vector<512x3xf32> to vector<512x1xf32>
    %slice3A_1780 = vector.extract_strided_slice %dot_general3A_1442 {offsets = [0, 256], sizes = [512, 128], strides = [1, 1]} : vector<512x512xf32> to vector<512x128xf32>
    %mul3A_1781 = vector.broadcast %slice3A_1779 : vector<512x1xf32> to vector<512x128xf32>
    %mul3A_1782 = arith.mulf %mul3A_1781, %slice3A_1780 : vector<512x128xf32>
    %add3A_1783 = arith.addf %add3A_1778, %mul3A_1782 : vector<512x128xf32>
    %add3A_1784 = arith.addf %add3A_1640, %add3A_1783 : vector<512x128xf32>
    %slice3A_1785 = vector.extract_strided_slice %dot_general3A_1428 {offsets = [0, 256], sizes = [512, 128], strides = [1, 1]} : vector<512x512xf32> to vector<512x128xf32>
    %slice3A_1786 = vector.extract_strided_slice %dot_general3A_1432 {offsets = [0, 256], sizes = [512, 128], strides = [1, 1]} : vector<512x512xf32> to vector<512x128xf32>
    %mul3A_1787 = arith.mulf %slice3A_1785, %slice3A_1786 : vector<512x128xf32>
    %reduce_sum3A_1788 = arith.constant dense<0.000000e+00> : vector<512xf32>
    %reduce_sum3A_1789 = vector.multi_reduction <add>, %mul3A_1787, %reduce_sum3A_1788 [1] : vector<512x128xf32> to vector<512xf32>
    %broadcast_in_dim3A_1790 = vector.shape_cast %reduce_sum3A_1789 : vector<512xf32> to vector<512x1xf32>
    %slice3A_1791 = vector.extract_strided_slice %dot_general3A_1428 {offsets = [0, 256], sizes = [512, 128], strides = [1, 1]} : vector<512x512xf32> to vector<512x128xf32>
    %slice3A_1792 = vector.extract_strided_slice %dot_general3A_1434 {offsets = [0, 256], sizes = [512, 128], strides = [1, 1]} : vector<512x512xf32> to vector<512x128xf32>
    %mul3A_1793 = arith.mulf %slice3A_1791, %slice3A_1792 : vector<512x128xf32>
    %reduce_sum3A_1794 = arith.constant dense<0.000000e+00> : vector<512xf32>
    %reduce_sum3A_1795 = vector.multi_reduction <add>, %mul3A_1793, %reduce_sum3A_1794 [1] : vector<512x128xf32> to vector<512xf32>
    %broadcast_in_dim3A_1796 = vector.shape_cast %reduce_sum3A_1795 : vector<512xf32> to vector<512x1xf32>
    %slice3A_1797 = vector.extract_strided_slice %dot_general3A_1428 {offsets = [0, 256], sizes = [512, 128], strides = [1, 1]} : vector<512x512xf32> to vector<512x128xf32>
    %slice3A_1798 = vector.extract_strided_slice %dot_general3A_1436 {offsets = [0, 256], sizes = [512, 128], strides = [1, 1]} : vector<512x512xf32> to vector<512x128xf32>
    %mul3A_1799 = arith.mulf %slice3A_1797, %slice3A_1798 : vector<512x128xf32>
    %reduce_sum3A_1800 = arith.constant dense<0.000000e+00> : vector<512xf32>
    %reduce_sum3A_1801 = vector.multi_reduction <add>, %mul3A_1799, %reduce_sum3A_1800 [1] : vector<512x128xf32> to vector<512xf32>
    %broadcast_in_dim3A_1802 = vector.shape_cast %reduce_sum3A_1801 : vector<512xf32> to vector<512x1xf32>
    %concatenate3A_1803 = tpu.concatenate %broadcast_in_dim3A_1790, %broadcast_in_dim3A_1796, %broadcast_in_dim3A_1802 in 1 : vector<512x1xf32>, vector<512x1xf32>, vector<512x1xf32> -> vector<512x3xf32>
    %mul3A_1804 = arith.constant 0.0883883461 : f32
    %mul3A_1805 = vector.broadcast %mul3A_1804 : f32 to vector<512x3xf32>
    %mul3A_1806 = arith.mulf %concatenate3A_1803, %mul3A_1805 : vector<512x3xf32>
    %reduce_max3A_1807 = arith.constant dense<0xFF800000> : vector<512xf32>
    %reduce_max3A_1808 = vector.multi_reduction <maximumf>, %mul3A_1806, %reduce_max3A_1807 [1] : vector<512x3xf32> to vector<512xf32>
    %broadcast_in_dim3A_1809 = vector.shape_cast %reduce_max3A_1808 : vector<512xf32> to vector<512x1xf32>
    %sub3A_1810 = vector.broadcast %broadcast_in_dim3A_1809 : vector<512x1xf32> to vector<512x3xf32>
    %sub3A_1811 = arith.subf %mul3A_1806, %sub3A_1810 : vector<512x3xf32>
    %exp3A_1812 = math.exp %sub3A_1811 : vector<512x3xf32>
    %reduce_sum3A_1813 = arith.constant dense<0.000000e+00> : vector<512xf32>
    %reduce_sum3A_1814 = vector.multi_reduction <add>, %exp3A_1812, %reduce_sum3A_1813 [1] : vector<512x3xf32> to vector<512xf32>
    %broadcast_in_dim3A_1815 = vector.shape_cast %reduce_sum3A_1814 : vector<512xf32> to vector<512x1xf32>
    %div3A_1816 = vector.broadcast %broadcast_in_dim3A_1815 : vector<512x1xf32> to vector<512x3xf32>
    %div3A_1817 = arith.divf %exp3A_1812, %div3A_1816 : vector<512x3xf32>
    %slice3A_1818 = vector.extract_strided_slice %div3A_1817 {offsets = [0, 0], sizes = [512, 1], strides = [1, 1]} : vector<512x3xf32> to vector<512x1xf32>
    %slice3A_1819 = vector.extract_strided_slice %dot_general3A_1438 {offsets = [0, 256], sizes = [512, 128], strides = [1, 1]} : vector<512x512xf32> to vector<512x128xf32>
    %mul3A_1820 = vector.broadcast %slice3A_1818 : vector<512x1xf32> to vector<512x128xf32>
    %mul3A_1821 = arith.mulf %mul3A_1820, %slice3A_1819 : vector<512x128xf32>
    %slice3A_1822 = vector.extract_strided_slice %div3A_1817 {offsets = [0, 1], sizes = [512, 1], strides = [1, 1]} : vector<512x3xf32> to vector<512x1xf32>
    %slice3A_1823 = vector.extract_strided_slice %dot_general3A_1440 {offsets = [0, 256], sizes = [512, 128], strides = [1, 1]} : vector<512x512xf32> to vector<512x128xf32>
    %mul3A_1824 = vector.broadcast %slice3A_1822 : vector<512x1xf32> to vector<512x128xf32>
    %mul3A_1825 = arith.mulf %mul3A_1824, %slice3A_1823 : vector<512x128xf32>
    %add3A_1826 = arith.addf %mul3A_1821, %mul3A_1825 : vector<512x128xf32>
    %slice3A_1827 = vector.extract_strided_slice %div3A_1817 {offsets = [0, 2], sizes = [512, 1], strides = [1, 1]} : vector<512x3xf32> to vector<512x1xf32>
    %slice3A_1828 = vector.extract_strided_slice %dot_general3A_1442 {offsets = [0, 256], sizes = [512, 128], strides = [1, 1]} : vector<512x512xf32> to vector<512x128xf32>
    %mul3A_1829 = vector.broadcast %slice3A_1827 : vector<512x1xf32> to vector<512x128xf32>
    %mul3A_1830 = arith.mulf %mul3A_1829, %slice3A_1828 : vector<512x128xf32>
    %add3A_1831 = arith.addf %add3A_1826, %mul3A_1830 : vector<512x128xf32>
    %add3A_1832 = arith.addf %add3A_1688, %add3A_1831 : vector<512x128xf32>
    %slice3A_1833 = vector.extract_strided_slice %dot_general3A_1430 {offsets = [0, 256], sizes = [512, 128], strides = [1, 1]} : vector<512x512xf32> to vector<512x128xf32>
    %slice3A_1834 = vector.extract_strided_slice %dot_general3A_1432 {offsets = [0, 256], sizes = [512, 128], strides = [1, 1]} : vector<512x512xf32> to vector<512x128xf32>
    %mul3A_1835 = arith.mulf %slice3A_1833, %slice3A_1834 : vector<512x128xf32>
    %reduce_sum3A_1836 = arith.constant dense<0.000000e+00> : vector<512xf32>
    %reduce_sum3A_1837 = vector.multi_reduction <add>, %mul3A_1835, %reduce_sum3A_1836 [1] : vector<512x128xf32> to vector<512xf32>
    %broadcast_in_dim3A_1838 = vector.shape_cast %reduce_sum3A_1837 : vector<512xf32> to vector<512x1xf32>
    %slice3A_1839 = vector.extract_strided_slice %dot_general3A_1430 {offsets = [0, 256], sizes = [512, 128], strides = [1, 1]} : vector<512x512xf32> to vector<512x128xf32>
    %slice3A_1840 = vector.extract_strided_slice %dot_general3A_1434 {offsets = [0, 256], sizes = [512, 128], strides = [1, 1]} : vector<512x512xf32> to vector<512x128xf32>
    %mul3A_1841 = arith.mulf %slice3A_1839, %slice3A_1840 : vector<512x128xf32>
    %reduce_sum3A_1842 = arith.constant dense<0.000000e+00> : vector<512xf32>
    %reduce_sum3A_1843 = vector.multi_reduction <add>, %mul3A_1841, %reduce_sum3A_1842 [1] : vector<512x128xf32> to vector<512xf32>
    %broadcast_in_dim3A_1844 = vector.shape_cast %reduce_sum3A_1843 : vector<512xf32> to vector<512x1xf32>
    %slice3A_1845 = vector.extract_strided_slice %dot_general3A_1430 {offsets = [0, 256], sizes = [512, 128], strides = [1, 1]} : vector<512x512xf32> to vector<512x128xf32>
    %slice3A_1846 = vector.extract_strided_slice %dot_general3A_1436 {offsets = [0, 256], sizes = [512, 128], strides = [1, 1]} : vector<512x512xf32> to vector<512x128xf32>
    %mul3A_1847 = arith.mulf %slice3A_1845, %slice3A_1846 : vector<512x128xf32>
    %reduce_sum3A_1848 = arith.constant dense<0.000000e+00> : vector<512xf32>
    %reduce_sum3A_1849 = vector.multi_reduction <add>, %mul3A_1847, %reduce_sum3A_1848 [1] : vector<512x128xf32> to vector<512xf32>
    %broadcast_in_dim3A_1850 = vector.shape_cast %reduce_sum3A_1849 : vector<512xf32> to vector<512x1xf32>
    %concatenate3A_1851 = tpu.concatenate %broadcast_in_dim3A_1838, %broadcast_in_dim3A_1844, %broadcast_in_dim3A_1850 in 1 : vector<512x1xf32>, vector<512x1xf32>, vector<512x1xf32> -> vector<512x3xf32>
    %mul3A_1852 = arith.constant 0.0883883461 : f32
    %mul3A_1853 = vector.broadcast %mul3A_1852 : f32 to vector<512x3xf32>
    %mul3A_1854 = arith.mulf %concatenate3A_1851, %mul3A_1853 : vector<512x3xf32>
    %reduce_max3A_1855 = arith.constant dense<0xFF800000> : vector<512xf32>
    %reduce_max3A_1856 = vector.multi_reduction <maximumf>, %mul3A_1854, %reduce_max3A_1855 [1] : vector<512x3xf32> to vector<512xf32>
    %broadcast_in_dim3A_1857 = vector.shape_cast %reduce_max3A_1856 : vector<512xf32> to vector<512x1xf32>
    %sub3A_1858 = vector.broadcast %broadcast_in_dim3A_1857 : vector<512x1xf32> to vector<512x3xf32>
    %sub3A_1859 = arith.subf %mul3A_1854, %sub3A_1858 : vector<512x3xf32>
    %exp3A_1860 = math.exp %sub3A_1859 : vector<512x3xf32>
    %reduce_sum3A_1861 = arith.constant dense<0.000000e+00> : vector<512xf32>
    %reduce_sum3A_1862 = vector.multi_reduction <add>, %exp3A_1860, %reduce_sum3A_1861 [1] : vector<512x3xf32> to vector<512xf32>
    %broadcast_in_dim3A_1863 = vector.shape_cast %reduce_sum3A_1862 : vector<512xf32> to vector<512x1xf32>
    %div3A_1864 = vector.broadcast %broadcast_in_dim3A_1863 : vector<512x1xf32> to vector<512x3xf32>
    %div3A_1865 = arith.divf %exp3A_1860, %div3A_1864 : vector<512x3xf32>
    %slice3A_1866 = vector.extract_strided_slice %div3A_1865 {offsets = [0, 0], sizes = [512, 1], strides = [1, 1]} : vector<512x3xf32> to vector<512x1xf32>
    %slice3A_1867 = vector.extract_strided_slice %dot_general3A_1438 {offsets = [0, 256], sizes = [512, 128], strides = [1, 1]} : vector<512x512xf32> to vector<512x128xf32>
    %mul3A_1868 = vector.broadcast %slice3A_1866 : vector<512x1xf32> to vector<512x128xf32>
    %mul3A_1869 = arith.mulf %mul3A_1868, %slice3A_1867 : vector<512x128xf32>
    %slice3A_1870 = vector.extract_strided_slice %div3A_1865 {offsets = [0, 1], sizes = [512, 1], strides = [1, 1]} : vector<512x3xf32> to vector<512x1xf32>
    %slice3A_1871 = vector.extract_strided_slice %dot_general3A_1440 {offsets = [0, 256], sizes = [512, 128], strides = [1, 1]} : vector<512x512xf32> to vector<512x128xf32>
    %mul3A_1872 = vector.broadcast %slice3A_1870 : vector<512x1xf32> to vector<512x128xf32>
    %mul3A_1873 = arith.mulf %mul3A_1872, %slice3A_1871 : vector<512x128xf32>
    %add3A_1874 = arith.addf %mul3A_1869, %mul3A_1873 : vector<512x128xf32>
    %slice3A_1875 = vector.extract_strided_slice %div3A_1865 {offsets = [0, 2], sizes = [512, 1], strides = [1, 1]} : vector<512x3xf32> to vector<512x1xf32>
    %slice3A_1876 = vector.extract_strided_slice %dot_general3A_1442 {offsets = [0, 256], sizes = [512, 128], strides = [1, 1]} : vector<512x512xf32> to vector<512x128xf32>
    %mul3A_1877 = vector.broadcast %slice3A_1875 : vector<512x1xf32> to vector<512x128xf32>
    %mul3A_1878 = arith.mulf %mul3A_1877, %slice3A_1876 : vector<512x128xf32>
    %add3A_1879 = arith.addf %add3A_1874, %mul3A_1878 : vector<512x128xf32>
    %add3A_1880 = arith.addf %add3A_1736, %add3A_1879 : vector<512x128xf32>
    %slice3A_1881 = vector.extract_strided_slice %dot_general3A_1426 {offsets = [0, 384], sizes = [512, 128], strides = [1, 1]} : vector<512x512xf32> to vector<512x128xf32>
    %slice3A_1882 = vector.extract_strided_slice %dot_general3A_1432 {offsets = [0, 384], sizes = [512, 128], strides = [1, 1]} : vector<512x512xf32> to vector<512x128xf32>
    %mul3A_1883 = arith.mulf %slice3A_1881, %slice3A_1882 : vector<512x128xf32>
    %reduce_sum3A_1884 = arith.constant dense<0.000000e+00> : vector<512xf32>
    %reduce_sum3A_1885 = vector.multi_reduction <add>, %mul3A_1883, %reduce_sum3A_1884 [1] : vector<512x128xf32> to vector<512xf32>
    %broadcast_in_dim3A_1886 = vector.shape_cast %reduce_sum3A_1885 : vector<512xf32> to vector<512x1xf32>
    %slice3A_1887 = vector.extract_strided_slice %dot_general3A_1426 {offsets = [0, 384], sizes = [512, 128], strides = [1, 1]} : vector<512x512xf32> to vector<512x128xf32>
    %slice3A_1888 = vector.extract_strided_slice %dot_general3A_1434 {offsets = [0, 384], sizes = [512, 128], strides = [1, 1]} : vector<512x512xf32> to vector<512x128xf32>
    %mul3A_1889 = arith.mulf %slice3A_1887, %slice3A_1888 : vector<512x128xf32>
    %reduce_sum3A_1890 = arith.constant dense<0.000000e+00> : vector<512xf32>
    %reduce_sum3A_1891 = vector.multi_reduction <add>, %mul3A_1889, %reduce_sum3A_1890 [1] : vector<512x128xf32> to vector<512xf32>
    %broadcast_in_dim3A_1892 = vector.shape_cast %reduce_sum3A_1891 : vector<512xf32> to vector<512x1xf32>
    %slice3A_1893 = vector.extract_strided_slice %dot_general3A_1426 {offsets = [0, 384], sizes = [512, 128], strides = [1, 1]} : vector<512x512xf32> to vector<512x128xf32>
    %slice3A_1894 = vector.extract_strided_slice %dot_general3A_1436 {offsets = [0, 384], sizes = [512, 128], strides = [1, 1]} : vector<512x512xf32> to vector<512x128xf32>
    %mul3A_1895 = arith.mulf %slice3A_1893, %slice3A_1894 : vector<512x128xf32>
    %reduce_sum3A_1896 = arith.constant dense<0.000000e+00> : vector<512xf32>
    %reduce_sum3A_1897 = vector.multi_reduction <add>, %mul3A_1895, %reduce_sum3A_1896 [1] : vector<512x128xf32> to vector<512xf32>
    %broadcast_in_dim3A_1898 = vector.shape_cast %reduce_sum3A_1897 : vector<512xf32> to vector<512x1xf32>
    %concatenate3A_1899 = tpu.concatenate %broadcast_in_dim3A_1886, %broadcast_in_dim3A_1892, %broadcast_in_dim3A_1898 in 1 : vector<512x1xf32>, vector<512x1xf32>, vector<512x1xf32> -> vector<512x3xf32>
    %mul3A_1900 = arith.constant 0.0883883461 : f32
    %mul3A_1901 = vector.broadcast %mul3A_1900 : f32 to vector<512x3xf32>
    %mul3A_1902 = arith.mulf %concatenate3A_1899, %mul3A_1901 : vector<512x3xf32>
    %reduce_max3A_1903 = arith.constant dense<0xFF800000> : vector<512xf32>
    %reduce_max3A_1904 = vector.multi_reduction <maximumf>, %mul3A_1902, %reduce_max3A_1903 [1] : vector<512x3xf32> to vector<512xf32>
    %broadcast_in_dim3A_1905 = vector.shape_cast %reduce_max3A_1904 : vector<512xf32> to vector<512x1xf32>
    %sub3A_1906 = vector.broadcast %broadcast_in_dim3A_1905 : vector<512x1xf32> to vector<512x3xf32>
    %sub3A_1907 = arith.subf %mul3A_1902, %sub3A_1906 : vector<512x3xf32>
    %exp3A_1908 = math.exp %sub3A_1907 : vector<512x3xf32>
    %reduce_sum3A_1909 = arith.constant dense<0.000000e+00> : vector<512xf32>
    %reduce_sum3A_1910 = vector.multi_reduction <add>, %exp3A_1908, %reduce_sum3A_1909 [1] : vector<512x3xf32> to vector<512xf32>
    %broadcast_in_dim3A_1911 = vector.shape_cast %reduce_sum3A_1910 : vector<512xf32> to vector<512x1xf32>
    %div3A_1912 = vector.broadcast %broadcast_in_dim3A_1911 : vector<512x1xf32> to vector<512x3xf32>
    %div3A_1913 = arith.divf %exp3A_1908, %div3A_1912 : vector<512x3xf32>
    %slice3A_1914 = vector.extract_strided_slice %div3A_1913 {offsets = [0, 0], sizes = [512, 1], strides = [1, 1]} : vector<512x3xf32> to vector<512x1xf32>
    %slice3A_1915 = vector.extract_strided_slice %dot_general3A_1438 {offsets = [0, 384], sizes = [512, 128], strides = [1, 1]} : vector<512x512xf32> to vector<512x128xf32>
    %mul3A_1916 = vector.broadcast %slice3A_1914 : vector<512x1xf32> to vector<512x128xf32>
    %mul3A_1917 = arith.mulf %mul3A_1916, %slice3A_1915 : vector<512x128xf32>
    %slice3A_1918 = vector.extract_strided_slice %div3A_1913 {offsets = [0, 1], sizes = [512, 1], strides = [1, 1]} : vector<512x3xf32> to vector<512x1xf32>
    %slice3A_1919 = vector.extract_strided_slice %dot_general3A_1440 {offsets = [0, 384], sizes = [512, 128], strides = [1, 1]} : vector<512x512xf32> to vector<512x128xf32>
    %mul3A_1920 = vector.broadcast %slice3A_1918 : vector<512x1xf32> to vector<512x128xf32>
    %mul3A_1921 = arith.mulf %mul3A_1920, %slice3A_1919 : vector<512x128xf32>
    %add3A_1922 = arith.addf %mul3A_1917, %mul3A_1921 : vector<512x128xf32>
    %slice3A_1923 = vector.extract_strided_slice %div3A_1913 {offsets = [0, 2], sizes = [512, 1], strides = [1, 1]} : vector<512x3xf32> to vector<512x1xf32>
    %slice3A_1924 = vector.extract_strided_slice %dot_general3A_1442 {offsets = [0, 384], sizes = [512, 128], strides = [1, 1]} : vector<512x512xf32> to vector<512x128xf32>
    %mul3A_1925 = vector.broadcast %slice3A_1923 : vector<512x1xf32> to vector<512x128xf32>
    %mul3A_1926 = arith.mulf %mul3A_1925, %slice3A_1924 : vector<512x128xf32>
    %add3A_1927 = arith.addf %add3A_1922, %mul3A_1926 : vector<512x128xf32>
    %add3A_1928 = arith.addf %add3A_1784, %add3A_1927 : vector<512x128xf32>
    %slice3A_1929 = vector.extract_strided_slice %dot_general3A_1428 {offsets = [0, 384], sizes = [512, 128], strides = [1, 1]} : vector<512x512xf32> to vector<512x128xf32>
    %slice3A_1930 = vector.extract_strided_slice %dot_general3A_1432 {offsets = [0, 384], sizes = [512, 128], strides = [1, 1]} : vector<512x512xf32> to vector<512x128xf32>
    %mul3A_1931 = arith.mulf %slice3A_1929, %slice3A_1930 : vector<512x128xf32>
    %reduce_sum3A_1932 = arith.constant dense<0.000000e+00> : vector<512xf32>
    %reduce_sum3A_1933 = vector.multi_reduction <add>, %mul3A_1931, %reduce_sum3A_1932 [1] : vector<512x128xf32> to vector<512xf32>
    %broadcast_in_dim3A_1934 = vector.shape_cast %reduce_sum3A_1933 : vector<512xf32> to vector<512x1xf32>
    %slice3A_1935 = vector.extract_strided_slice %dot_general3A_1428 {offsets = [0, 384], sizes = [512, 128], strides = [1, 1]} : vector<512x512xf32> to vector<512x128xf32>
    %slice3A_1936 = vector.extract_strided_slice %dot_general3A_1434 {offsets = [0, 384], sizes = [512, 128], strides = [1, 1]} : vector<512x512xf32> to vector<512x128xf32>
    %mul3A_1937 = arith.mulf %slice3A_1935, %slice3A_1936 : vector<512x128xf32>
    %reduce_sum3A_1938 = arith.constant dense<0.000000e+00> : vector<512xf32>
    %reduce_sum3A_1939 = vector.multi_reduction <add>, %mul3A_1937, %reduce_sum3A_1938 [1] : vector<512x128xf32> to vector<512xf32>
    %broadcast_in_dim3A_1940 = vector.shape_cast %reduce_sum3A_1939 : vector<512xf32> to vector<512x1xf32>
    %slice3A_1941 = vector.extract_strided_slice %dot_general3A_1428 {offsets = [0, 384], sizes = [512, 128], strides = [1, 1]} : vector<512x512xf32> to vector<512x128xf32>
    %slice3A_1942 = vector.extract_strided_slice %dot_general3A_1436 {offsets = [0, 384], sizes = [512, 128], strides = [1, 1]} : vector<512x512xf32> to vector<512x128xf32>
    %mul3A_1943 = arith.mulf %slice3A_1941, %slice3A_1942 : vector<512x128xf32>
    %reduce_sum3A_1944 = arith.constant dense<0.000000e+00> : vector<512xf32>
    %reduce_sum3A_1945 = vector.multi_reduction <add>, %mul3A_1943, %reduce_sum3A_1944 [1] : vector<512x128xf32> to vector<512xf32>
    %broadcast_in_dim3A_1946 = vector.shape_cast %reduce_sum3A_1945 : vector<512xf32> to vector<512x1xf32>
    %concatenate3A_1947 = tpu.concatenate %broadcast_in_dim3A_1934, %broadcast_in_dim3A_1940, %broadcast_in_dim3A_1946 in 1 : vector<512x1xf32>, vector<512x1xf32>, vector<512x1xf32> -> vector<512x3xf32>
    %mul3A_1948 = arith.constant 0.0883883461 : f32
    %mul3A_1949 = vector.broadcast %mul3A_1948 : f32 to vector<512x3xf32>
    %mul3A_1950 = arith.mulf %concatenate3A_1947, %mul3A_1949 : vector<512x3xf32>
    %reduce_max3A_1951 = arith.constant dense<0xFF800000> : vector<512xf32>
    %reduce_max3A_1952 = vector.multi_reduction <maximumf>, %mul3A_1950, %reduce_max3A_1951 [1] : vector<512x3xf32> to vector<512xf32>
    %broadcast_in_dim3A_1953 = vector.shape_cast %reduce_max3A_1952 : vector<512xf32> to vector<512x1xf32>
    %sub3A_1954 = vector.broadcast %broadcast_in_dim3A_1953 : vector<512x1xf32> to vector<512x3xf32>
    %sub3A_1955 = arith.subf %mul3A_1950, %sub3A_1954 : vector<512x3xf32>
    %exp3A_1956 = math.exp %sub3A_1955 : vector<512x3xf32>
    %reduce_sum3A_1957 = arith.constant dense<0.000000e+00> : vector<512xf32>
    %reduce_sum3A_1958 = vector.multi_reduction <add>, %exp3A_1956, %reduce_sum3A_1957 [1] : vector<512x3xf32> to vector<512xf32>
    %broadcast_in_dim3A_1959 = vector.shape_cast %reduce_sum3A_1958 : vector<512xf32> to vector<512x1xf32>
    %div3A_1960 = vector.broadcast %broadcast_in_dim3A_1959 : vector<512x1xf32> to vector<512x3xf32>
    %div3A_1961 = arith.divf %exp3A_1956, %div3A_1960 : vector<512x3xf32>
    %slice3A_1962 = vector.extract_strided_slice %div3A_1961 {offsets = [0, 0], sizes = [512, 1], strides = [1, 1]} : vector<512x3xf32> to vector<512x1xf32>
    %slice3A_1963 = vector.extract_strided_slice %dot_general3A_1438 {offsets = [0, 384], sizes = [512, 128], strides = [1, 1]} : vector<512x512xf32> to vector<512x128xf32>
    %mul3A_1964 = vector.broadcast %slice3A_1962 : vector<512x1xf32> to vector<512x128xf32>
    %mul3A_1965 = arith.mulf %mul3A_1964, %slice3A_1963 : vector<512x128xf32>
    %slice3A_1966 = vector.extract_strided_slice %div3A_1961 {offsets = [0, 1], sizes = [512, 1], strides = [1, 1]} : vector<512x3xf32> to vector<512x1xf32>
    %slice3A_1967 = vector.extract_strided_slice %dot_general3A_1440 {offsets = [0, 384], sizes = [512, 128], strides = [1, 1]} : vector<512x512xf32> to vector<512x128xf32>
    %mul3A_1968 = vector.broadcast %slice3A_1966 : vector<512x1xf32> to vector<512x128xf32>
    %mul3A_1969 = arith.mulf %mul3A_1968, %slice3A_1967 : vector<512x128xf32>
    %add3A_1970 = arith.addf %mul3A_1965, %mul3A_1969 : vector<512x128xf32>
    %slice3A_1971 = vector.extract_strided_slice %div3A_1961 {offsets = [0, 2], sizes = [512, 1], strides = [1, 1]} : vector<512x3xf32> to vector<512x1xf32>
    %slice3A_1972 = vector.extract_strided_slice %dot_general3A_1442 {offsets = [0, 384], sizes = [512, 128], strides = [1, 1]} : vector<512x512xf32> to vector<512x128xf32>
    %mul3A_1973 = vector.broadcast %slice3A_1971 : vector<512x1xf32> to vector<512x128xf32>
    %mul3A_1974 = arith.mulf %mul3A_1973, %slice3A_1972 : vector<512x128xf32>
    %add3A_1975 = arith.addf %add3A_1970, %mul3A_1974 : vector<512x128xf32>
    %add3A_1976 = arith.addf %add3A_1832, %add3A_1975 : vector<512x128xf32>
    %slice3A_1977 = vector.extract_strided_slice %dot_general3A_1430 {offsets = [0, 384], sizes = [512, 128], strides = [1, 1]} : vector<512x512xf32> to vector<512x128xf32>
    %slice3A_1978 = vector.extract_strided_slice %dot_general3A_1432 {offsets = [0, 384], sizes = [512, 128], strides = [1, 1]} : vector<512x512xf32> to vector<512x128xf32>
    %mul3A_1979 = arith.mulf %slice3A_1977, %slice3A_1978 : vector<512x128xf32>
    %reduce_sum3A_1980 = arith.constant dense<0.000000e+00> : vector<512xf32>
    %reduce_sum3A_1981 = vector.multi_reduction <add>, %mul3A_1979, %reduce_sum3A_1980 [1] : vector<512x128xf32> to vector<512xf32>
    %broadcast_in_dim3A_1982 = vector.shape_cast %reduce_sum3A_1981 : vector<512xf32> to vector<512x1xf32>
    %slice3A_1983 = vector.extract_strided_slice %dot_general3A_1430 {offsets = [0, 384], sizes = [512, 128], strides = [1, 1]} : vector<512x512xf32> to vector<512x128xf32>
    %slice3A_1984 = vector.extract_strided_slice %dot_general3A_1434 {offsets = [0, 384], sizes = [512, 128], strides = [1, 1]} : vector<512x512xf32> to vector<512x128xf32>
    %mul3A_1985 = arith.mulf %slice3A_1983, %slice3A_1984 : vector<512x128xf32>
    %reduce_sum3A_1986 = arith.constant dense<0.000000e+00> : vector<512xf32>
    %reduce_sum3A_1987 = vector.multi_reduction <add>, %mul3A_1985, %reduce_sum3A_1986 [1] : vector<512x128xf32> to vector<512xf32>
    %broadcast_in_dim3A_1988 = vector.shape_cast %reduce_sum3A_1987 : vector<512xf32> to vector<512x1xf32>
    %slice3A_1989 = vector.extract_strided_slice %dot_general3A_1430 {offsets = [0, 384], sizes = [512, 128], strides = [1, 1]} : vector<512x512xf32> to vector<512x128xf32>
    %slice3A_1990 = vector.extract_strided_slice %dot_general3A_1436 {offsets = [0, 384], sizes = [512, 128], strides = [1, 1]} : vector<512x512xf32> to vector<512x128xf32>
    %mul3A_1991 = arith.mulf %slice3A_1989, %slice3A_1990 : vector<512x128xf32>
    %reduce_sum3A_1992 = arith.constant dense<0.000000e+00> : vector<512xf32>
    %reduce_sum3A_1993 = vector.multi_reduction <add>, %mul3A_1991, %reduce_sum3A_1992 [1] : vector<512x128xf32> to vector<512xf32>
    %broadcast_in_dim3A_1994 = vector.shape_cast %reduce_sum3A_1993 : vector<512xf32> to vector<512x1xf32>
    %concatenate3A_1995 = tpu.concatenate %broadcast_in_dim3A_1982, %broadcast_in_dim3A_1988, %broadcast_in_dim3A_1994 in 1 : vector<512x1xf32>, vector<512x1xf32>, vector<512x1xf32> -> vector<512x3xf32>
    %mul3A_1996 = arith.constant 0.0883883461 : f32
    %mul3A_1997 = vector.broadcast %mul3A_1996 : f32 to vector<512x3xf32>
    %mul3A_1998 = arith.mulf %concatenate3A_1995, %mul3A_1997 : vector<512x3xf32>
    %reduce_max3A_1999 = arith.constant dense<0xFF800000> : vector<512xf32>
    %reduce_max3A_2000 = vector.multi_reduction <maximumf>, %mul3A_1998, %reduce_max3A_1999 [1] : vector<512x3xf32> to vector<512xf32>
    %broadcast_in_dim3A_2001 = vector.shape_cast %reduce_max3A_2000 : vector<512xf32> to vector<512x1xf32>
    %sub3A_2002 = vector.broadcast %broadcast_in_dim3A_2001 : vector<512x1xf32> to vector<512x3xf32>
    %sub3A_2003 = arith.subf %mul3A_1998, %sub3A_2002 : vector<512x3xf32>
    %exp3A_2004 = math.exp %sub3A_2003 : vector<512x3xf32>
    %reduce_sum3A_2005 = arith.constant dense<0.000000e+00> : vector<512xf32>
    %reduce_sum3A_2006 = vector.multi_reduction <add>, %exp3A_2004, %reduce_sum3A_2005 [1] : vector<512x3xf32> to vector<512xf32>
    %broadcast_in_dim3A_2007 = vector.shape_cast %reduce_sum3A_2006 : vector<512xf32> to vector<512x1xf32>
    %div3A_2008 = vector.broadcast %broadcast_in_dim3A_2007 : vector<512x1xf32> to vector<512x3xf32>
    %div3A_2009 = arith.divf %exp3A_2004, %div3A_2008 : vector<512x3xf32>
    %slice3A_2010 = vector.extract_strided_slice %div3A_2009 {offsets = [0, 0], sizes = [512, 1], strides = [1, 1]} : vector<512x3xf32> to vector<512x1xf32>
    %slice3A_2011 = vector.extract_strided_slice %dot_general3A_1438 {offsets = [0, 384], sizes = [512, 128], strides = [1, 1]} : vector<512x512xf32> to vector<512x128xf32>
    %mul3A_2012 = vector.broadcast %slice3A_2010 : vector<512x1xf32> to vector<512x128xf32>
    %mul3A_2013 = arith.mulf %mul3A_2012, %slice3A_2011 : vector<512x128xf32>
    %slice3A_2014 = vector.extract_strided_slice %div3A_2009 {offsets = [0, 1], sizes = [512, 1], strides = [1, 1]} : vector<512x3xf32> to vector<512x1xf32>
    %slice3A_2015 = vector.extract_strided_slice %dot_general3A_1440 {offsets = [0, 384], sizes = [512, 128], strides = [1, 1]} : vector<512x512xf32> to vector<512x128xf32>
    %mul3A_2016 = vector.broadcast %slice3A_2014 : vector<512x1xf32> to vector<512x128xf32>
    %mul3A_2017 = arith.mulf %mul3A_2016, %slice3A_2015 : vector<512x128xf32>
    %add3A_2018 = arith.addf %mul3A_2013, %mul3A_2017 : vector<512x128xf32>
    %slice3A_2019 = vector.extract_strided_slice %div3A_2009 {offsets = [0, 2], sizes = [512, 1], strides = [1, 1]} : vector<512x3xf32> to vector<512x1xf32>
    %slice3A_2020 = vector.extract_strided_slice %dot_general3A_1442 {offsets = [0, 384], sizes = [512, 128], strides = [1, 1]} : vector<512x512xf32> to vector<512x128xf32>
    %mul3A_2021 = vector.broadcast %slice3A_2019 : vector<512x1xf32> to vector<512x128xf32>
    %mul3A_2022 = arith.mulf %mul3A_2021, %slice3A_2020 : vector<512x128xf32>
    %add3A_2023 = arith.addf %add3A_2018, %mul3A_2022 : vector<512x128xf32>
    %add3A_2024 = arith.addf %add3A_1880, %add3A_2023 : vector<512x128xf32>
    %mul3A_2025 = arith.constant 2.500000e-01 : f32
    %mul3A_2026 = vector.broadcast %mul3A_2025 : f32 to vector<512x128xf32>
    %mul3A_2027 = arith.mulf %add3A_1928, %mul3A_2026 : vector<512x128xf32>
    %max3A_2028 = arith.constant 0.000000e+00 : f32
    %max3A_2029 = vector.broadcast %max3A_2028 : f32 to vector<512x128xf32>
    %max3A_2030 = arith.maximumf %mul3A_2027, %max3A_2029 : vector<512x128xf32>
    %swap3A_2031 = arith.constant 0 : index
    %swap3A_2032 = arith.constant 768 : index
    %swap3A_2033 = vector.load %arg31[%swap3A_2031, %swap3A_2032] : memref<512x1536xf32, #tpu.memory_space<vmem>>, vector<512x128xf32>
    tpu.vector_store %arg31[%swap3A_2031, %swap3A_2032], %max3A_2030 {strides = array<i32>} : memref<512x1536xf32, #tpu.memory_space<vmem>>, vector<512x128xf32>,
    %mul3A_2034 = arith.constant 2.500000e-01 : f32
    %mul3A_2035 = vector.broadcast %mul3A_2034 : f32 to vector<512x128xf32>
    %mul3A_2036 = arith.mulf %add3A_1976, %mul3A_2035 : vector<512x128xf32>
    %max3A_2037 = arith.constant 0.000000e+00 : f32
    %max3A_2038 = vector.broadcast %max3A_2037 : f32 to vector<512x128xf32>
    %max3A_2039 = arith.maximumf %mul3A_2036, %max3A_2038 : vector<512x128xf32>
    %swap3A_2040 = arith.constant 0 : index
    %swap3A_2041 = arith.constant 896 : index
    %swap3A_2042 = vector.load %arg31[%swap3A_2040, %swap3A_2041] : memref<512x1536xf32, #tpu.memory_space<vmem>>, vector<512x128xf32>
    tpu.vector_store %arg31[%swap3A_2040, %swap3A_2041], %max3A_2039 {strides = array<i32>} : memref<512x1536xf32, #tpu.memory_space<vmem>>, vector<512x128xf32>,
    %mul3A_2043 = arith.constant 2.500000e-01 : f32
    %mul3A_2044 = vector.broadcast %mul3A_2043 : f32 to vector<512x128xf32>
    %mul3A_2045 = arith.mulf %add3A_2024, %mul3A_2044 : vector<512x128xf32>
    %max3A_2046 = arith.constant 0.000000e+00 : f32
    %max3A_2047 = vector.broadcast %max3A_2046 : f32 to vector<512x128xf32>
    %max3A_2048 = arith.maximumf %mul3A_2045, %max3A_2047 : vector<512x128xf32>
    %swap3A_2049 = arith.constant 0 : index
    %swap3A_2050 = arith.constant 1024 : index
    %swap3A_2051 = vector.load %arg31[%swap3A_2049, %swap3A_2050] : memref<512x1536xf32, #tpu.memory_space<vmem>>, vector<512x128xf32>
    tpu.vector_store %arg31[%swap3A_2049, %swap3A_2050], %max3A_2048 {strides = array<i32>} : memref<512x1536xf32, #tpu.memory_space<vmem>>, vector<512x128xf32>,
    %get3A_2052 = arith.constant 0 : index
    %get3A_2053 = arith.constant 0 : index
    %get3A_2054 = vector.load %arg19[%get3A_2052, %get3A_2053] : memref<40x128xf32, #tpu.memory_space<vmem>>, vector<40x128xf32>
    %get3A_2055 = arith.constant 0 : index
    %get3A_2056 = arith.constant 0 : index
    %get3A_2057 = vector.load %arg26[%get3A_2055, %get3A_2056] : memref<256x512xf32, #tpu.memory_space<vmem>>, vector<256x512xf32>
    %get3A_2058 = arith.constant 0 : index
    %get3A_2059 = arith.constant 0 : index
    %get3A_2060 = vector.load %arg27[%get3A_2058, %get3A_2059] : memref<128x512xf32, #tpu.memory_space<vmem>>, vector<128x512xf32>
    %get3A_2061 = arith.constant 0 : index
    %get3A_2062 = arith.constant 0 : index
    %get3A_2063 = vector.load %arg28[%get3A_2061, %get3A_2062] : memref<128x512xf32, #tpu.memory_space<vmem>>, vector<128x512xf32>
    %slice3A_2064 = vector.extract_strided_slice %get3A_1388 {offsets = [0, 0], sizes = [512, 1], strides = [1, 1]} : vector<512x3xi32> to vector<512x1xi32>
    %iota3A_2065 = tpu.iota {dimensions = array<i32: 1>} : vector<1x40xi32>
    %eq3A_2066 = vector.broadcast %slice3A_2064 : vector<512x1xi32> to vector<512x40xi32>
    %eq3A_2067 = vector.broadcast %iota3A_2065 : vector<1x40xi32> to vector<512x40xi32>
    %eq3A_2068 = arith.cmpi eq, %eq3A_2066, %eq3A_2067 : vector<512x40xi32>
    %convert_element_type3A_2069 = arith.extui %eq3A_2068 : vector<512x40xi1> to vector<512x40xi32>
    %convert_element_type3A_2070 = arith.sitofp %convert_element_type3A_2069 : vector<512x40xi32> to vector<512x40xf32>
    %dot_general3A_2071 = arith.constant dense<0.000000e+00> : vector<512x128xf32>
    %dot_general3A_2072 = tpu.matmul %convert_element_type3A_2070, %get3A_2054, %dot_general3A_2071 {dimension_numbers = #tpu.dot_dimension_numbers<[1], [0], [0], [1], [0, 0, 1, 1], [], []>, transpose_lhs_hint = false} : vector<512x40xf32>, vector<40x128xf32>, vector<512x128xf32> -> vector<512x128xf32>
    %slice3A_2073 = vector.extract_strided_slice %get3A_1388 {offsets = [0, 1], sizes = [512, 1], strides = [1, 1]} : vector<512x3xi32> to vector<512x1xi32>
    %iota3A_2074 = tpu.iota {dimensions = array<i32: 1>} : vector<1x40xi32>
    %eq3A_2075 = vector.broadcast %slice3A_2073 : vector<512x1xi32> to vector<512x40xi32>
    %eq3A_2076 = vector.broadcast %iota3A_2074 : vector<1x40xi32> to vector<512x40xi32>
    %eq3A_2077 = arith.cmpi eq, %eq3A_2075, %eq3A_2076 : vector<512x40xi32>
    %convert_element_type3A_2078 = arith.extui %eq3A_2077 : vector<512x40xi1> to vector<512x40xi32>
    %convert_element_type3A_2079 = arith.sitofp %convert_element_type3A_2078 : vector<512x40xi32> to vector<512x40xf32>
    %dot_general3A_2080 = arith.constant dense<0.000000e+00> : vector<512x128xf32>
    %dot_general3A_2081 = tpu.matmul %convert_element_type3A_2079, %get3A_2054, %dot_general3A_2080 {dimension_numbers = #tpu.dot_dimension_numbers<[1], [0], [0], [1], [0, 0, 1, 1], [], []>, transpose_lhs_hint = false} : vector<512x40xf32>, vector<40x128xf32>, vector<512x128xf32> -> vector<512x128xf32>
    %slice3A_2082 = vector.extract_strided_slice %get3A_1388 {offsets = [0, 2], sizes = [512, 1], strides = [1, 1]} : vector<512x3xi32> to vector<512x1xi32>
    %iota3A_2083 = tpu.iota {dimensions = array<i32: 1>} : vector<1x40xi32>
    %eq3A_2084 = vector.broadcast %slice3A_2082 : vector<512x1xi32> to vector<512x40xi32>
    %eq3A_2085 = vector.broadcast %iota3A_2083 : vector<1x40xi32> to vector<512x40xi32>
    %eq3A_2086 = arith.cmpi eq, %eq3A_2084, %eq3A_2085 : vector<512x40xi32>
    %convert_element_type3A_2087 = arith.extui %eq3A_2086 : vector<512x40xi1> to vector<512x40xi32>
    %convert_element_type3A_2088 = arith.sitofp %convert_element_type3A_2087 : vector<512x40xi32> to vector<512x40xf32>
    %dot_general3A_2089 = arith.constant dense<0.000000e+00> : vector<512x128xf32>
    %dot_general3A_2090 = tpu.matmul %convert_element_type3A_2088, %get3A_2054, %dot_general3A_2089 {dimension_numbers = #tpu.dot_dimension_numbers<[1], [0], [0], [1], [0, 0, 1, 1], [], []>, transpose_lhs_hint = false} : vector<512x40xf32>, vector<40x128xf32>, vector<512x128xf32> -> vector<512x128xf32>
    %dot_general3A_2091 = arith.constant dense<0.000000e+00> : vector<512x512xf32>
    %dot_general3A_2092 = tpu.matmul %concatenate3A, %get3A_2057, %dot_general3A_2091 {dimension_numbers = #tpu.dot_dimension_numbers<[1], [0], [0], [1], [0, 0, 1, 1], [], []>, transpose_lhs_hint = false} : vector<512x256xf32>, vector<256x512xf32>, vector<512x512xf32> -> vector<512x512xf32>
    %dot_general3A_2093 = arith.constant dense<0.000000e+00> : vector<512x512xf32>
    %dot_general3A_2094 = tpu.matmul %concatenate3A_243, %get3A_2057, %dot_general3A_2093 {dimension_numbers = #tpu.dot_dimension_numbers<[1], [0], [0], [1], [0, 0, 1, 1], [], []>, transpose_lhs_hint = false} : vector<512x256xf32>, vector<256x512xf32>, vector<512x512xf32> -> vector<512x512xf32>
    %dot_general3A_2095 = arith.constant dense<0.000000e+00> : vector<512x512xf32>
    %dot_general3A_2096 = tpu.matmul %concatenate3A_244, %get3A_2057, %dot_general3A_2095 {dimension_numbers = #tpu.dot_dimension_numbers<[1], [0], [0], [1], [0, 0, 1, 1], [], []>, transpose_lhs_hint = false} : vector<512x256xf32>, vector<256x512xf32>, vector<512x512xf32> -> vector<512x512xf32>
    %dot_general3A_2097 = arith.constant dense<0.000000e+00> : vector<512x512xf32>
    %dot_general3A_2098 = tpu.matmul %dot_general3A_2072, %get3A_2060, %dot_general3A_2097 {dimension_numbers = #tpu.dot_dimension_numbers<[1], [0], [0], [1], [0, 0, 1, 1], [], []>, transpose_lhs_hint = false} : vector<512x128xf32>, vector<128x512xf32>, vector<512x512xf32> -> vector<512x512xf32>
    %dot_general3A_2099 = arith.constant dense<0.000000e+00> : vector<512x512xf32>
    %dot_general3A_2100 = tpu.matmul %dot_general3A_2081, %get3A_2060, %dot_general3A_2099 {dimension_numbers = #tpu.dot_dimension_numbers<[1], [0], [0], [1], [0, 0, 1, 1], [], []>, transpose_lhs_hint = false} : vector<512x128xf32>, vector<128x512xf32>, vector<512x512xf32> -> vector<512x512xf32>
    %dot_general3A_2101 = arith.constant dense<0.000000e+00> : vector<512x512xf32>
    %dot_general3A_2102 = tpu.matmul %dot_general3A_2090, %get3A_2060, %dot_general3A_2101 {dimension_numbers = #tpu.dot_dimension_numbers<[1], [0], [0], [1], [0, 0, 1, 1], [], []>, transpose_lhs_hint = false} : vector<512x128xf32>, vector<128x512xf32>, vector<512x512xf32> -> vector<512x512xf32>
    %dot_general3A_2103 = arith.constant dense<0.000000e+00> : vector<512x512xf32>
    %dot_general3A_2104 = tpu.matmul %dot_general3A_2072, %get3A_2063, %dot_general3A_2103 {dimension_numbers = #tpu.dot_dimension_numbers<[1], [0], [0], [1], [0, 0, 1, 1], [], []>, transpose_lhs_hint = false} : vector<512x128xf32>, vector<128x512xf32>, vector<512x512xf32> -> vector<512x512xf32>
    %dot_general3A_2105 = arith.constant dense<0.000000e+00> : vector<512x512xf32>
    %dot_general3A_2106 = tpu.matmul %dot_general3A_2081, %get3A_2063, %dot_general3A_2105 {dimension_numbers = #tpu.dot_dimension_numbers<[1], [0], [0], [1], [0, 0, 1, 1], [], []>, transpose_lhs_hint = false} : vector<512x128xf32>, vector<128x512xf32>, vector<512x512xf32> -> vector<512x512xf32>
    %dot_general3A_2107 = arith.constant dense<0.000000e+00> : vector<512x512xf32>
    %dot_general3A_2108 = tpu.matmul %dot_general3A_2090, %get3A_2063, %dot_general3A_2107 {dimension_numbers = #tpu.dot_dimension_numbers<[1], [0], [0], [1], [0, 0, 1, 1], [], []>, transpose_lhs_hint = false} : vector<512x128xf32>, vector<128x512xf32>, vector<512x512xf32> -> vector<512x512xf32>
    %broadcast_in_dim3A_2109 = arith.constant 0.000000e+00 : f32
    %broadcast_in_dim3A_2110 = vector.broadcast %broadcast_in_dim3A_2109 : f32 to vector<512x128xf32>
    %broadcast_in_dim3A_2111 = arith.constant 0.000000e+00 : f32
    %broadcast_in_dim3A_2112 = vector.broadcast %broadcast_in_dim3A_2111 : f32 to vector<512x128xf32>
    %broadcast_in_dim3A_2113 = arith.constant 0.000000e+00 : f32
    %broadcast_in_dim3A_2114 = vector.broadcast %broadcast_in_dim3A_2113 : f32 to vector<512x128xf32>
    %slice3A_2115 = vector.extract_strided_slice %dot_general3A_2092 {offsets = [0, 0], sizes = [512, 128], strides = [1, 1]} : vector<512x512xf32> to vector<512x128xf32>
    %slice3A_2116 = vector.extract_strided_slice %dot_general3A_2098 {offsets = [0, 0], sizes = [512, 128], strides = [1, 1]} : vector<512x512xf32> to vector<512x128xf32>
    %mul3A_2117 = arith.mulf %slice3A_2115, %slice3A_2116 : vector<512x128xf32>
    %reduce_sum3A_2118 = arith.constant dense<0.000000e+00> : vector<512xf32>
    %reduce_sum3A_2119 = vector.multi_reduction <add>, %mul3A_2117, %reduce_sum3A_2118 [1] : vector<512x128xf32> to vector<512xf32>
    %broadcast_in_dim3A_2120 = vector.shape_cast %reduce_sum3A_2119 : vector<512xf32> to vector<512x1xf32>
    %slice3A_2121 = vector.extract_strided_slice %dot_general3A_2092 {offsets = [0, 0], sizes = [512, 128], strides = [1, 1]} : vector<512x512xf32> to vector<512x128xf32>
    %slice3A_2122 = vector.extract_strided_slice %dot_general3A_2100 {offsets = [0, 0], sizes = [512, 128], strides = [1, 1]} : vector<512x512xf32> to vector<512x128xf32>
    %mul3A_2123 = arith.mulf %slice3A_2121, %slice3A_2122 : vector<512x128xf32>
    %reduce_sum3A_2124 = arith.constant dense<0.000000e+00> : vector<512xf32>
    %reduce_sum3A_2125 = vector.multi_reduction <add>, %mul3A_2123, %reduce_sum3A_2124 [1] : vector<512x128xf32> to vector<512xf32>
    %broadcast_in_dim3A_2126 = vector.shape_cast %reduce_sum3A_2125 : vector<512xf32> to vector<512x1xf32>
    %slice3A_2127 = vector.extract_strided_slice %dot_general3A_2092 {offsets = [0, 0], sizes = [512, 128], strides = [1, 1]} : vector<512x512xf32> to vector<512x128xf32>
    %slice3A_2128 = vector.extract_strided_slice %dot_general3A_2102 {offsets = [0, 0], sizes = [512, 128], strides = [1, 1]} : vector<512x512xf32> to vector<512x128xf32>
    %mul3A_2129 = arith.mulf %slice3A_2127, %slice3A_2128 : vector<512x128xf32>
    %reduce_sum3A_2130 = arith.constant dense<0.000000e+00> : vector<512xf32>
    %reduce_sum3A_2131 = vector.multi_reduction <add>, %mul3A_2129, %reduce_sum3A_2130 [1] : vector<512x128xf32> to vector<512xf32>
    %broadcast_in_dim3A_2132 = vector.shape_cast %reduce_sum3A_2131 : vector<512xf32> to vector<512x1xf32>
    %concatenate3A_2133 = tpu.concatenate %broadcast_in_dim3A_2120, %broadcast_in_dim3A_2126, %broadcast_in_dim3A_2132 in 1 : vector<512x1xf32>, vector<512x1xf32>, vector<512x1xf32> -> vector<512x3xf32>
    %mul3A_2134 = arith.constant 0.0883883461 : f32
    %mul3A_2135 = vector.broadcast %mul3A_2134 : f32 to vector<512x3xf32>
    %mul3A_2136 = arith.mulf %concatenate3A_2133, %mul3A_2135 : vector<512x3xf32>
    %reduce_max3A_2137 = arith.constant dense<0xFF800000> : vector<512xf32>
    %reduce_max3A_2138 = vector.multi_reduction <maximumf>, %mul3A_2136, %reduce_max3A_2137 [1] : vector<512x3xf32> to vector<512xf32>
    %broadcast_in_dim3A_2139 = vector.shape_cast %reduce_max3A_2138 : vector<512xf32> to vector<512x1xf32>
    %sub3A_2140 = vector.broadcast %broadcast_in_dim3A_2139 : vector<512x1xf32> to vector<512x3xf32>
    %sub3A_2141 = arith.subf %mul3A_2136, %sub3A_2140 : vector<512x3xf32>
    %exp3A_2142 = math.exp %sub3A_2141 : vector<512x3xf32>
    %reduce_sum3A_2143 = arith.constant dense<0.000000e+00> : vector<512xf32>
    %reduce_sum3A_2144 = vector.multi_reduction <add>, %exp3A_2142, %reduce_sum3A_2143 [1] : vector<512x3xf32> to vector<512xf32>
    %broadcast_in_dim3A_2145 = vector.shape_cast %reduce_sum3A_2144 : vector<512xf32> to vector<512x1xf32>
    %div3A_2146 = vector.broadcast %broadcast_in_dim3A_2145 : vector<512x1xf32> to vector<512x3xf32>
    %div3A_2147 = arith.divf %exp3A_2142, %div3A_2146 : vector<512x3xf32>
    %slice3A_2148 = vector.extract_strided_slice %div3A_2147 {offsets = [0, 0], sizes = [512, 1], strides = [1, 1]} : vector<512x3xf32> to vector<512x1xf32>
    %slice3A_2149 = vector.extract_strided_slice %dot_general3A_2104 {offsets = [0, 0], sizes = [512, 128], strides = [1, 1]} : vector<512x512xf32> to vector<512x128xf32>
    %mul3A_2150 = vector.broadcast %slice3A_2148 : vector<512x1xf32> to vector<512x128xf32>
    %mul3A_2151 = arith.mulf %mul3A_2150, %slice3A_2149 : vector<512x128xf32>
    %slice3A_2152 = vector.extract_strided_slice %div3A_2147 {offsets = [0, 1], sizes = [512, 1], strides = [1, 1]} : vector<512x3xf32> to vector<512x1xf32>
    %slice3A_2153 = vector.extract_strided_slice %dot_general3A_2106 {offsets = [0, 0], sizes = [512, 128], strides = [1, 1]} : vector<512x512xf32> to vector<512x128xf32>
    %mul3A_2154 = vector.broadcast %slice3A_2152 : vector<512x1xf32> to vector<512x128xf32>
    %mul3A_2155 = arith.mulf %mul3A_2154, %slice3A_2153 : vector<512x128xf32>
    %add3A_2156 = arith.addf %mul3A_2151, %mul3A_2155 : vector<512x128xf32>
    %slice3A_2157 = vector.extract_strided_slice %div3A_2147 {offsets = [0, 2], sizes = [512, 1], strides = [1, 1]} : vector<512x3xf32> to vector<512x1xf32>
    %slice3A_2158 = vector.extract_strided_slice %dot_general3A_2108 {offsets = [0, 0], sizes = [512, 128], strides = [1, 1]} : vector<512x512xf32> to vector<512x128xf32>
    %mul3A_2159 = vector.broadcast %slice3A_2157 : vector<512x1xf32> to vector<512x128xf32>
    %mul3A_2160 = arith.mulf %mul3A_2159, %slice3A_2158 : vector<512x128xf32>
    %add3A_2161 = arith.addf %add3A_2156, %mul3A_2160 : vector<512x128xf32>
    %add3A_2162 = arith.addf %broadcast_in_dim3A_2110, %add3A_2161 : vector<512x128xf32>
    %slice3A_2163 = vector.extract_strided_slice %dot_general3A_2094 {offsets = [0, 0], sizes = [512, 128], strides = [1, 1]} : vector<512x512xf32> to vector<512x128xf32>
    %slice3A_2164 = vector.extract_strided_slice %dot_general3A_2098 {offsets = [0, 0], sizes = [512, 128], strides = [1, 1]} : vector<512x512xf32> to vector<512x128xf32>
    %mul3A_2165 = arith.mulf %slice3A_2163, %slice3A_2164 : vector<512x128xf32>
    %reduce_sum3A_2166 = arith.constant dense<0.000000e+00> : vector<512xf32>
    %reduce_sum3A_2167 = vector.multi_reduction <add>, %mul3A_2165, %reduce_sum3A_2166 [1] : vector<512x128xf32> to vector<512xf32>
    %broadcast_in_dim3A_2168 = vector.shape_cast %reduce_sum3A_2167 : vector<512xf32> to vector<512x1xf32>
    %slice3A_2169 = vector.extract_strided_slice %dot_general3A_2094 {offsets = [0, 0], sizes = [512, 128], strides = [1, 1]} : vector<512x512xf32> to vector<512x128xf32>
    %slice3A_2170 = vector.extract_strided_slice %dot_general3A_2100 {offsets = [0, 0], sizes = [512, 128], strides = [1, 1]} : vector<512x512xf32> to vector<512x128xf32>
    %mul3A_2171 = arith.mulf %slice3A_2169, %slice3A_2170 : vector<512x128xf32>
    %reduce_sum3A_2172 = arith.constant dense<0.000000e+00> : vector<512xf32>
    %reduce_sum3A_2173 = vector.multi_reduction <add>, %mul3A_2171, %reduce_sum3A_2172 [1] : vector<512x128xf32> to vector<512xf32>
    %broadcast_in_dim3A_2174 = vector.shape_cast %reduce_sum3A_2173 : vector<512xf32> to vector<512x1xf32>
    %slice3A_2175 = vector.extract_strided_slice %dot_general3A_2094 {offsets = [0, 0], sizes = [512, 128], strides = [1, 1]} : vector<512x512xf32> to vector<512x128xf32>
    %slice3A_2176 = vector.extract_strided_slice %dot_general3A_2102 {offsets = [0, 0], sizes = [512, 128], strides = [1, 1]} : vector<512x512xf32> to vector<512x128xf32>
    %mul3A_2177 = arith.mulf %slice3A_2175, %slice3A_2176 : vector<512x128xf32>
    %reduce_sum3A_2178 = arith.constant dense<0.000000e+00> : vector<512xf32>
    %reduce_sum3A_2179 = vector.multi_reduction <add>, %mul3A_2177, %reduce_sum3A_2178 [1] : vector<512x128xf32> to vector<512xf32>
    %broadcast_in_dim3A_2180 = vector.shape_cast %reduce_sum3A_2179 : vector<512xf32> to vector<512x1xf32>
    %concatenate3A_2181 = tpu.concatenate %broadcast_in_dim3A_2168, %broadcast_in_dim3A_2174, %broadcast_in_dim3A_2180 in 1 : vector<512x1xf32>, vector<512x1xf32>, vector<512x1xf32> -> vector<512x3xf32>
    %mul3A_2182 = arith.constant 0.0883883461 : f32
    %mul3A_2183 = vector.broadcast %mul3A_2182 : f32 to vector<512x3xf32>
    %mul3A_2184 = arith.mulf %concatenate3A_2181, %mul3A_2183 : vector<512x3xf32>
    %reduce_max3A_2185 = arith.constant dense<0xFF800000> : vector<512xf32>
    %reduce_max3A_2186 = vector.multi_reduction <maximumf>, %mul3A_2184, %reduce_max3A_2185 [1] : vector<512x3xf32> to vector<512xf32>
    %broadcast_in_dim3A_2187 = vector.shape_cast %reduce_max3A_2186 : vector<512xf32> to vector<512x1xf32>
    %sub3A_2188 = vector.broadcast %broadcast_in_dim3A_2187 : vector<512x1xf32> to vector<512x3xf32>
    %sub3A_2189 = arith.subf %mul3A_2184, %sub3A_2188 : vector<512x3xf32>
    %exp3A_2190 = math.exp %sub3A_2189 : vector<512x3xf32>
    %reduce_sum3A_2191 = arith.constant dense<0.000000e+00> : vector<512xf32>
    %reduce_sum3A_2192 = vector.multi_reduction <add>, %exp3A_2190, %reduce_sum3A_2191 [1] : vector<512x3xf32> to vector<512xf32>
    %broadcast_in_dim3A_2193 = vector.shape_cast %reduce_sum3A_2192 : vector<512xf32> to vector<512x1xf32>
    %div3A_2194 = vector.broadcast %broadcast_in_dim3A_2193 : vector<512x1xf32> to vector<512x3xf32>
    %div3A_2195 = arith.divf %exp3A_2190, %div3A_2194 : vector<512x3xf32>
    %slice3A_2196 = vector.extract_strided_slice %div3A_2195 {offsets = [0, 0], sizes = [512, 1], strides = [1, 1]} : vector<512x3xf32> to vector<512x1xf32>
    %slice3A_2197 = vector.extract_strided_slice %dot_general3A_2104 {offsets = [0, 0], sizes = [512, 128], strides = [1, 1]} : vector<512x512xf32> to vector<512x128xf32>
    %mul3A_2198 = vector.broadcast %slice3A_2196 : vector<512x1xf32> to vector<512x128xf32>
    %mul3A_2199 = arith.mulf %mul3A_2198, %slice3A_2197 : vector<512x128xf32>
    %slice3A_2200 = vector.extract_strided_slice %div3A_2195 {offsets = [0, 1], sizes = [512, 1], strides = [1, 1]} : vector<512x3xf32> to vector<512x1xf32>
    %slice3A_2201 = vector.extract_strided_slice %dot_general3A_2106 {offsets = [0, 0], sizes = [512, 128], strides = [1, 1]} : vector<512x512xf32> to vector<512x128xf32>
    %mul3A_2202 = vector.broadcast %slice3A_2200 : vector<512x1xf32> to vector<512x128xf32>
    %mul3A_2203 = arith.mulf %mul3A_2202, %slice3A_2201 : vector<512x128xf32>
    %add3A_2204 = arith.addf %mul3A_2199, %mul3A_2203 : vector<512x128xf32>
    %slice3A_2205 = vector.extract_strided_slice %div3A_2195 {offsets = [0, 2], sizes = [512, 1], strides = [1, 1]} : vector<512x3xf32> to vector<512x1xf32>
    %slice3A_2206 = vector.extract_strided_slice %dot_general3A_2108 {offsets = [0, 0], sizes = [512, 128], strides = [1, 1]} : vector<512x512xf32> to vector<512x128xf32>
    %mul3A_2207 = vector.broadcast %slice3A_2205 : vector<512x1xf32> to vector<512x128xf32>
    %mul3A_2208 = arith.mulf %mul3A_2207, %slice3A_2206 : vector<512x128xf32>
    %add3A_2209 = arith.addf %add3A_2204, %mul3A_2208 : vector<512x128xf32>
    %add3A_2210 = arith.addf %broadcast_in_dim3A_2112, %add3A_2209 : vector<512x128xf32>
    %slice3A_2211 = vector.extract_strided_slice %dot_general3A_2096 {offsets = [0, 0], sizes = [512, 128], strides = [1, 1]} : vector<512x512xf32> to vector<512x128xf32>
    %slice3A_2212 = vector.extract_strided_slice %dot_general3A_2098 {offsets = [0, 0], sizes = [512, 128], strides = [1, 1]} : vector<512x512xf32> to vector<512x128xf32>
    %mul3A_2213 = arith.mulf %slice3A_2211, %slice3A_2212 : vector<512x128xf32>
    %reduce_sum3A_2214 = arith.constant dense<0.000000e+00> : vector<512xf32>
    %reduce_sum3A_2215 = vector.multi_reduction <add>, %mul3A_2213, %reduce_sum3A_2214 [1] : vector<512x128xf32> to vector<512xf32>
    %broadcast_in_dim3A_2216 = vector.shape_cast %reduce_sum3A_2215 : vector<512xf32> to vector<512x1xf32>
    %slice3A_2217 = vector.extract_strided_slice %dot_general3A_2096 {offsets = [0, 0], sizes = [512, 128], strides = [1, 1]} : vector<512x512xf32> to vector<512x128xf32>
    %slice3A_2218 = vector.extract_strided_slice %dot_general3A_2100 {offsets = [0, 0], sizes = [512, 128], strides = [1, 1]} : vector<512x512xf32> to vector<512x128xf32>
    %mul3A_2219 = arith.mulf %slice3A_2217, %slice3A_2218 : vector<512x128xf32>
    %reduce_sum3A_2220 = arith.constant dense<0.000000e+00> : vector<512xf32>
    %reduce_sum3A_2221 = vector.multi_reduction <add>, %mul3A_2219, %reduce_sum3A_2220 [1] : vector<512x128xf32> to vector<512xf32>
    %broadcast_in_dim3A_2222 = vector.shape_cast %reduce_sum3A_2221 : vector<512xf32> to vector<512x1xf32>
    %slice3A_2223 = vector.extract_strided_slice %dot_general3A_2096 {offsets = [0, 0], sizes = [512, 128], strides = [1, 1]} : vector<512x512xf32> to vector<512x128xf32>
    %slice3A_2224 = vector.extract_strided_slice %dot_general3A_2102 {offsets = [0, 0], sizes = [512, 128], strides = [1, 1]} : vector<512x512xf32> to vector<512x128xf32>
    %mul3A_2225 = arith.mulf %slice3A_2223, %slice3A_2224 : vector<512x128xf32>
    %reduce_sum3A_2226 = arith.constant dense<0.000000e+00> : vector<512xf32>
    %reduce_sum3A_2227 = vector.multi_reduction <add>, %mul3A_2225, %reduce_sum3A_2226 [1] : vector<512x128xf32> to vector<512xf32>
    %broadcast_in_dim3A_2228 = vector.shape_cast %reduce_sum3A_2227 : vector<512xf32> to vector<512x1xf32>
    %concatenate3A_2229 = tpu.concatenate %broadcast_in_dim3A_2216, %broadcast_in_dim3A_2222, %broadcast_in_dim3A_2228 in 1 : vector<512x1xf32>, vector<512x1xf32>, vector<512x1xf32> -> vector<512x3xf32>
    %mul3A_2230 = arith.constant 0.0883883461 : f32
    %mul3A_2231 = vector.broadcast %mul3A_2230 : f32 to vector<512x3xf32>
    %mul3A_2232 = arith.mulf %concatenate3A_2229, %mul3A_2231 : vector<512x3xf32>
    %reduce_max3A_2233 = arith.constant dense<0xFF800000> : vector<512xf32>
    %reduce_max3A_2234 = vector.multi_reduction <maximumf>, %mul3A_2232, %reduce_max3A_2233 [1] : vector<512x3xf32> to vector<512xf32>
    %broadcast_in_dim3A_2235 = vector.shape_cast %reduce_max3A_2234 : vector<512xf32> to vector<512x1xf32>
    %sub3A_2236 = vector.broadcast %broadcast_in_dim3A_2235 : vector<512x1xf32> to vector<512x3xf32>
    %sub3A_2237 = arith.subf %mul3A_2232, %sub3A_2236 : vector<512x3xf32>
    %exp3A_2238 = math.exp %sub3A_2237 : vector<512x3xf32>
    %reduce_sum3A_2239 = arith.constant dense<0.000000e+00> : vector<512xf32>
    %reduce_sum3A_2240 = vector.multi_reduction <add>, %exp3A_2238, %reduce_sum3A_2239 [1] : vector<512x3xf32> to vector<512xf32>
    %broadcast_in_dim3A_2241 = vector.shape_cast %reduce_sum3A_2240 : vector<512xf32> to vector<512x1xf32>
    %div3A_2242 = vector.broadcast %broadcast_in_dim3A_2241 : vector<512x1xf32> to vector<512x3xf32>
    %div3A_2243 = arith.divf %exp3A_2238, %div3A_2242 : vector<512x3xf32>
    %slice3A_2244 = vector.extract_strided_slice %div3A_2243 {offsets = [0, 0], sizes = [512, 1], strides = [1, 1]} : vector<512x3xf32> to vector<512x1xf32>
    %slice3A_2245 = vector.extract_strided_slice %dot_general3A_2104 {offsets = [0, 0], sizes = [512, 128], strides = [1, 1]} : vector<512x512xf32> to vector<512x128xf32>
    %mul3A_2246 = vector.broadcast %slice3A_2244 : vector<512x1xf32> to vector<512x128xf32>
    %mul3A_2247 = arith.mulf %mul3A_2246, %slice3A_2245 : vector<512x128xf32>
    %slice3A_2248 = vector.extract_strided_slice %div3A_2243 {offsets = [0, 1], sizes = [512, 1], strides = [1, 1]} : vector<512x3xf32> to vector<512x1xf32>
    %slice3A_2249 = vector.extract_strided_slice %dot_general3A_2106 {offsets = [0, 0], sizes = [512, 128], strides = [1, 1]} : vector<512x512xf32> to vector<512x128xf32>
    %mul3A_2250 = vector.broadcast %slice3A_2248 : vector<512x1xf32> to vector<512x128xf32>
    %mul3A_2251 = arith.mulf %mul3A_2250, %slice3A_2249 : vector<512x128xf32>
    %add3A_2252 = arith.addf %mul3A_2247, %mul3A_2251 : vector<512x128xf32>
    %slice3A_2253 = vector.extract_strided_slice %div3A_2243 {offsets = [0, 2], sizes = [512, 1], strides = [1, 1]} : vector<512x3xf32> to vector<512x1xf32>
    %slice3A_2254 = vector.extract_strided_slice %dot_general3A_2108 {offsets = [0, 0], sizes = [512, 128], strides = [1, 1]} : vector<512x512xf32> to vector<512x128xf32>
    %mul3A_2255 = vector.broadcast %slice3A_2253 : vector<512x1xf32> to vector<512x128xf32>
    %mul3A_2256 = arith.mulf %mul3A_2255, %slice3A_2254 : vector<512x128xf32>
    %add3A_2257 = arith.addf %add3A_2252, %mul3A_2256 : vector<512x128xf32>
    %add3A_2258 = arith.addf %broadcast_in_dim3A_2114, %add3A_2257 : vector<512x128xf32>
    %slice3A_2259 = vector.extract_strided_slice %dot_general3A_2092 {offsets = [0, 128], sizes = [512, 128], strides = [1, 1]} : vector<512x512xf32> to vector<512x128xf32>
    %slice3A_2260 = vector.extract_strided_slice %dot_general3A_2098 {offsets = [0, 128], sizes = [512, 128], strides = [1, 1]} : vector<512x512xf32> to vector<512x128xf32>
    %mul3A_2261 = arith.mulf %slice3A_2259, %slice3A_2260 : vector<512x128xf32>
    %reduce_sum3A_2262 = arith.constant dense<0.000000e+00> : vector<512xf32>
    %reduce_sum3A_2263 = vector.multi_reduction <add>, %mul3A_2261, %reduce_sum3A_2262 [1] : vector<512x128xf32> to vector<512xf32>
    %broadcast_in_dim3A_2264 = vector.shape_cast %reduce_sum3A_2263 : vector<512xf32> to vector<512x1xf32>
    %slice3A_2265 = vector.extract_strided_slice %dot_general3A_2092 {offsets = [0, 128], sizes = [512, 128], strides = [1, 1]} : vector<512x512xf32> to vector<512x128xf32>
    %slice3A_2266 = vector.extract_strided_slice %dot_general3A_2100 {offsets = [0, 128], sizes = [512, 128], strides = [1, 1]} : vector<512x512xf32> to vector<512x128xf32>
    %mul3A_2267 = arith.mulf %slice3A_2265, %slice3A_2266 : vector<512x128xf32>
    %reduce_sum3A_2268 = arith.constant dense<0.000000e+00> : vector<512xf32>
    %reduce_sum3A_2269 = vector.multi_reduction <add>, %mul3A_2267, %reduce_sum3A_2268 [1] : vector<512x128xf32> to vector<512xf32>
    %broadcast_in_dim3A_2270 = vector.shape_cast %reduce_sum3A_2269 : vector<512xf32> to vector<512x1xf32>
    %slice3A_2271 = vector.extract_strided_slice %dot_general3A_2092 {offsets = [0, 128], sizes = [512, 128], strides = [1, 1]} : vector<512x512xf32> to vector<512x128xf32>
    %slice3A_2272 = vector.extract_strided_slice %dot_general3A_2102 {offsets = [0, 128], sizes = [512, 128], strides = [1, 1]} : vector<512x512xf32> to vector<512x128xf32>
    %mul3A_2273 = arith.mulf %slice3A_2271, %slice3A_2272 : vector<512x128xf32>
    %reduce_sum3A_2274 = arith.constant dense<0.000000e+00> : vector<512xf32>
    %reduce_sum3A_2275 = vector.multi_reduction <add>, %mul3A_2273, %reduce_sum3A_2274 [1] : vector<512x128xf32> to vector<512xf32>
    %broadcast_in_dim3A_2276 = vector.shape_cast %reduce_sum3A_2275 : vector<512xf32> to vector<512x1xf32>
    %concatenate3A_2277 = tpu.concatenate %broadcast_in_dim3A_2264, %broadcast_in_dim3A_2270, %broadcast_in_dim3A_2276 in 1 : vector<512x1xf32>, vector<512x1xf32>, vector<512x1xf32> -> vector<512x3xf32>
    %mul3A_2278 = arith.constant 0.0883883461 : f32
    %mul3A_2279 = vector.broadcast %mul3A_2278 : f32 to vector<512x3xf32>
    %mul3A_2280 = arith.mulf %concatenate3A_2277, %mul3A_2279 : vector<512x3xf32>
    %reduce_max3A_2281 = arith.constant dense<0xFF800000> : vector<512xf32>
    %reduce_max3A_2282 = vector.multi_reduction <maximumf>, %mul3A_2280, %reduce_max3A_2281 [1] : vector<512x3xf32> to vector<512xf32>
    %broadcast_in_dim3A_2283 = vector.shape_cast %reduce_max3A_2282 : vector<512xf32> to vector<512x1xf32>
    %sub3A_2284 = vector.broadcast %broadcast_in_dim3A_2283 : vector<512x1xf32> to vector<512x3xf32>
    %sub3A_2285 = arith.subf %mul3A_2280, %sub3A_2284 : vector<512x3xf32>
    %exp3A_2286 = math.exp %sub3A_2285 : vector<512x3xf32>
    %reduce_sum3A_2287 = arith.constant dense<0.000000e+00> : vector<512xf32>
    %reduce_sum3A_2288 = vector.multi_reduction <add>, %exp3A_2286, %reduce_sum3A_2287 [1] : vector<512x3xf32> to vector<512xf32>
    %broadcast_in_dim3A_2289 = vector.shape_cast %reduce_sum3A_2288 : vector<512xf32> to vector<512x1xf32>
    %div3A_2290 = vector.broadcast %broadcast_in_dim3A_2289 : vector<512x1xf32> to vector<512x3xf32>
    %div3A_2291 = arith.divf %exp3A_2286, %div3A_2290 : vector<512x3xf32>
    %slice3A_2292 = vector.extract_strided_slice %div3A_2291 {offsets = [0, 0], sizes = [512, 1], strides = [1, 1]} : vector<512x3xf32> to vector<512x1xf32>
    %slice3A_2293 = vector.extract_strided_slice %dot_general3A_2104 {offsets = [0, 128], sizes = [512, 128], strides = [1, 1]} : vector<512x512xf32> to vector<512x128xf32>
    %mul3A_2294 = vector.broadcast %slice3A_2292 : vector<512x1xf32> to vector<512x128xf32>
    %mul3A_2295 = arith.mulf %mul3A_2294, %slice3A_2293 : vector<512x128xf32>
    %slice3A_2296 = vector.extract_strided_slice %div3A_2291 {offsets = [0, 1], sizes = [512, 1], strides = [1, 1]} : vector<512x3xf32> to vector<512x1xf32>
    %slice3A_2297 = vector.extract_strided_slice %dot_general3A_2106 {offsets = [0, 128], sizes = [512, 128], strides = [1, 1]} : vector<512x512xf32> to vector<512x128xf32>
    %mul3A_2298 = vector.broadcast %slice3A_2296 : vector<512x1xf32> to vector<512x128xf32>
    %mul3A_2299 = arith.mulf %mul3A_2298, %slice3A_2297 : vector<512x128xf32>
    %add3A_2300 = arith.addf %mul3A_2295, %mul3A_2299 : vector<512x128xf32>
    %slice3A_2301 = vector.extract_strided_slice %div3A_2291 {offsets = [0, 2], sizes = [512, 1], strides = [1, 1]} : vector<512x3xf32> to vector<512x1xf32>
    %slice3A_2302 = vector.extract_strided_slice %dot_general3A_2108 {offsets = [0, 128], sizes = [512, 128], strides = [1, 1]} : vector<512x512xf32> to vector<512x128xf32>
    %mul3A_2303 = vector.broadcast %slice3A_2301 : vector<512x1xf32> to vector<512x128xf32>
    %mul3A_2304 = arith.mulf %mul3A_2303, %slice3A_2302 : vector<512x128xf32>
    %add3A_2305 = arith.addf %add3A_2300, %mul3A_2304 : vector<512x128xf32>
    %add3A_2306 = arith.addf %add3A_2162, %add3A_2305 : vector<512x128xf32>
    %slice3A_2307 = vector.extract_strided_slice %dot_general3A_2094 {offsets = [0, 128], sizes = [512, 128], strides = [1, 1]} : vector<512x512xf32> to vector<512x128xf32>
    %slice3A_2308 = vector.extract_strided_slice %dot_general3A_2098 {offsets = [0, 128], sizes = [512, 128], strides = [1, 1]} : vector<512x512xf32> to vector<512x128xf32>
    %mul3A_2309 = arith.mulf %slice3A_2307, %slice3A_2308 : vector<512x128xf32>
    %reduce_sum3A_2310 = arith.constant dense<0.000000e+00> : vector<512xf32>
    %reduce_sum3A_2311 = vector.multi_reduction <add>, %mul3A_2309, %reduce_sum3A_2310 [1] : vector<512x128xf32> to vector<512xf32>
    %broadcast_in_dim3A_2312 = vector.shape_cast %reduce_sum3A_2311 : vector<512xf32> to vector<512x1xf32>
    %slice3A_2313 = vector.extract_strided_slice %dot_general3A_2094 {offsets = [0, 128], sizes = [512, 128], strides = [1, 1]} : vector<512x512xf32> to vector<512x128xf32>
    %slice3A_2314 = vector.extract_strided_slice %dot_general3A_2100 {offsets = [0, 128], sizes = [512, 128], strides = [1, 1]} : vector<512x512xf32> to vector<512x128xf32>
    %mul3A_2315 = arith.mulf %slice3A_2313, %slice3A_2314 : vector<512x128xf32>
    %reduce_sum3A_2316 = arith.constant dense<0.000000e+00> : vector<512xf32>
    %reduce_sum3A_2317 = vector.multi_reduction <add>, %mul3A_2315, %reduce_sum3A_2316 [1] : vector<512x128xf32> to vector<512xf32>
    %broadcast_in_dim3A_2318 = vector.shape_cast %reduce_sum3A_2317 : vector<512xf32> to vector<512x1xf32>
    %slice3A_2319 = vector.extract_strided_slice %dot_general3A_2094 {offsets = [0, 128], sizes = [512, 128], strides = [1, 1]} : vector<512x512xf32> to vector<512x128xf32>
    %slice3A_2320 = vector.extract_strided_slice %dot_general3A_2102 {offsets = [0, 128], sizes = [512, 128], strides = [1, 1]} : vector<512x512xf32> to vector<512x128xf32>
    %mul3A_2321 = arith.mulf %slice3A_2319, %slice3A_2320 : vector<512x128xf32>
    %reduce_sum3A_2322 = arith.constant dense<0.000000e+00> : vector<512xf32>
    %reduce_sum3A_2323 = vector.multi_reduction <add>, %mul3A_2321, %reduce_sum3A_2322 [1] : vector<512x128xf32> to vector<512xf32>
    %broadcast_in_dim3A_2324 = vector.shape_cast %reduce_sum3A_2323 : vector<512xf32> to vector<512x1xf32>
    %concatenate3A_2325 = tpu.concatenate %broadcast_in_dim3A_2312, %broadcast_in_dim3A_2318, %broadcast_in_dim3A_2324 in 1 : vector<512x1xf32>, vector<512x1xf32>, vector<512x1xf32> -> vector<512x3xf32>
    %mul3A_2326 = arith.constant 0.0883883461 : f32
    %mul3A_2327 = vector.broadcast %mul3A_2326 : f32 to vector<512x3xf32>
    %mul3A_2328 = arith.mulf %concatenate3A_2325, %mul3A_2327 : vector<512x3xf32>
    %reduce_max3A_2329 = arith.constant dense<0xFF800000> : vector<512xf32>
    %reduce_max3A_2330 = vector.multi_reduction <maximumf>, %mul3A_2328, %reduce_max3A_2329 [1] : vector<512x3xf32> to vector<512xf32>
    %broadcast_in_dim3A_2331 = vector.shape_cast %reduce_max3A_2330 : vector<512xf32> to vector<512x1xf32>
    %sub3A_2332 = vector.broadcast %broadcast_in_dim3A_2331 : vector<512x1xf32> to vector<512x3xf32>
    %sub3A_2333 = arith.subf %mul3A_2328, %sub3A_2332 : vector<512x3xf32>
    %exp3A_2334 = math.exp %sub3A_2333 : vector<512x3xf32>
    %reduce_sum3A_2335 = arith.constant dense<0.000000e+00> : vector<512xf32>
    %reduce_sum3A_2336 = vector.multi_reduction <add>, %exp3A_2334, %reduce_sum3A_2335 [1] : vector<512x3xf32> to vector<512xf32>
    %broadcast_in_dim3A_2337 = vector.shape_cast %reduce_sum3A_2336 : vector<512xf32> to vector<512x1xf32>
    %div3A_2338 = vector.broadcast %broadcast_in_dim3A_2337 : vector<512x1xf32> to vector<512x3xf32>
    %div3A_2339 = arith.divf %exp3A_2334, %div3A_2338 : vector<512x3xf32>
    %slice3A_2340 = vector.extract_strided_slice %div3A_2339 {offsets = [0, 0], sizes = [512, 1], strides = [1, 1]} : vector<512x3xf32> to vector<512x1xf32>
    %slice3A_2341 = vector.extract_strided_slice %dot_general3A_2104 {offsets = [0, 128], sizes = [512, 128], strides = [1, 1]} : vector<512x512xf32> to vector<512x128xf32>
    %mul3A_2342 = vector.broadcast %slice3A_2340 : vector<512x1xf32> to vector<512x128xf32>
    %mul3A_2343 = arith.mulf %mul3A_2342, %slice3A_2341 : vector<512x128xf32>
    %slice3A_2344 = vector.extract_strided_slice %div3A_2339 {offsets = [0, 1], sizes = [512, 1], strides = [1, 1]} : vector<512x3xf32> to vector<512x1xf32>
    %slice3A_2345 = vector.extract_strided_slice %dot_general3A_2106 {offsets = [0, 128], sizes = [512, 128], strides = [1, 1]} : vector<512x512xf32> to vector<512x128xf32>
    %mul3A_2346 = vector.broadcast %slice3A_2344 : vector<512x1xf32> to vector<512x128xf32>
    %mul3A_2347 = arith.mulf %mul3A_2346, %slice3A_2345 : vector<512x128xf32>
    %add3A_2348 = arith.addf %mul3A_2343, %mul3A_2347 : vector<512x128xf32>
    %slice3A_2349 = vector.extract_strided_slice %div3A_2339 {offsets = [0, 2], sizes = [512, 1], strides = [1, 1]} : vector<512x3xf32> to vector<512x1xf32>
    %slice3A_2350 = vector.extract_strided_slice %dot_general3A_2108 {offsets = [0, 128], sizes = [512, 128], strides = [1, 1]} : vector<512x512xf32> to vector<512x128xf32>
    %mul3A_2351 = vector.broadcast %slice3A_2349 : vector<512x1xf32> to vector<512x128xf32>
    %mul3A_2352 = arith.mulf %mul3A_2351, %slice3A_2350 : vector<512x128xf32>
    %add3A_2353 = arith.addf %add3A_2348, %mul3A_2352 : vector<512x128xf32>
    %add3A_2354 = arith.addf %add3A_2210, %add3A_2353 : vector<512x128xf32>
    %slice3A_2355 = vector.extract_strided_slice %dot_general3A_2096 {offsets = [0, 128], sizes = [512, 128], strides = [1, 1]} : vector<512x512xf32> to vector<512x128xf32>
    %slice3A_2356 = vector.extract_strided_slice %dot_general3A_2098 {offsets = [0, 128], sizes = [512, 128], strides = [1, 1]} : vector<512x512xf32> to vector<512x128xf32>
    %mul3A_2357 = arith.mulf %slice3A_2355, %slice3A_2356 : vector<512x128xf32>
    %reduce_sum3A_2358 = arith.constant dense<0.000000e+00> : vector<512xf32>
    %reduce_sum3A_2359 = vector.multi_reduction <add>, %mul3A_2357, %reduce_sum3A_2358 [1] : vector<512x128xf32> to vector<512xf32>
    %broadcast_in_dim3A_2360 = vector.shape_cast %reduce_sum3A_2359 : vector<512xf32> to vector<512x1xf32>
    %slice3A_2361 = vector.extract_strided_slice %dot_general3A_2096 {offsets = [0, 128], sizes = [512, 128], strides = [1, 1]} : vector<512x512xf32> to vector<512x128xf32>
    %slice3A_2362 = vector.extract_strided_slice %dot_general3A_2100 {offsets = [0, 128], sizes = [512, 128], strides = [1, 1]} : vector<512x512xf32> to vector<512x128xf32>
    %mul3A_2363 = arith.mulf %slice3A_2361, %slice3A_2362 : vector<512x128xf32>
    %reduce_sum3A_2364 = arith.constant dense<0.000000e+00> : vector<512xf32>
    %reduce_sum3A_2365 = vector.multi_reduction <add>, %mul3A_2363, %reduce_sum3A_2364 [1] : vector<512x128xf32> to vector<512xf32>
    %broadcast_in_dim3A_2366 = vector.shape_cast %reduce_sum3A_2365 : vector<512xf32> to vector<512x1xf32>
    %slice3A_2367 = vector.extract_strided_slice %dot_general3A_2096 {offsets = [0, 128], sizes = [512, 128], strides = [1, 1]} : vector<512x512xf32> to vector<512x128xf32>
    %slice3A_2368 = vector.extract_strided_slice %dot_general3A_2102 {offsets = [0, 128], sizes = [512, 128], strides = [1, 1]} : vector<512x512xf32> to vector<512x128xf32>
    %mul3A_2369 = arith.mulf %slice3A_2367, %slice3A_2368 : vector<512x128xf32>
    %reduce_sum3A_2370 = arith.constant dense<0.000000e+00> : vector<512xf32>
    %reduce_sum3A_2371 = vector.multi_reduction <add>, %mul3A_2369, %reduce_sum3A_2370 [1] : vector<512x128xf32> to vector<512xf32>
    %broadcast_in_dim3A_2372 = vector.shape_cast %reduce_sum3A_2371 : vector<512xf32> to vector<512x1xf32>
    %concatenate3A_2373 = tpu.concatenate %broadcast_in_dim3A_2360, %broadcast_in_dim3A_2366, %broadcast_in_dim3A_2372 in 1 : vector<512x1xf32>, vector<512x1xf32>, vector<512x1xf32> -> vector<512x3xf32>
    %mul3A_2374 = arith.constant 0.0883883461 : f32
    %mul3A_2375 = vector.broadcast %mul3A_2374 : f32 to vector<512x3xf32>
    %mul3A_2376 = arith.mulf %concatenate3A_2373, %mul3A_2375 : vector<512x3xf32>
    %reduce_max3A_2377 = arith.constant dense<0xFF800000> : vector<512xf32>
    %reduce_max3A_2378 = vector.multi_reduction <maximumf>, %mul3A_2376, %reduce_max3A_2377 [1] : vector<512x3xf32> to vector<512xf32>
    %broadcast_in_dim3A_2379 = vector.shape_cast %reduce_max3A_2378 : vector<512xf32> to vector<512x1xf32>
    %sub3A_2380 = vector.broadcast %broadcast_in_dim3A_2379 : vector<512x1xf32> to vector<512x3xf32>
    %sub3A_2381 = arith.subf %mul3A_2376, %sub3A_2380 : vector<512x3xf32>
    %exp3A_2382 = math.exp %sub3A_2381 : vector<512x3xf32>
    %reduce_sum3A_2383 = arith.constant dense<0.000000e+00> : vector<512xf32>
    %reduce_sum3A_2384 = vector.multi_reduction <add>, %exp3A_2382, %reduce_sum3A_2383 [1] : vector<512x3xf32> to vector<512xf32>
    %broadcast_in_dim3A_2385 = vector.shape_cast %reduce_sum3A_2384 : vector<512xf32> to vector<512x1xf32>
    %div3A_2386 = vector.broadcast %broadcast_in_dim3A_2385 : vector<512x1xf32> to vector<512x3xf32>
    %div3A_2387 = arith.divf %exp3A_2382, %div3A_2386 : vector<512x3xf32>
    %slice3A_2388 = vector.extract_strided_slice %div3A_2387 {offsets = [0, 0], sizes = [512, 1], strides = [1, 1]} : vector<512x3xf32> to vector<512x1xf32>
    %slice3A_2389 = vector.extract_strided_slice %dot_general3A_2104 {offsets = [0, 128], sizes = [512, 128], strides = [1, 1]} : vector<512x512xf32> to vector<512x128xf32>
    %mul3A_2390 = vector.broadcast %slice3A_2388 : vector<512x1xf32> to vector<512x128xf32>
    %mul3A_2391 = arith.mulf %mul3A_2390, %slice3A_2389 : vector<512x128xf32>
    %slice3A_2392 = vector.extract_strided_slice %div3A_2387 {offsets = [0, 1], sizes = [512, 1], strides = [1, 1]} : vector<512x3xf32> to vector<512x1xf32>
    %slice3A_2393 = vector.extract_strided_slice %dot_general3A_2106 {offsets = [0, 128], sizes = [512, 128], strides = [1, 1]} : vector<512x512xf32> to vector<512x128xf32>
    %mul3A_2394 = vector.broadcast %slice3A_2392 : vector<512x1xf32> to vector<512x128xf32>
    %mul3A_2395 = arith.mulf %mul3A_2394, %slice3A_2393 : vector<512x128xf32>
    %add3A_2396 = arith.addf %mul3A_2391, %mul3A_2395 : vector<512x128xf32>
    %slice3A_2397 = vector.extract_strided_slice %div3A_2387 {offsets = [0, 2], sizes = [512, 1], strides = [1, 1]} : vector<512x3xf32> to vector<512x1xf32>
    %slice3A_2398 = vector.extract_strided_slice %dot_general3A_2108 {offsets = [0, 128], sizes = [512, 128], strides = [1, 1]} : vector<512x512xf32> to vector<512x128xf32>
    %mul3A_2399 = vector.broadcast %slice3A_2397 : vector<512x1xf32> to vector<512x128xf32>
    %mul3A_2400 = arith.mulf %mul3A_2399, %slice3A_2398 : vector<512x128xf32>
    %add3A_2401 = arith.addf %add3A_2396, %mul3A_2400 : vector<512x128xf32>
    %add3A_2402 = arith.addf %add3A_2258, %add3A_2401 : vector<512x128xf32>
    %slice3A_2403 = vector.extract_strided_slice %dot_general3A_2092 {offsets = [0, 256], sizes = [512, 128], strides = [1, 1]} : vector<512x512xf32> to vector<512x128xf32>
    %slice3A_2404 = vector.extract_strided_slice %dot_general3A_2098 {offsets = [0, 256], sizes = [512, 128], strides = [1, 1]} : vector<512x512xf32> to vector<512x128xf32>
    %mul3A_2405 = arith.mulf %slice3A_2403, %slice3A_2404 : vector<512x128xf32>
    %reduce_sum3A_2406 = arith.constant dense<0.000000e+00> : vector<512xf32>
    %reduce_sum3A_2407 = vector.multi_reduction <add>, %mul3A_2405, %reduce_sum3A_2406 [1] : vector<512x128xf32> to vector<512xf32>
    %broadcast_in_dim3A_2408 = vector.shape_cast %reduce_sum3A_2407 : vector<512xf32> to vector<512x1xf32>
    %slice3A_2409 = vector.extract_strided_slice %dot_general3A_2092 {offsets = [0, 256], sizes = [512, 128], strides = [1, 1]} : vector<512x512xf32> to vector<512x128xf32>
    %slice3A_2410 = vector.extract_strided_slice %dot_general3A_2100 {offsets = [0, 256], sizes = [512, 128], strides = [1, 1]} : vector<512x512xf32> to vector<512x128xf32>
    %mul3A_2411 = arith.mulf %slice3A_2409, %slice3A_2410 : vector<512x128xf32>
    %reduce_sum3A_2412 = arith.constant dense<0.000000e+00> : vector<512xf32>
    %reduce_sum3A_2413 = vector.multi_reduction <add>, %mul3A_2411, %reduce_sum3A_2412 [1] : vector<512x128xf32> to vector<512xf32>
    %broadcast_in_dim3A_2414 = vector.shape_cast %reduce_sum3A_2413 : vector<512xf32> to vector<512x1xf32>
    %slice3A_2415 = vector.extract_strided_slice %dot_general3A_2092 {offsets = [0, 256], sizes = [512, 128], strides = [1, 1]} : vector<512x512xf32> to vector<512x128xf32>
    %slice3A_2416 = vector.extract_strided_slice %dot_general3A_2102 {offsets = [0, 256], sizes = [512, 128], strides = [1, 1]} : vector<512x512xf32> to vector<512x128xf32>
    %mul3A_2417 = arith.mulf %slice3A_2415, %slice3A_2416 : vector<512x128xf32>
    %reduce_sum3A_2418 = arith.constant dense<0.000000e+00> : vector<512xf32>
    %reduce_sum3A_2419 = vector.multi_reduction <add>, %mul3A_2417, %reduce_sum3A_2418 [1] : vector<512x128xf32> to vector<512xf32>
    %broadcast_in_dim3A_2420 = vector.shape_cast %reduce_sum3A_2419 : vector<512xf32> to vector<512x1xf32>
    %concatenate3A_2421 = tpu.concatenate %broadcast_in_dim3A_2408, %broadcast_in_dim3A_2414, %broadcast_in_dim3A_2420 in 1 : vector<512x1xf32>, vector<512x1xf32>, vector<512x1xf32> -> vector<512x3xf32>
    %mul3A_2422 = arith.constant 0.0883883461 : f32
    %mul3A_2423 = vector.broadcast %mul3A_2422 : f32 to vector<512x3xf32>
    %mul3A_2424 = arith.mulf %concatenate3A_2421, %mul3A_2423 : vector<512x3xf32>
    %reduce_max3A_2425 = arith.constant dense<0xFF800000> : vector<512xf32>
    %reduce_max3A_2426 = vector.multi_reduction <maximumf>, %mul3A_2424, %reduce_max3A_2425 [1] : vector<512x3xf32> to vector<512xf32>
    %broadcast_in_dim3A_2427 = vector.shape_cast %reduce_max3A_2426 : vector<512xf32> to vector<512x1xf32>
    %sub3A_2428 = vector.broadcast %broadcast_in_dim3A_2427 : vector<512x1xf32> to vector<512x3xf32>
    %sub3A_2429 = arith.subf %mul3A_2424, %sub3A_2428 : vector<512x3xf32>
    %exp3A_2430 = math.exp %sub3A_2429 : vector<512x3xf32>
    %reduce_sum3A_2431 = arith.constant dense<0.000000e+00> : vector<512xf32>
    %reduce_sum3A_2432 = vector.multi_reduction <add>, %exp3A_2430, %reduce_sum3A_2431 [1] : vector<512x3xf32> to vector<512xf32>
    %broadcast_in_dim3A_2433 = vector.shape_cast %reduce_sum3A_2432 : vector<512xf32> to vector<512x1xf32>
    %div3A_2434 = vector.broadcast %broadcast_in_dim3A_2433 : vector<512x1xf32> to vector<512x3xf32>
    %div3A_2435 = arith.divf %exp3A_2430, %div3A_2434 : vector<512x3xf32>
    %slice3A_2436 = vector.extract_strided_slice %div3A_2435 {offsets = [0, 0], sizes = [512, 1], strides = [1, 1]} : vector<512x3xf32> to vector<512x1xf32>
    %slice3A_2437 = vector.extract_strided_slice %dot_general3A_2104 {offsets = [0, 256], sizes = [512, 128], strides = [1, 1]} : vector<512x512xf32> to vector<512x128xf32>
    %mul3A_2438 = vector.broadcast %slice3A_2436 : vector<512x1xf32> to vector<512x128xf32>
    %mul3A_2439 = arith.mulf %mul3A_2438, %slice3A_2437 : vector<512x128xf32>
    %slice3A_2440 = vector.extract_strided_slice %div3A_2435 {offsets = [0, 1], sizes = [512, 1], strides = [1, 1]} : vector<512x3xf32> to vector<512x1xf32>
    %slice3A_2441 = vector.extract_strided_slice %dot_general3A_2106 {offsets = [0, 256], sizes = [512, 128], strides = [1, 1]} : vector<512x512xf32> to vector<512x128xf32>
    %mul3A_2442 = vector.broadcast %slice3A_2440 : vector<512x1xf32> to vector<512x128xf32>
    %mul3A_2443 = arith.mulf %mul3A_2442, %slice3A_2441 : vector<512x128xf32>
    %add3A_2444 = arith.addf %mul3A_2439, %mul3A_2443 : vector<512x128xf32>
    %slice3A_2445 = vector.extract_strided_slice %div3A_2435 {offsets = [0, 2], sizes = [512, 1], strides = [1, 1]} : vector<512x3xf32> to vector<512x1xf32>
    %slice3A_2446 = vector.extract_strided_slice %dot_general3A_2108 {offsets = [0, 256], sizes = [512, 128], strides = [1, 1]} : vector<512x512xf32> to vector<512x128xf32>
    %mul3A_2447 = vector.broadcast %slice3A_2445 : vector<512x1xf32> to vector<512x128xf32>
    %mul3A_2448 = arith.mulf %mul3A_2447, %slice3A_2446 : vector<512x128xf32>
    %add3A_2449 = arith.addf %add3A_2444, %mul3A_2448 : vector<512x128xf32>
    %add3A_2450 = arith.addf %add3A_2306, %add3A_2449 : vector<512x128xf32>
    %slice3A_2451 = vector.extract_strided_slice %dot_general3A_2094 {offsets = [0, 256], sizes = [512, 128], strides = [1, 1]} : vector<512x512xf32> to vector<512x128xf32>
    %slice3A_2452 = vector.extract_strided_slice %dot_general3A_2098 {offsets = [0, 256], sizes = [512, 128], strides = [1, 1]} : vector<512x512xf32> to vector<512x128xf32>
    %mul3A_2453 = arith.mulf %slice3A_2451, %slice3A_2452 : vector<512x128xf32>
    %reduce_sum3A_2454 = arith.constant dense<0.000000e+00> : vector<512xf32>
    %reduce_sum3A_2455 = vector.multi_reduction <add>, %mul3A_2453, %reduce_sum3A_2454 [1] : vector<512x128xf32> to vector<512xf32>
    %broadcast_in_dim3A_2456 = vector.shape_cast %reduce_sum3A_2455 : vector<512xf32> to vector<512x1xf32>
    %slice3A_2457 = vector.extract_strided_slice %dot_general3A_2094 {offsets = [0, 256], sizes = [512, 128], strides = [1, 1]} : vector<512x512xf32> to vector<512x128xf32>
    %slice3A_2458 = vector.extract_strided_slice %dot_general3A_2100 {offsets = [0, 256], sizes = [512, 128], strides = [1, 1]} : vector<512x512xf32> to vector<512x128xf32>
    %mul3A_2459 = arith.mulf %slice3A_2457, %slice3A_2458 : vector<512x128xf32>
    %reduce_sum3A_2460 = arith.constant dense<0.000000e+00> : vector<512xf32>
    %reduce_sum3A_2461 = vector.multi_reduction <add>, %mul3A_2459, %reduce_sum3A_2460 [1] : vector<512x128xf32> to vector<512xf32>
    %broadcast_in_dim3A_2462 = vector.shape_cast %reduce_sum3A_2461 : vector<512xf32> to vector<512x1xf32>
    %slice3A_2463 = vector.extract_strided_slice %dot_general3A_2094 {offsets = [0, 256], sizes = [512, 128], strides = [1, 1]} : vector<512x512xf32> to vector<512x128xf32>
    %slice3A_2464 = vector.extract_strided_slice %dot_general3A_2102 {offsets = [0, 256], sizes = [512, 128], strides = [1, 1]} : vector<512x512xf32> to vector<512x128xf32>
    %mul3A_2465 = arith.mulf %slice3A_2463, %slice3A_2464 : vector<512x128xf32>
    %reduce_sum3A_2466 = arith.constant dense<0.000000e+00> : vector<512xf32>
    %reduce_sum3A_2467 = vector.multi_reduction <add>, %mul3A_2465, %reduce_sum3A_2466 [1] : vector<512x128xf32> to vector<512xf32>
    %broadcast_in_dim3A_2468 = vector.shape_cast %reduce_sum3A_2467 : vector<512xf32> to vector<512x1xf32>
    %concatenate3A_2469 = tpu.concatenate %broadcast_in_dim3A_2456, %broadcast_in_dim3A_2462, %broadcast_in_dim3A_2468 in 1 : vector<512x1xf32>, vector<512x1xf32>, vector<512x1xf32> -> vector<512x3xf32>
    %mul3A_2470 = arith.constant 0.0883883461 : f32
    %mul3A_2471 = vector.broadcast %mul3A_2470 : f32 to vector<512x3xf32>
    %mul3A_2472 = arith.mulf %concatenate3A_2469, %mul3A_2471 : vector<512x3xf32>
    %reduce_max3A_2473 = arith.constant dense<0xFF800000> : vector<512xf32>
    %reduce_max3A_2474 = vector.multi_reduction <maximumf>, %mul3A_2472, %reduce_max3A_2473 [1] : vector<512x3xf32> to vector<512xf32>
    %broadcast_in_dim3A_2475 = vector.shape_cast %reduce_max3A_2474 : vector<512xf32> to vector<512x1xf32>
    %sub3A_2476 = vector.broadcast %broadcast_in_dim3A_2475 : vector<512x1xf32> to vector<512x3xf32>
    %sub3A_2477 = arith.subf %mul3A_2472, %sub3A_2476 : vector<512x3xf32>
    %exp3A_2478 = math.exp %sub3A_2477 : vector<512x3xf32>
    %reduce_sum3A_2479 = arith.constant dense<0.000000e+00> : vector<512xf32>
    %reduce_sum3A_2480 = vector.multi_reduction <add>, %exp3A_2478, %reduce_sum3A_2479 [1] : vector<512x3xf32> to vector<512xf32>
    %broadcast_in_dim3A_2481 = vector.shape_cast %reduce_sum3A_2480 : vector<512xf32> to vector<512x1xf32>
    %div3A_2482 = vector.broadcast %broadcast_in_dim3A_2481 : vector<512x1xf32> to vector<512x3xf32>
    %div3A_2483 = arith.divf %exp3A_2478, %div3A_2482 : vector<512x3xf32>
    %slice3A_2484 = vector.extract_strided_slice %div3A_2483 {offsets = [0, 0], sizes = [512, 1], strides = [1, 1]} : vector<512x3xf32> to vector<512x1xf32>
    %slice3A_2485 = vector.extract_strided_slice %dot_general3A_2104 {offsets = [0, 256], sizes = [512, 128], strides = [1, 1]} : vector<512x512xf32> to vector<512x128xf32>
    %mul3A_2486 = vector.broadcast %slice3A_2484 : vector<512x1xf32> to vector<512x128xf32>
    %mul3A_2487 = arith.mulf %mul3A_2486, %slice3A_2485 : vector<512x128xf32>
    %slice3A_2488 = vector.extract_strided_slice %div3A_2483 {offsets = [0, 1], sizes = [512, 1], strides = [1, 1]} : vector<512x3xf32> to vector<512x1xf32>
    %slice3A_2489 = vector.extract_strided_slice %dot_general3A_2106 {offsets = [0, 256], sizes = [512, 128], strides = [1, 1]} : vector<512x512xf32> to vector<512x128xf32>
    %mul3A_2490 = vector.broadcast %slice3A_2488 : vector<512x1xf32> to vector<512x128xf32>
    %mul3A_2491 = arith.mulf %mul3A_2490, %slice3A_2489 : vector<512x128xf32>
    %add3A_2492 = arith.addf %mul3A_2487, %mul3A_2491 : vector<512x128xf32>
    %slice3A_2493 = vector.extract_strided_slice %div3A_2483 {offsets = [0, 2], sizes = [512, 1], strides = [1, 1]} : vector<512x3xf32> to vector<512x1xf32>
    %slice3A_2494 = vector.extract_strided_slice %dot_general3A_2108 {offsets = [0, 256], sizes = [512, 128], strides = [1, 1]} : vector<512x512xf32> to vector<512x128xf32>
    %mul3A_2495 = vector.broadcast %slice3A_2493 : vector<512x1xf32> to vector<512x128xf32>
    %mul3A_2496 = arith.mulf %mul3A_2495, %slice3A_2494 : vector<512x128xf32>
    %add3A_2497 = arith.addf %add3A_2492, %mul3A_2496 : vector<512x128xf32>
    %add3A_2498 = arith.addf %add3A_2354, %add3A_2497 : vector<512x128xf32>
    %slice3A_2499 = vector.extract_strided_slice %dot_general3A_2096 {offsets = [0, 256], sizes = [512, 128], strides = [1, 1]} : vector<512x512xf32> to vector<512x128xf32>
    %slice3A_2500 = vector.extract_strided_slice %dot_general3A_2098 {offsets = [0, 256], sizes = [512, 128], strides = [1, 1]} : vector<512x512xf32> to vector<512x128xf32>
    %mul3A_2501 = arith.mulf %slice3A_2499, %slice3A_2500 : vector<512x128xf32>
    %reduce_sum3A_2502 = arith.constant dense<0.000000e+00> : vector<512xf32>
    %reduce_sum3A_2503 = vector.multi_reduction <add>, %mul3A_2501, %reduce_sum3A_2502 [1] : vector<512x128xf32> to vector<512xf32>
    %broadcast_in_dim3A_2504 = vector.shape_cast %reduce_sum3A_2503 : vector<512xf32> to vector<512x1xf32>
    %slice3A_2505 = vector.extract_strided_slice %dot_general3A_2096 {offsets = [0, 256], sizes = [512, 128], strides = [1, 1]} : vector<512x512xf32> to vector<512x128xf32>
    %slice3A_2506 = vector.extract_strided_slice %dot_general3A_2100 {offsets = [0, 256], sizes = [512, 128], strides = [1, 1]} : vector<512x512xf32> to vector<512x128xf32>
    %mul3A_2507 = arith.mulf %slice3A_2505, %slice3A_2506 : vector<512x128xf32>
    %reduce_sum3A_2508 = arith.constant dense<0.000000e+00> : vector<512xf32>
    %reduce_sum3A_2509 = vector.multi_reduction <add>, %mul3A_2507, %reduce_sum3A_2508 [1] : vector<512x128xf32> to vector<512xf32>
    %broadcast_in_dim3A_2510 = vector.shape_cast %reduce_sum3A_2509 : vector<512xf32> to vector<512x1xf32>
    %slice3A_2511 = vector.extract_strided_slice %dot_general3A_2096 {offsets = [0, 256], sizes = [512, 128], strides = [1, 1]} : vector<512x512xf32> to vector<512x128xf32>
    %slice3A_2512 = vector.extract_strided_slice %dot_general3A_2102 {offsets = [0, 256], sizes = [512, 128], strides = [1, 1]} : vector<512x512xf32> to vector<512x128xf32>
    %mul3A_2513 = arith.mulf %slice3A_2511, %slice3A_2512 : vector<512x128xf32>
    %reduce_sum3A_2514 = arith.constant dense<0.000000e+00> : vector<512xf32>
    %reduce_sum3A_2515 = vector.multi_reduction <add>, %mul3A_2513, %reduce_sum3A_2514 [1] : vector<512x128xf32> to vector<512xf32>
    %broadcast_in_dim3A_2516 = vector.shape_cast %reduce_sum3A_2515 : vector<512xf32> to vector<512x1xf32>
    %concatenate3A_2517 = tpu.concatenate %broadcast_in_dim3A_2504, %broadcast_in_dim3A_2510, %broadcast_in_dim3A_2516 in 1 : vector<512x1xf32>, vector<512x1xf32>, vector<512x1xf32> -> vector<512x3xf32>
    %mul3A_2518 = arith.constant 0.0883883461 : f32
    %mul3A_2519 = vector.broadcast %mul3A_2518 : f32 to vector<512x3xf32>
    %mul3A_2520 = arith.mulf %concatenate3A_2517, %mul3A_2519 : vector<512x3xf32>
    %reduce_max3A_2521 = arith.constant dense<0xFF800000> : vector<512xf32>
    %reduce_max3A_2522 = vector.multi_reduction <maximumf>, %mul3A_2520, %reduce_max3A_2521 [1] : vector<512x3xf32> to vector<512xf32>
    %broadcast_in_dim3A_2523 = vector.shape_cast %reduce_max3A_2522 : vector<512xf32> to vector<512x1xf32>
    %sub3A_2524 = vector.broadcast %broadcast_in_dim3A_2523 : vector<512x1xf32> to vector<512x3xf32>
    %sub3A_2525 = arith.subf %mul3A_2520, %sub3A_2524 : vector<512x3xf32>
    %exp3A_2526 = math.exp %sub3A_2525 : vector<512x3xf32>
    %reduce_sum3A_2527 = arith.constant dense<0.000000e+00> : vector<512xf32>
    %reduce_sum3A_2528 = vector.multi_reduction <add>, %exp3A_2526, %reduce_sum3A_2527 [1] : vector<512x3xf32> to vector<512xf32>
    %broadcast_in_dim3A_2529 = vector.shape_cast %reduce_sum3A_2528 : vector<512xf32> to vector<512x1xf32>
    %div3A_2530 = vector.broadcast %broadcast_in_dim3A_2529 : vector<512x1xf32> to vector<512x3xf32>
    %div3A_2531 = arith.divf %exp3A_2526, %div3A_2530 : vector<512x3xf32>
    %slice3A_2532 = vector.extract_strided_slice %div3A_2531 {offsets = [0, 0], sizes = [512, 1], strides = [1, 1]} : vector<512x3xf32> to vector<512x1xf32>
    %slice3A_2533 = vector.extract_strided_slice %dot_general3A_2104 {offsets = [0, 256], sizes = [512, 128], strides = [1, 1]} : vector<512x512xf32> to vector<512x128xf32>
    %mul3A_2534 = vector.broadcast %slice3A_2532 : vector<512x1xf32> to vector<512x128xf32>
    %mul3A_2535 = arith.mulf %mul3A_2534, %slice3A_2533 : vector<512x128xf32>
    %slice3A_2536 = vector.extract_strided_slice %div3A_2531 {offsets = [0, 1], sizes = [512, 1], strides = [1, 1]} : vector<512x3xf32> to vector<512x1xf32>
    %slice3A_2537 = vector.extract_strided_slice %dot_general3A_2106 {offsets = [0, 256], sizes = [512, 128], strides = [1, 1]} : vector<512x512xf32> to vector<512x128xf32>
    %mul3A_2538 = vector.broadcast %slice3A_2536 : vector<512x1xf32> to vector<512x128xf32>
    %mul3A_2539 = arith.mulf %mul3A_2538, %slice3A_2537 : vector<512x128xf32>
    %add3A_2540 = arith.addf %mul3A_2535, %mul3A_2539 : vector<512x128xf32>
    %slice3A_2541 = vector.extract_strided_slice %div3A_2531 {offsets = [0, 2], sizes = [512, 1], strides = [1, 1]} : vector<512x3xf32> to vector<512x1xf32>
    %slice3A_2542 = vector.extract_strided_slice %dot_general3A_2108 {offsets = [0, 256], sizes = [512, 128], strides = [1, 1]} : vector<512x512xf32> to vector<512x128xf32>
    %mul3A_2543 = vector.broadcast %slice3A_2541 : vector<512x1xf32> to vector<512x128xf32>
    %mul3A_2544 = arith.mulf %mul3A_2543, %slice3A_2542 : vector<512x128xf32>
    %add3A_2545 = arith.addf %add3A_2540, %mul3A_2544 : vector<512x128xf32>
    %add3A_2546 = arith.addf %add3A_2402, %add3A_2545 : vector<512x128xf32>
    %slice3A_2547 = vector.extract_strided_slice %dot_general3A_2092 {offsets = [0, 384], sizes = [512, 128], strides = [1, 1]} : vector<512x512xf32> to vector<512x128xf32>
    %slice3A_2548 = vector.extract_strided_slice %dot_general3A_2098 {offsets = [0, 384], sizes = [512, 128], strides = [1, 1]} : vector<512x512xf32> to vector<512x128xf32>
    %mul3A_2549 = arith.mulf %slice3A_2547, %slice3A_2548 : vector<512x128xf32>
    %reduce_sum3A_2550 = arith.constant dense<0.000000e+00> : vector<512xf32>
    %reduce_sum3A_2551 = vector.multi_reduction <add>, %mul3A_2549, %reduce_sum3A_2550 [1] : vector<512x128xf32> to vector<512xf32>
    %broadcast_in_dim3A_2552 = vector.shape_cast %reduce_sum3A_2551 : vector<512xf32> to vector<512x1xf32>
    %slice3A_2553 = vector.extract_strided_slice %dot_general3A_2092 {offsets = [0, 384], sizes = [512, 128], strides = [1, 1]} : vector<512x512xf32> to vector<512x128xf32>
    %slice3A_2554 = vector.extract_strided_slice %dot_general3A_2100 {offsets = [0, 384], sizes = [512, 128], strides = [1, 1]} : vector<512x512xf32> to vector<512x128xf32>
    %mul3A_2555 = arith.mulf %slice3A_2553, %slice3A_2554 : vector<512x128xf32>
    %reduce_sum3A_2556 = arith.constant dense<0.000000e+00> : vector<512xf32>
    %reduce_sum3A_2557 = vector.multi_reduction <add>, %mul3A_2555, %reduce_sum3A_2556 [1] : vector<512x128xf32> to vector<512xf32>
    %broadcast_in_dim3A_2558 = vector.shape_cast %reduce_sum3A_2557 : vector<512xf32> to vector<512x1xf32>
    %slice3A_2559 = vector.extract_strided_slice %dot_general3A_2092 {offsets = [0, 384], sizes = [512, 128], strides = [1, 1]} : vector<512x512xf32> to vector<512x128xf32>
    %slice3A_2560 = vector.extract_strided_slice %dot_general3A_2102 {offsets = [0, 384], sizes = [512, 128], strides = [1, 1]} : vector<512x512xf32> to vector<512x128xf32>
    %mul3A_2561 = arith.mulf %slice3A_2559, %slice3A_2560 : vector<512x128xf32>
    %reduce_sum3A_2562 = arith.constant dense<0.000000e+00> : vector<512xf32>
    %reduce_sum3A_2563 = vector.multi_reduction <add>, %mul3A_2561, %reduce_sum3A_2562 [1] : vector<512x128xf32> to vector<512xf32>
    %broadcast_in_dim3A_2564 = vector.shape_cast %reduce_sum3A_2563 : vector<512xf32> to vector<512x1xf32>
    %concatenate3A_2565 = tpu.concatenate %broadcast_in_dim3A_2552, %broadcast_in_dim3A_2558, %broadcast_in_dim3A_2564 in 1 : vector<512x1xf32>, vector<512x1xf32>, vector<512x1xf32> -> vector<512x3xf32>
    %mul3A_2566 = arith.constant 0.0883883461 : f32
    %mul3A_2567 = vector.broadcast %mul3A_2566 : f32 to vector<512x3xf32>
    %mul3A_2568 = arith.mulf %concatenate3A_2565, %mul3A_2567 : vector<512x3xf32>
    %reduce_max3A_2569 = arith.constant dense<0xFF800000> : vector<512xf32>
    %reduce_max3A_2570 = vector.multi_reduction <maximumf>, %mul3A_2568, %reduce_max3A_2569 [1] : vector<512x3xf32> to vector<512xf32>
    %broadcast_in_dim3A_2571 = vector.shape_cast %reduce_max3A_2570 : vector<512xf32> to vector<512x1xf32>
    %sub3A_2572 = vector.broadcast %broadcast_in_dim3A_2571 : vector<512x1xf32> to vector<512x3xf32>
    %sub3A_2573 = arith.subf %mul3A_2568, %sub3A_2572 : vector<512x3xf32>
    %exp3A_2574 = math.exp %sub3A_2573 : vector<512x3xf32>
    %reduce_sum3A_2575 = arith.constant dense<0.000000e+00> : vector<512xf32>
    %reduce_sum3A_2576 = vector.multi_reduction <add>, %exp3A_2574, %reduce_sum3A_2575 [1] : vector<512x3xf32> to vector<512xf32>
    %broadcast_in_dim3A_2577 = vector.shape_cast %reduce_sum3A_2576 : vector<512xf32> to vector<512x1xf32>
    %div3A_2578 = vector.broadcast %broadcast_in_dim3A_2577 : vector<512x1xf32> to vector<512x3xf32>
    %div3A_2579 = arith.divf %exp3A_2574, %div3A_2578 : vector<512x3xf32>
    %slice3A_2580 = vector.extract_strided_slice %div3A_2579 {offsets = [0, 0], sizes = [512, 1], strides = [1, 1]} : vector<512x3xf32> to vector<512x1xf32>
    %slice3A_2581 = vector.extract_strided_slice %dot_general3A_2104 {offsets = [0, 384], sizes = [512, 128], strides = [1, 1]} : vector<512x512xf32> to vector<512x128xf32>
    %mul3A_2582 = vector.broadcast %slice3A_2580 : vector<512x1xf32> to vector<512x128xf32>
    %mul3A_2583 = arith.mulf %mul3A_2582, %slice3A_2581 : vector<512x128xf32>
    %slice3A_2584 = vector.extract_strided_slice %div3A_2579 {offsets = [0, 1], sizes = [512, 1], strides = [1, 1]} : vector<512x3xf32> to vector<512x1xf32>
    %slice3A_2585 = vector.extract_strided_slice %dot_general3A_2106 {offsets = [0, 384], sizes = [512, 128], strides = [1, 1]} : vector<512x512xf32> to vector<512x128xf32>
    %mul3A_2586 = vector.broadcast %slice3A_2584 : vector<512x1xf32> to vector<512x128xf32>
    %mul3A_2587 = arith.mulf %mul3A_2586, %slice3A_2585 : vector<512x128xf32>
    %add3A_2588 = arith.addf %mul3A_2583, %mul3A_2587 : vector<512x128xf32>
    %slice3A_2589 = vector.extract_strided_slice %div3A_2579 {offsets = [0, 2], sizes = [512, 1], strides = [1, 1]} : vector<512x3xf32> to vector<512x1xf32>
    %slice3A_2590 = vector.extract_strided_slice %dot_general3A_2108 {offsets = [0, 384], sizes = [512, 128], strides = [1, 1]} : vector<512x512xf32> to vector<512x128xf32>
    %mul3A_2591 = vector.broadcast %slice3A_2589 : vector<512x1xf32> to vector<512x128xf32>
    %mul3A_2592 = arith.mulf %mul3A_2591, %slice3A_2590 : vector<512x128xf32>
    %add3A_2593 = arith.addf %add3A_2588, %mul3A_2592 : vector<512x128xf32>
    %add3A_2594 = arith.addf %add3A_2450, %add3A_2593 : vector<512x128xf32>
    %slice3A_2595 = vector.extract_strided_slice %dot_general3A_2094 {offsets = [0, 384], sizes = [512, 128], strides = [1, 1]} : vector<512x512xf32> to vector<512x128xf32>
    %slice3A_2596 = vector.extract_strided_slice %dot_general3A_2098 {offsets = [0, 384], sizes = [512, 128], strides = [1, 1]} : vector<512x512xf32> to vector<512x128xf32>
    %mul3A_2597 = arith.mulf %slice3A_2595, %slice3A_2596 : vector<512x128xf32>
    %reduce_sum3A_2598 = arith.constant dense<0.000000e+00> : vector<512xf32>
    %reduce_sum3A_2599 = vector.multi_reduction <add>, %mul3A_2597, %reduce_sum3A_2598 [1] : vector<512x128xf32> to vector<512xf32>
    %broadcast_in_dim3A_2600 = vector.shape_cast %reduce_sum3A_2599 : vector<512xf32> to vector<512x1xf32>
    %slice3A_2601 = vector.extract_strided_slice %dot_general3A_2094 {offsets = [0, 384], sizes = [512, 128], strides = [1, 1]} : vector<512x512xf32> to vector<512x128xf32>
    %slice3A_2602 = vector.extract_strided_slice %dot_general3A_2100 {offsets = [0, 384], sizes = [512, 128], strides = [1, 1]} : vector<512x512xf32> to vector<512x128xf32>
    %mul3A_2603 = arith.mulf %slice3A_2601, %slice3A_2602 : vector<512x128xf32>
    %reduce_sum3A_2604 = arith.constant dense<0.000000e+00> : vector<512xf32>
    %reduce_sum3A_2605 = vector.multi_reduction <add>, %mul3A_2603, %reduce_sum3A_2604 [1] : vector<512x128xf32> to vector<512xf32>
    %broadcast_in_dim3A_2606 = vector.shape_cast %reduce_sum3A_2605 : vector<512xf32> to vector<512x1xf32>
    %slice3A_2607 = vector.extract_strided_slice %dot_general3A_2094 {offsets = [0, 384], sizes = [512, 128], strides = [1, 1]} : vector<512x512xf32> to vector<512x128xf32>
    %slice3A_2608 = vector.extract_strided_slice %dot_general3A_2102 {offsets = [0, 384], sizes = [512, 128], strides = [1, 1]} : vector<512x512xf32> to vector<512x128xf32>
    %mul3A_2609 = arith.mulf %slice3A_2607, %slice3A_2608 : vector<512x128xf32>
    %reduce_sum3A_2610 = arith.constant dense<0.000000e+00> : vector<512xf32>
    %reduce_sum3A_2611 = vector.multi_reduction <add>, %mul3A_2609, %reduce_sum3A_2610 [1] : vector<512x128xf32> to vector<512xf32>
    %broadcast_in_dim3A_2612 = vector.shape_cast %reduce_sum3A_2611 : vector<512xf32> to vector<512x1xf32>
    %concatenate3A_2613 = tpu.concatenate %broadcast_in_dim3A_2600, %broadcast_in_dim3A_2606, %broadcast_in_dim3A_2612 in 1 : vector<512x1xf32>, vector<512x1xf32>, vector<512x1xf32> -> vector<512x3xf32>
    %mul3A_2614 = arith.constant 0.0883883461 : f32
    %mul3A_2615 = vector.broadcast %mul3A_2614 : f32 to vector<512x3xf32>
    %mul3A_2616 = arith.mulf %concatenate3A_2613, %mul3A_2615 : vector<512x3xf32>
    %reduce_max3A_2617 = arith.constant dense<0xFF800000> : vector<512xf32>
    %reduce_max3A_2618 = vector.multi_reduction <maximumf>, %mul3A_2616, %reduce_max3A_2617 [1] : vector<512x3xf32> to vector<512xf32>
    %broadcast_in_dim3A_2619 = vector.shape_cast %reduce_max3A_2618 : vector<512xf32> to vector<512x1xf32>
    %sub3A_2620 = vector.broadcast %broadcast_in_dim3A_2619 : vector<512x1xf32> to vector<512x3xf32>
    %sub3A_2621 = arith.subf %mul3A_2616, %sub3A_2620 : vector<512x3xf32>
    %exp3A_2622 = math.exp %sub3A_2621 : vector<512x3xf32>
    %reduce_sum3A_2623 = arith.constant dense<0.000000e+00> : vector<512xf32>
    %reduce_sum3A_2624 = vector.multi_reduction <add>, %exp3A_2622, %reduce_sum3A_2623 [1] : vector<512x3xf32> to vector<512xf32>
    %broadcast_in_dim3A_2625 = vector.shape_cast %reduce_sum3A_2624 : vector<512xf32> to vector<512x1xf32>
    %div3A_2626 = vector.broadcast %broadcast_in_dim3A_2625 : vector<512x1xf32> to vector<512x3xf32>
    %div3A_2627 = arith.divf %exp3A_2622, %div3A_2626 : vector<512x3xf32>
    %slice3A_2628 = vector.extract_strided_slice %div3A_2627 {offsets = [0, 0], sizes = [512, 1], strides = [1, 1]} : vector<512x3xf32> to vector<512x1xf32>
    %slice3A_2629 = vector.extract_strided_slice %dot_general3A_2104 {offsets = [0, 384], sizes = [512, 128], strides = [1, 1]} : vector<512x512xf32> to vector<512x128xf32>
    %mul3A_2630 = vector.broadcast %slice3A_2628 : vector<512x1xf32> to vector<512x128xf32>
    %mul3A_2631 = arith.mulf %mul3A_2630, %slice3A_2629 : vector<512x128xf32>
    %slice3A_2632 = vector.extract_strided_slice %div3A_2627 {offsets = [0, 1], sizes = [512, 1], strides = [1, 1]} : vector<512x3xf32> to vector<512x1xf32>
    %slice3A_2633 = vector.extract_strided_slice %dot_general3A_2106 {offsets = [0, 384], sizes = [512, 128], strides = [1, 1]} : vector<512x512xf32> to vector<512x128xf32>
    %mul3A_2634 = vector.broadcast %slice3A_2632 : vector<512x1xf32> to vector<512x128xf32>
    %mul3A_2635 = arith.mulf %mul3A_2634, %slice3A_2633 : vector<512x128xf32>
    %add3A_2636 = arith.addf %mul3A_2631, %mul3A_2635 : vector<512x128xf32>
    %slice3A_2637 = vector.extract_strided_slice %div3A_2627 {offsets = [0, 2], sizes = [512, 1], strides = [1, 1]} : vector<512x3xf32> to vector<512x1xf32>
    %slice3A_2638 = vector.extract_strided_slice %dot_general3A_2108 {offsets = [0, 384], sizes = [512, 128], strides = [1, 1]} : vector<512x512xf32> to vector<512x128xf32>
    %mul3A_2639 = vector.broadcast %slice3A_2637 : vector<512x1xf32> to vector<512x128xf32>
    %mul3A_2640 = arith.mulf %mul3A_2639, %slice3A_2638 : vector<512x128xf32>
    %add3A_2641 = arith.addf %add3A_2636, %mul3A_2640 : vector<512x128xf32>
    %add3A_2642 = arith.addf %add3A_2498, %add3A_2641 : vector<512x128xf32>
    %slice3A_2643 = vector.extract_strided_slice %dot_general3A_2096 {offsets = [0, 384], sizes = [512, 128], strides = [1, 1]} : vector<512x512xf32> to vector<512x128xf32>
    %slice3A_2644 = vector.extract_strided_slice %dot_general3A_2098 {offsets = [0, 384], sizes = [512, 128], strides = [1, 1]} : vector<512x512xf32> to vector<512x128xf32>
    %mul3A_2645 = arith.mulf %slice3A_2643, %slice3A_2644 : vector<512x128xf32>
    %reduce_sum3A_2646 = arith.constant dense<0.000000e+00> : vector<512xf32>
    %reduce_sum3A_2647 = vector.multi_reduction <add>, %mul3A_2645, %reduce_sum3A_2646 [1] : vector<512x128xf32> to vector<512xf32>
    %broadcast_in_dim3A_2648 = vector.shape_cast %reduce_sum3A_2647 : vector<512xf32> to vector<512x1xf32>
    %slice3A_2649 = vector.extract_strided_slice %dot_general3A_2096 {offsets = [0, 384], sizes = [512, 128], strides = [1, 1]} : vector<512x512xf32> to vector<512x128xf32>
    %slice3A_2650 = vector.extract_strided_slice %dot_general3A_2100 {offsets = [0, 384], sizes = [512, 128], strides = [1, 1]} : vector<512x512xf32> to vector<512x128xf32>
    %mul3A_2651 = arith.mulf %slice3A_2649, %slice3A_2650 : vector<512x128xf32>
    %reduce_sum3A_2652 = arith.constant dense<0.000000e+00> : vector<512xf32>
    %reduce_sum3A_2653 = vector.multi_reduction <add>, %mul3A_2651, %reduce_sum3A_2652 [1] : vector<512x128xf32> to vector<512xf32>
    %broadcast_in_dim3A_2654 = vector.shape_cast %reduce_sum3A_2653 : vector<512xf32> to vector<512x1xf32>
    %slice3A_2655 = vector.extract_strided_slice %dot_general3A_2096 {offsets = [0, 384], sizes = [512, 128], strides = [1, 1]} : vector<512x512xf32> to vector<512x128xf32>
    %slice3A_2656 = vector.extract_strided_slice %dot_general3A_2102 {offsets = [0, 384], sizes = [512, 128], strides = [1, 1]} : vector<512x512xf32> to vector<512x128xf32>
    %mul3A_2657 = arith.mulf %slice3A_2655, %slice3A_2656 : vector<512x128xf32>
    %reduce_sum3A_2658 = arith.constant dense<0.000000e+00> : vector<512xf32>
    %reduce_sum3A_2659 = vector.multi_reduction <add>, %mul3A_2657, %reduce_sum3A_2658 [1] : vector<512x128xf32> to vector<512xf32>
    %broadcast_in_dim3A_2660 = vector.shape_cast %reduce_sum3A_2659 : vector<512xf32> to vector<512x1xf32>
    %concatenate3A_2661 = tpu.concatenate %broadcast_in_dim3A_2648, %broadcast_in_dim3A_2654, %broadcast_in_dim3A_2660 in 1 : vector<512x1xf32>, vector<512x1xf32>, vector<512x1xf32> -> vector<512x3xf32>
    %mul3A_2662 = arith.constant 0.0883883461 : f32
    %mul3A_2663 = vector.broadcast %mul3A_2662 : f32 to vector<512x3xf32>
    %mul3A_2664 = arith.mulf %concatenate3A_2661, %mul3A_2663 : vector<512x3xf32>
    %reduce_max3A_2665 = arith.constant dense<0xFF800000> : vector<512xf32>
    %reduce_max3A_2666 = vector.multi_reduction <maximumf>, %mul3A_2664, %reduce_max3A_2665 [1] : vector<512x3xf32> to vector<512xf32>
    %broadcast_in_dim3A_2667 = vector.shape_cast %reduce_max3A_2666 : vector<512xf32> to vector<512x1xf32>
    %sub3A_2668 = vector.broadcast %broadcast_in_dim3A_2667 : vector<512x1xf32> to vector<512x3xf32>
    %sub3A_2669 = arith.subf %mul3A_2664, %sub3A_2668 : vector<512x3xf32>
    %exp3A_2670 = math.exp %sub3A_2669 : vector<512x3xf32>
    %reduce_sum3A_2671 = arith.constant dense<0.000000e+00> : vector<512xf32>
    %reduce_sum3A_2672 = vector.multi_reduction <add>, %exp3A_2670, %reduce_sum3A_2671 [1] : vector<512x3xf32> to vector<512xf32>
    %broadcast_in_dim3A_2673 = vector.shape_cast %reduce_sum3A_2672 : vector<512xf32> to vector<512x1xf32>
    %div3A_2674 = vector.broadcast %broadcast_in_dim3A_2673 : vector<512x1xf32> to vector<512x3xf32>
    %div3A_2675 = arith.divf %exp3A_2670, %div3A_2674 : vector<512x3xf32>
    %slice3A_2676 = vector.extract_strided_slice %div3A_2675 {offsets = [0, 0], sizes = [512, 1], strides = [1, 1]} : vector<512x3xf32> to vector<512x1xf32>
    %slice3A_2677 = vector.extract_strided_slice %dot_general3A_2104 {offsets = [0, 384], sizes = [512, 128], strides = [1, 1]} : vector<512x512xf32> to vector<512x128xf32>
    %mul3A_2678 = vector.broadcast %slice3A_2676 : vector<512x1xf32> to vector<512x128xf32>
    %mul3A_2679 = arith.mulf %mul3A_2678, %slice3A_2677 : vector<512x128xf32>
    %slice3A_2680 = vector.extract_strided_slice %div3A_2675 {offsets = [0, 1], sizes = [512, 1], strides = [1, 1]} : vector<512x3xf32> to vector<512x1xf32>
    %slice3A_2681 = vector.extract_strided_slice %dot_general3A_2106 {offsets = [0, 384], sizes = [512, 128], strides = [1, 1]} : vector<512x512xf32> to vector<512x128xf32>
    %mul3A_2682 = vector.broadcast %slice3A_2680 : vector<512x1xf32> to vector<512x128xf32>
    %mul3A_2683 = arith.mulf %mul3A_2682, %slice3A_2681 : vector<512x128xf32>
    %add3A_2684 = arith.addf %mul3A_2679, %mul3A_2683 : vector<512x128xf32>
    %slice3A_2685 = vector.extract_strided_slice %div3A_2675 {offsets = [0, 2], sizes = [512, 1], strides = [1, 1]} : vector<512x3xf32> to vector<512x1xf32>
    %slice3A_2686 = vector.extract_strided_slice %dot_general3A_2108 {offsets = [0, 384], sizes = [512, 128], strides = [1, 1]} : vector<512x512xf32> to vector<512x128xf32>
    %mul3A_2687 = vector.broadcast %slice3A_2685 : vector<512x1xf32> to vector<512x128xf32>
    %mul3A_2688 = arith.mulf %mul3A_2687, %slice3A_2686 : vector<512x128xf32>
    %add3A_2689 = arith.addf %add3A_2684, %mul3A_2688 : vector<512x128xf32>
    %add3A_2690 = arith.addf %add3A_2546, %add3A_2689 : vector<512x128xf32>
    %mul3A_2691 = arith.constant 2.500000e-01 : f32
    %mul3A_2692 = vector.broadcast %mul3A_2691 : f32 to vector<512x128xf32>
    %mul3A_2693 = arith.mulf %add3A_2594, %mul3A_2692 : vector<512x128xf32>
    %max3A_2694 = arith.constant 0.000000e+00 : f32
    %max3A_2695 = vector.broadcast %max3A_2694 : f32 to vector<512x128xf32>
    %max3A_2696 = arith.maximumf %mul3A_2693, %max3A_2695 : vector<512x128xf32>
    %swap3A_2697 = arith.constant 0 : index
    %swap3A_2698 = arith.constant 1152 : index
    %swap3A_2699 = vector.load %arg31[%swap3A_2697, %swap3A_2698] : memref<512x1536xf32, #tpu.memory_space<vmem>>, vector<512x128xf32>
    tpu.vector_store %arg31[%swap3A_2697, %swap3A_2698], %max3A_2696 {strides = array<i32>} : memref<512x1536xf32, #tpu.memory_space<vmem>>, vector<512x128xf32>,
    %mul3A_2700 = arith.constant 2.500000e-01 : f32
    %mul3A_2701 = vector.broadcast %mul3A_2700 : f32 to vector<512x128xf32>
    %mul3A_2702 = arith.mulf %add3A_2642, %mul3A_2701 : vector<512x128xf32>
    %max3A_2703 = arith.constant 0.000000e+00 : f32
    %max3A_2704 = vector.broadcast %max3A_2703 : f32 to vector<512x128xf32>
    %max3A_2705 = arith.maximumf %mul3A_2702, %max3A_2704 : vector<512x128xf32>
    %swap3A_2706 = arith.constant 0 : index
    %swap3A_2707 = arith.constant 1280 : index
    %swap3A_2708 = vector.load %arg31[%swap3A_2706, %swap3A_2707] : memref<512x1536xf32, #tpu.memory_space<vmem>>, vector<512x128xf32>
    tpu.vector_store %arg31[%swap3A_2706, %swap3A_2707], %max3A_2705 {strides = array<i32>} : memref<512x1536xf32, #tpu.memory_space<vmem>>, vector<512x128xf32>,
    %mul3A_2709 = arith.constant 2.500000e-01 : f32
    %mul3A_2710 = vector.broadcast %mul3A_2709 : f32 to vector<512x128xf32>
    %mul3A_2711 = arith.mulf %add3A_2690, %mul3A_2710 : vector<512x128xf32>
    %max3A_2712 = arith.constant 0.000000e+00 : f32
    %max3A_2713 = vector.broadcast %max3A_2712 : f32 to vector<512x128xf32>
    %max3A_2714 = arith.maximumf %mul3A_2711, %max3A_2713 : vector<512x128xf32>
    %swap3A_2715 = arith.constant 0 : index
    %swap3A_2716 = arith.constant 1408 : index
    %swap3A_2717 = vector.load %arg31[%swap3A_2715, %swap3A_2716] : memref<512x1536xf32, #tpu.memory_space<vmem>>, vector<512x128xf32>
    tpu.vector_store %arg31[%swap3A_2715, %swap3A_2716], %max3A_2714 {strides = array<i32>} : memref<512x1536xf32, #tpu.memory_space<vmem>>, vector<512x128xf32>,
    %get3A_2718 = arith.constant 0 : index
    %get3A_2719 = arith.constant 0 : index
    %get3A_2720 = vector.load %arg24[%get3A_2718, %get3A_2719] : memref<256x4xf32, #tpu.memory_space<vmem>>, vector<256x4xf32>
    %get3A_2721 = arith.constant 0 : index
    %get3A_2722 = arith.constant 0 : index
    %get3A_2723 = vector.load %arg25[%get3A_2721, %get3A_2722] : memref<128x512xf32, #tpu.memory_space<vmem>>, vector<128x512xf32>
    %dot_general3A_2724 = arith.constant dense<0.000000e+00> : vector<512x512xf32>
    %dot_general3A_2725 = tpu.matmul %dot_general3A_1406, %get3A_2723, %dot_general3A_2724 {dimension_numbers = #tpu.dot_dimension_numbers<[1], [0], [0], [1], [0, 0, 1, 1], [], []>, transpose_lhs_hint = false} : vector<512x128xf32>, vector<128x512xf32>, vector<512x512xf32> -> vector<512x512xf32>
    %dot_general3A_2726 = arith.constant dense<0.000000e+00> : vector<512x512xf32>
    %dot_general3A_2727 = tpu.matmul %dot_general3A_1415, %get3A_2723, %dot_general3A_2726 {dimension_numbers = #tpu.dot_dimension_numbers<[1], [0], [0], [1], [0, 0, 1, 1], [], []>, transpose_lhs_hint = false} : vector<512x128xf32>, vector<128x512xf32>, vector<512x512xf32> -> vector<512x512xf32>
    %dot_general3A_2728 = arith.constant dense<0.000000e+00> : vector<512x512xf32>
    %dot_general3A_2729 = tpu.matmul %dot_general3A_1424, %get3A_2723, %dot_general3A_2728 {dimension_numbers = #tpu.dot_dimension_numbers<[1], [0], [0], [1], [0, 0, 1, 1], [], []>, transpose_lhs_hint = false} : vector<512x128xf32>, vector<128x512xf32>, vector<512x512xf32> -> vector<512x512xf32>
    %broadcast_in_dim3A_2730 = arith.constant 0.000000e+00 : f32
    %broadcast_in_dim3A_2731 = vector.broadcast %broadcast_in_dim3A_2730 : f32 to vector<512x128xf32>
    %slice3A_2732 = vector.extract_strided_slice %get3A_2720 {offsets = [0, 0], sizes = [256, 1], strides = [1, 1]} : vector<256x4xf32> to vector<256x1xf32>
    %dot_general3A_2733 = arith.constant dense<0.000000e+00> : vector<512x1xf32>
    %dot_general3A_2734 = tpu.matmul %concatenate3A, %slice3A_2732, %dot_general3A_2733 {dimension_numbers = #tpu.dot_dimension_numbers<[1], [0], [0], [1], [0, 0, 1, 1], [], []>, transpose_lhs_hint = false} : vector<512x256xf32>, vector<256x1xf32>, vector<512x1xf32> -> vector<512x1xf32>
    %slice3A_2735 = vector.extract_strided_slice %get3A_2720 {offsets = [0, 0], sizes = [256, 1], strides = [1, 1]} : vector<256x4xf32> to vector<256x1xf32>
    %dot_general3A_2736 = arith.constant dense<0.000000e+00> : vector<512x1xf32>
    %dot_general3A_2737 = tpu.matmul %concatenate3A_243, %slice3A_2735, %dot_general3A_2736 {dimension_numbers = #tpu.dot_dimension_numbers<[1], [0], [0], [1], [0, 0, 1, 1], [], []>, transpose_lhs_hint = false} : vector<512x256xf32>, vector<256x1xf32>, vector<512x1xf32> -> vector<512x1xf32>
    %slice3A_2738 = vector.extract_strided_slice %get3A_2720 {offsets = [0, 0], sizes = [256, 1], strides = [1, 1]} : vector<256x4xf32> to vector<256x1xf32>
    %dot_general3A_2739 = arith.constant dense<0.000000e+00> : vector<512x1xf32>
    %dot_general3A_2740 = tpu.matmul %concatenate3A_244, %slice3A_2738, %dot_general3A_2739 {dimension_numbers = #tpu.dot_dimension_numbers<[1], [0], [0], [1], [0, 0, 1, 1], [], []>, transpose_lhs_hint = false} : vector<512x256xf32>, vector<256x1xf32>, vector<512x1xf32> -> vector<512x1xf32>
    %concatenate3A_2741 = tpu.concatenate %dot_general3A_2734, %dot_general3A_2737, %dot_general3A_2740 in 1 : vector<512x1xf32>, vector<512x1xf32>, vector<512x1xf32> -> vector<512x3xf32>
    %reduce_max3A_2742 = arith.constant dense<0xFF800000> : vector<512xf32>
    %reduce_max3A_2743 = vector.multi_reduction <maximumf>, %concatenate3A_2741, %reduce_max3A_2742 [1] : vector<512x3xf32> to vector<512xf32>
    %broadcast_in_dim3A_2744 = vector.shape_cast %reduce_max3A_2743 : vector<512xf32> to vector<512x1xf32>
    %sub3A_2745 = vector.broadcast %broadcast_in_dim3A_2744 : vector<512x1xf32> to vector<512x3xf32>
    %sub3A_2746 = arith.subf %concatenate3A_2741, %sub3A_2745 : vector<512x3xf32>
    %exp3A_2747 = math.exp %sub3A_2746 : vector<512x3xf32>
    %reduce_sum3A_2748 = arith.constant dense<0.000000e+00> : vector<512xf32>
    %reduce_sum3A_2749 = vector.multi_reduction <add>, %exp3A_2747, %reduce_sum3A_2748 [1] : vector<512x3xf32> to vector<512xf32>
    %broadcast_in_dim3A_2750 = vector.shape_cast %reduce_sum3A_2749 : vector<512xf32> to vector<512x1xf32>
    %div3A_2751 = vector.broadcast %broadcast_in_dim3A_2750 : vector<512x1xf32> to vector<512x3xf32>
    %div3A_2752 = arith.divf %exp3A_2747, %div3A_2751 : vector<512x3xf32>
    %slice3A_2753 = vector.extract_strided_slice %div3A_2752 {offsets = [0, 0], sizes = [512, 1], strides = [1, 1]} : vector<512x3xf32> to vector<512x1xf32>
    %slice3A_2754 = vector.extract_strided_slice %dot_general3A_2725 {offsets = [0, 0], sizes = [512, 128], strides = [1, 1]} : vector<512x512xf32> to vector<512x128xf32>
    %mul3A_2755 = vector.broadcast %slice3A_2753 : vector<512x1xf32> to vector<512x128xf32>
    %mul3A_2756 = arith.mulf %mul3A_2755, %slice3A_2754 : vector<512x128xf32>
    %slice3A_2757 = vector.extract_strided_slice %div3A_2752 {offsets = [0, 1], sizes = [512, 1], strides = [1, 1]} : vector<512x3xf32> to vector<512x1xf32>
    %slice3A_2758 = vector.extract_strided_slice %dot_general3A_2727 {offsets = [0, 0], sizes = [512, 128], strides = [1, 1]} : vector<512x512xf32> to vector<512x128xf32>
    %mul3A_2759 = vector.broadcast %slice3A_2757 : vector<512x1xf32> to vector<512x128xf32>
    %mul3A_2760 = arith.mulf %mul3A_2759, %slice3A_2758 : vector<512x128xf32>
    %add3A_2761 = arith.addf %mul3A_2756, %mul3A_2760 : vector<512x128xf32>
    %slice3A_2762 = vector.extract_strided_slice %div3A_2752 {offsets = [0, 2], sizes = [512, 1], strides = [1, 1]} : vector<512x3xf32> to vector<512x1xf32>
    %slice3A_2763 = vector.extract_strided_slice %dot_general3A_2729 {offsets = [0, 0], sizes = [512, 128], strides = [1, 1]} : vector<512x512xf32> to vector<512x128xf32>
    %mul3A_2764 = vector.broadcast %slice3A_2762 : vector<512x1xf32> to vector<512x128xf32>
    %mul3A_2765 = arith.mulf %mul3A_2764, %slice3A_2763 : vector<512x128xf32>
    %add3A_2766 = arith.addf %add3A_2761, %mul3A_2765 : vector<512x128xf32>
    %add3A_2767 = arith.addf %broadcast_in_dim3A_2731, %add3A_2766 : vector<512x128xf32>
    %slice3A_2768 = vector.extract_strided_slice %get3A_2720 {offsets = [0, 1], sizes = [256, 1], strides = [1, 1]} : vector<256x4xf32> to vector<256x1xf32>
    %dot_general3A_2769 = arith.constant dense<0.000000e+00> : vector<512x1xf32>
    %dot_general3A_2770 = tpu.matmul %concatenate3A, %slice3A_2768, %dot_general3A_2769 {dimension_numbers = #tpu.dot_dimension_numbers<[1], [0], [0], [1], [0, 0, 1, 1], [], []>, transpose_lhs_hint = false} : vector<512x256xf32>, vector<256x1xf32>, vector<512x1xf32> -> vector<512x1xf32>
    %slice3A_2771 = vector.extract_strided_slice %get3A_2720 {offsets = [0, 1], sizes = [256, 1], strides = [1, 1]} : vector<256x4xf32> to vector<256x1xf32>
    %dot_general3A_2772 = arith.constant dense<0.000000e+00> : vector<512x1xf32>
    %dot_general3A_2773 = tpu.matmul %concatenate3A_243, %slice3A_2771, %dot_general3A_2772 {dimension_numbers = #tpu.dot_dimension_numbers<[1], [0], [0], [1], [0, 0, 1, 1], [], []>, transpose_lhs_hint = false} : vector<512x256xf32>, vector<256x1xf32>, vector<512x1xf32> -> vector<512x1xf32>
    %slice3A_2774 = vector.extract_strided_slice %get3A_2720 {offsets = [0, 1], sizes = [256, 1], strides = [1, 1]} : vector<256x4xf32> to vector<256x1xf32>
    %dot_general3A_2775 = arith.constant dense<0.000000e+00> : vector<512x1xf32>
    %dot_general3A_2776 = tpu.matmul %concatenate3A_244, %slice3A_2774, %dot_general3A_2775 {dimension_numbers = #tpu.dot_dimension_numbers<[1], [0], [0], [1], [0, 0, 1, 1], [], []>, transpose_lhs_hint = false} : vector<512x256xf32>, vector<256x1xf32>, vector<512x1xf32> -> vector<512x1xf32>
    %concatenate3A_2777 = tpu.concatenate %dot_general3A_2770, %dot_general3A_2773, %dot_general3A_2776 in 1 : vector<512x1xf32>, vector<512x1xf32>, vector<512x1xf32> -> vector<512x3xf32>
    %reduce_max3A_2778 = arith.constant dense<0xFF800000> : vector<512xf32>
    %reduce_max3A_2779 = vector.multi_reduction <maximumf>, %concatenate3A_2777, %reduce_max3A_2778 [1] : vector<512x3xf32> to vector<512xf32>
    %broadcast_in_dim3A_2780 = vector.shape_cast %reduce_max3A_2779 : vector<512xf32> to vector<512x1xf32>
    %sub3A_2781 = vector.broadcast %broadcast_in_dim3A_2780 : vector<512x1xf32> to vector<512x3xf32>
    %sub3A_2782 = arith.subf %concatenate3A_2777, %sub3A_2781 : vector<512x3xf32>
    %exp3A_2783 = math.exp %sub3A_2782 : vector<512x3xf32>
    %reduce_sum3A_2784 = arith.constant dense<0.000000e+00> : vector<512xf32>
    %reduce_sum3A_2785 = vector.multi_reduction <add>, %exp3A_2783, %reduce_sum3A_2784 [1] : vector<512x3xf32> to vector<512xf32>
    %broadcast_in_dim3A_2786 = vector.shape_cast %reduce_sum3A_2785 : vector<512xf32> to vector<512x1xf32>
    %div3A_2787 = vector.broadcast %broadcast_in_dim3A_2786 : vector<512x1xf32> to vector<512x3xf32>
    %div3A_2788 = arith.divf %exp3A_2783, %div3A_2787 : vector<512x3xf32>
    %slice3A_2789 = vector.extract_strided_slice %div3A_2788 {offsets = [0, 0], sizes = [512, 1], strides = [1, 1]} : vector<512x3xf32> to vector<512x1xf32>
    %slice3A_2790 = vector.extract_strided_slice %dot_general3A_2725 {offsets = [0, 128], sizes = [512, 128], strides = [1, 1]} : vector<512x512xf32> to vector<512x128xf32>
    %mul3A_2791 = vector.broadcast %slice3A_2789 : vector<512x1xf32> to vector<512x128xf32>
    %mul3A_2792 = arith.mulf %mul3A_2791, %slice3A_2790 : vector<512x128xf32>
    %slice3A_2793 = vector.extract_strided_slice %div3A_2788 {offsets = [0, 1], sizes = [512, 1], strides = [1, 1]} : vector<512x3xf32> to vector<512x1xf32>
    %slice3A_2794 = vector.extract_strided_slice %dot_general3A_2727 {offsets = [0, 128], sizes = [512, 128], strides = [1, 1]} : vector<512x512xf32> to vector<512x128xf32>
    %mul3A_2795 = vector.broadcast %slice3A_2793 : vector<512x1xf32> to vector<512x128xf32>
    %mul3A_2796 = arith.mulf %mul3A_2795, %slice3A_2794 : vector<512x128xf32>
    %add3A_2797 = arith.addf %mul3A_2792, %mul3A_2796 : vector<512x128xf32>
    %slice3A_2798 = vector.extract_strided_slice %div3A_2788 {offsets = [0, 2], sizes = [512, 1], strides = [1, 1]} : vector<512x3xf32> to vector<512x1xf32>
    %slice3A_2799 = vector.extract_strided_slice %dot_general3A_2729 {offsets = [0, 128], sizes = [512, 128], strides = [1, 1]} : vector<512x512xf32> to vector<512x128xf32>
    %mul3A_2800 = vector.broadcast %slice3A_2798 : vector<512x1xf32> to vector<512x128xf32>
    %mul3A_2801 = arith.mulf %mul3A_2800, %slice3A_2799 : vector<512x128xf32>
    %add3A_2802 = arith.addf %add3A_2797, %mul3A_2801 : vector<512x128xf32>
    %add3A_2803 = arith.addf %add3A_2767, %add3A_2802 : vector<512x128xf32>
    %slice3A_2804 = vector.extract_strided_slice %get3A_2720 {offsets = [0, 2], sizes = [256, 1], strides = [1, 1]} : vector<256x4xf32> to vector<256x1xf32>
    %dot_general3A_2805 = arith.constant dense<0.000000e+00> : vector<512x1xf32>
    %dot_general3A_2806 = tpu.matmul %concatenate3A, %slice3A_2804, %dot_general3A_2805 {dimension_numbers = #tpu.dot_dimension_numbers<[1], [0], [0], [1], [0, 0, 1, 1], [], []>, transpose_lhs_hint = false} : vector<512x256xf32>, vector<256x1xf32>, vector<512x1xf32> -> vector<512x1xf32>
    %slice3A_2807 = vector.extract_strided_slice %get3A_2720 {offsets = [0, 2], sizes = [256, 1], strides = [1, 1]} : vector<256x4xf32> to vector<256x1xf32>
    %dot_general3A_2808 = arith.constant dense<0.000000e+00> : vector<512x1xf32>
    %dot_general3A_2809 = tpu.matmul %concatenate3A_243, %slice3A_2807, %dot_general3A_2808 {dimension_numbers = #tpu.dot_dimension_numbers<[1], [0], [0], [1], [0, 0, 1, 1], [], []>, transpose_lhs_hint = false} : vector<512x256xf32>, vector<256x1xf32>, vector<512x1xf32> -> vector<512x1xf32>
    %slice3A_2810 = vector.extract_strided_slice %get3A_2720 {offsets = [0, 2], sizes = [256, 1], strides = [1, 1]} : vector<256x4xf32> to vector<256x1xf32>
    %dot_general3A_2811 = arith.constant dense<0.000000e+00> : vector<512x1xf32>
    %dot_general3A_2812 = tpu.matmul %concatenate3A_244, %slice3A_2810, %dot_general3A_2811 {dimension_numbers = #tpu.dot_dimension_numbers<[1], [0], [0], [1], [0, 0, 1, 1], [], []>, transpose_lhs_hint = false} : vector<512x256xf32>, vector<256x1xf32>, vector<512x1xf32> -> vector<512x1xf32>
    %concatenate3A_2813 = tpu.concatenate %dot_general3A_2806, %dot_general3A_2809, %dot_general3A_2812 in 1 : vector<512x1xf32>, vector<512x1xf32>, vector<512x1xf32> -> vector<512x3xf32>
    %reduce_max3A_2814 = arith.constant dense<0xFF800000> : vector<512xf32>
    %reduce_max3A_2815 = vector.multi_reduction <maximumf>, %concatenate3A_2813, %reduce_max3A_2814 [1] : vector<512x3xf32> to vector<512xf32>
    %broadcast_in_dim3A_2816 = vector.shape_cast %reduce_max3A_2815 : vector<512xf32> to vector<512x1xf32>
    %sub3A_2817 = vector.broadcast %broadcast_in_dim3A_2816 : vector<512x1xf32> to vector<512x3xf32>
    %sub3A_2818 = arith.subf %concatenate3A_2813, %sub3A_2817 : vector<512x3xf32>
    %exp3A_2819 = math.exp %sub3A_2818 : vector<512x3xf32>
    %reduce_sum3A_2820 = arith.constant dense<0.000000e+00> : vector<512xf32>
    %reduce_sum3A_2821 = vector.multi_reduction <add>, %exp3A_2819, %reduce_sum3A_2820 [1] : vector<512x3xf32> to vector<512xf32>
    %broadcast_in_dim3A_2822 = vector.shape_cast %reduce_sum3A_2821 : vector<512xf32> to vector<512x1xf32>
    %div3A_2823 = vector.broadcast %broadcast_in_dim3A_2822 : vector<512x1xf32> to vector<512x3xf32>
    %div3A_2824 = arith.divf %exp3A_2819, %div3A_2823 : vector<512x3xf32>
    %slice3A_2825 = vector.extract_strided_slice %div3A_2824 {offsets = [0, 0], sizes = [512, 1], strides = [1, 1]} : vector<512x3xf32> to vector<512x1xf32>
    %slice3A_2826 = vector.extract_strided_slice %dot_general3A_2725 {offsets = [0, 256], sizes = [512, 128], strides = [1, 1]} : vector<512x512xf32> to vector<512x128xf32>
    %mul3A_2827 = vector.broadcast %slice3A_2825 : vector<512x1xf32> to vector<512x128xf32>
    %mul3A_2828 = arith.mulf %mul3A_2827, %slice3A_2826 : vector<512x128xf32>
    %slice3A_2829 = vector.extract_strided_slice %div3A_2824 {offsets = [0, 1], sizes = [512, 1], strides = [1, 1]} : vector<512x3xf32> to vector<512x1xf32>
    %slice3A_2830 = vector.extract_strided_slice %dot_general3A_2727 {offsets = [0, 256], sizes = [512, 128], strides = [1, 1]} : vector<512x512xf32> to vector<512x128xf32>
    %mul3A_2831 = vector.broadcast %slice3A_2829 : vector<512x1xf32> to vector<512x128xf32>
    %mul3A_2832 = arith.mulf %mul3A_2831, %slice3A_2830 : vector<512x128xf32>
    %add3A_2833 = arith.addf %mul3A_2828, %mul3A_2832 : vector<512x128xf32>
    %slice3A_2834 = vector.extract_strided_slice %div3A_2824 {offsets = [0, 2], sizes = [512, 1], strides = [1, 1]} : vector<512x3xf32> to vector<512x1xf32>
    %slice3A_2835 = vector.extract_strided_slice %dot_general3A_2729 {offsets = [0, 256], sizes = [512, 128], strides = [1, 1]} : vector<512x512xf32> to vector<512x128xf32>
    %mul3A_2836 = vector.broadcast %slice3A_2834 : vector<512x1xf32> to vector<512x128xf32>
    %mul3A_2837 = arith.mulf %mul3A_2836, %slice3A_2835 : vector<512x128xf32>
    %add3A_2838 = arith.addf %add3A_2833, %mul3A_2837 : vector<512x128xf32>
    %add3A_2839 = arith.addf %add3A_2803, %add3A_2838 : vector<512x128xf32>
    %slice3A_2840 = vector.extract_strided_slice %get3A_2720 {offsets = [0, 3], sizes = [256, 1], strides = [1, 1]} : vector<256x4xf32> to vector<256x1xf32>
    %dot_general3A_2841 = arith.constant dense<0.000000e+00> : vector<512x1xf32>
    %dot_general3A_2842 = tpu.matmul %concatenate3A, %slice3A_2840, %dot_general3A_2841 {dimension_numbers = #tpu.dot_dimension_numbers<[1], [0], [0], [1], [0, 0, 1, 1], [], []>, transpose_lhs_hint = false} : vector<512x256xf32>, vector<256x1xf32>, vector<512x1xf32> -> vector<512x1xf32>
    %slice3A_2843 = vector.extract_strided_slice %get3A_2720 {offsets = [0, 3], sizes = [256, 1], strides = [1, 1]} : vector<256x4xf32> to vector<256x1xf32>
    %dot_general3A_2844 = arith.constant dense<0.000000e+00> : vector<512x1xf32>
    %dot_general3A_2845 = tpu.matmul %concatenate3A_243, %slice3A_2843, %dot_general3A_2844 {dimension_numbers = #tpu.dot_dimension_numbers<[1], [0], [0], [1], [0, 0, 1, 1], [], []>, transpose_lhs_hint = false} : vector<512x256xf32>, vector<256x1xf32>, vector<512x1xf32> -> vector<512x1xf32>
    %slice3A_2846 = vector.extract_strided_slice %get3A_2720 {offsets = [0, 3], sizes = [256, 1], strides = [1, 1]} : vector<256x4xf32> to vector<256x1xf32>
    %dot_general3A_2847 = arith.constant dense<0.000000e+00> : vector<512x1xf32>
    %dot_general3A_2848 = tpu.matmul %concatenate3A_244, %slice3A_2846, %dot_general3A_2847 {dimension_numbers = #tpu.dot_dimension_numbers<[1], [0], [0], [1], [0, 0, 1, 1], [], []>, transpose_lhs_hint = false} : vector<512x256xf32>, vector<256x1xf32>, vector<512x1xf32> -> vector<512x1xf32>
    %concatenate3A_2849 = tpu.concatenate %dot_general3A_2842, %dot_general3A_2845, %dot_general3A_2848 in 1 : vector<512x1xf32>, vector<512x1xf32>, vector<512x1xf32> -> vector<512x3xf32>
    %reduce_max3A_2850 = arith.constant dense<0xFF800000> : vector<512xf32>
    %reduce_max3A_2851 = vector.multi_reduction <maximumf>, %concatenate3A_2849, %reduce_max3A_2850 [1] : vector<512x3xf32> to vector<512xf32>
    %broadcast_in_dim3A_2852 = vector.shape_cast %reduce_max3A_2851 : vector<512xf32> to vector<512x1xf32>
    %sub3A_2853 = vector.broadcast %broadcast_in_dim3A_2852 : vector<512x1xf32> to vector<512x3xf32>
    %sub3A_2854 = arith.subf %concatenate3A_2849, %sub3A_2853 : vector<512x3xf32>
    %exp3A_2855 = math.exp %sub3A_2854 : vector<512x3xf32>
    %reduce_sum3A_2856 = arith.constant dense<0.000000e+00> : vector<512xf32>
    %reduce_sum3A_2857 = vector.multi_reduction <add>, %exp3A_2855, %reduce_sum3A_2856 [1] : vector<512x3xf32> to vector<512xf32>
    %broadcast_in_dim3A_2858 = vector.shape_cast %reduce_sum3A_2857 : vector<512xf32> to vector<512x1xf32>
    %div3A_2859 = vector.broadcast %broadcast_in_dim3A_2858 : vector<512x1xf32> to vector<512x3xf32>
    %div3A_2860 = arith.divf %exp3A_2855, %div3A_2859 : vector<512x3xf32>
    %slice3A_2861 = vector.extract_strided_slice %div3A_2860 {offsets = [0, 0], sizes = [512, 1], strides = [1, 1]} : vector<512x3xf32> to vector<512x1xf32>
    %slice3A_2862 = vector.extract_strided_slice %dot_general3A_2725 {offsets = [0, 384], sizes = [512, 128], strides = [1, 1]} : vector<512x512xf32> to vector<512x128xf32>
    %mul3A_2863 = vector.broadcast %slice3A_2861 : vector<512x1xf32> to vector<512x128xf32>
    %mul3A_2864 = arith.mulf %mul3A_2863, %slice3A_2862 : vector<512x128xf32>
    %slice3A_2865 = vector.extract_strided_slice %div3A_2860 {offsets = [0, 1], sizes = [512, 1], strides = [1, 1]} : vector<512x3xf32> to vector<512x1xf32>
    %slice3A_2866 = vector.extract_strided_slice %dot_general3A_2727 {offsets = [0, 384], sizes = [512, 128], strides = [1, 1]} : vector<512x512xf32> to vector<512x128xf32>
    %mul3A_2867 = vector.broadcast %slice3A_2865 : vector<512x1xf32> to vector<512x128xf32>
    %mul3A_2868 = arith.mulf %mul3A_2867, %slice3A_2866 : vector<512x128xf32>
    %add3A_2869 = arith.addf %mul3A_2864, %mul3A_2868 : vector<512x128xf32>
    %slice3A_2870 = vector.extract_strided_slice %div3A_2860 {offsets = [0, 2], sizes = [512, 1], strides = [1, 1]} : vector<512x3xf32> to vector<512x1xf32>
    %slice3A_2871 = vector.extract_strided_slice %dot_general3A_2729 {offsets = [0, 384], sizes = [512, 128], strides = [1, 1]} : vector<512x512xf32> to vector<512x128xf32>
    %mul3A_2872 = vector.broadcast %slice3A_2870 : vector<512x1xf32> to vector<512x128xf32>
    %mul3A_2873 = arith.mulf %mul3A_2872, %slice3A_2871 : vector<512x128xf32>
    %add3A_2874 = arith.addf %add3A_2869, %mul3A_2873 : vector<512x128xf32>
    %add3A_2875 = arith.addf %add3A_2839, %add3A_2874 : vector<512x128xf32>
    %mul3A_2876 = arith.constant 2.500000e-01 : f32
    %mul3A_2877 = vector.broadcast %mul3A_2876 : f32 to vector<512x128xf32>
    %mul3A_2878 = arith.mulf %add3A_2875, %mul3A_2877 : vector<512x128xf32>
    %max3A_2879 = arith.constant 0.000000e+00 : f32
    %max3A_2880 = vector.broadcast %max3A_2879 : f32 to vector<512x128xf32>
    %max3A_2881 = arith.maximumf %mul3A_2878, %max3A_2880 : vector<512x128xf32>
    %swap3A_2882 = arith.constant 0 : index
    %swap3A_2883 = arith.constant 0 : index
    %swap3A_2884 = vector.load %arg32[%swap3A_2882, %swap3A_2883] : memref<512x256xf32, #tpu.memory_space<vmem>>, vector<512x128xf32>
    tpu.vector_store %arg32[%swap3A_2882, %swap3A_2883], %max3A_2881 {strides = array<i32>} : memref<512x256xf32, #tpu.memory_space<vmem>>, vector<512x128xf32>,
    %get3A_2885 = arith.constant 0 : index
    %get3A_2886 = arith.constant 0 : index
    %get3A_2887 = vector.load %arg29[%get3A_2885, %get3A_2886] : memref<256x4xf32, #tpu.memory_space<vmem>>, vector<256x4xf32>
    %get3A_2888 = arith.constant 0 : index
    %get3A_2889 = arith.constant 0 : index
    %get3A_2890 = vector.load %arg30[%get3A_2888, %get3A_2889] : memref<128x512xf32, #tpu.memory_space<vmem>>, vector<128x512xf32>
    %dot_general3A_2891 = arith.constant dense<0.000000e+00> : vector<512x512xf32>
    %dot_general3A_2892 = tpu.matmul %dot_general3A_2072, %get3A_2890, %dot_general3A_2891 {dimension_numbers = #tpu.dot_dimension_numbers<[1], [0], [0], [1], [0, 0, 1, 1], [], []>, transpose_lhs_hint = false} : vector<512x128xf32>, vector<128x512xf32>, vector<512x512xf32> -> vector<512x512xf32>
    %dot_general3A_2893 = arith.constant dense<0.000000e+00> : vector<512x512xf32>
    %dot_general3A_2894 = tpu.matmul %dot_general3A_2081, %get3A_2890, %dot_general3A_2893 {dimension_numbers = #tpu.dot_dimension_numbers<[1], [0], [0], [1], [0, 0, 1, 1], [], []>, transpose_lhs_hint = false} : vector<512x128xf32>, vector<128x512xf32>, vector<512x512xf32> -> vector<512x512xf32>
    %dot_general3A_2895 = arith.constant dense<0.000000e+00> : vector<512x512xf32>
    %dot_general3A_2896 = tpu.matmul %dot_general3A_2090, %get3A_2890, %dot_general3A_2895 {dimension_numbers = #tpu.dot_dimension_numbers<[1], [0], [0], [1], [0, 0, 1, 1], [], []>, transpose_lhs_hint = false} : vector<512x128xf32>, vector<128x512xf32>, vector<512x512xf32> -> vector<512x512xf32>
    %broadcast_in_dim3A_2897 = arith.constant 0.000000e+00 : f32
    %broadcast_in_dim3A_2898 = vector.broadcast %broadcast_in_dim3A_2897 : f32 to vector<512x128xf32>
    %slice3A_2899 = vector.extract_strided_slice %get3A_2887 {offsets = [0, 0], sizes = [256, 1], strides = [1, 1]} : vector<256x4xf32> to vector<256x1xf32>
    %dot_general3A_2900 = arith.constant dense<0.000000e+00> : vector<512x1xf32>
    %dot_general3A_2901 = tpu.matmul %concatenate3A, %slice3A_2899, %dot_general3A_2900 {dimension_numbers = #tpu.dot_dimension_numbers<[1], [0], [0], [1], [0, 0, 1, 1], [], []>, transpose_lhs_hint = false} : vector<512x256xf32>, vector<256x1xf32>, vector<512x1xf32> -> vector<512x1xf32>
    %slice3A_2902 = vector.extract_strided_slice %get3A_2887 {offsets = [0, 0], sizes = [256, 1], strides = [1, 1]} : vector<256x4xf32> to vector<256x1xf32>
    %dot_general3A_2903 = arith.constant dense<0.000000e+00> : vector<512x1xf32>
    %dot_general3A_2904 = tpu.matmul %concatenate3A_243, %slice3A_2902, %dot_general3A_2903 {dimension_numbers = #tpu.dot_dimension_numbers<[1], [0], [0], [1], [0, 0, 1, 1], [], []>, transpose_lhs_hint = false} : vector<512x256xf32>, vector<256x1xf32>, vector<512x1xf32> -> vector<512x1xf32>
    %slice3A_2905 = vector.extract_strided_slice %get3A_2887 {offsets = [0, 0], sizes = [256, 1], strides = [1, 1]} : vector<256x4xf32> to vector<256x1xf32>
    %dot_general3A_2906 = arith.constant dense<0.000000e+00> : vector<512x1xf32>
    %dot_general3A_2907 = tpu.matmul %concatenate3A_244, %slice3A_2905, %dot_general3A_2906 {dimension_numbers = #tpu.dot_dimension_numbers<[1], [0], [0], [1], [0, 0, 1, 1], [], []>, transpose_lhs_hint = false} : vector<512x256xf32>, vector<256x1xf32>, vector<512x1xf32> -> vector<512x1xf32>
    %concatenate3A_2908 = tpu.concatenate %dot_general3A_2901, %dot_general3A_2904, %dot_general3A_2907 in 1 : vector<512x1xf32>, vector<512x1xf32>, vector<512x1xf32> -> vector<512x3xf32>
    %reduce_max3A_2909 = arith.constant dense<0xFF800000> : vector<512xf32>
    %reduce_max3A_2910 = vector.multi_reduction <maximumf>, %concatenate3A_2908, %reduce_max3A_2909 [1] : vector<512x3xf32> to vector<512xf32>
    %broadcast_in_dim3A_2911 = vector.shape_cast %reduce_max3A_2910 : vector<512xf32> to vector<512x1xf32>
    %sub3A_2912 = vector.broadcast %broadcast_in_dim3A_2911 : vector<512x1xf32> to vector<512x3xf32>
    %sub3A_2913 = arith.subf %concatenate3A_2908, %sub3A_2912 : vector<512x3xf32>
    %exp3A_2914 = math.exp %sub3A_2913 : vector<512x3xf32>
    %reduce_sum3A_2915 = arith.constant dense<0.000000e+00> : vector<512xf32>
    %reduce_sum3A_2916 = vector.multi_reduction <add>, %exp3A_2914, %reduce_sum3A_2915 [1] : vector<512x3xf32> to vector<512xf32>
    %broadcast_in_dim3A_2917 = vector.shape_cast %reduce_sum3A_2916 : vector<512xf32> to vector<512x1xf32>
    %div3A_2918 = vector.broadcast %broadcast_in_dim3A_2917 : vector<512x1xf32> to vector<512x3xf32>
    %div3A_2919 = arith.divf %exp3A_2914, %div3A_2918 : vector<512x3xf32>
    %slice3A_2920 = vector.extract_strided_slice %div3A_2919 {offsets = [0, 0], sizes = [512, 1], strides = [1, 1]} : vector<512x3xf32> to vector<512x1xf32>
    %slice3A_2921 = vector.extract_strided_slice %dot_general3A_2892 {offsets = [0, 0], sizes = [512, 128], strides = [1, 1]} : vector<512x512xf32> to vector<512x128xf32>
    %mul3A_2922 = vector.broadcast %slice3A_2920 : vector<512x1xf32> to vector<512x128xf32>
    %mul3A_2923 = arith.mulf %mul3A_2922, %slice3A_2921 : vector<512x128xf32>
    %slice3A_2924 = vector.extract_strided_slice %div3A_2919 {offsets = [0, 1], sizes = [512, 1], strides = [1, 1]} : vector<512x3xf32> to vector<512x1xf32>
    %slice3A_2925 = vector.extract_strided_slice %dot_general3A_2894 {offsets = [0, 0], sizes = [512, 128], strides = [1, 1]} : vector<512x512xf32> to vector<512x128xf32>
    %mul3A_2926 = vector.broadcast %slice3A_2924 : vector<512x1xf32> to vector<512x128xf32>
    %mul3A_2927 = arith.mulf %mul3A_2926, %slice3A_2925 : vector<512x128xf32>
    %add3A_2928 = arith.addf %mul3A_2923, %mul3A_2927 : vector<512x128xf32>
    %slice3A_2929 = vector.extract_strided_slice %div3A_2919 {offsets = [0, 2], sizes = [512, 1], strides = [1, 1]} : vector<512x3xf32> to vector<512x1xf32>
    %slice3A_2930 = vector.extract_strided_slice %dot_general3A_2896 {offsets = [0, 0], sizes = [512, 128], strides = [1, 1]} : vector<512x512xf32> to vector<512x128xf32>
    %mul3A_2931 = vector.broadcast %slice3A_2929 : vector<512x1xf32> to vector<512x128xf32>
    %mul3A_2932 = arith.mulf %mul3A_2931, %slice3A_2930 : vector<512x128xf32>
    %add3A_2933 = arith.addf %add3A_2928, %mul3A_2932 : vector<512x128xf32>
    %add3A_2934 = arith.addf %broadcast_in_dim3A_2898, %add3A_2933 : vector<512x128xf32>
    %slice3A_2935 = vector.extract_strided_slice %get3A_2887 {offsets = [0, 1], sizes = [256, 1], strides = [1, 1]} : vector<256x4xf32> to vector<256x1xf32>
    %dot_general3A_2936 = arith.constant dense<0.000000e+00> : vector<512x1xf32>
    %dot_general3A_2937 = tpu.matmul %concatenate3A, %slice3A_2935, %dot_general3A_2936 {dimension_numbers = #tpu.dot_dimension_numbers<[1], [0], [0], [1], [0, 0, 1, 1], [], []>, transpose_lhs_hint = false} : vector<512x256xf32>, vector<256x1xf32>, vector<512x1xf32> -> vector<512x1xf32>
    %slice3A_2938 = vector.extract_strided_slice %get3A_2887 {offsets = [0, 1], sizes = [256, 1], strides = [1, 1]} : vector<256x4xf32> to vector<256x1xf32>
    %dot_general3A_2939 = arith.constant dense<0.000000e+00> : vector<512x1xf32>
    %dot_general3A_2940 = tpu.matmul %concatenate3A_243, %slice3A_2938, %dot_general3A_2939 {dimension_numbers = #tpu.dot_dimension_numbers<[1], [0], [0], [1], [0, 0, 1, 1], [], []>, transpose_lhs_hint = false} : vector<512x256xf32>, vector<256x1xf32>, vector<512x1xf32> -> vector<512x1xf32>
    %slice3A_2941 = vector.extract_strided_slice %get3A_2887 {offsets = [0, 1], sizes = [256, 1], strides = [1, 1]} : vector<256x4xf32> to vector<256x1xf32>
    %dot_general3A_2942 = arith.constant dense<0.000000e+00> : vector<512x1xf32>
    %dot_general3A_2943 = tpu.matmul %concatenate3A_244, %slice3A_2941, %dot_general3A_2942 {dimension_numbers = #tpu.dot_dimension_numbers<[1], [0], [0], [1], [0, 0, 1, 1], [], []>, transpose_lhs_hint = false} : vector<512x256xf32>, vector<256x1xf32>, vector<512x1xf32> -> vector<512x1xf32>
    %concatenate3A_2944 = tpu.concatenate %dot_general3A_2937, %dot_general3A_2940, %dot_general3A_2943 in 1 : vector<512x1xf32>, vector<512x1xf32>, vector<512x1xf32> -> vector<512x3xf32>
    %reduce_max3A_2945 = arith.constant dense<0xFF800000> : vector<512xf32>
    %reduce_max3A_2946 = vector.multi_reduction <maximumf>, %concatenate3A_2944, %reduce_max3A_2945 [1] : vector<512x3xf32> to vector<512xf32>
    %broadcast_in_dim3A_2947 = vector.shape_cast %reduce_max3A_2946 : vector<512xf32> to vector<512x1xf32>
    %sub3A_2948 = vector.broadcast %broadcast_in_dim3A_2947 : vector<512x1xf32> to vector<512x3xf32>
    %sub3A_2949 = arith.subf %concatenate3A_2944, %sub3A_2948 : vector<512x3xf32>
    %exp3A_2950 = math.exp %sub3A_2949 : vector<512x3xf32>
    %reduce_sum3A_2951 = arith.constant dense<0.000000e+00> : vector<512xf32>
    %reduce_sum3A_2952 = vector.multi_reduction <add>, %exp3A_2950, %reduce_sum3A_2951 [1] : vector<512x3xf32> to vector<512xf32>
    %broadcast_in_dim3A_2953 = vector.shape_cast %reduce_sum3A_2952 : vector<512xf32> to vector<512x1xf32>
    %div3A_2954 = vector.broadcast %broadcast_in_dim3A_2953 : vector<512x1xf32> to vector<512x3xf32>
    %div3A_2955 = arith.divf %exp3A_2950, %div3A_2954 : vector<512x3xf32>
    %slice3A_2956 = vector.extract_strided_slice %div3A_2955 {offsets = [0, 0], sizes = [512, 1], strides = [1, 1]} : vector<512x3xf32> to vector<512x1xf32>
    %slice3A_2957 = vector.extract_strided_slice %dot_general3A_2892 {offsets = [0, 128], sizes = [512, 128], strides = [1, 1]} : vector<512x512xf32> to vector<512x128xf32>
    %mul3A_2958 = vector.broadcast %slice3A_2956 : vector<512x1xf32> to vector<512x128xf32>
    %mul3A_2959 = arith.mulf %mul3A_2958, %slice3A_2957 : vector<512x128xf32>
    %slice3A_2960 = vector.extract_strided_slice %div3A_2955 {offsets = [0, 1], sizes = [512, 1], strides = [1, 1]} : vector<512x3xf32> to vector<512x1xf32>
    %slice3A_2961 = vector.extract_strided_slice %dot_general3A_2894 {offsets = [0, 128], sizes = [512, 128], strides = [1, 1]} : vector<512x512xf32> to vector<512x128xf32>
    %mul3A_2962 = vector.broadcast %slice3A_2960 : vector<512x1xf32> to vector<512x128xf32>
    %mul3A_2963 = arith.mulf %mul3A_2962, %slice3A_2961 : vector<512x128xf32>
    %add3A_2964 = arith.addf %mul3A_2959, %mul3A_2963 : vector<512x128xf32>
    %slice3A_2965 = vector.extract_strided_slice %div3A_2955 {offsets = [0, 2], sizes = [512, 1], strides = [1, 1]} : vector<512x3xf32> to vector<512x1xf32>
    %slice3A_2966 = vector.extract_strided_slice %dot_general3A_2896 {offsets = [0, 128], sizes = [512, 128], strides = [1, 1]} : vector<512x512xf32> to vector<512x128xf32>
    %mul3A_2967 = vector.broadcast %slice3A_2965 : vector<512x1xf32> to vector<512x128xf32>
    %mul3A_2968 = arith.mulf %mul3A_2967, %slice3A_2966 : vector<512x128xf32>
    %add3A_2969 = arith.addf %add3A_2964, %mul3A_2968 : vector<512x128xf32>
    %add3A_2970 = arith.addf %add3A_2934, %add3A_2969 : vector<512x128xf32>
    %slice3A_2971 = vector.extract_strided_slice %get3A_2887 {offsets = [0, 2], sizes = [256, 1], strides = [1, 1]} : vector<256x4xf32> to vector<256x1xf32>
    %dot_general3A_2972 = arith.constant dense<0.000000e+00> : vector<512x1xf32>
    %dot_general3A_2973 = tpu.matmul %concatenate3A, %slice3A_2971, %dot_general3A_2972 {dimension_numbers = #tpu.dot_dimension_numbers<[1], [0], [0], [1], [0, 0, 1, 1], [], []>, transpose_lhs_hint = false} : vector<512x256xf32>, vector<256x1xf32>, vector<512x1xf32> -> vector<512x1xf32>
    %slice3A_2974 = vector.extract_strided_slice %get3A_2887 {offsets = [0, 2], sizes = [256, 1], strides = [1, 1]} : vector<256x4xf32> to vector<256x1xf32>
    %dot_general3A_2975 = arith.constant dense<0.000000e+00> : vector<512x1xf32>
    %dot_general3A_2976 = tpu.matmul %concatenate3A_243, %slice3A_2974, %dot_general3A_2975 {dimension_numbers = #tpu.dot_dimension_numbers<[1], [0], [0], [1], [0, 0, 1, 1], [], []>, transpose_lhs_hint = false} : vector<512x256xf32>, vector<256x1xf32>, vector<512x1xf32> -> vector<512x1xf32>
    %slice3A_2977 = vector.extract_strided_slice %get3A_2887 {offsets = [0, 2], sizes = [256, 1], strides = [1, 1]} : vector<256x4xf32> to vector<256x1xf32>
    %dot_general3A_2978 = arith.constant dense<0.000000e+00> : vector<512x1xf32>
    %dot_general3A_2979 = tpu.matmul %concatenate3A_244, %slice3A_2977, %dot_general3A_2978 {dimension_numbers = #tpu.dot_dimension_numbers<[1], [0], [0], [1], [0, 0, 1, 1], [], []>, transpose_lhs_hint = false} : vector<512x256xf32>, vector<256x1xf32>, vector<512x1xf32> -> vector<512x1xf32>
    %concatenate3A_2980 = tpu.concatenate %dot_general3A_2973, %dot_general3A_2976, %dot_general3A_2979 in 1 : vector<512x1xf32>, vector<512x1xf32>, vector<512x1xf32> -> vector<512x3xf32>
    %reduce_max3A_2981 = arith.constant dense<0xFF800000> : vector<512xf32>
    %reduce_max3A_2982 = vector.multi_reduction <maximumf>, %concatenate3A_2980, %reduce_max3A_2981 [1] : vector<512x3xf32> to vector<512xf32>
    %broadcast_in_dim3A_2983 = vector.shape_cast %reduce_max3A_2982 : vector<512xf32> to vector<512x1xf32>
    %sub3A_2984 = vector.broadcast %broadcast_in_dim3A_2983 : vector<512x1xf32> to vector<512x3xf32>
    %sub3A_2985 = arith.subf %concatenate3A_2980, %sub3A_2984 : vector<512x3xf32>
    %exp3A_2986 = math.exp %sub3A_2985 : vector<512x3xf32>
    %reduce_sum3A_2987 = arith.constant dense<0.000000e+00> : vector<512xf32>
    %reduce_sum3A_2988 = vector.multi_reduction <add>, %exp3A_2986, %reduce_sum3A_2987 [1] : vector<512x3xf32> to vector<512xf32>
    %broadcast_in_dim3A_2989 = vector.shape_cast %reduce_sum3A_2988 : vector<512xf32> to vector<512x1xf32>
    %div3A_2990 = vector.broadcast %broadcast_in_dim3A_2989 : vector<512x1xf32> to vector<512x3xf32>
    %div3A_2991 = arith.divf %exp3A_2986, %div3A_2990 : vector<512x3xf32>
    %slice3A_2992 = vector.extract_strided_slice %div3A_2991 {offsets = [0, 0], sizes = [512, 1], strides = [1, 1]} : vector<512x3xf32> to vector<512x1xf32>
    %slice3A_2993 = vector.extract_strided_slice %dot_general3A_2892 {offsets = [0, 256], sizes = [512, 128], strides = [1, 1]} : vector<512x512xf32> to vector<512x128xf32>
    %mul3A_2994 = vector.broadcast %slice3A_2992 : vector<512x1xf32> to vector<512x128xf32>
    %mul3A_2995 = arith.mulf %mul3A_2994, %slice3A_2993 : vector<512x128xf32>
    %slice3A_2996 = vector.extract_strided_slice %div3A_2991 {offsets = [0, 1], sizes = [512, 1], strides = [1, 1]} : vector<512x3xf32> to vector<512x1xf32>
    %slice3A_2997 = vector.extract_strided_slice %dot_general3A_2894 {offsets = [0, 256], sizes = [512, 128], strides = [1, 1]} : vector<512x512xf32> to vector<512x128xf32>
    %mul3A_2998 = vector.broadcast %slice3A_2996 : vector<512x1xf32> to vector<512x128xf32>
    %mul3A_2999 = arith.mulf %mul3A_2998, %slice3A_2997 : vector<512x128xf32>
    %add3A_3000 = arith.addf %mul3A_2995, %mul3A_2999 : vector<512x128xf32>
    %slice3A_3001 = vector.extract_strided_slice %div3A_2991 {offsets = [0, 2], sizes = [512, 1], strides = [1, 1]} : vector<512x3xf32> to vector<512x1xf32>
    %slice3A_3002 = vector.extract_strided_slice %dot_general3A_2896 {offsets = [0, 256], sizes = [512, 128], strides = [1, 1]} : vector<512x512xf32> to vector<512x128xf32>
    %mul3A_3003 = vector.broadcast %slice3A_3001 : vector<512x1xf32> to vector<512x128xf32>
    %mul3A_3004 = arith.mulf %mul3A_3003, %slice3A_3002 : vector<512x128xf32>
    %add3A_3005 = arith.addf %add3A_3000, %mul3A_3004 : vector<512x128xf32>
    %add3A_3006 = arith.addf %add3A_2970, %add3A_3005 : vector<512x128xf32>
    %slice3A_3007 = vector.extract_strided_slice %get3A_2887 {offsets = [0, 3], sizes = [256, 1], strides = [1, 1]} : vector<256x4xf32> to vector<256x1xf32>
    %dot_general3A_3008 = arith.constant dense<0.000000e+00> : vector<512x1xf32>
    %dot_general3A_3009 = tpu.matmul %concatenate3A, %slice3A_3007, %dot_general3A_3008 {dimension_numbers = #tpu.dot_dimension_numbers<[1], [0], [0], [1], [0, 0, 1, 1], [], []>, transpose_lhs_hint = false} : vector<512x256xf32>, vector<256x1xf32>, vector<512x1xf32> -> vector<512x1xf32>
    %slice3A_3010 = vector.extract_strided_slice %get3A_2887 {offsets = [0, 3], sizes = [256, 1], strides = [1, 1]} : vector<256x4xf32> to vector<256x1xf32>
    %dot_general3A_3011 = arith.constant dense<0.000000e+00> : vector<512x1xf32>
    %dot_general3A_3012 = tpu.matmul %concatenate3A_243, %slice3A_3010, %dot_general3A_3011 {dimension_numbers = #tpu.dot_dimension_numbers<[1], [0], [0], [1], [0, 0, 1, 1], [], []>, transpose_lhs_hint = false} : vector<512x256xf32>, vector<256x1xf32>, vector<512x1xf32> -> vector<512x1xf32>
    %slice3A_3013 = vector.extract_strided_slice %get3A_2887 {offsets = [0, 3], sizes = [256, 1], strides = [1, 1]} : vector<256x4xf32> to vector<256x1xf32>
    %dot_general3A_3014 = arith.constant dense<0.000000e+00> : vector<512x1xf32>
    %dot_general3A_3015 = tpu.matmul %concatenate3A_244, %slice3A_3013, %dot_general3A_3014 {dimension_numbers = #tpu.dot_dimension_numbers<[1], [0], [0], [1], [0, 0, 1, 1], [], []>, transpose_lhs_hint = false} : vector<512x256xf32>, vector<256x1xf32>, vector<512x1xf32> -> vector<512x1xf32>
    %concatenate3A_3016 = tpu.concatenate %dot_general3A_3009, %dot_general3A_3012, %dot_general3A_3015 in 1 : vector<512x1xf32>, vector<512x1xf32>, vector<512x1xf32> -> vector<512x3xf32>
    %reduce_max3A_3017 = arith.constant dense<0xFF800000> : vector<512xf32>
    %reduce_max3A_3018 = vector.multi_reduction <maximumf>, %concatenate3A_3016, %reduce_max3A_3017 [1] : vector<512x3xf32> to vector<512xf32>
    %broadcast_in_dim3A_3019 = vector.shape_cast %reduce_max3A_3018 : vector<512xf32> to vector<512x1xf32>
    %sub3A_3020 = vector.broadcast %broadcast_in_dim3A_3019 : vector<512x1xf32> to vector<512x3xf32>
    %sub3A_3021 = arith.subf %concatenate3A_3016, %sub3A_3020 : vector<512x3xf32>
    %exp3A_3022 = math.exp %sub3A_3021 : vector<512x3xf32>
    %reduce_sum3A_3023 = arith.constant dense<0.000000e+00> : vector<512xf32>
    %reduce_sum3A_3024 = vector.multi_reduction <add>, %exp3A_3022, %reduce_sum3A_3023 [1] : vector<512x3xf32> to vector<512xf32>
    %broadcast_in_dim3A_3025 = vector.shape_cast %reduce_sum3A_3024 : vector<512xf32> to vector<512x1xf32>
    %div3A_3026 = vector.broadcast %broadcast_in_dim3A_3025 : vector<512x1xf32> to vector<512x3xf32>
    %div3A_3027 = arith.divf %exp3A_3022, %div3A_3026 : vector<512x3xf32>
    %slice3A_3028 = vector.extract_strided_slice %div3A_3027 {offsets = [0, 0], sizes = [512, 1], strides = [1, 1]} : vector<512x3xf32> to vector<512x1xf32>
    %slice3A_3029 = vector.extract_strided_slice %dot_general3A_2892 {offsets = [0, 384], sizes = [512, 128], strides = [1, 1]} : vector<512x512xf32> to vector<512x128xf32>
    %mul3A_3030 = vector.broadcast %slice3A_3028 : vector<512x1xf32> to vector<512x128xf32>
    %mul3A_3031 = arith.mulf %mul3A_3030, %slice3A_3029 : vector<512x128xf32>
    %slice3A_3032 = vector.extract_strided_slice %div3A_3027 {offsets = [0, 1], sizes = [512, 1], strides = [1, 1]} : vector<512x3xf32> to vector<512x1xf32>
    %slice3A_3033 = vector.extract_strided_slice %dot_general3A_2894 {offsets = [0, 384], sizes = [512, 128], strides = [1, 1]} : vector<512x512xf32> to vector<512x128xf32>
    %mul3A_3034 = vector.broadcast %slice3A_3032 : vector<512x1xf32> to vector<512x128xf32>
    %mul3A_3035 = arith.mulf %mul3A_3034, %slice3A_3033 : vector<512x128xf32>
    %add3A_3036 = arith.addf %mul3A_3031, %mul3A_3035 : vector<512x128xf32>
    %slice3A_3037 = vector.extract_strided_slice %div3A_3027 {offsets = [0, 2], sizes = [512, 1], strides = [1, 1]} : vector<512x3xf32> to vector<512x1xf32>
    %slice3A_3038 = vector.extract_strided_slice %dot_general3A_2896 {offsets = [0, 384], sizes = [512, 128], strides = [1, 1]} : vector<512x512xf32> to vector<512x128xf32>
    %mul3A_3039 = vector.broadcast %slice3A_3037 : vector<512x1xf32> to vector<512x128xf32>
    %mul3A_3040 = arith.mulf %mul3A_3039, %slice3A_3038 : vector<512x128xf32>
    %add3A_3041 = arith.addf %add3A_3036, %mul3A_3040 : vector<512x128xf32>
    %add3A_3042 = arith.addf %add3A_3006, %add3A_3041 : vector<512x128xf32>
    %mul3A_3043 = arith.constant 2.500000e-01 : f32
    %mul3A_3044 = vector.broadcast %mul3A_3043 : f32 to vector<512x128xf32>
    %mul3A_3045 = arith.mulf %add3A_3042, %mul3A_3044 : vector<512x128xf32>
    %max3A_3046 = arith.constant 0.000000e+00 : f32
    %max3A_3047 = vector.broadcast %max3A_3046 : f32 to vector<512x128xf32>
    %max3A_3048 = arith.maximumf %mul3A_3045, %max3A_3047 : vector<512x128xf32>
    %swap3A_3049 = arith.constant 0 : index
    %swap3A_3050 = arith.constant 128 : index
    %swap3A_3051 = vector.load %arg32[%swap3A_3049, %swap3A_3050] : memref<512x256xf32, #tpu.memory_space<vmem>>, vector<512x128xf32>
    tpu.vector_store %arg32[%swap3A_3049, %swap3A_3050], %max3A_3048 {strides = array<i32>} : memref<512x256xf32, #tpu.memory_space<vmem>>, vector<512x128xf32>,
    %swap3A_3052 = arith.constant 0 : index
    %swap3A_3053 = arith.constant 0 : index
    %swap3A_3054 = vector.load %arg33[%swap3A_3052, %swap3A_3053] : memref<512x896xf32, #tpu.memory_space<vmem>>, vector<512x256xf32>
    tpu.vector_store %arg33[%swap3A_3052, %swap3A_3053], %concatenate3A {strides = array<i32>} : memref<512x896xf32, #tpu.memory_space<vmem>>, vector<512x256xf32>,
    %swap3A_3055 = arith.constant 0 : index
    %swap3A_3056 = arith.constant 256 : index
    %swap3A_3057 = vector.load %arg33[%swap3A_3055, %swap3A_3056] : memref<512x896xf32, #tpu.memory_space<vmem>>, vector<512x256xf32>
    tpu.vector_store %arg33[%swap3A_3055, %swap3A_3056], %concatenate3A_243 {strides = array<i32>} : memref<512x896xf32, #tpu.memory_space<vmem>>, vector<512x256xf32>,
    %swap3A_3058 = arith.constant 0 : index
    %swap3A_3059 = arith.constant 512 : index
    %swap3A_3060 = vector.load %arg33[%swap3A_3058, %swap3A_3059] : memref<512x896xf32, #tpu.memory_space<vmem>>, vector<512x256xf32>
    tpu.vector_store %arg33[%swap3A_3058, %swap3A_3059], %concatenate3A_244 {strides = array<i32>} : memref<512x896xf32, #tpu.memory_space<vmem>>, vector<512x256xf32>,
    %get3A_3061 = arith.constant 0 : index
    %get3A_3062 = arith.constant 0 : index
    %get3A_3063 = vector.load %arg17[%get3A_3061, %get3A_3062] : memref<512x1xi32, #tpu.memory_space<vmem>>, vector<512x1xi32>
    %get3A_3064 = arith.constant 0 : index
    %get3A_3065 = arith.constant 0 : index
    %get3A_3066 = vector.load %arg20[%get3A_3064, %get3A_3065] : memref<64x128xf32, #tpu.memory_space<vmem>>, vector<64x128xf32>
    %iota3A_3067 = tpu.iota {dimensions = array<i32: 1>} : vector<1x64xi32>
    %eq3A_3068 = vector.broadcast %get3A_3063 : vector<512x1xi32> to vector<512x64xi32>
    %eq3A_3069 = vector.broadcast %iota3A_3067 : vector<1x64xi32> to vector<512x64xi32>
    %eq3A_3070 = arith.cmpi eq, %eq3A_3068, %eq3A_3069 : vector<512x64xi32>
    %convert_element_type3A_3071 = arith.extui %eq3A_3070 : vector<512x64xi1> to vector<512x64xi32>
    %convert_element_type3A_3072 = arith.sitofp %convert_element_type3A_3071 : vector<512x64xi32> to vector<512x64xf32>
    %dot_general3A_3073 = arith.constant dense<0.000000e+00> : vector<512x128xf32>
    %dot_general3A_3074 = tpu.matmul %convert_element_type3A_3072, %get3A_3066, %dot_general3A_3073 {dimension_numbers = #tpu.dot_dimension_numbers<[1], [0], [0], [1], [0, 0, 1, 1], [], []>, transpose_lhs_hint = false} : vector<512x64xf32>, vector<64x128xf32>, vector<512x128xf32> -> vector<512x128xf32>
    %swap3A_3075 = arith.constant 0 : index
    %swap3A_3076 = arith.constant 768 : index
    %swap3A_3077 = vector.load %arg33[%swap3A_3075, %swap3A_3076] : memref<512x896xf32, #tpu.memory_space<vmem>>, vector<512x128xf32>
    tpu.vector_store %arg33[%swap3A_3075, %swap3A_3076], %dot_general3A_3074 {strides = array<i32>} : memref<512x896xf32, #tpu.memory_space<vmem>>, vector<512x128xf32>,
    return
  }
}

</mosaic_0001>

<sc_bundles>
// kernel: gather_offload_async_start
scs
__scs_entry_jumppad:
0x0: {  	(pc) =	sbr.rel $0x88, $3  }
0x1: {  	(tag) =	ssettag $0x0;
	lr =	simm.s32 $0x1  }
0x2: {  	[smem:$0x3F6D] =	sst lr;
	_ =	strace $0xD0000000  }
0x3: {  	_ = 	snop  }
0x4: {  	_ = 	snop  }
0x5: {  	_ = 	snop  }
0x6: {  	_ = 	snop  }
0x7: {  	_ = 	snop  }
__scs_overlays_trampoline_lowered:
0x8: {  	[smem:$0x3F7C] =	sst s0  }
0x9: {  	[smem:$0x3F7D] =	sst s1  }
0xa: {  	[smem:$0x3F7E] =	sst s2  }
0xb: {  	[smem:$0x3F7F] =	sst s3  }
0xc: {  	[smem:$0x3F80] =	sst s4  }
0xd: {  	[smem:$0x3F81] =	sst s5  }
0xe: {  	[smem:$0x3F82] =	sst s6  }
0xf: {  	[smem:$0x3F83] =	sst s7  }
0x10: {  	[smem:$0x3F84] =	sst s8  }
0x11: {  	[smem:$0x3F85] =	sst s9;
	s0 =	simm.s32 @!p0 $0x0  }
0x12: {  	s1 =	sld [smem:$0x3F6B];
	s0 =	simm.s32 @p0 $0x1  }
0x13: {  	[smem:$0x3F86] =	sst s0;
	s0 =	simm.s32 @!p1 $0x0  }
0x14: {  	s2 =	sld [smem:$0x3F6A];
	s0 =	simm.s32 @p1 $0x1  }
0x15: {  	[smem:$0x3F87] =	sst s0;
	s0 =	simm.s32 @!p2 $0x0  }
0x16: {  	s3 =	sld [smem:$0x3FDB];
	s0 =	simm.s32 @p2 $0x1  }
0x17: {  	s4 =	simm.s32 $0x1BF5;
	[smem:$0x3F89] =	sst s0  }
0x18: {  	s0 =	sld [smem:$0x3F6C];
	_ =	swait.ge [sflag:s4], $0x0  }
0x19: {  	s7 =	sld [smem:$0x3F6D]  }
0x1a: {  	s8 =	sadd.s32 $0xFFFFE003, lr  }
0x1b: {  	s9 =	sadd.s32 $0xFFFFFEF7, lr;
	s5 =	simm.s32 $0xFFFFFFFF;
	p2 =	slt.u32 s8, $0xFFFFF086  }
0x1c: {  	p1 =	slt.u32 s9, $0xF7A;
	s5 =	simm.s32 @!p2 $0x0  }
0x1d: {  	s5 =	simm.s32 @p1 $0x1;
	p0 =	seq.s32 s7, s2  }
0x1e: {  	s7 =	smul.u32 @!p0 $0xF7A, s2;
	p2 =	seq.s32 @!p0 s5, $0x0  }
0x1f: {  	s9 =	smul.u32 $0xF7A, s1;
	s8 =	simm.s32 @!p0 $0x1BF5;
	p2 =	por !p2, p0  }
0x20: {  	[sflag:s8] =	ssyncset.s32 @!p0 $0xFFFFF086;
	s6 =	sadd.s32 @!p0 s3, s7;
	s7 =	simm.s32 @!p0 $0x108  }
0x21: {  	s3 =	sadd.s32 s3, s9;
	s6 =	sadd.s32 @!p0 $0x88, s6;
	s7 =	simm.s32 @p2 $0x1082  }
0x22: {  	[simem:s7], [sflag:s8] =	dma.local @!p0 [hbm:s6], $0xF7A  }
0x23: {  	s9 =	sor.u32 $0xD0000000, s2;
	s6 =	simm.s32 $0x108;
	_ =	swait.ge @!p0 [sflag:s8], $0x0  }
0x24: {  	s3 =	sadd.s32 $0x88, s3;
	s6 =	simm.s32 @!p1 $0x1082;
	[sflag:s4] =	ssyncset.s32 $0xFFFFF086  }
0x25: {  	[simem:s6], [sflag:s4] =	dma.local [hbm:s3], $0xF7A  }
0x26: {  	[smem:$0x3F6D] =	sst s1;
	(tag) =	ssettag s2;
	_ =	strace s9  }
0x27: {  	s1 =	sld [smem:$0x3F7D]  }
0x28: {  	s2 =	sld [smem:$0x3F7E]  }
0x29: {  	s4 =	sld [smem:$0x3F80]  }
0x2a: {  	p0 =	seq.s32 s5, $0x0;
	s5 =	sld [smem:$0x3F81]  }
0x2b: {  	s6 =	sld [smem:$0x3F82]  }
0x2c: {  	s7 =	sld [smem:$0x3F83]  }
0x2d: {  	s3 =	simm.s32 $0x108;
	s8 =	sld [smem:$0x3F84]  }
0x2e: {  	s3 =	simm.s32 @!p0 $0x1082;
	s9 =	sld [smem:$0x3F85]  }
0x2f: {  	lr =	sadd.s32 s0, s3;
	s0 =	sld [smem:$0x3F7C]  }
0x30: {  	s3 =	sld [smem:$0x3F7F]  }
0x31: {  	[smem:$0x3F88] =	sst s10  }
0x32: {  	s10 =	sld [smem:$0x3F86];
	_ =	sdelay $0x3  }
0x33: {  	p0 =	seq.s32 s10, $0x1;
	s10 =	sld [smem:$0x3F88];
	_ =	sdelay $0x3  }
0x34: {  	[smem:$0x3F88] =	sst s10  }
0x35: {  	s10 =	sld [smem:$0x3F87];
	_ =	sdelay $0x3  }
0x36: {  	p1 =	seq.s32 s10, $0x1;
	s10 =	sld [smem:$0x3F88];
	_ =	sdelay $0x3  }
0x37: {  	[smem:$0x3F88] =	sst s10  }
0x38: {  	s10 =	sld [smem:$0x3F89]  }
0x39: {  	_ = 	snop;
	(pc) =	sbr.ind lr, $3  }
0x3a: {  	_ = 	snop  }
0x3b: {  	_ = 	snop  }
0x3c: {  	p2 =	seq.s32 s10, $0x1;
	s10 =	sld [smem:$0x3F88]  }
0x3d: {  	_ =	shalt  }
0x3e: {  	_ =	shalt  }
0x3f: {  	_ =	shalt  }
0x40: {  	_ =	shalt  }
0x41: {  	_ =	shalt  }
0x42: {  	_ =	shalt  }
0x43: {  	_ =	shalt  }
0x44: {  	_ =	shalt  }
0x45: {  	_ =	shalt  }
0x46: {  	_ =	shalt  }
0x47: {  	_ =	shalt  }
0x48: {  	_ =	shalt  }
0x49: {  	_ =	shalt  }
0x4a: {  	_ =	shalt  }
0x4b: {  	_ =	shalt  }
0x4c: {  	_ =	shalt  }
0x4d: {  	_ =	shalt  }
0x4e: {  	_ =	shalt  }
0x4f: {  	_ =	shalt  }
0x50: {  	_ =	shalt  }
0x51: {  	_ =	shalt  }
0x52: {  	_ =	shalt  }
0x53: {  	_ =	shalt  }
0x54: {  	_ =	shalt  }
0x55: {  	_ =	shalt  }
0x56: {  	_ =	shalt  }
0x57: {  	_ =	shalt  }
0x58: {  	_ =	shalt  }
0x59: {  	_ =	shalt  }
0x5a: {  	_ =	shalt  }
0x5b: {  	_ =	shalt  }
0x5c: {  	_ =	shalt  }
0x5d: {  	_ =	shalt  }
0x5e: {  	_ =	shalt  }
0x5f: {  	_ =	shalt  }
0x60: {  	_ =	shalt  }
0x61: {  	_ =	shalt  }
0x62: {  	_ =	shalt  }
0x63: {  	_ =	shalt  }
0x64: {  	_ =	shalt  }
0x65: {  	_ =	shalt  }
0x66: {  	_ =	shalt  }
0x67: {  	_ =	shalt  }
0x68: {  	_ =	shalt  }
0x69: {  	_ =	shalt  }
0x6a: {  	_ =	shalt  }
0x6b: {  	_ =	shalt  }
0x6c: {  	_ =	shalt  }
0x6d: {  	_ =	shalt  }
0x6e: {  	_ =	shalt  }
0x6f: {  	_ =	shalt  }
0x70: {  	_ =	shalt  }
0x71: {  	_ =	shalt  }
0x72: {  	_ =	shalt  }
0x73: {  	_ =	shalt  }
0x74: {  	_ =	shalt  }
0x75: {  	_ =	shalt  }
0x76: {  	_ =	shalt  }
0x77: {  	_ =	shalt  }
0x78: {  	_ =	shalt  }
0x79: {  	_ =	shalt  }
0x7a: {  	_ =	shalt  }
0x7b: {  	_ =	shalt  }
0x7c: {  	_ =	shalt  }
0x7d: {  	_ =	shalt  }
0x7e: {  	_ =	shalt  }
0x7f: {  	_ =	shalt  }
0x80: {  	_ =	shalt  }
0x81: {  	_ =	shalt  }
0x82: {  	_ =	shalt  }
0x83: {  	_ =	shalt  }
0x84: {  	_ =	shalt  }
0x85: {  	_ =	shalt  }
0x86: {  	_ =	shalt  }
0x87: {  	_ =	shalt  }
.Lfunc_end0:
.L_simem_size_0:
called_computation_lowered:
.L_overlay_start_0:
0x88: {  	s2 =	sld [smem:$0x3FD9]  }
0x89: {  	s3 =	sld [smem:$0x3FFE];
	_ =	sdelay $0x1  }
0x8a: {  	s1 =	srdreg.scid  }
0x8b: {  	s0 =	sand.u32 $0x1, s1  }
0x8c: {  	s16 =	sshll.u32 s0, $0xA;
	s2 =	sadd.s32 s3, s2  }
0x8d: {  	s2 =	sadd.s32 s2, s16  }
0x8e: {  	[smem:$0x3F94] =	sst s2  }
0x8f: {  	_ = 	snop  }
0x90: {  	(tm) =	ssettm $0x1  }
0x91: {  	s17 =	sld [smem:$0x3FFB];
	_ =	sdelay $0x3  }
0x92: {  	_ =	strace s17  }
0x93: {  	s2 =	sld [smem:$0x3FFC];
	_ =	sdelay $0x3  }
0x94: {  	_ =	strace s2  }
0x95: {  	s2 =	sld [smem:$0x3FFD];
	_ =	sdelay $0x3  }
0x96: {  	_ =	strace s2  }
0x97: {  	_ =	strace $0x8FFFFFFF  }
0x98: {  	s18 =	sld [smem:$0x3FDB];
	_ =	sdelay $0x1  }
0x99: {  	s19 =	simm.s32 $_scs_section_size  }
0x9a: {  	s4 =	simm.s32 $_size__tile_overlayer_lowered;
	s5 =	simm.s32 $_tile_overlayer_lowered  }
0x9b: {  	s22 =	simm.s32 $0x1BFF;
	s21 =	sshll.u32 s5, $0x1;
	s2 =	sadd.s32 s19, s18  }
0x9c: {  	s6 =	simm.s32 $0x0;
	s20 =	sshll.u32 s4, $0x1;
	s4 =	sadd.s32 s21, s2  }
0x9d: {  	[timem:s6], [sflag:s22] =	dma.local [hbm:s4], s20  }
0x9e: {  	_ =	swait.ge [sflag:s22], s20  }
0x9f: {  	s3 =	ssub.s32 $0x0, s20;
	[sflag:s22] =	ssyncset.done $0x0  }
0xa0: {  	[sflag:s22] =	ssyncadd.s32 s3;
	_ =	sdelay $0x1  }
0xa1: {  	s23 =	simm.s32 $0x1B8B  }
0xa2: {  	_ =	swait.ge [sflag:s23], $0x1  }
0xa3: {  	[sflag:s23] =	ssyncset.done $0x0  }
0xa4: {  	s25 =	simm.s32 $0x1B8E;
	s24 =	sld [smem:$0x3FFE];
	[sflag:s23] =	ssyncadd.s32 $0xFFFFFFFF  }
0xa5: {  	s26 =	simm.s32 $execute0_lowered;
	[smem:$0x3FD2] =	sst s25  }
0xa6: {  	s4 =	sshll.u32 s26, $0x1;
	_ =	strace $0x80000046;
	[dreg:$0x1] =	wrdreg $0xFFFFFFFF  }
0xa7: {  	s28 =	simm.s32 $_size_execute0_lowered;
	s2 =	sadd.s32 s2, s4;
	[dreg:$0x0] =	wrdreg $0x0  }
0xa8: {  	s4 =	sshll.u32 s28, $0x1;
	[dreg:$0x2] =	wrdreg s2  }
0xa9: {  	[dreg:$0x3] =	wrdreg s4  }
0xaa: {  	[dreg:$0x4] =	wrdreg $0xC0  }
0xab: {  	_ =	task [dreg:s6], $0x5FFFF  }
0xac: {  	[dreg:$0x1] =	wrdreg $0xFFFFFFFF  }
0xad: {  	[dreg:$0x0] =	wrdreg $0x60  }
0xae: {  	[dreg:$0x2] =	wrdreg s24  }
0xaf: {  	[dreg:$0x3] =	wrdreg $0x9  }
0xb0: {  	_ =	task.clear_ibuf [dreg:s6], $0x4FFFF;
	_ =	strace $0x90000046  }
0xb1: {  	s29 =	simm.s32 $0x9;
	_ =	strace $0x80000048  }
0xb2: {  	_ =	swait.ge [sflag:s29], $0x1  }
0xb3: {  	[sflag:s29] =	ssyncadd.s32 $0xFFFFFFFF  }
0xb4: {  	_ =	strace $0x90000048  }
0xb5: {  	_ =	sfence  }
0xb6: {  	s30 =	sld [smem:$0x0];
	_ =	sdelay $0x2  }
0xb7: {  	s31 =	sshll.u32 s1, $0xD;
	s1 =	sshrl.u32 s1, $0x2  }
0xb8: {  	s3 =	sand.u32 $0x4000, s31;
	s1 =	sadd.s32 s1, s30  }
0xb9: {  	s0 =	sor.u32 s3, s0;
	s1 =	sshll.u32 s1, $0x11  }
0xba: {  	s0 =	sor.u32 s1, s0  }
0xbb: {  	s0 =	sadd.s32 $0x8F2B, s0  }
0xbc: {  	[sflag:s0] =	ssyncadd.remote.s32 $0x1  }
0xbd: {  	_ =	sfence.sel $0xFFFF  }
0xbe: {  	[dreg:$0x0] =	wrdreg $0xFFFFFFFF;
	(pc) =	sbr.abs _section_cstart, $3  }
0xbf: {  	[dreg:$0x1] =	wrdreg $0xFFFFFFFF  }
0xc0: {  	_ =	task.clear_ibuf [dreg:s6], $0x2FFFF;
	_ =	strace $0x9FFFFFFF  }
0xc1: {  	(tm) =	ssettm $0x7FFFFFFF  }
tec
execute0_lowered:
.L_overlay_start_1:
0x0: {  	(tag) =	ssettag $0x1  }
0x1: {  	s7 =	rddreg [dreg:$0x0]  }
0x2: {  	s1 =	srdreg.scid;
	s0 =	rddreg [dreg:$0x1]  }
0x3: {  	_ =	strace $0x80000047;
	s3 =	simm.s32 $0x1;
	s5 =	simm.s32 $0x2  }
0x4: {  	s9 =	simm.s32 $0x3;
	s12 =	simm.s32 $0x0;
	s2 =	sshll.u32 s1, $0x4  }
.Ltmp0:
0x5: {  	s1 =	stileid.u32;
	s4 =	sand.u32 $0x10, s2;
	(pc) =	sbr.rel .LBB2_1-.Ltmp0, $4  }
0x6: {  	s11 =	simm.s32 $0x0;
	[sflag:s3] =	ssyncpa.u1 $0x0;
	s4 =	sor.u32 s1, s4  }
0x7: {  	s6 =	sadd.s32 $0x49D800, s7;
	[sflag:s5] =	ssyncpa.u1 $0x0;
	s4 =	smul.u32 $0x30, s4  }
0x8: {  	s2 =	sadd.s32 $0x9A00, s7;
	s7 =	sadd.s32 $0x4A1200, s7;
	[sflag:s9] =	ssyncpa.u1 $0x0  }
0x9: {  	vm0 =	vmmov $0xff;
	vm1 =	vcmask $0x3F20;
	s9 =	simm.s32 $0x30;
	s8 =	sadd.s32 $0x30, s4;
	s10 =	smov.u32 s4  }
.LBB2_11:
0xa: {  	s12 =	sshrl.u32 s10, $0x3  }
0xb: {  	s13 =	sand.u32 $0x7, s10;
	s12 =	sadd.s32 s6, s12  }
0xc: {  	[tilespmem:s9], [sflag:$0x2] =	stream.linear.gather [hbm4b:s12+s13], $0x30, $0x38;
	[tilespmem:$0x9060] =	vst v63  }
.LBB2_12:
0xd: {  	s12 =	sadd.s32 $0x30, s10  }
0xe: {  	s13 =	smov.u32 s4;
	s11 =	sadd.s32 $0x1, s11;
	p0 =	slt.s32 s12, s8  }
0xf: {  	s13 =	smov.u32 @p0 s12;
	p0 =	sne.s32 s11, $0x3  }
.Ltmp1:
0x10: {  	_ = 	snop;
	(pc) =	sbr.rel @!p0 .LBB2_13-.Ltmp1, $2  }
0x11: {  	_ =	sdelay $0x2  }
0x12: {  	s12 =	smov.u32 s10;
	s10 =	smov.u32 s13  }
.LBB2_1:
0x13: {  	p0 =	seq.s32 s11, $0x0  }
.Ltmp2:
0x14: {  	_ = 	snop;
	(pc) =	sbr.rel @p0 .LBB2_11-.Ltmp2, $1  }
0x15: {  	_ =	sdelay $0x3  }
0x16: {  	p0 =	seq.s32 s11, $0x1  }
.Ltmp3:
0x17: {  	_ = 	snop;
	(pc) =	sbr.rel @!p0 .LBB2_10-.Ltmp3, $1  }
0x18: {  	_ =	sdelay $0x3  }
0x19: {  	_ =	swait.ge [sflag:s5], $0x30  }
0x1a: {  	[sflag:s5] =	ssyncset.done $0x0  }
0x1b: {  	s13 =	simm.s32 $0x0;
	s14 =	simm.s32 $0x60;
	[sflag:s5] =	ssyncadd.s32 $0xFFFFFFD0  }
.LBB2_4:
0x1c: {  	s15 =	sshll.u32 s13, $0x4  }
0x1d: {  	s15 =	sand.u32 $0x3FFFFFF0, s15  }
0x1e: {  	v0 =	vld.msk [tilespmem:s15+$0x30 ss:$0x1], $0xffff;
	_ =	sdelay $0x4  }
0x1f: {  	vm2 =	vgt.s32 v0, $0x0  }
0x20: {  	v0 =	vnsel vm2, $0x0, v0  }
0x21: {  	v0 =	vmin.u32 v0, $0x1869F  }
0x22: {  	v1 =	vshrl.u32 v0, $0x3  }
0x23: {  	v0 =	vshll.u32 v0, $0x7;
	v1 =	vmul.u32 $0xC00, v1  }
0x24: {  	v0 =	vand.u32 $0x380, v0  }
0x25: {  	v0 =	vor.u32 v0, v1  }
0x26: {  	v0 =	vshrl.u32 v0, $0x3;
	_ =	sdelay $0x2  }
0x27: {  	s16 =	sadd.s32 $0xFFFFF400, s14  }
0x28: {  	s31 =	sadd.s32 $0x5400, s16;
	s16 =	sadd.s32 $0x6000, s16;
	s15 =	simm.s32 $0xFFFFE000  }
0x29: {  	v1 =	vadd.s32 $0x80, v0;
	[tilespmem:s31], [sflag:$0x1] =	stream.indirect_vreg.gather [hbm:s2], $0x80, v0, vm0, $0x38;
	[tilespmem:$0x9060] =	vst v63  }
.LBB2_5:
0x2a: {  	[tilespmem:s16], [sflag:$0x1] =	stream.indirect_vreg.gather [hbm:s2], $0x80, v0, vm1, $0x38;
	[tilespmem:$0x9060] =	vst v63  }
0x2b: {  	v0 =	vmov v1;
	p0 =	sne.s32 s15, $0xFFFFF000  }
.Ltmp4:
0x2c: {  	s16 =	sshra.s32 s15, $0x2;
	(pc) =	sbr.rel @p0 .LBB2_5-.Ltmp4, $4  }
0x2d: {  	s15 =	sadd.s32 $0x1000, s15;
	s16 =	sadd.s32 s16, s14  }
0x2e: {  	s17 =	sadd.s32 $0x5400, s16  }
0x2f: {  	[tilespmem:s17], [sflag:$0x1] =	stream.indirect_vreg.gather [hbm:s2], $0x80, v1, vm0, $0x38;
	[tilespmem:$0x9060] =	vst v63  }
0x30: {  	s16 =	sadd.s32 $0x6000, s16;
	v1 =	vadd.s32 $0x80, v1  }
0x31: {  	s13 =	sadd.s32 $0x1, s13  }
0x32: {  	p0 =	sne.s32 s13, $0x3  }
.Ltmp5:
0x33: {  	_ = 	snop;
	(pc) =	sbr.rel @p0 .LBB2_4-.Ltmp5, $3  }
0x34: {  	_ =	sdelay $0x1  }
0x35: {  	[tilespmem:s16], [sflag:$0x1] =	stream.indirect_vreg.gather [hbm:s2], $0x80, v0, vm1, $0x38;
	[tilespmem:$0x9060] =	vst v63  }
0x36: {  	s14 =	sadd.s32 $0x1800, s14  }
0x37: {  	s13 =	sshrl.u32 s12, $0x3  }
0x38: {  	s13 =	smul.u32 $0x180, s13  }
0x39: {  	_ =	swait.ge [sflag:s3], $0x4800;
	s31 =	sshll.u32 s12, $0x4  }
0x3a: {  	s14 =	simm.s32 $0x180;
	s12 =	sand.u32 $0x70, s31;
	s13 =	sadd.s32 s13, s7  }
0x3b: {  	s15 =	simm.s32 $0x5460;
	[sflag:s3] =	ssyncset.done $0x0;
	s12 =	sadd.s32 s12, s13  }
0x3c: {  	[sflag:s3] =	ssyncadd.s32 $0xFFFFB800;
	s13 =	simm.s32 $0x4860;
	s16 =	sadd.s32 $0x0, s12  }
.LBB2_8:
0x3d: {  	[hbm:s16] =	stream.linear.scatter [tilespmem:s13], [sflag:$0x3], $0xC00, $0x38;
	[tilespmem:$0x9060] =	vst v63  }
0x3e: {  	s16 =	smov.u32 s14;
	s13 =	smov.u32 s15;
	p0 =	seq.s32 s14, $0x780  }
.Ltmp6:
0x3f: {  	s14 =	sadd.s32 $0x180, s14;
	(pc) =	sbr.rel @!p0 .LBB2_8-.Ltmp6, $2  }
0x40: {  	_ =	sdelay $0x2  }
0x41: {  	s15 =	sadd.s32 $0xC00, s15;
	s16 =	sadd.s32 s16, s12  }
.Ltmp7:
0x42: {  	(pc) =	sbr.rel .LBB2_12-.Ltmp7, $2  }
0x43: {  	_ =	sdelay $0x2  }
0x44: {  	[hbm:s16] =	stream.linear.scatter [tilespmem:s13], [sflag:$0x3], $0xC00, $0x38;
	[tilespmem:$0x9060] =	vst v63  }
.LBB2_10:
0x45: {  	s2 =	simm.s32 $0x3  }
0x46: {  	_ =	swait.ge [sflag:s2], $0x4800  }
0x47: {  	[sflag:s2] =	ssyncset.done $0x0  }
0x48: {  	[sflag:s2] =	ssyncadd.s32 $0xFFFFB800  }
.LBB2_13:
0x49: {  	_ =	sfence.sel $0x180000  }
0x4a: {  	s2 =	simm.s32 $0x2;
	[bflag:$0x0] =	sbarrier.arrive $0xFFFF  }
0x4b: {  	s30 =	simm.s32 $0x3;
	[sflag:s2] =	ssyncpa.u1 $0x1  }
0x4c: {  	s31 =	simm.s32 $0x1;
	[sflag:s30] =	ssyncpa.u1 $0x1  }
0x4d: {  	[sflag:s31] =	ssyncpa.u1 $0x1  }
0x4e: {  	p0 =	sne.s32 s1, $0x0;
	_ =	strace $0x90000047  }
0x4f: {  	s0 =	sadd.s32 @!p0 $0x100000, s0;
	[bflag:$0x2] =	sbarrier.arrive $0xFFFF  }
0x50: {  	[sflag:s0] =	ssyncadd.tile.s32 @!p0 $0x1;
	_ =	shalt  }
.Lfunc_end2:
_tile_overlayer_lowered:
.L_overlay_start_2:
0x51: {  	(tag) =	ssettag $0x2  }
0x52: {  	s0 =	rddreg [dreg:$0x0];
	s2 =	stileid.u32  }
0x53: {  	s1 =	rddreg [dreg:$0x1];
	p0 =	sne.s32 s2, $0x0  }
0x54: {  	s3 =	rddreg [dreg:$0x2];
	[bflag:$0x3] =	sbarrier.arrive $0xFFFF;
	s2 =	simm.s32 @!p0 $0x1C01  }
0x55: {  	[timem:s3], [sflag:s2] =	dma.local @!p0 [hbm:s0], s1  }
0x56: {  	s0 =	simm.s32 @!p0 $0x1  }
0x57: {  	_ =	swait.ge @!p0 [sflag:s0], s1  }
0x58: {  	s1 =	ssub.s32 @!p0 $0x0, s1;
	[sflag:s0] =	ssyncset.done @!p0 $0x0  }
0x59: {  	[sflag:s0] =	ssyncadd.s32 @!p0 s1  }
0x5a: {  	[bflag:$0x3] =	sbarrier.arrive $0xFFFF  }
0x5b: {  	_ =	shalt  }

</sc_bundles>
